<compile_context>
chip_gen: v7x
topology: tpu7x:2x2x1
jax: 0.10.2.dev20260603
libtpu: 0.0.44.dev20260713+nightly
codegen_flags: <defaults>
</compile_context>

<pallas_src>
import dataclasses
import functools

import jax
import jax.numpy as jnp
from jax import lax
from jax.experimental import pallas as pl
from jax.experimental.pallas import tpu as pltpu
from jax.experimental.pallas import tpu_sc as plsc

N = 10000
E = 320000
DH = 16
CH = 2000
NCH = E // CH
NW = 32
FULL = NCH // NW
RPW = 624
TAIL = N - 16 * RPW



def _zero_acc(zeros_hbm, acc, s):
    base_r = s * RPW
    pltpu.sync_copy(zeros_hbm.at[pl.ds(base_r, RPW)], acc.at[pl.ds(base_r, RPW)])

    @pl.when(s == 0)
    def _():
        pltpu.sync_copy(zeros_hbm.at[pl.ds(16 * RPW, TAIL)],
                        acc.at[pl.ds(16 * RPW, TAIL)])


def _write_out(acc, out_hbm, c, s):
    base_r = s * RPW
    pltpu.sync_copy(acc.at[pl.ds(base_r, RPW)], out_hbm.at[c, pl.ds(base_r, RPW)])

    @pl.when(s == 0)
    def _():
        pltpu.sync_copy(acc.at[pl.ds(16 * RPW, TAIL)],
                        out_hbm.at[c, pl.ds(16 * RPW, TAIL)])


def _sc_segsum_body(y_hbm, edge_hbm, zeros_hbm, out_hbm, *scratch):
    idx_s = scratch[0:FULL]
    idx_d = scratch[FULL:2 * FULL]
    rows = scratch[2 * FULL:2 * FULL + 2]
    acc = scratch[2 * FULL + 2]
    sem_i, sem_g0, sem_g1, sem_s0, sem_s1 = scratch[2 * FULL + 3:]
    sem_g = (sem_g0, sem_g1)
    sem_s = (sem_s0, sem_s1)

    c = lax.axis_index("c")
    s = lax.axis_index("s")
    w = c * 16 + s

    idx_copies = []
    for j in range(FULL):
        base_e = (w * FULL + j) * CH
        idx_copies.append(
            pltpu.async_copy(edge_hbm.at[0, pl.ds(base_e, CH)], idx_s[j], sem_i))
        idx_copies.append(
            pltpu.async_copy(edge_hbm.at[1, pl.ds(base_e, CH)], idx_d[j], sem_i))
    _zero_acc(zeros_hbm, acc, s)
    for cp in idx_copies:
        cp.wait()
    plsc.subcore_barrier()

    def gather(j):
        return pltpu.async_copy(y_hbm.at[idx_s[j]], rows[j % 2], sem_g[j % 2])

    gathers = {0: gather(0), 1: gather(1)}
    scatters = {}
    for j in range(FULL):
        b = j % 2
        gathers[j].wait()
        scatters[j] = pltpu.async_copy(rows[b], acc.at[idx_d[j]], sem_s[b],
                                       add=True)
        if j + 2 < FULL:
            scatters[j].wait()
            gathers[j + 2] = gather(j + 2)
    scatters[FULL - 2].wait()
    scatters[FULL - 1].wait()

    plsc.subcore_barrier()
    _write_out(acc, out_hbm, c, s)


NPK = N // DH


def _sc_degree_body(edge_hbm, zeros_hbm, iota_hbm, out_hbm, *scratch):
    idx_d = scratch[0:FULL]
    idxr = scratch[FULL]
    hist = scratch[FULL + 1]
    packed = scratch[FULL + 2]
    expand = scratch[FULL + 3]
    tailb = scratch[FULL + 4]
    acc = scratch[FULL + 5]
    sem_i, sem_s = scratch[FULL + 6:]

    c = lax.axis_index("c")
    s = lax.axis_index("s")
    w = c * 16 + s

    idx_copies = []
    for j in range(FULL):
        base_e = (w * FULL + j) * CH
        idx_copies.append(
            pltpu.async_copy(edge_hbm.at[1, pl.ds(base_e, CH)], idx_d[j], sem_i))
    pltpu.sync_copy(iota_hbm, idxr)

    @pl.when(s == 0)
    def _():
        pltpu.sync_copy(zeros_hbm, acc)

    zero16 = jnp.zeros((DH,), jnp.float32)

    @pl.loop(0, NPK, unroll=8)
    def _(i):
        hist[i] = zero16

    for cp in idx_copies:
        cp.wait()

    ones16 = jnp.ones((DH,), jnp.float32)
    for j in range(FULL):
        @pl.loop(0, CH // DH, unroll=8)
        def _(t):
            iv = idx_d[j][pl.ds(t * DH, DH)]
            plsc.addupdate_scatter(
                hist, [jnp.right_shift(iv, 4), jnp.bitwise_and(iv, 15)], ones16)

    plsc.subcore_barrier()
    pltpu.sync_copy(hist, acc.at[idxr], add=True)
    plsc.subcore_barrier()

    pltpu.sync_copy(acc, packed)

    base_n = s * RPW

    @pl.loop(0, RPW, unroll=8)
    def _(i):
        n = base_n + i
        rv = jnp.full((DH,), jnp.right_shift(n, 4), jnp.int32)
        lv = jnp.full((DH,), jnp.bitwise_and(n, 15), jnp.int32)
        expand[i] = plsc.load_gather(packed, [rv, lv])

    pltpu.sync_copy(expand, out_hbm.at[c, pl.ds(base_n, RPW)])

    @pl.when(s == 0)
    def _():
        @pl.loop(0, TAIL)
        def _(i):
            n = 16 * RPW + i
            rv = jnp.full((DH,), jnp.right_shift(n, 4), jnp.int32)
            lv = jnp.full((DH,), jnp.bitwise_and(n, 15), jnp.int32)
            tailb[i] = plsc.load_gather(packed, [rv, lv])

        pltpu.sync_copy(tailb, out_hbm.at[c, pl.ds(16 * RPW, TAIL)])


@functools.lru_cache(maxsize=None)
def _sc_kernels():
    mesh = plsc.VectorSubcoreMesh(core_axis_name="c", subcore_axis_name="s",
                                  num_cores=2, num_subcores=16)
    cp = pltpu.CompilerParams(use_tc_tiling_on_sc=False)
    segsum = pl.kernel(
        _sc_segsum_body,
        out_type=jax.ShapeDtypeStruct((2, N, DH), jnp.float32),
        mesh=mesh, compiler_params=cp,
        scratch_types=(
            [pltpu.VMEM((CH,), jnp.int32) for _ in range(2 * FULL)]
            + [pltpu.VMEM((CH, DH), jnp.float32) for _ in range(2)]
            + [pltpu.VMEM_SHARED((N, DH), jnp.float32)]
            + [pltpu.SemaphoreType.DMA for _ in range(5)]
        ))
    cp_deg = dataclasses.replace(cp, needs_layout_passes=False)
    degree = pl.kernel(
        _sc_degree_body,
        out_type=jax.ShapeDtypeStruct((2, N, DH), jnp.float32),
        mesh=mesh, compiler_params=cp_deg,
        scratch_types=(
            [pltpu.VMEM((CH,), jnp.int32) for _ in range(FULL)]
            + [pltpu.VMEM((NPK,), jnp.int32)]
            + [pltpu.VMEM((NPK, DH), jnp.float32)]
            + [pltpu.VMEM((NPK, DH), jnp.float32)]
            + [pltpu.VMEM((RPW, DH), jnp.float32)]
            + [pltpu.VMEM((TAIL, DH), jnp.float32)]
            + [pltpu.VMEM_SHARED((NPK, DH), jnp.float32)]
            + [pltpu.SemaphoreType.DMA for _ in range(2)]
        ))
    return segsum, degree



NR = N // 8


def _dinv_of(dp_ref):
    return lax.rsqrt(dp_ref[0] + dp_ref[1] + 1.0)


def _mm_body(x_ref, w_ref, o_ref):
    o_ref[...] = lax.dot_general(
        x_ref[...], w_ref[...], (((1,), (0,)), ((), ())),
        precision=lax.Precision.HIGHEST, preferred_element_type=jnp.float32)


def _y1_body(dp_ref, xw_ref, y_ref):
    y_ref[...] = xw_ref[...] * _dinv_of(dp_ref)


def _layer2_body(mp_ref, dp_ref, xw_ref, b1_ref, w2_ref, y2_ref, xw2_ref):
    dinv = _dinv_of(dp_ref)
    agg = mp_ref[0] + mp_ref[1]
    h = dinv * agg + (dinv * dinv) * xw_ref[...] + b1_ref[...]
    h = jnp.maximum(h, 0.0)
    xw2 = lax.dot_general(h, w2_ref[...], (((1,), (0,)), ((), ())),
                          preferred_element_type=jnp.float32)
    xw2_ref[...] = xw2
    y2_ref[...] = xw2 * dinv


def _out_body(mp_ref, dp_ref, xw2_ref, b2_ref, sel_ref, o_ref):
    dinv = _dinv_of(dp_ref)
    agg = mp_ref[0] + mp_ref[1]
    o = dinv * agg + (dinv * dinv) * xw2_ref[...] + b2_ref[...]
    lane = lax.broadcasted_iota(jnp.int32, o.shape, 1) % DH
    d = jnp.where(lane == 0, jnp.roll(o, -1, axis=1), jnp.roll(o, 1, axis=1)) - o
    sp = jnp.maximum(d, 0.0) + jnp.log(1.0 + jnp.exp(-jnp.abs(d)))
    o_ref[...] = lax.dot_general(-sp, sel_ref[...], (((1,), (0,)), ((), ())),
                                 precision=lax.Precision.HIGHEST,
                                 preferred_element_type=jnp.float32)


def _ew_call(body, n_out, *args):
    shape = jax.ShapeDtypeStruct((NR, 128), jnp.float32)
    out_shape = [shape] * n_out if n_out > 1 else shape
    return pl.pallas_call(body, out_shape=out_shape)(*args)



def kernel(x, edge_index, W1, b1, W2, b2):
    f32 = jnp.float32
    zeros_nk = jnp.zeros((N, DH), f32)
    zeros_pk = jnp.zeros((NPK, DH), f32)
    iota_pk = jnp.arange(NPK, dtype=jnp.int32)
    eye8 = jnp.eye(8, dtype=f32)
    w1bd = jnp.kron(eye8, W1)
    W2p = jnp.zeros((DH, DH), f32).at[:, :2].set(W2)
    w2bd = jnp.kron(eye8, W2p)
    b1w = jnp.tile(b1, 8).reshape(1, 128)
    b2w = jnp.tile(jnp.pad(b2, (0, DH - 2)), 8).reshape(1, 128)
    xr = x.reshape(NR, 8 * 128)

    sc_segsum, sc_degree = _sc_kernels()

    dpw = sc_degree(edge_index, zeros_pk, iota_pk).reshape(2, NR, 128)

    xw1 = pl.pallas_call(
        _mm_body,
        out_shape=jax.ShapeDtypeStruct((NR, 128), f32),
    )(xr, w1bd)

    y1 = _ew_call(_y1_body, 1, dpw, xw1)

    mp1 = sc_segsum(y1.reshape(N, DH), edge_index, zeros_nk)

    y2, xw2 = _ew_call(_layer2_body, 2, mp1.reshape(2, NR, 128), dpw,
                       xw1, b1w, w2bd)

    mp2 = sc_segsum(y2.reshape(N, DH), edge_index, zeros_nk)

    sel = jnp.zeros((128, DH), f32)
    kk = jnp.arange(8)
    sel = sel.at[16 * kk, 2 * kk].set(1.0).at[16 * kk + 1, 2 * kk + 1].set(1.0)

    o_ls = pl.pallas_call(
        _out_body,
        out_shape=jax.ShapeDtypeStruct((NR, DH), f32),
    )(mp2.reshape(2, NR, 128), dpw, xw2, b2w, sel)

    return o_ls.reshape(N, 2)

# --- scband reference (transcript-rebuilt; emitter-appended) ---
"""Pipeline reference for scband-gnn-73332271612551 (READ-ONLY COPY).

The authoritative reference and input builder live on the scoring server;
editing this copy changes nothing except your own understanding.
"""

import jax, jax.numpy as jnp
import numpy as np

N = 10000
E = 320000
D_IN = 128
D_HID = 16
D_OUT = 2

def setup_inputs(seed: int = 0):
    key = jax.random.key(seed)
    ks = jax.random.split(key, 4)
    x = jax.random.normal(ks[0], (N, D_IN), dtype=jnp.float32)
    edge_index = jax.random.randint(ks[1], (2, E), 0, N, dtype=jnp.int32)
    W1 = jax.random.normal(ks[2], (D_IN, D_HID), dtype=jnp.float32) * (1.0 / np.sqrt(D_IN))
    b1 = jnp.zeros((D_HID,), dtype=jnp.float32)
    W2 = jax.random.normal(ks[3], (D_HID, D_OUT), dtype=jnp.float32) * (1.0 / np.sqrt(D_HID))
    b2 = jnp.zeros((D_OUT,), dtype=jnp.float32)
    return {"x": x, "edge_index": edge_index, "W1": W1, "b1": b1, "W2": W2, "b2": b2}

def _gcn_conv(x, edge_index, W, b):
    # GCNConv: add self-loops, symmetric normalization D^-1/2 (A+I) D^-1/2, then X W + b
    n = x.shape[0]
    src = edge_index[0]
    dst = edge_index[1]
    loop = jnp.arange(n, dtype=src.dtype)
    src2 = jnp.concatenate([src, loop])
    dst2 = jnp.concatenate([dst, loop])
    deg = jnp.zeros((n,), dtype=x.dtype).at[dst2].add(1.0)
    deg_inv_sqrt = jnp.where(deg > 0, 1.0 / jnp.sqrt(deg), 0.0)
    norm = deg_inv_sqrt[src2] * deg_inv_sqrt[dst2]
    xw = x @ W
    msg = xw[src2] * norm[:, None]
    out = jnp.zeros((n, W.shape[1]), dtype=x.dtype).at[dst2].add(msg)
    return out + b

def reference(x, edge_index, W1, b1, W2, b2):
    h = _gcn_conv(x, edge_index, W1, b1)
    h = jax.nn.relu(h)
    h = _gcn_conv(h, edge_index, W2, b2)
    return jax.nn.log_softmax(h, axis=1)

if __name__ == "__main__":
    import jax
    _d = setup_inputs()
    print(jax.jit(kernel)(*tuple(_d.values())))

</pallas_src>

<mosaic_0001>
#map = affine_map<(d0, d1) -> (0, 0)>
#map1 = affine_map<(d0, d1) -> (0)>
#map2 = affine_map<(d0, d1) -> (0, 0, 0)>
module attributes {stable_mosaic.version = 14 : i64} {
  func.func @_sc_degree_body(%arg0: i32, %arg1: i32, %arg2: memref<2x320000xi32, #tpu.memory_space<hbm>>, %arg3: memref<625x16xf32, #tpu.memory_space<hbm>>, %arg4: memref<625xi32, #tpu.memory_space<hbm>>, %arg5: memref<2x10000x16xf32, #tpu.memory_space<hbm>>, %arg6: memref<2000xi32, #tpu.memory_space<vmem>>, %arg7: memref<2000xi32, #tpu.memory_space<vmem>>, %arg8: memref<2000xi32, #tpu.memory_space<vmem>>, %arg9: memref<2000xi32, #tpu.memory_space<vmem>>, %arg10: memref<2000xi32, #tpu.memory_space<vmem>>, %arg11: memref<625xi32, #tpu.memory_space<vmem>>, %arg12: memref<625x16xf32, #tpu.memory_space<vmem>>, %arg13: memref<625x16xf32, #tpu.memory_space<vmem>>, %arg14: memref<624x16xf32, #tpu.memory_space<vmem>>, %arg15: memref<16x16xf32, #tpu.memory_space<vmem>>, %arg16: memref<625x16xf32, #tpu.memory_space<vmem_shared>>, %arg17: memref<!tpu.dma_semaphore, #tpu.memory_space<semaphore_mem>>, %arg18: memref<!tpu.dma_semaphore, #tpu.memory_space<semaphore_mem>>) attributes {dimension_semantics = [#tpu.dimension_semantics<core_parallel>, #tpu.dimension_semantics<subcore_parallel>], iteration_bounds = array<i64: 2, 16>, scalar_prefetch = 0 : i64, scratch_operands = 13 : i64, tpu.core_type = #tpu.core_type<sc_vector_subcore>, window_params = [{transform_indices = #map}, {transform_indices = #map}, {transform_indices = #map1}, {transform_indices = #map2}]} {
    %mul3A = arith.constant 16 : i32
    %mul3A_0 = arith.muli %arg0, %mul3A : i32
    %add3A = arith.addi %mul3A_0, %arg1 : i32
    %mul3A_1 = arith.constant 5 : i32
    %mul3A_2 = arith.muli %add3A, %mul3A_1 : i32
    %add3A_3 = arith.constant 0 : i32
    %add3A_4 = arith.addi %mul3A_2, %add3A_3 : i32
    %mul3A_5 = arith.constant 2000 : i32
    %mul3A_6 = arith.muli %add3A_4, %mul3A_5 : i32
    %dma_start3A = arith.constant 1 : i32
    %dma_start3A_7 = tpu.memref_slice %arg2[%dma_start3A, %mul3A_6] : memref<2x320000xi32, #tpu.memory_space<hbm>> -> memref<1x2000xi32, #tpu.memory_space<hbm>>
    %dma_start3A_8 = tpu.memref_squeeze %dma_start3A_7 : memref<1x2000xi32, #tpu.memory_space<hbm>> -> memref<2000xi32, #tpu.memory_space<hbm>>
    %dma_start3A_9 = tpu.memref_slice %arg2[%dma_start3A, %mul3A_6] : memref<2x320000xi32, #tpu.memory_space<hbm>> -> memref<1x2000xi32, #tpu.memory_space<hbm>>
    %dma_start3A_10 = tpu.memref_squeeze %dma_start3A_9 : memref<1x2000xi32, #tpu.memory_space<hbm>> -> memref<2000xi32, #tpu.memory_space<hbm>>
    tpu.enqueue_dma source(%dma_start3A_10 : memref<2000xi32, #tpu.memory_space<hbm>>) target(%arg6 : memref<2000xi32, #tpu.memory_space<vmem>>) target_semaphore(%arg17 : memref<!tpu.dma_semaphore, #tpu.memory_space<semaphore_mem>>)
    %mul3A_11 = arith.constant 5 : i32
    %mul3A_12 = arith.muli %add3A, %mul3A_11 : i32
    %add3A_13 = arith.constant 1 : i32
    %add3A_14 = arith.addi %mul3A_12, %add3A_13 : i32
    %mul3A_15 = arith.constant 2000 : i32
    %mul3A_16 = arith.muli %add3A_14, %mul3A_15 : i32
    %dma_start3A_17 = arith.constant 1 : i32
    %dma_start3A_18 = tpu.memref_slice %arg2[%dma_start3A_17, %mul3A_16] : memref<2x320000xi32, #tpu.memory_space<hbm>> -> memref<1x2000xi32, #tpu.memory_space<hbm>>
    %dma_start3A_19 = tpu.memref_squeeze %dma_start3A_18 : memref<1x2000xi32, #tpu.memory_space<hbm>> -> memref<2000xi32, #tpu.memory_space<hbm>>
    %dma_start3A_20 = tpu.memref_slice %arg2[%dma_start3A_17, %mul3A_16] : memref<2x320000xi32, #tpu.memory_space<hbm>> -> memref<1x2000xi32, #tpu.memory_space<hbm>>
    %dma_start3A_21 = tpu.memref_squeeze %dma_start3A_20 : memref<1x2000xi32, #tpu.memory_space<hbm>> -> memref<2000xi32, #tpu.memory_space<hbm>>
    tpu.enqueue_dma source(%dma_start3A_21 : memref<2000xi32, #tpu.memory_space<hbm>>) target(%arg7 : memref<2000xi32, #tpu.memory_space<vmem>>) target_semaphore(%arg17 : memref<!tpu.dma_semaphore, #tpu.memory_space<semaphore_mem>>)
    %mul3A_22 = arith.constant 5 : i32
    %mul3A_23 = arith.muli %add3A, %mul3A_22 : i32
    %add3A_24 = arith.constant 2 : i32
    %add3A_25 = arith.addi %mul3A_23, %add3A_24 : i32
    %mul3A_26 = arith.constant 2000 : i32
    %mul3A_27 = arith.muli %add3A_25, %mul3A_26 : i32
    %dma_start3A_28 = arith.constant 1 : i32
    %dma_start3A_29 = tpu.memref_slice %arg2[%dma_start3A_28, %mul3A_27] : memref<2x320000xi32, #tpu.memory_space<hbm>> -> memref<1x2000xi32, #tpu.memory_space<hbm>>
    %dma_start3A_30 = tpu.memref_squeeze %dma_start3A_29 : memref<1x2000xi32, #tpu.memory_space<hbm>> -> memref<2000xi32, #tpu.memory_space<hbm>>
    %dma_start3A_31 = tpu.memref_slice %arg2[%dma_start3A_28, %mul3A_27] : memref<2x320000xi32, #tpu.memory_space<hbm>> -> memref<1x2000xi32, #tpu.memory_space<hbm>>
    %dma_start3A_32 = tpu.memref_squeeze %dma_start3A_31 : memref<1x2000xi32, #tpu.memory_space<hbm>> -> memref<2000xi32, #tpu.memory_space<hbm>>
    tpu.enqueue_dma source(%dma_start3A_32 : memref<2000xi32, #tpu.memory_space<hbm>>) target(%arg8 : memref<2000xi32, #tpu.memory_space<vmem>>) target_semaphore(%arg17 : memref<!tpu.dma_semaphore, #tpu.memory_space<semaphore_mem>>)
    %mul3A_33 = arith.constant 5 : i32
    %mul3A_34 = arith.muli %add3A, %mul3A_33 : i32
    %add3A_35 = arith.constant 3 : i32
    %add3A_36 = arith.addi %mul3A_34, %add3A_35 : i32
    %mul3A_37 = arith.constant 2000 : i32
    %mul3A_38 = arith.muli %add3A_36, %mul3A_37 : i32
    %dma_start3A_39 = arith.constant 1 : i32
    %dma_start3A_40 = tpu.memref_slice %arg2[%dma_start3A_39, %mul3A_38] : memref<2x320000xi32, #tpu.memory_space<hbm>> -> memref<1x2000xi32, #tpu.memory_space<hbm>>
    %dma_start3A_41 = tpu.memref_squeeze %dma_start3A_40 : memref<1x2000xi32, #tpu.memory_space<hbm>> -> memref<2000xi32, #tpu.memory_space<hbm>>
    %dma_start3A_42 = tpu.memref_slice %arg2[%dma_start3A_39, %mul3A_38] : memref<2x320000xi32, #tpu.memory_space<hbm>> -> memref<1x2000xi32, #tpu.memory_space<hbm>>
    %dma_start3A_43 = tpu.memref_squeeze %dma_start3A_42 : memref<1x2000xi32, #tpu.memory_space<hbm>> -> memref<2000xi32, #tpu.memory_space<hbm>>
    tpu.enqueue_dma source(%dma_start3A_43 : memref<2000xi32, #tpu.memory_space<hbm>>) target(%arg9 : memref<2000xi32, #tpu.memory_space<vmem>>) target_semaphore(%arg17 : memref<!tpu.dma_semaphore, #tpu.memory_space<semaphore_mem>>)
    %mul3A_44 = arith.constant 5 : i32
    %mul3A_45 = arith.muli %add3A, %mul3A_44 : i32
    %add3A_46 = arith.constant 4 : i32
    %add3A_47 = arith.addi %mul3A_45, %add3A_46 : i32
    %mul3A_48 = arith.constant 2000 : i32
    %mul3A_49 = arith.muli %add3A_47, %mul3A_48 : i32
    %dma_start3A_50 = arith.constant 1 : i32
    %dma_start3A_51 = tpu.memref_slice %arg2[%dma_start3A_50, %mul3A_49] : memref<2x320000xi32, #tpu.memory_space<hbm>> -> memref<1x2000xi32, #tpu.memory_space<hbm>>
    %dma_start3A_52 = tpu.memref_squeeze %dma_start3A_51 : memref<1x2000xi32, #tpu.memory_space<hbm>> -> memref<2000xi32, #tpu.memory_space<hbm>>
    %dma_start3A_53 = tpu.memref_slice %arg2[%dma_start3A_50, %mul3A_49] : memref<2x320000xi32, #tpu.memory_space<hbm>> -> memref<1x2000xi32, #tpu.memory_space<hbm>>
    %dma_start3A_54 = tpu.memref_squeeze %dma_start3A_53 : memref<1x2000xi32, #tpu.memory_space<hbm>> -> memref<2000xi32, #tpu.memory_space<hbm>>
    tpu.enqueue_dma source(%dma_start3A_54 : memref<2000xi32, #tpu.memory_space<hbm>>) target(%arg10 : memref<2000xi32, #tpu.memory_space<vmem>>) target_semaphore(%arg17 : memref<!tpu.dma_semaphore, #tpu.memory_space<semaphore_mem>>)
    "tpu.region"() ({
      %run_scoped3A = tpu.sem_alloc : memref<!tpu.dma_semaphore, #tpu.memory_space<semaphore_mem>>
      tpu.enqueue_dma source(%arg4 : memref<625xi32, #tpu.memory_space<hbm>>) target(%arg11 : memref<625xi32, #tpu.memory_space<vmem>>) target_semaphore(%run_scoped3A : memref<!tpu.dma_semaphore, #tpu.memory_space<semaphore_mem>>)
      tpu.wait_dma2 semaphore(%run_scoped3A : memref<!tpu.dma_semaphore, #tpu.memory_space<semaphore_mem>>) src(%arg4 : memref<625xi32, #tpu.memory_space<hbm>>) dst(%arg11 : memref<625xi32, #tpu.memory_space<vmem>>)
      tpu.yield
    }) : () -> ()
    %eq3A = arith.constant 0 : i32
    %eq3A_55 = arith.cmpi eq, %arg1, %eq3A : i32
    %convert_element_type3A = arith.extui %eq3A_55 : i1 to i32
    %cond3A = arith.constant 0 : i32
    %cond3A_56 = arith.cmpi ne, %convert_element_type3A, %cond3A : i32
    scf.if %cond3A_56 {
      "tpu.region"() ({
        %run_scoped3A = tpu.sem_alloc : memref<!tpu.dma_semaphore, #tpu.memory_space<semaphore_mem>>
        tpu.enqueue_dma source(%arg3 : memref<625x16xf32, #tpu.memory_space<hbm>>) target(%arg16 : memref<625x16xf32, #tpu.memory_space<vmem_shared>>) target_semaphore(%run_scoped3A : memref<!tpu.dma_semaphore, #tpu.memory_space<semaphore_mem>>)
        tpu.wait_dma2 semaphore(%run_scoped3A : memref<!tpu.dma_semaphore, #tpu.memory_space<semaphore_mem>>) src(%arg3 : memref<625x16xf32, #tpu.memory_space<hbm>>) dst(%arg16 : memref<625x16xf32, #tpu.memory_space<vmem_shared>>)
        tpu.yield
      }) : () -> ()
    } else {
    }
    %broadcast_in_dim3A = arith.constant 0.000000e+00 : f32
    %broadcast_in_dim3A_57 = vector.broadcast %broadcast_in_dim3A : f32 to vector<16xf32>
    %scan3A = arith.constant 0 : i32
    %scan3A_58 = arith.constant 624 : i32
    %scan3A_59 = arith.addi %scan3A, %scan3A_58 : i32
    %scan3A_60 = arith.constant 8 : i32
    scf.for %scan3A_531 = %scan3A to %scan3A_59 step %scan3A_60  : i32 {
      %mul3A_532 = arith.constant 1 : i32
      %mul3A_533 = arith.muli %scan3A_531, %mul3A_532 : i32
      %add3A_534 = arith.constant 0 : i32
      %add3A_535 = arith.addi %add3A_534, %mul3A_533 : i32
      %swap3A_536 = arith.index_cast %add3A_535 : i32 to index
      %swap3A_537 = arith.constant 0 : index
      %swap3A_538 = tpu.vector_load %arg12[%swap3A_536, %swap3A_537] {strides = array<i32>} : memref<625x16xf32, #tpu.memory_space<vmem>>, vector<16xf32>,
      tpu.vector_store %arg12[%swap3A_536, %swap3A_537], %broadcast_in_dim3A_57 {strides = array<i32>} : memref<625x16xf32, #tpu.memory_space<vmem>>, vector<16xf32>,
      %scan3A_539 = arith.constant 1 : i32
      %scan3A_540 = arith.addi %scan3A_531, %scan3A_539 : i32
      %mul3A_541 = arith.constant 1 : i32
      %mul3A_542 = arith.muli %scan3A_540, %mul3A_541 : i32
      %add3A_543 = arith.constant 0 : i32
      %add3A_544 = arith.addi %add3A_543, %mul3A_542 : i32
      %swap3A_545 = arith.index_cast %add3A_544 : i32 to index
      %swap3A_546 = arith.constant 0 : index
      %swap3A_547 = tpu.vector_load %arg12[%swap3A_545, %swap3A_546] {strides = array<i32>} : memref<625x16xf32, #tpu.memory_space<vmem>>, vector<16xf32>,
      tpu.vector_store %arg12[%swap3A_545, %swap3A_546], %broadcast_in_dim3A_57 {strides = array<i32>} : memref<625x16xf32, #tpu.memory_space<vmem>>, vector<16xf32>,
      %scan3A_548 = arith.constant 2 : i32
      %scan3A_549 = arith.addi %scan3A_531, %scan3A_548 : i32
      %mul3A_550 = arith.constant 1 : i32
      %mul3A_551 = arith.muli %scan3A_549, %mul3A_550 : i32
      %add3A_552 = arith.constant 0 : i32
      %add3A_553 = arith.addi %add3A_552, %mul3A_551 : i32
      %swap3A_554 = arith.index_cast %add3A_553 : i32 to index
      %swap3A_555 = arith.constant 0 : index
      %swap3A_556 = tpu.vector_load %arg12[%swap3A_554, %swap3A_555] {strides = array<i32>} : memref<625x16xf32, #tpu.memory_space<vmem>>, vector<16xf32>,
      tpu.vector_store %arg12[%swap3A_554, %swap3A_555], %broadcast_in_dim3A_57 {strides = array<i32>} : memref<625x16xf32, #tpu.memory_space<vmem>>, vector<16xf32>,
      %scan3A_557 = arith.constant 3 : i32
      %scan3A_558 = arith.addi %scan3A_531, %scan3A_557 : i32
      %mul3A_559 = arith.constant 1 : i32
      %mul3A_560 = arith.muli %scan3A_558, %mul3A_559 : i32
      %add3A_561 = arith.constant 0 : i32
      %add3A_562 = arith.addi %add3A_561, %mul3A_560 : i32
      %swap3A_563 = arith.index_cast %add3A_562 : i32 to index
      %swap3A_564 = arith.constant 0 : index
      %swap3A_565 = tpu.vector_load %arg12[%swap3A_563, %swap3A_564] {strides = array<i32>} : memref<625x16xf32, #tpu.memory_space<vmem>>, vector<16xf32>,
      tpu.vector_store %arg12[%swap3A_563, %swap3A_564], %broadcast_in_dim3A_57 {strides = array<i32>} : memref<625x16xf32, #tpu.memory_space<vmem>>, vector<16xf32>,
      %scan3A_566 = arith.constant 4 : i32
      %scan3A_567 = arith.addi %scan3A_531, %scan3A_566 : i32
      %mul3A_568 = arith.constant 1 : i32
      %mul3A_569 = arith.muli %scan3A_567, %mul3A_568 : i32
      %add3A_570 = arith.constant 0 : i32
      %add3A_571 = arith.addi %add3A_570, %mul3A_569 : i32
      %swap3A_572 = arith.index_cast %add3A_571 : i32 to index
      %swap3A_573 = arith.constant 0 : index
      %swap3A_574 = tpu.vector_load %arg12[%swap3A_572, %swap3A_573] {strides = array<i32>} : memref<625x16xf32, #tpu.memory_space<vmem>>, vector<16xf32>,
      tpu.vector_store %arg12[%swap3A_572, %swap3A_573], %broadcast_in_dim3A_57 {strides = array<i32>} : memref<625x16xf32, #tpu.memory_space<vmem>>, vector<16xf32>,
      %scan3A_575 = arith.constant 5 : i32
      %scan3A_576 = arith.addi %scan3A_531, %scan3A_575 : i32
      %mul3A_577 = arith.constant 1 : i32
      %mul3A_578 = arith.muli %scan3A_576, %mul3A_577 : i32
      %add3A_579 = arith.constant 0 : i32
      %add3A_580 = arith.addi %add3A_579, %mul3A_578 : i32
      %swap3A_581 = arith.index_cast %add3A_580 : i32 to index
      %swap3A_582 = arith.constant 0 : index
      %swap3A_583 = tpu.vector_load %arg12[%swap3A_581, %swap3A_582] {strides = array<i32>} : memref<625x16xf32, #tpu.memory_space<vmem>>, vector<16xf32>,
      tpu.vector_store %arg12[%swap3A_581, %swap3A_582], %broadcast_in_dim3A_57 {strides = array<i32>} : memref<625x16xf32, #tpu.memory_space<vmem>>, vector<16xf32>,
      %scan3A_584 = arith.constant 6 : i32
      %scan3A_585 = arith.addi %scan3A_531, %scan3A_584 : i32
      %mul3A_586 = arith.constant 1 : i32
      %mul3A_587 = arith.muli %scan3A_585, %mul3A_586 : i32
      %add3A_588 = arith.constant 0 : i32
      %add3A_589 = arith.addi %add3A_588, %mul3A_587 : i32
      %swap3A_590 = arith.index_cast %add3A_589 : i32 to index
      %swap3A_591 = arith.constant 0 : index
      %swap3A_592 = tpu.vector_load %arg12[%swap3A_590, %swap3A_591] {strides = array<i32>} : memref<625x16xf32, #tpu.memory_space<vmem>>, vector<16xf32>,
      tpu.vector_store %arg12[%swap3A_590, %swap3A_591], %broadcast_in_dim3A_57 {strides = array<i32>} : memref<625x16xf32, #tpu.memory_space<vmem>>, vector<16xf32>,
      %scan3A_593 = arith.constant 7 : i32
      %scan3A_594 = arith.addi %scan3A_531, %scan3A_593 : i32
      %mul3A_595 = arith.constant 1 : i32
      %mul3A_596 = arith.muli %scan3A_594, %mul3A_595 : i32
      %add3A_597 = arith.constant 0 : i32
      %add3A_598 = arith.addi %add3A_597, %mul3A_596 : i32
      %swap3A_599 = arith.index_cast %add3A_598 : i32 to index
      %swap3A_600 = arith.constant 0 : index
      %swap3A_601 = tpu.vector_load %arg12[%swap3A_599, %swap3A_600] {strides = array<i32>} : memref<625x16xf32, #tpu.memory_space<vmem>>, vector<16xf32>,
      tpu.vector_store %arg12[%swap3A_599, %swap3A_600], %broadcast_in_dim3A_57 {strides = array<i32>} : memref<625x16xf32, #tpu.memory_space<vmem>>, vector<16xf32>,
    }
    %scan3A_61 = arith.constant 624 : i32
    %scan3A_62 = arith.addi %scan3A, %scan3A_61 : i32
    %mul3A_63 = arith.constant 1 : i32
    %mul3A_64 = arith.muli %scan3A_62, %mul3A_63 : i32
    %add3A_65 = arith.constant 0 : i32
    %add3A_66 = arith.addi %add3A_65, %mul3A_64 : i32
    %swap3A = arith.index_cast %add3A_66 : i32 to index
    %swap3A_67 = arith.constant 0 : index
    %swap3A_68 = tpu.vector_load %arg12[%swap3A, %swap3A_67] {strides = array<i32>} : memref<625x16xf32, #tpu.memory_space<vmem>>, vector<16xf32>,
    tpu.vector_store %arg12[%swap3A, %swap3A_67], %broadcast_in_dim3A_57 {strides = array<i32>} : memref<625x16xf32, #tpu.memory_space<vmem>>, vector<16xf32>,
    %scan3A_69 = arith.constant 625 : i32
    %dma_wait3A = arith.constant 1 : i32
    %dma_wait3A_70 = tpu.memref_slice %arg2[%dma_wait3A, %mul3A_6] : memref<2x320000xi32, #tpu.memory_space<hbm>> -> memref<1x2000xi32, #tpu.memory_space<hbm>>
    %dma_wait3A_71 = tpu.memref_squeeze %dma_wait3A_70 : memref<1x2000xi32, #tpu.memory_space<hbm>> -> memref<2000xi32, #tpu.memory_space<hbm>>
    %dma_wait3A_72 = tpu.memref_slice %arg2[%dma_wait3A, %mul3A_6] : memref<2x320000xi32, #tpu.memory_space<hbm>> -> memref<1x2000xi32, #tpu.memory_space<hbm>>
    %dma_wait3A_73 = tpu.memref_squeeze %dma_wait3A_72 : memref<1x2000xi32, #tpu.memory_space<hbm>> -> memref<2000xi32, #tpu.memory_space<hbm>>
    tpu.wait_dma2 semaphore(%arg17 : memref<!tpu.dma_semaphore, #tpu.memory_space<semaphore_mem>>) src(%dma_wait3A_73 : memref<2000xi32, #tpu.memory_space<hbm>>) dst(%arg6 : memref<2000xi32, #tpu.memory_space<vmem>>)
    %dma_wait3A_74 = arith.constant 1 : i32
    %dma_wait3A_75 = tpu.memref_slice %arg2[%dma_wait3A_74, %mul3A_16] : memref<2x320000xi32, #tpu.memory_space<hbm>> -> memref<1x2000xi32, #tpu.memory_space<hbm>>
    %dma_wait3A_76 = tpu.memref_squeeze %dma_wait3A_75 : memref<1x2000xi32, #tpu.memory_space<hbm>> -> memref<2000xi32, #tpu.memory_space<hbm>>
    %dma_wait3A_77 = tpu.memref_slice %arg2[%dma_wait3A_74, %mul3A_16] : memref<2x320000xi32, #tpu.memory_space<hbm>> -> memref<1x2000xi32, #tpu.memory_space<hbm>>
    %dma_wait3A_78 = tpu.memref_squeeze %dma_wait3A_77 : memref<1x2000xi32, #tpu.memory_space<hbm>> -> memref<2000xi32, #tpu.memory_space<hbm>>
    tpu.wait_dma2 semaphore(%arg17 : memref<!tpu.dma_semaphore, #tpu.memory_space<semaphore_mem>>) src(%dma_wait3A_78 : memref<2000xi32, #tpu.memory_space<hbm>>) dst(%arg7 : memref<2000xi32, #tpu.memory_space<vmem>>)
    %dma_wait3A_79 = arith.constant 1 : i32
    %dma_wait3A_80 = tpu.memref_slice %arg2[%dma_wait3A_79, %mul3A_27] : memref<2x320000xi32, #tpu.memory_space<hbm>> -> memref<1x2000xi32, #tpu.memory_space<hbm>>
    %dma_wait3A_81 = tpu.memref_squeeze %dma_wait3A_80 : memref<1x2000xi32, #tpu.memory_space<hbm>> -> memref<2000xi32, #tpu.memory_space<hbm>>
    %dma_wait3A_82 = tpu.memref_slice %arg2[%dma_wait3A_79, %mul3A_27] : memref<2x320000xi32, #tpu.memory_space<hbm>> -> memref<1x2000xi32, #tpu.memory_space<hbm>>
    %dma_wait3A_83 = tpu.memref_squeeze %dma_wait3A_82 : memref<1x2000xi32, #tpu.memory_space<hbm>> -> memref<2000xi32, #tpu.memory_space<hbm>>
    tpu.wait_dma2 semaphore(%arg17 : memref<!tpu.dma_semaphore, #tpu.memory_space<semaphore_mem>>) src(%dma_wait3A_83 : memref<2000xi32, #tpu.memory_space<hbm>>) dst(%arg8 : memref<2000xi32, #tpu.memory_space<vmem>>)
    %dma_wait3A_84 = arith.constant 1 : i32
    %dma_wait3A_85 = tpu.memref_slice %arg2[%dma_wait3A_84, %mul3A_38] : memref<2x320000xi32, #tpu.memory_space<hbm>> -> memref<1x2000xi32, #tpu.memory_space<hbm>>
    %dma_wait3A_86 = tpu.memref_squeeze %dma_wait3A_85 : memref<1x2000xi32, #tpu.memory_space<hbm>> -> memref<2000xi32, #tpu.memory_space<hbm>>
    %dma_wait3A_87 = tpu.memref_slice %arg2[%dma_wait3A_84, %mul3A_38] : memref<2x320000xi32, #tpu.memory_space<hbm>> -> memref<1x2000xi32, #tpu.memory_space<hbm>>
    %dma_wait3A_88 = tpu.memref_squeeze %dma_wait3A_87 : memref<1x2000xi32, #tpu.memory_space<hbm>> -> memref<2000xi32, #tpu.memory_space<hbm>>
    tpu.wait_dma2 semaphore(%arg17 : memref<!tpu.dma_semaphore, #tpu.memory_space<semaphore_mem>>) src(%dma_wait3A_88 : memref<2000xi32, #tpu.memory_space<hbm>>) dst(%arg9 : memref<2000xi32, #tpu.memory_space<vmem>>)
    %dma_wait3A_89 = arith.constant 1 : i32
    %dma_wait3A_90 = tpu.memref_slice %arg2[%dma_wait3A_89, %mul3A_49] : memref<2x320000xi32, #tpu.memory_space<hbm>> -> memref<1x2000xi32, #tpu.memory_space<hbm>>
    %dma_wait3A_91 = tpu.memref_squeeze %dma_wait3A_90 : memref<1x2000xi32, #tpu.memory_space<hbm>> -> memref<2000xi32, #tpu.memory_space<hbm>>
    %dma_wait3A_92 = tpu.memref_slice %arg2[%dma_wait3A_89, %mul3A_49] : memref<2x320000xi32, #tpu.memory_space<hbm>> -> memref<1x2000xi32, #tpu.memory_space<hbm>>
    %dma_wait3A_93 = tpu.memref_squeeze %dma_wait3A_92 : memref<1x2000xi32, #tpu.memory_space<hbm>> -> memref<2000xi32, #tpu.memory_space<hbm>>
    tpu.wait_dma2 semaphore(%arg17 : memref<!tpu.dma_semaphore, #tpu.memory_space<semaphore_mem>>) src(%dma_wait3A_93 : memref<2000xi32, #tpu.memory_space<hbm>>) dst(%arg10 : memref<2000xi32, #tpu.memory_space<vmem>>)
    %broadcast_in_dim3A_94 = arith.constant 1.000000e+00 : f32
    %broadcast_in_dim3A_95 = vector.broadcast %broadcast_in_dim3A_94 : f32 to vector<16xf32>
    %scan3A_96 = arith.constant 0 : i32
    %scan3A_97 = arith.constant 120 : i32
    %scan3A_98 = arith.addi %scan3A_96, %scan3A_97 : i32
    %scan3A_99 = arith.constant 8 : i32
    scf.for %scan3A_531 = %scan3A_96 to %scan3A_98 step %scan3A_99  : i32 {
      %mul3A_532 = arith.constant 1 : i32
      %mul3A_533 = arith.muli %scan3A_531, %mul3A_532 : i32
      %add3A_534 = arith.constant 0 : i32
      %add3A_535 = arith.addi %add3A_534, %mul3A_533 : i32
      %mul3A_536 = arith.constant 16 : i32
      %mul3A_537 = arith.muli %add3A_535, %mul3A_536 : i32
      %get3A_538 = arith.index_cast %mul3A_537 : i32 to index
      %get3A_539 = tpu.vector_load %arg6[%get3A_538] {strides = array<i32>} : memref<2000xi32, #tpu.memory_space<vmem>>, vector<16xi32>,
      %shift_right_arithmetic3A_540 = arith.constant 4 : i32
      %shift_right_arithmetic3A_541 = vector.broadcast %shift_right_arithmetic3A_540 : i32 to vector<16xi32>
      %shift_right_arithmetic3A_542 = arith.shrsi %get3A_539, %shift_right_arithmetic3A_541 : vector<16xi32>
      %and3A_543 = arith.constant 15 : i32
      %and3A_544 = vector.broadcast %and3A_543 : i32 to vector<16xi32>
      %and3A_545 = arith.andi %get3A_539, %and3A_544 : vector<16xi32>
      tpu.vector_store_idx %arg12[%shift_right_arithmetic3A_542, %and3A_545], %broadcast_in_dim3A_95 {add = true} : memref<625x16xf32, #tpu.memory_space<vmem>>[vector<16xi32>, vector<16xi32>], vector<16xf32>,
      %scan3A_546 = arith.constant 1 : i32
      %scan3A_547 = arith.addi %scan3A_531, %scan3A_546 : i32
      %mul3A_548 = arith.constant 1 : i32
      %mul3A_549 = arith.muli %scan3A_547, %mul3A_548 : i32
      %add3A_550 = arith.constant 0 : i32
      %add3A_551 = arith.addi %add3A_550, %mul3A_549 : i32
      %mul3A_552 = arith.constant 16 : i32
      %mul3A_553 = arith.muli %add3A_551, %mul3A_552 : i32
      %get3A_554 = arith.index_cast %mul3A_553 : i32 to index
      %get3A_555 = tpu.vector_load %arg6[%get3A_554] {strides = array<i32>} : memref<2000xi32, #tpu.memory_space<vmem>>, vector<16xi32>,
      %shift_right_arithmetic3A_556 = arith.constant 4 : i32
      %shift_right_arithmetic3A_557 = vector.broadcast %shift_right_arithmetic3A_556 : i32 to vector<16xi32>
      %shift_right_arithmetic3A_558 = arith.shrsi %get3A_555, %shift_right_arithmetic3A_557 : vector<16xi32>
      %and3A_559 = arith.constant 15 : i32
      %and3A_560 = vector.broadcast %and3A_559 : i32 to vector<16xi32>
      %and3A_561 = arith.andi %get3A_555, %and3A_560 : vector<16xi32>
      tpu.vector_store_idx %arg12[%shift_right_arithmetic3A_558, %and3A_561], %broadcast_in_dim3A_95 {add = true} : memref<625x16xf32, #tpu.memory_space<vmem>>[vector<16xi32>, vector<16xi32>], vector<16xf32>,
      %scan3A_562 = arith.constant 2 : i32
      %scan3A_563 = arith.addi %scan3A_531, %scan3A_562 : i32
      %mul3A_564 = arith.constant 1 : i32
      %mul3A_565 = arith.muli %scan3A_563, %mul3A_564 : i32
      %add3A_566 = arith.constant 0 : i32
      %add3A_567 = arith.addi %add3A_566, %mul3A_565 : i32
      %mul3A_568 = arith.constant 16 : i32
      %mul3A_569 = arith.muli %add3A_567, %mul3A_568 : i32
      %get3A_570 = arith.index_cast %mul3A_569 : i32 to index
      %get3A_571 = tpu.vector_load %arg6[%get3A_570] {strides = array<i32>} : memref<2000xi32, #tpu.memory_space<vmem>>, vector<16xi32>,
      %shift_right_arithmetic3A_572 = arith.constant 4 : i32
      %shift_right_arithmetic3A_573 = vector.broadcast %shift_right_arithmetic3A_572 : i32 to vector<16xi32>
      %shift_right_arithmetic3A_574 = arith.shrsi %get3A_571, %shift_right_arithmetic3A_573 : vector<16xi32>
      %and3A_575 = arith.constant 15 : i32
      %and3A_576 = vector.broadcast %and3A_575 : i32 to vector<16xi32>
      %and3A_577 = arith.andi %get3A_571, %and3A_576 : vector<16xi32>
      tpu.vector_store_idx %arg12[%shift_right_arithmetic3A_574, %and3A_577], %broadcast_in_dim3A_95 {add = true} : memref<625x16xf32, #tpu.memory_space<vmem>>[vector<16xi32>, vector<16xi32>], vector<16xf32>,
      %scan3A_578 = arith.constant 3 : i32
      %scan3A_579 = arith.addi %scan3A_531, %scan3A_578 : i32
      %mul3A_580 = arith.constant 1 : i32
      %mul3A_581 = arith.muli %scan3A_579, %mul3A_580 : i32
      %add3A_582 = arith.constant 0 : i32
      %add3A_583 = arith.addi %add3A_582, %mul3A_581 : i32
      %mul3A_584 = arith.constant 16 : i32
      %mul3A_585 = arith.muli %add3A_583, %mul3A_584 : i32
      %get3A_586 = arith.index_cast %mul3A_585 : i32 to index
      %get3A_587 = tpu.vector_load %arg6[%get3A_586] {strides = array<i32>} : memref<2000xi32, #tpu.memory_space<vmem>>, vector<16xi32>,
      %shift_right_arithmetic3A_588 = arith.constant 4 : i32
      %shift_right_arithmetic3A_589 = vector.broadcast %shift_right_arithmetic3A_588 : i32 to vector<16xi32>
      %shift_right_arithmetic3A_590 = arith.shrsi %get3A_587, %shift_right_arithmetic3A_589 : vector<16xi32>
      %and3A_591 = arith.constant 15 : i32
      %and3A_592 = vector.broadcast %and3A_591 : i32 to vector<16xi32>
      %and3A_593 = arith.andi %get3A_587, %and3A_592 : vector<16xi32>
      tpu.vector_store_idx %arg12[%shift_right_arithmetic3A_590, %and3A_593], %broadcast_in_dim3A_95 {add = true} : memref<625x16xf32, #tpu.memory_space<vmem>>[vector<16xi32>, vector<16xi32>], vector<16xf32>,
      %scan3A_594 = arith.constant 4 : i32
      %scan3A_595 = arith.addi %scan3A_531, %scan3A_594 : i32
      %mul3A_596 = arith.constant 1 : i32
      %mul3A_597 = arith.muli %scan3A_595, %mul3A_596 : i32
      %add3A_598 = arith.constant 0 : i32
      %add3A_599 = arith.addi %add3A_598, %mul3A_597 : i32
      %mul3A_600 = arith.constant 16 : i32
      %mul3A_601 = arith.muli %add3A_599, %mul3A_600 : i32
      %get3A_602 = arith.index_cast %mul3A_601 : i32 to index
      %get3A_603 = tpu.vector_load %arg6[%get3A_602] {strides = array<i32>} : memref<2000xi32, #tpu.memory_space<vmem>>, vector<16xi32>,
      %shift_right_arithmetic3A_604 = arith.constant 4 : i32
      %shift_right_arithmetic3A_605 = vector.broadcast %shift_right_arithmetic3A_604 : i32 to vector<16xi32>
      %shift_right_arithmetic3A_606 = arith.shrsi %get3A_603, %shift_right_arithmetic3A_605 : vector<16xi32>
      %and3A_607 = arith.constant 15 : i32
      %and3A_608 = vector.broadcast %and3A_607 : i32 to vector<16xi32>
      %and3A_609 = arith.andi %get3A_603, %and3A_608 : vector<16xi32>
      tpu.vector_store_idx %arg12[%shift_right_arithmetic3A_606, %and3A_609], %broadcast_in_dim3A_95 {add = true} : memref<625x16xf32, #tpu.memory_space<vmem>>[vector<16xi32>, vector<16xi32>], vector<16xf32>,
      %scan3A_610 = arith.constant 5 : i32
      %scan3A_611 = arith.addi %scan3A_531, %scan3A_610 : i32
      %mul3A_612 = arith.constant 1 : i32
      %mul3A_613 = arith.muli %scan3A_611, %mul3A_612 : i32
      %add3A_614 = arith.constant 0 : i32
      %add3A_615 = arith.addi %add3A_614, %mul3A_613 : i32
      %mul3A_616 = arith.constant 16 : i32
      %mul3A_617 = arith.muli %add3A_615, %mul3A_616 : i32
      %get3A_618 = arith.index_cast %mul3A_617 : i32 to index
      %get3A_619 = tpu.vector_load %arg6[%get3A_618] {strides = array<i32>} : memref<2000xi32, #tpu.memory_space<vmem>>, vector<16xi32>,
      %shift_right_arithmetic3A_620 = arith.constant 4 : i32
      %shift_right_arithmetic3A_621 = vector.broadcast %shift_right_arithmetic3A_620 : i32 to vector<16xi32>
      %shift_right_arithmetic3A_622 = arith.shrsi %get3A_619, %shift_right_arithmetic3A_621 : vector<16xi32>
      %and3A_623 = arith.constant 15 : i32
      %and3A_624 = vector.broadcast %and3A_623 : i32 to vector<16xi32>
      %and3A_625 = arith.andi %get3A_619, %and3A_624 : vector<16xi32>
      tpu.vector_store_idx %arg12[%shift_right_arithmetic3A_622, %and3A_625], %broadcast_in_dim3A_95 {add = true} : memref<625x16xf32, #tpu.memory_space<vmem>>[vector<16xi32>, vector<16xi32>], vector<16xf32>,
      %scan3A_626 = arith.constant 6 : i32
      %scan3A_627 = arith.addi %scan3A_531, %scan3A_626 : i32
      %mul3A_628 = arith.constant 1 : i32
      %mul3A_629 = arith.muli %scan3A_627, %mul3A_628 : i32
      %add3A_630 = arith.constant 0 : i32
      %add3A_631 = arith.addi %add3A_630, %mul3A_629 : i32
      %mul3A_632 = arith.constant 16 : i32
      %mul3A_633 = arith.muli %add3A_631, %mul3A_632 : i32
      %get3A_634 = arith.index_cast %mul3A_633 : i32 to index
      %get3A_635 = tpu.vector_load %arg6[%get3A_634] {strides = array<i32>} : memref<2000xi32, #tpu.memory_space<vmem>>, vector<16xi32>,
      %shift_right_arithmetic3A_636 = arith.constant 4 : i32
      %shift_right_arithmetic3A_637 = vector.broadcast %shift_right_arithmetic3A_636 : i32 to vector<16xi32>
      %shift_right_arithmetic3A_638 = arith.shrsi %get3A_635, %shift_right_arithmetic3A_637 : vector<16xi32>
      %and3A_639 = arith.constant 15 : i32
      %and3A_640 = vector.broadcast %and3A_639 : i32 to vector<16xi32>
      %and3A_641 = arith.andi %get3A_635, %and3A_640 : vector<16xi32>
      tpu.vector_store_idx %arg12[%shift_right_arithmetic3A_638, %and3A_641], %broadcast_in_dim3A_95 {add = true} : memref<625x16xf32, #tpu.memory_space<vmem>>[vector<16xi32>, vector<16xi32>], vector<16xf32>,
      %scan3A_642 = arith.constant 7 : i32
      %scan3A_643 = arith.addi %scan3A_531, %scan3A_642 : i32
      %mul3A_644 = arith.constant 1 : i32
      %mul3A_645 = arith.muli %scan3A_643, %mul3A_644 : i32
      %add3A_646 = arith.constant 0 : i32
      %add3A_647 = arith.addi %add3A_646, %mul3A_645 : i32
      %mul3A_648 = arith.constant 16 : i32
      %mul3A_649 = arith.muli %add3A_647, %mul3A_648 : i32
      %get3A_650 = arith.index_cast %mul3A_649 : i32 to index
      %get3A_651 = tpu.vector_load %arg6[%get3A_650] {strides = array<i32>} : memref<2000xi32, #tpu.memory_space<vmem>>, vector<16xi32>,
      %shift_right_arithmetic3A_652 = arith.constant 4 : i32
      %shift_right_arithmetic3A_653 = vector.broadcast %shift_right_arithmetic3A_652 : i32 to vector<16xi32>
      %shift_right_arithmetic3A_654 = arith.shrsi %get3A_651, %shift_right_arithmetic3A_653 : vector<16xi32>
      %and3A_655 = arith.constant 15 : i32
      %and3A_656 = vector.broadcast %and3A_655 : i32 to vector<16xi32>
      %and3A_657 = arith.andi %get3A_651, %and3A_656 : vector<16xi32>
      tpu.vector_store_idx %arg12[%shift_right_arithmetic3A_654, %and3A_657], %broadcast_in_dim3A_95 {add = true} : memref<625x16xf32, #tpu.memory_space<vmem>>[vector<16xi32>, vector<16xi32>], vector<16xf32>,
    }
    %scan3A_100 = arith.constant 120 : i32
    %scan3A_101 = arith.addi %scan3A_96, %scan3A_100 : i32
    %mul3A_102 = arith.constant 1 : i32
    %mul3A_103 = arith.muli %scan3A_101, %mul3A_102 : i32
    %add3A_104 = arith.constant 0 : i32
    %add3A_105 = arith.addi %add3A_104, %mul3A_103 : i32
    %mul3A_106 = arith.constant 16 : i32
    %mul3A_107 = arith.muli %add3A_105, %mul3A_106 : i32
    %get3A = arith.index_cast %mul3A_107 : i32 to index
    %get3A_108 = tpu.vector_load %arg6[%get3A] {strides = array<i32>} : memref<2000xi32, #tpu.memory_space<vmem>>, vector<16xi32>,
    %shift_right_arithmetic3A = arith.constant 4 : i32
    %shift_right_arithmetic3A_109 = vector.broadcast %shift_right_arithmetic3A : i32 to vector<16xi32>
    %shift_right_arithmetic3A_110 = arith.shrsi %get3A_108, %shift_right_arithmetic3A_109 : vector<16xi32>
    %and3A = arith.constant 15 : i32
    %and3A_111 = vector.broadcast %and3A : i32 to vector<16xi32>
    %and3A_112 = arith.andi %get3A_108, %and3A_111 : vector<16xi32>
    tpu.vector_store_idx %arg12[%shift_right_arithmetic3A_110, %and3A_112], %broadcast_in_dim3A_95 {add = true} : memref<625x16xf32, #tpu.memory_space<vmem>>[vector<16xi32>, vector<16xi32>], vector<16xf32>,
    %scan3A_113 = arith.constant 121 : i32
    %scan3A_114 = arith.addi %scan3A_96, %scan3A_113 : i32
    %mul3A_115 = arith.constant 1 : i32
    %mul3A_116 = arith.muli %scan3A_114, %mul3A_115 : i32
    %add3A_117 = arith.constant 0 : i32
    %add3A_118 = arith.addi %add3A_117, %mul3A_116 : i32
    %mul3A_119 = arith.constant 16 : i32
    %mul3A_120 = arith.muli %add3A_118, %mul3A_119 : i32
    %get3A_121 = arith.index_cast %mul3A_120 : i32 to index
    %get3A_122 = tpu.vector_load %arg6[%get3A_121] {strides = array<i32>} : memref<2000xi32, #tpu.memory_space<vmem>>, vector<16xi32>,
    %shift_right_arithmetic3A_123 = arith.constant 4 : i32
    %shift_right_arithmetic3A_124 = vector.broadcast %shift_right_arithmetic3A_123 : i32 to vector<16xi32>
    %shift_right_arithmetic3A_125 = arith.shrsi %get3A_122, %shift_right_arithmetic3A_124 : vector<16xi32>
    %and3A_126 = arith.constant 15 : i32
    %and3A_127 = vector.broadcast %and3A_126 : i32 to vector<16xi32>
    %and3A_128 = arith.andi %get3A_122, %and3A_127 : vector<16xi32>
    tpu.vector_store_idx %arg12[%shift_right_arithmetic3A_125, %and3A_128], %broadcast_in_dim3A_95 {add = true} : memref<625x16xf32, #tpu.memory_space<vmem>>[vector<16xi32>, vector<16xi32>], vector<16xf32>,
    %scan3A_129 = arith.constant 122 : i32
    %scan3A_130 = arith.addi %scan3A_96, %scan3A_129 : i32
    %mul3A_131 = arith.constant 1 : i32
    %mul3A_132 = arith.muli %scan3A_130, %mul3A_131 : i32
    %add3A_133 = arith.constant 0 : i32
    %add3A_134 = arith.addi %add3A_133, %mul3A_132 : i32
    %mul3A_135 = arith.constant 16 : i32
    %mul3A_136 = arith.muli %add3A_134, %mul3A_135 : i32
    %get3A_137 = arith.index_cast %mul3A_136 : i32 to index
    %get3A_138 = tpu.vector_load %arg6[%get3A_137] {strides = array<i32>} : memref<2000xi32, #tpu.memory_space<vmem>>, vector<16xi32>,
    %shift_right_arithmetic3A_139 = arith.constant 4 : i32
    %shift_right_arithmetic3A_140 = vector.broadcast %shift_right_arithmetic3A_139 : i32 to vector<16xi32>
    %shift_right_arithmetic3A_141 = arith.shrsi %get3A_138, %shift_right_arithmetic3A_140 : vector<16xi32>
    %and3A_142 = arith.constant 15 : i32
    %and3A_143 = vector.broadcast %and3A_142 : i32 to vector<16xi32>
    %and3A_144 = arith.andi %get3A_138, %and3A_143 : vector<16xi32>
    tpu.vector_store_idx %arg12[%shift_right_arithmetic3A_141, %and3A_144], %broadcast_in_dim3A_95 {add = true} : memref<625x16xf32, #tpu.memory_space<vmem>>[vector<16xi32>, vector<16xi32>], vector<16xf32>,
    %scan3A_145 = arith.constant 123 : i32
    %scan3A_146 = arith.addi %scan3A_96, %scan3A_145 : i32
    %mul3A_147 = arith.constant 1 : i32
    %mul3A_148 = arith.muli %scan3A_146, %mul3A_147 : i32
    %add3A_149 = arith.constant 0 : i32
    %add3A_150 = arith.addi %add3A_149, %mul3A_148 : i32
    %mul3A_151 = arith.constant 16 : i32
    %mul3A_152 = arith.muli %add3A_150, %mul3A_151 : i32
    %get3A_153 = arith.index_cast %mul3A_152 : i32 to index
    %get3A_154 = tpu.vector_load %arg6[%get3A_153] {strides = array<i32>} : memref<2000xi32, #tpu.memory_space<vmem>>, vector<16xi32>,
    %shift_right_arithmetic3A_155 = arith.constant 4 : i32
    %shift_right_arithmetic3A_156 = vector.broadcast %shift_right_arithmetic3A_155 : i32 to vector<16xi32>
    %shift_right_arithmetic3A_157 = arith.shrsi %get3A_154, %shift_right_arithmetic3A_156 : vector<16xi32>
    %and3A_158 = arith.constant 15 : i32
    %and3A_159 = vector.broadcast %and3A_158 : i32 to vector<16xi32>
    %and3A_160 = arith.andi %get3A_154, %and3A_159 : vector<16xi32>
    tpu.vector_store_idx %arg12[%shift_right_arithmetic3A_157, %and3A_160], %broadcast_in_dim3A_95 {add = true} : memref<625x16xf32, #tpu.memory_space<vmem>>[vector<16xi32>, vector<16xi32>], vector<16xf32>,
    %scan3A_161 = arith.constant 124 : i32
    %scan3A_162 = arith.addi %scan3A_96, %scan3A_161 : i32
    %mul3A_163 = arith.constant 1 : i32
    %mul3A_164 = arith.muli %scan3A_162, %mul3A_163 : i32
    %add3A_165 = arith.constant 0 : i32
    %add3A_166 = arith.addi %add3A_165, %mul3A_164 : i32
    %mul3A_167 = arith.constant 16 : i32
    %mul3A_168 = arith.muli %add3A_166, %mul3A_167 : i32
    %get3A_169 = arith.index_cast %mul3A_168 : i32 to index
    %get3A_170 = tpu.vector_load %arg6[%get3A_169] {strides = array<i32>} : memref<2000xi32, #tpu.memory_space<vmem>>, vector<16xi32>,
    %shift_right_arithmetic3A_171 = arith.constant 4 : i32
    %shift_right_arithmetic3A_172 = vector.broadcast %shift_right_arithmetic3A_171 : i32 to vector<16xi32>
    %shift_right_arithmetic3A_173 = arith.shrsi %get3A_170, %shift_right_arithmetic3A_172 : vector<16xi32>
    %and3A_174 = arith.constant 15 : i32
    %and3A_175 = vector.broadcast %and3A_174 : i32 to vector<16xi32>
    %and3A_176 = arith.andi %get3A_170, %and3A_175 : vector<16xi32>
    tpu.vector_store_idx %arg12[%shift_right_arithmetic3A_173, %and3A_176], %broadcast_in_dim3A_95 {add = true} : memref<625x16xf32, #tpu.memory_space<vmem>>[vector<16xi32>, vector<16xi32>], vector<16xf32>,
    %scan3A_177 = arith.constant 125 : i32
    %scan3A_178 = arith.constant 0 : i32
    %scan3A_179 = arith.constant 120 : i32
    %scan3A_180 = arith.addi %scan3A_178, %scan3A_179 : i32
    %scan3A_181 = arith.constant 8 : i32
    scf.for %scan3A_531 = %scan3A_178 to %scan3A_180 step %scan3A_181  : i32 {
      %mul3A_532 = arith.constant 1 : i32
      %mul3A_533 = arith.muli %scan3A_531, %mul3A_532 : i32
      %add3A_534 = arith.constant 0 : i32
      %add3A_535 = arith.addi %add3A_534, %mul3A_533 : i32
      %mul3A_536 = arith.constant 16 : i32
      %mul3A_537 = arith.muli %add3A_535, %mul3A_536 : i32
      %get3A_538 = arith.index_cast %mul3A_537 : i32 to index
      %get3A_539 = tpu.vector_load %arg7[%get3A_538] {strides = array<i32>} : memref<2000xi32, #tpu.memory_space<vmem>>, vector<16xi32>,
      %shift_right_arithmetic3A_540 = arith.constant 4 : i32
      %shift_right_arithmetic3A_541 = vector.broadcast %shift_right_arithmetic3A_540 : i32 to vector<16xi32>
      %shift_right_arithmetic3A_542 = arith.shrsi %get3A_539, %shift_right_arithmetic3A_541 : vector<16xi32>
      %and3A_543 = arith.constant 15 : i32
      %and3A_544 = vector.broadcast %and3A_543 : i32 to vector<16xi32>
      %and3A_545 = arith.andi %get3A_539, %and3A_544 : vector<16xi32>
      tpu.vector_store_idx %arg12[%shift_right_arithmetic3A_542, %and3A_545], %broadcast_in_dim3A_95 {add = true} : memref<625x16xf32, #tpu.memory_space<vmem>>[vector<16xi32>, vector<16xi32>], vector<16xf32>,
      %scan3A_546 = arith.constant 1 : i32
      %scan3A_547 = arith.addi %scan3A_531, %scan3A_546 : i32
      %mul3A_548 = arith.constant 1 : i32
      %mul3A_549 = arith.muli %scan3A_547, %mul3A_548 : i32
      %add3A_550 = arith.constant 0 : i32
      %add3A_551 = arith.addi %add3A_550, %mul3A_549 : i32
      %mul3A_552 = arith.constant 16 : i32
      %mul3A_553 = arith.muli %add3A_551, %mul3A_552 : i32
      %get3A_554 = arith.index_cast %mul3A_553 : i32 to index
      %get3A_555 = tpu.vector_load %arg7[%get3A_554] {strides = array<i32>} : memref<2000xi32, #tpu.memory_space<vmem>>, vector<16xi32>,
      %shift_right_arithmetic3A_556 = arith.constant 4 : i32
      %shift_right_arithmetic3A_557 = vector.broadcast %shift_right_arithmetic3A_556 : i32 to vector<16xi32>
      %shift_right_arithmetic3A_558 = arith.shrsi %get3A_555, %shift_right_arithmetic3A_557 : vector<16xi32>
      %and3A_559 = arith.constant 15 : i32
      %and3A_560 = vector.broadcast %and3A_559 : i32 to vector<16xi32>
      %and3A_561 = arith.andi %get3A_555, %and3A_560 : vector<16xi32>
      tpu.vector_store_idx %arg12[%shift_right_arithmetic3A_558, %and3A_561], %broadcast_in_dim3A_95 {add = true} : memref<625x16xf32, #tpu.memory_space<vmem>>[vector<16xi32>, vector<16xi32>], vector<16xf32>,
      %scan3A_562 = arith.constant 2 : i32
      %scan3A_563 = arith.addi %scan3A_531, %scan3A_562 : i32
      %mul3A_564 = arith.constant 1 : i32
      %mul3A_565 = arith.muli %scan3A_563, %mul3A_564 : i32
      %add3A_566 = arith.constant 0 : i32
      %add3A_567 = arith.addi %add3A_566, %mul3A_565 : i32
      %mul3A_568 = arith.constant 16 : i32
      %mul3A_569 = arith.muli %add3A_567, %mul3A_568 : i32
      %get3A_570 = arith.index_cast %mul3A_569 : i32 to index
      %get3A_571 = tpu.vector_load %arg7[%get3A_570] {strides = array<i32>} : memref<2000xi32, #tpu.memory_space<vmem>>, vector<16xi32>,
      %shift_right_arithmetic3A_572 = arith.constant 4 : i32
      %shift_right_arithmetic3A_573 = vector.broadcast %shift_right_arithmetic3A_572 : i32 to vector<16xi32>
      %shift_right_arithmetic3A_574 = arith.shrsi %get3A_571, %shift_right_arithmetic3A_573 : vector<16xi32>
      %and3A_575 = arith.constant 15 : i32
      %and3A_576 = vector.broadcast %and3A_575 : i32 to vector<16xi32>
      %and3A_577 = arith.andi %get3A_571, %and3A_576 : vector<16xi32>
      tpu.vector_store_idx %arg12[%shift_right_arithmetic3A_574, %and3A_577], %broadcast_in_dim3A_95 {add = true} : memref<625x16xf32, #tpu.memory_space<vmem>>[vector<16xi32>, vector<16xi32>], vector<16xf32>,
      %scan3A_578 = arith.constant 3 : i32
      %scan3A_579 = arith.addi %scan3A_531, %scan3A_578 : i32
      %mul3A_580 = arith.constant 1 : i32
      %mul3A_581 = arith.muli %scan3A_579, %mul3A_580 : i32
      %add3A_582 = arith.constant 0 : i32
      %add3A_583 = arith.addi %add3A_582, %mul3A_581 : i32
      %mul3A_584 = arith.constant 16 : i32
      %mul3A_585 = arith.muli %add3A_583, %mul3A_584 : i32
      %get3A_586 = arith.index_cast %mul3A_585 : i32 to index
      %get3A_587 = tpu.vector_load %arg7[%get3A_586] {strides = array<i32>} : memref<2000xi32, #tpu.memory_space<vmem>>, vector<16xi32>,
      %shift_right_arithmetic3A_588 = arith.constant 4 : i32
      %shift_right_arithmetic3A_589 = vector.broadcast %shift_right_arithmetic3A_588 : i32 to vector<16xi32>
      %shift_right_arithmetic3A_590 = arith.shrsi %get3A_587, %shift_right_arithmetic3A_589 : vector<16xi32>
      %and3A_591 = arith.constant 15 : i32
      %and3A_592 = vector.broadcast %and3A_591 : i32 to vector<16xi32>
      %and3A_593 = arith.andi %get3A_587, %and3A_592 : vector<16xi32>
      tpu.vector_store_idx %arg12[%shift_right_arithmetic3A_590, %and3A_593], %broadcast_in_dim3A_95 {add = true} : memref<625x16xf32, #tpu.memory_space<vmem>>[vector<16xi32>, vector<16xi32>], vector<16xf32>,
      %scan3A_594 = arith.constant 4 : i32
      %scan3A_595 = arith.addi %scan3A_531, %scan3A_594 : i32
      %mul3A_596 = arith.constant 1 : i32
      %mul3A_597 = arith.muli %scan3A_595, %mul3A_596 : i32
      %add3A_598 = arith.constant 0 : i32
      %add3A_599 = arith.addi %add3A_598, %mul3A_597 : i32
      %mul3A_600 = arith.constant 16 : i32
      %mul3A_601 = arith.muli %add3A_599, %mul3A_600 : i32
      %get3A_602 = arith.index_cast %mul3A_601 : i32 to index
      %get3A_603 = tpu.vector_load %arg7[%get3A_602] {strides = array<i32>} : memref<2000xi32, #tpu.memory_space<vmem>>, vector<16xi32>,
      %shift_right_arithmetic3A_604 = arith.constant 4 : i32
      %shift_right_arithmetic3A_605 = vector.broadcast %shift_right_arithmetic3A_604 : i32 to vector<16xi32>
      %shift_right_arithmetic3A_606 = arith.shrsi %get3A_603, %shift_right_arithmetic3A_605 : vector<16xi32>
      %and3A_607 = arith.constant 15 : i32
      %and3A_608 = vector.broadcast %and3A_607 : i32 to vector<16xi32>
      %and3A_609 = arith.andi %get3A_603, %and3A_608 : vector<16xi32>
      tpu.vector_store_idx %arg12[%shift_right_arithmetic3A_606, %and3A_609], %broadcast_in_dim3A_95 {add = true} : memref<625x16xf32, #tpu.memory_space<vmem>>[vector<16xi32>, vector<16xi32>], vector<16xf32>,
      %scan3A_610 = arith.constant 5 : i32
      %scan3A_611 = arith.addi %scan3A_531, %scan3A_610 : i32
      %mul3A_612 = arith.constant 1 : i32
      %mul3A_613 = arith.muli %scan3A_611, %mul3A_612 : i32
      %add3A_614 = arith.constant 0 : i32
      %add3A_615 = arith.addi %add3A_614, %mul3A_613 : i32
      %mul3A_616 = arith.constant 16 : i32
      %mul3A_617 = arith.muli %add3A_615, %mul3A_616 : i32
      %get3A_618 = arith.index_cast %mul3A_617 : i32 to index
      %get3A_619 = tpu.vector_load %arg7[%get3A_618] {strides = array<i32>} : memref<2000xi32, #tpu.memory_space<vmem>>, vector<16xi32>,
      %shift_right_arithmetic3A_620 = arith.constant 4 : i32
      %shift_right_arithmetic3A_621 = vector.broadcast %shift_right_arithmetic3A_620 : i32 to vector<16xi32>
      %shift_right_arithmetic3A_622 = arith.shrsi %get3A_619, %shift_right_arithmetic3A_621 : vector<16xi32>
      %and3A_623 = arith.constant 15 : i32
      %and3A_624 = vector.broadcast %and3A_623 : i32 to vector<16xi32>
      %and3A_625 = arith.andi %get3A_619, %and3A_624 : vector<16xi32>
      tpu.vector_store_idx %arg12[%shift_right_arithmetic3A_622, %and3A_625], %broadcast_in_dim3A_95 {add = true} : memref<625x16xf32, #tpu.memory_space<vmem>>[vector<16xi32>, vector<16xi32>], vector<16xf32>,
      %scan3A_626 = arith.constant 6 : i32
      %scan3A_627 = arith.addi %scan3A_531, %scan3A_626 : i32
      %mul3A_628 = arith.constant 1 : i32
      %mul3A_629 = arith.muli %scan3A_627, %mul3A_628 : i32
      %add3A_630 = arith.constant 0 : i32
      %add3A_631 = arith.addi %add3A_630, %mul3A_629 : i32
      %mul3A_632 = arith.constant 16 : i32
      %mul3A_633 = arith.muli %add3A_631, %mul3A_632 : i32
      %get3A_634 = arith.index_cast %mul3A_633 : i32 to index
      %get3A_635 = tpu.vector_load %arg7[%get3A_634] {strides = array<i32>} : memref<2000xi32, #tpu.memory_space<vmem>>, vector<16xi32>,
      %shift_right_arithmetic3A_636 = arith.constant 4 : i32
      %shift_right_arithmetic3A_637 = vector.broadcast %shift_right_arithmetic3A_636 : i32 to vector<16xi32>
      %shift_right_arithmetic3A_638 = arith.shrsi %get3A_635, %shift_right_arithmetic3A_637 : vector<16xi32>
      %and3A_639 = arith.constant 15 : i32
      %and3A_640 = vector.broadcast %and3A_639 : i32 to vector<16xi32>
      %and3A_641 = arith.andi %get3A_635, %and3A_640 : vector<16xi32>
      tpu.vector_store_idx %arg12[%shift_right_arithmetic3A_638, %and3A_641], %broadcast_in_dim3A_95 {add = true} : memref<625x16xf32, #tpu.memory_space<vmem>>[vector<16xi32>, vector<16xi32>], vector<16xf32>,
      %scan3A_642 = arith.constant 7 : i32
      %scan3A_643 = arith.addi %scan3A_531, %scan3A_642 : i32
      %mul3A_644 = arith.constant 1 : i32
      %mul3A_645 = arith.muli %scan3A_643, %mul3A_644 : i32
      %add3A_646 = arith.constant 0 : i32
      %add3A_647 = arith.addi %add3A_646, %mul3A_645 : i32
      %mul3A_648 = arith.constant 16 : i32
      %mul3A_649 = arith.muli %add3A_647, %mul3A_648 : i32
      %get3A_650 = arith.index_cast %mul3A_649 : i32 to index
      %get3A_651 = tpu.vector_load %arg7[%get3A_650] {strides = array<i32>} : memref<2000xi32, #tpu.memory_space<vmem>>, vector<16xi32>,
      %shift_right_arithmetic3A_652 = arith.constant 4 : i32
      %shift_right_arithmetic3A_653 = vector.broadcast %shift_right_arithmetic3A_652 : i32 to vector<16xi32>
      %shift_right_arithmetic3A_654 = arith.shrsi %get3A_651, %shift_right_arithmetic3A_653 : vector<16xi32>
      %and3A_655 = arith.constant 15 : i32
      %and3A_656 = vector.broadcast %and3A_655 : i32 to vector<16xi32>
      %and3A_657 = arith.andi %get3A_651, %and3A_656 : vector<16xi32>
      tpu.vector_store_idx %arg12[%shift_right_arithmetic3A_654, %and3A_657], %broadcast_in_dim3A_95 {add = true} : memref<625x16xf32, #tpu.memory_space<vmem>>[vector<16xi32>, vector<16xi32>], vector<16xf32>,
    }
    %scan3A_182 = arith.constant 120 : i32
    %scan3A_183 = arith.addi %scan3A_178, %scan3A_182 : i32
    %mul3A_184 = arith.constant 1 : i32
    %mul3A_185 = arith.muli %scan3A_183, %mul3A_184 : i32
    %add3A_186 = arith.constant 0 : i32
    %add3A_187 = arith.addi %add3A_186, %mul3A_185 : i32
    %mul3A_188 = arith.constant 16 : i32
    %mul3A_189 = arith.muli %add3A_187, %mul3A_188 : i32
    %get3A_190 = arith.index_cast %mul3A_189 : i32 to index
    %get3A_191 = tpu.vector_load %arg7[%get3A_190] {strides = array<i32>} : memref<2000xi32, #tpu.memory_space<vmem>>, vector<16xi32>,
    %shift_right_arithmetic3A_192 = arith.constant 4 : i32
    %shift_right_arithmetic3A_193 = vector.broadcast %shift_right_arithmetic3A_192 : i32 to vector<16xi32>
    %shift_right_arithmetic3A_194 = arith.shrsi %get3A_191, %shift_right_arithmetic3A_193 : vector<16xi32>
    %and3A_195 = arith.constant 15 : i32
    %and3A_196 = vector.broadcast %and3A_195 : i32 to vector<16xi32>
    %and3A_197 = arith.andi %get3A_191, %and3A_196 : vector<16xi32>
    tpu.vector_store_idx %arg12[%shift_right_arithmetic3A_194, %and3A_197], %broadcast_in_dim3A_95 {add = true} : memref<625x16xf32, #tpu.memory_space<vmem>>[vector<16xi32>, vector<16xi32>], vector<16xf32>,
    %scan3A_198 = arith.constant 121 : i32
    %scan3A_199 = arith.addi %scan3A_178, %scan3A_198 : i32
    %mul3A_200 = arith.constant 1 : i32
    %mul3A_201 = arith.muli %scan3A_199, %mul3A_200 : i32
    %add3A_202 = arith.constant 0 : i32
    %add3A_203 = arith.addi %add3A_202, %mul3A_201 : i32
    %mul3A_204 = arith.constant 16 : i32
    %mul3A_205 = arith.muli %add3A_203, %mul3A_204 : i32
    %get3A_206 = arith.index_cast %mul3A_205 : i32 to index
    %get3A_207 = tpu.vector_load %arg7[%get3A_206] {strides = array<i32>} : memref<2000xi32, #tpu.memory_space<vmem>>, vector<16xi32>,
    %shift_right_arithmetic3A_208 = arith.constant 4 : i32
    %shift_right_arithmetic3A_209 = vector.broadcast %shift_right_arithmetic3A_208 : i32 to vector<16xi32>
    %shift_right_arithmetic3A_210 = arith.shrsi %get3A_207, %shift_right_arithmetic3A_209 : vector<16xi32>
    %and3A_211 = arith.constant 15 : i32
    %and3A_212 = vector.broadcast %and3A_211 : i32 to vector<16xi32>
    %and3A_213 = arith.andi %get3A_207, %and3A_212 : vector<16xi32>
    tpu.vector_store_idx %arg12[%shift_right_arithmetic3A_210, %and3A_213], %broadcast_in_dim3A_95 {add = true} : memref<625x16xf32, #tpu.memory_space<vmem>>[vector<16xi32>, vector<16xi32>], vector<16xf32>,
    %scan3A_214 = arith.constant 122 : i32
    %scan3A_215 = arith.addi %scan3A_178, %scan3A_214 : i32
    %mul3A_216 = arith.constant 1 : i32
    %mul3A_217 = arith.muli %scan3A_215, %mul3A_216 : i32
    %add3A_218 = arith.constant 0 : i32
    %add3A_219 = arith.addi %add3A_218, %mul3A_217 : i32
    %mul3A_220 = arith.constant 16 : i32
    %mul3A_221 = arith.muli %add3A_219, %mul3A_220 : i32
    %get3A_222 = arith.index_cast %mul3A_221 : i32 to index
    %get3A_223 = tpu.vector_load %arg7[%get3A_222] {strides = array<i32>} : memref<2000xi32, #tpu.memory_space<vmem>>, vector<16xi32>,
    %shift_right_arithmetic3A_224 = arith.constant 4 : i32
    %shift_right_arithmetic3A_225 = vector.broadcast %shift_right_arithmetic3A_224 : i32 to vector<16xi32>
    %shift_right_arithmetic3A_226 = arith.shrsi %get3A_223, %shift_right_arithmetic3A_225 : vector<16xi32>
    %and3A_227 = arith.constant 15 : i32
    %and3A_228 = vector.broadcast %and3A_227 : i32 to vector<16xi32>
    %and3A_229 = arith.andi %get3A_223, %and3A_228 : vector<16xi32>
    tpu.vector_store_idx %arg12[%shift_right_arithmetic3A_226, %and3A_229], %broadcast_in_dim3A_95 {add = true} : memref<625x16xf32, #tpu.memory_space<vmem>>[vector<16xi32>, vector<16xi32>], vector<16xf32>,
    %scan3A_230 = arith.constant 123 : i32
    %scan3A_231 = arith.addi %scan3A_178, %scan3A_230 : i32
    %mul3A_232 = arith.constant 1 : i32
    %mul3A_233 = arith.muli %scan3A_231, %mul3A_232 : i32
    %add3A_234 = arith.constant 0 : i32
    %add3A_235 = arith.addi %add3A_234, %mul3A_233 : i32
    %mul3A_236 = arith.constant 16 : i32
    %mul3A_237 = arith.muli %add3A_235, %mul3A_236 : i32
    %get3A_238 = arith.index_cast %mul3A_237 : i32 to index
    %get3A_239 = tpu.vector_load %arg7[%get3A_238] {strides = array<i32>} : memref<2000xi32, #tpu.memory_space<vmem>>, vector<16xi32>,
    %shift_right_arithmetic3A_240 = arith.constant 4 : i32
    %shift_right_arithmetic3A_241 = vector.broadcast %shift_right_arithmetic3A_240 : i32 to vector<16xi32>
    %shift_right_arithmetic3A_242 = arith.shrsi %get3A_239, %shift_right_arithmetic3A_241 : vector<16xi32>
    %and3A_243 = arith.constant 15 : i32
    %and3A_244 = vector.broadcast %and3A_243 : i32 to vector<16xi32>
    %and3A_245 = arith.andi %get3A_239, %and3A_244 : vector<16xi32>
    tpu.vector_store_idx %arg12[%shift_right_arithmetic3A_242, %and3A_245], %broadcast_in_dim3A_95 {add = true} : memref<625x16xf32, #tpu.memory_space<vmem>>[vector<16xi32>, vector<16xi32>], vector<16xf32>,
    %scan3A_246 = arith.constant 124 : i32
    %scan3A_247 = arith.addi %scan3A_178, %scan3A_246 : i32
    %mul3A_248 = arith.constant 1 : i32
    %mul3A_249 = arith.muli %scan3A_247, %mul3A_248 : i32
    %add3A_250 = arith.constant 0 : i32
    %add3A_251 = arith.addi %add3A_250, %mul3A_249 : i32
    %mul3A_252 = arith.constant 16 : i32
    %mul3A_253 = arith.muli %add3A_251, %mul3A_252 : i32
    %get3A_254 = arith.index_cast %mul3A_253 : i32 to index
    %get3A_255 = tpu.vector_load %arg7[%get3A_254] {strides = array<i32>} : memref<2000xi32, #tpu.memory_space<vmem>>, vector<16xi32>,
    %shift_right_arithmetic3A_256 = arith.constant 4 : i32
    %shift_right_arithmetic3A_257 = vector.broadcast %shift_right_arithmetic3A_256 : i32 to vector<16xi32>
    %shift_right_arithmetic3A_258 = arith.shrsi %get3A_255, %shift_right_arithmetic3A_257 : vector<16xi32>
    %and3A_259 = arith.constant 15 : i32
    %and3A_260 = vector.broadcast %and3A_259 : i32 to vector<16xi32>
    %and3A_261 = arith.andi %get3A_255, %and3A_260 : vector<16xi32>
    tpu.vector_store_idx %arg12[%shift_right_arithmetic3A_258, %and3A_261], %broadcast_in_dim3A_95 {add = true} : memref<625x16xf32, #tpu.memory_space<vmem>>[vector<16xi32>, vector<16xi32>], vector<16xf32>,
    %scan3A_262 = arith.constant 125 : i32
    %scan3A_263 = arith.constant 0 : i32
    %scan3A_264 = arith.constant 120 : i32
    %scan3A_265 = arith.addi %scan3A_263, %scan3A_264 : i32
    %scan3A_266 = arith.constant 8 : i32
    scf.for %scan3A_531 = %scan3A_263 to %scan3A_265 step %scan3A_266  : i32 {
      %mul3A_532 = arith.constant 1 : i32
      %mul3A_533 = arith.muli %scan3A_531, %mul3A_532 : i32
      %add3A_534 = arith.constant 0 : i32
      %add3A_535 = arith.addi %add3A_534, %mul3A_533 : i32
      %mul3A_536 = arith.constant 16 : i32
      %mul3A_537 = arith.muli %add3A_535, %mul3A_536 : i32
      %get3A_538 = arith.index_cast %mul3A_537 : i32 to index
      %get3A_539 = tpu.vector_load %arg8[%get3A_538] {strides = array<i32>} : memref<2000xi32, #tpu.memory_space<vmem>>, vector<16xi32>,
      %shift_right_arithmetic3A_540 = arith.constant 4 : i32
      %shift_right_arithmetic3A_541 = vector.broadcast %shift_right_arithmetic3A_540 : i32 to vector<16xi32>
      %shift_right_arithmetic3A_542 = arith.shrsi %get3A_539, %shift_right_arithmetic3A_541 : vector<16xi32>
      %and3A_543 = arith.constant 15 : i32
      %and3A_544 = vector.broadcast %and3A_543 : i32 to vector<16xi32>
      %and3A_545 = arith.andi %get3A_539, %and3A_544 : vector<16xi32>
      tpu.vector_store_idx %arg12[%shift_right_arithmetic3A_542, %and3A_545], %broadcast_in_dim3A_95 {add = true} : memref<625x16xf32, #tpu.memory_space<vmem>>[vector<16xi32>, vector<16xi32>], vector<16xf32>,
      %scan3A_546 = arith.constant 1 : i32
      %scan3A_547 = arith.addi %scan3A_531, %scan3A_546 : i32
      %mul3A_548 = arith.constant 1 : i32
      %mul3A_549 = arith.muli %scan3A_547, %mul3A_548 : i32
      %add3A_550 = arith.constant 0 : i32
      %add3A_551 = arith.addi %add3A_550, %mul3A_549 : i32
      %mul3A_552 = arith.constant 16 : i32
      %mul3A_553 = arith.muli %add3A_551, %mul3A_552 : i32
      %get3A_554 = arith.index_cast %mul3A_553 : i32 to index
      %get3A_555 = tpu.vector_load %arg8[%get3A_554] {strides = array<i32>} : memref<2000xi32, #tpu.memory_space<vmem>>, vector<16xi32>,
      %shift_right_arithmetic3A_556 = arith.constant 4 : i32
      %shift_right_arithmetic3A_557 = vector.broadcast %shift_right_arithmetic3A_556 : i32 to vector<16xi32>
      %shift_right_arithmetic3A_558 = arith.shrsi %get3A_555, %shift_right_arithmetic3A_557 : vector<16xi32>
      %and3A_559 = arith.constant 15 : i32
      %and3A_560 = vector.broadcast %and3A_559 : i32 to vector<16xi32>
      %and3A_561 = arith.andi %get3A_555, %and3A_560 : vector<16xi32>
      tpu.vector_store_idx %arg12[%shift_right_arithmetic3A_558, %and3A_561], %broadcast_in_dim3A_95 {add = true} : memref<625x16xf32, #tpu.memory_space<vmem>>[vector<16xi32>, vector<16xi32>], vector<16xf32>,
      %scan3A_562 = arith.constant 2 : i32
      %scan3A_563 = arith.addi %scan3A_531, %scan3A_562 : i32
      %mul3A_564 = arith.constant 1 : i32
      %mul3A_565 = arith.muli %scan3A_563, %mul3A_564 : i32
      %add3A_566 = arith.constant 0 : i32
      %add3A_567 = arith.addi %add3A_566, %mul3A_565 : i32
      %mul3A_568 = arith.constant 16 : i32
      %mul3A_569 = arith.muli %add3A_567, %mul3A_568 : i32
      %get3A_570 = arith.index_cast %mul3A_569 : i32 to index
      %get3A_571 = tpu.vector_load %arg8[%get3A_570] {strides = array<i32>} : memref<2000xi32, #tpu.memory_space<vmem>>, vector<16xi32>,
      %shift_right_arithmetic3A_572 = arith.constant 4 : i32
      %shift_right_arithmetic3A_573 = vector.broadcast %shift_right_arithmetic3A_572 : i32 to vector<16xi32>
      %shift_right_arithmetic3A_574 = arith.shrsi %get3A_571, %shift_right_arithmetic3A_573 : vector<16xi32>
      %and3A_575 = arith.constant 15 : i32
      %and3A_576 = vector.broadcast %and3A_575 : i32 to vector<16xi32>
      %and3A_577 = arith.andi %get3A_571, %and3A_576 : vector<16xi32>
      tpu.vector_store_idx %arg12[%shift_right_arithmetic3A_574, %and3A_577], %broadcast_in_dim3A_95 {add = true} : memref<625x16xf32, #tpu.memory_space<vmem>>[vector<16xi32>, vector<16xi32>], vector<16xf32>,
      %scan3A_578 = arith.constant 3 : i32
      %scan3A_579 = arith.addi %scan3A_531, %scan3A_578 : i32
      %mul3A_580 = arith.constant 1 : i32
      %mul3A_581 = arith.muli %scan3A_579, %mul3A_580 : i32
      %add3A_582 = arith.constant 0 : i32
      %add3A_583 = arith.addi %add3A_582, %mul3A_581 : i32
      %mul3A_584 = arith.constant 16 : i32
      %mul3A_585 = arith.muli %add3A_583, %mul3A_584 : i32
      %get3A_586 = arith.index_cast %mul3A_585 : i32 to index
      %get3A_587 = tpu.vector_load %arg8[%get3A_586] {strides = array<i32>} : memref<2000xi32, #tpu.memory_space<vmem>>, vector<16xi32>,
      %shift_right_arithmetic3A_588 = arith.constant 4 : i32
      %shift_right_arithmetic3A_589 = vector.broadcast %shift_right_arithmetic3A_588 : i32 to vector<16xi32>
      %shift_right_arithmetic3A_590 = arith.shrsi %get3A_587, %shift_right_arithmetic3A_589 : vector<16xi32>
      %and3A_591 = arith.constant 15 : i32
      %and3A_592 = vector.broadcast %and3A_591 : i32 to vector<16xi32>
      %and3A_593 = arith.andi %get3A_587, %and3A_592 : vector<16xi32>
      tpu.vector_store_idx %arg12[%shift_right_arithmetic3A_590, %and3A_593], %broadcast_in_dim3A_95 {add = true} : memref<625x16xf32, #tpu.memory_space<vmem>>[vector<16xi32>, vector<16xi32>], vector<16xf32>,
      %scan3A_594 = arith.constant 4 : i32
      %scan3A_595 = arith.addi %scan3A_531, %scan3A_594 : i32
      %mul3A_596 = arith.constant 1 : i32
      %mul3A_597 = arith.muli %scan3A_595, %mul3A_596 : i32
      %add3A_598 = arith.constant 0 : i32
      %add3A_599 = arith.addi %add3A_598, %mul3A_597 : i32
      %mul3A_600 = arith.constant 16 : i32
      %mul3A_601 = arith.muli %add3A_599, %mul3A_600 : i32
      %get3A_602 = arith.index_cast %mul3A_601 : i32 to index
      %get3A_603 = tpu.vector_load %arg8[%get3A_602] {strides = array<i32>} : memref<2000xi32, #tpu.memory_space<vmem>>, vector<16xi32>,
      %shift_right_arithmetic3A_604 = arith.constant 4 : i32
      %shift_right_arithmetic3A_605 = vector.broadcast %shift_right_arithmetic3A_604 : i32 to vector<16xi32>
      %shift_right_arithmetic3A_606 = arith.shrsi %get3A_603, %shift_right_arithmetic3A_605 : vector<16xi32>
      %and3A_607 = arith.constant 15 : i32
      %and3A_608 = vector.broadcast %and3A_607 : i32 to vector<16xi32>
      %and3A_609 = arith.andi %get3A_603, %and3A_608 : vector<16xi32>
      tpu.vector_store_idx %arg12[%shift_right_arithmetic3A_606, %and3A_609], %broadcast_in_dim3A_95 {add = true} : memref<625x16xf32, #tpu.memory_space<vmem>>[vector<16xi32>, vector<16xi32>], vector<16xf32>,
      %scan3A_610 = arith.constant 5 : i32
      %scan3A_611 = arith.addi %scan3A_531, %scan3A_610 : i32
      %mul3A_612 = arith.constant 1 : i32
      %mul3A_613 = arith.muli %scan3A_611, %mul3A_612 : i32
      %add3A_614 = arith.constant 0 : i32
      %add3A_615 = arith.addi %add3A_614, %mul3A_613 : i32
      %mul3A_616 = arith.constant 16 : i32
      %mul3A_617 = arith.muli %add3A_615, %mul3A_616 : i32
      %get3A_618 = arith.index_cast %mul3A_617 : i32 to index
      %get3A_619 = tpu.vector_load %arg8[%get3A_618] {strides = array<i32>} : memref<2000xi32, #tpu.memory_space<vmem>>, vector<16xi32>,
      %shift_right_arithmetic3A_620 = arith.constant 4 : i32
      %shift_right_arithmetic3A_621 = vector.broadcast %shift_right_arithmetic3A_620 : i32 to vector<16xi32>
      %shift_right_arithmetic3A_622 = arith.shrsi %get3A_619, %shift_right_arithmetic3A_621 : vector<16xi32>
      %and3A_623 = arith.constant 15 : i32
      %and3A_624 = vector.broadcast %and3A_623 : i32 to vector<16xi32>
      %and3A_625 = arith.andi %get3A_619, %and3A_624 : vector<16xi32>
      tpu.vector_store_idx %arg12[%shift_right_arithmetic3A_622, %and3A_625], %broadcast_in_dim3A_95 {add = true} : memref<625x16xf32, #tpu.memory_space<vmem>>[vector<16xi32>, vector<16xi32>], vector<16xf32>,
      %scan3A_626 = arith.constant 6 : i32
      %scan3A_627 = arith.addi %scan3A_531, %scan3A_626 : i32
      %mul3A_628 = arith.constant 1 : i32
      %mul3A_629 = arith.muli %scan3A_627, %mul3A_628 : i32
      %add3A_630 = arith.constant 0 : i32
      %add3A_631 = arith.addi %add3A_630, %mul3A_629 : i32
      %mul3A_632 = arith.constant 16 : i32
      %mul3A_633 = arith.muli %add3A_631, %mul3A_632 : i32
      %get3A_634 = arith.index_cast %mul3A_633 : i32 to index
      %get3A_635 = tpu.vector_load %arg8[%get3A_634] {strides = array<i32>} : memref<2000xi32, #tpu.memory_space<vmem>>, vector<16xi32>,
      %shift_right_arithmetic3A_636 = arith.constant 4 : i32
      %shift_right_arithmetic3A_637 = vector.broadcast %shift_right_arithmetic3A_636 : i32 to vector<16xi32>
      %shift_right_arithmetic3A_638 = arith.shrsi %get3A_635, %shift_right_arithmetic3A_637 : vector<16xi32>
      %and3A_639 = arith.constant 15 : i32
      %and3A_640 = vector.broadcast %and3A_639 : i32 to vector<16xi32>
      %and3A_641 = arith.andi %get3A_635, %and3A_640 : vector<16xi32>
      tpu.vector_store_idx %arg12[%shift_right_arithmetic3A_638, %and3A_641], %broadcast_in_dim3A_95 {add = true} : memref<625x16xf32, #tpu.memory_space<vmem>>[vector<16xi32>, vector<16xi32>], vector<16xf32>,
      %scan3A_642 = arith.constant 7 : i32
      %scan3A_643 = arith.addi %scan3A_531, %scan3A_642 : i32
      %mul3A_644 = arith.constant 1 : i32
      %mul3A_645 = arith.muli %scan3A_643, %mul3A_644 : i32
      %add3A_646 = arith.constant 0 : i32
      %add3A_647 = arith.addi %add3A_646, %mul3A_645 : i32
      %mul3A_648 = arith.constant 16 : i32
      %mul3A_649 = arith.muli %add3A_647, %mul3A_648 : i32
      %get3A_650 = arith.index_cast %mul3A_649 : i32 to index
      %get3A_651 = tpu.vector_load %arg8[%get3A_650] {strides = array<i32>} : memref<2000xi32, #tpu.memory_space<vmem>>, vector<16xi32>,
      %shift_right_arithmetic3A_652 = arith.constant 4 : i32
      %shift_right_arithmetic3A_653 = vector.broadcast %shift_right_arithmetic3A_652 : i32 to vector<16xi32>
      %shift_right_arithmetic3A_654 = arith.shrsi %get3A_651, %shift_right_arithmetic3A_653 : vector<16xi32>
      %and3A_655 = arith.constant 15 : i32
      %and3A_656 = vector.broadcast %and3A_655 : i32 to vector<16xi32>
      %and3A_657 = arith.andi %get3A_651, %and3A_656 : vector<16xi32>
      tpu.vector_store_idx %arg12[%shift_right_arithmetic3A_654, %and3A_657], %broadcast_in_dim3A_95 {add = true} : memref<625x16xf32, #tpu.memory_space<vmem>>[vector<16xi32>, vector<16xi32>], vector<16xf32>,
    }
    %scan3A_267 = arith.constant 120 : i32
    %scan3A_268 = arith.addi %scan3A_263, %scan3A_267 : i32
    %mul3A_269 = arith.constant 1 : i32
    %mul3A_270 = arith.muli %scan3A_268, %mul3A_269 : i32
    %add3A_271 = arith.constant 0 : i32
    %add3A_272 = arith.addi %add3A_271, %mul3A_270 : i32
    %mul3A_273 = arith.constant 16 : i32
    %mul3A_274 = arith.muli %add3A_272, %mul3A_273 : i32
    %get3A_275 = arith.index_cast %mul3A_274 : i32 to index
    %get3A_276 = tpu.vector_load %arg8[%get3A_275] {strides = array<i32>} : memref<2000xi32, #tpu.memory_space<vmem>>, vector<16xi32>,
    %shift_right_arithmetic3A_277 = arith.constant 4 : i32
    %shift_right_arithmetic3A_278 = vector.broadcast %shift_right_arithmetic3A_277 : i32 to vector<16xi32>
    %shift_right_arithmetic3A_279 = arith.shrsi %get3A_276, %shift_right_arithmetic3A_278 : vector<16xi32>
    %and3A_280 = arith.constant 15 : i32
    %and3A_281 = vector.broadcast %and3A_280 : i32 to vector<16xi32>
    %and3A_282 = arith.andi %get3A_276, %and3A_281 : vector<16xi32>
    tpu.vector_store_idx %arg12[%shift_right_arithmetic3A_279, %and3A_282], %broadcast_in_dim3A_95 {add = true} : memref<625x16xf32, #tpu.memory_space<vmem>>[vector<16xi32>, vector<16xi32>], vector<16xf32>,
    %scan3A_283 = arith.constant 121 : i32
    %scan3A_284 = arith.addi %scan3A_263, %scan3A_283 : i32
    %mul3A_285 = arith.constant 1 : i32
    %mul3A_286 = arith.muli %scan3A_284, %mul3A_285 : i32
    %add3A_287 = arith.constant 0 : i32
    %add3A_288 = arith.addi %add3A_287, %mul3A_286 : i32
    %mul3A_289 = arith.constant 16 : i32
    %mul3A_290 = arith.muli %add3A_288, %mul3A_289 : i32
    %get3A_291 = arith.index_cast %mul3A_290 : i32 to index
    %get3A_292 = tpu.vector_load %arg8[%get3A_291] {strides = array<i32>} : memref<2000xi32, #tpu.memory_space<vmem>>, vector<16xi32>,
    %shift_right_arithmetic3A_293 = arith.constant 4 : i32
    %shift_right_arithmetic3A_294 = vector.broadcast %shift_right_arithmetic3A_293 : i32 to vector<16xi32>
    %shift_right_arithmetic3A_295 = arith.shrsi %get3A_292, %shift_right_arithmetic3A_294 : vector<16xi32>
    %and3A_296 = arith.constant 15 : i32
    %and3A_297 = vector.broadcast %and3A_296 : i32 to vector<16xi32>
    %and3A_298 = arith.andi %get3A_292, %and3A_297 : vector<16xi32>
    tpu.vector_store_idx %arg12[%shift_right_arithmetic3A_295, %and3A_298], %broadcast_in_dim3A_95 {add = true} : memref<625x16xf32, #tpu.memory_space<vmem>>[vector<16xi32>, vector<16xi32>], vector<16xf32>,
    %scan3A_299 = arith.constant 122 : i32
    %scan3A_300 = arith.addi %scan3A_263, %scan3A_299 : i32
    %mul3A_301 = arith.constant 1 : i32
    %mul3A_302 = arith.muli %scan3A_300, %mul3A_301 : i32
    %add3A_303 = arith.constant 0 : i32
    %add3A_304 = arith.addi %add3A_303, %mul3A_302 : i32
    %mul3A_305 = arith.constant 16 : i32
    %mul3A_306 = arith.muli %add3A_304, %mul3A_305 : i32
    %get3A_307 = arith.index_cast %mul3A_306 : i32 to index
    %get3A_308 = tpu.vector_load %arg8[%get3A_307] {strides = array<i32>} : memref<2000xi32, #tpu.memory_space<vmem>>, vector<16xi32>,
    %shift_right_arithmetic3A_309 = arith.constant 4 : i32
    %shift_right_arithmetic3A_310 = vector.broadcast %shift_right_arithmetic3A_309 : i32 to vector<16xi32>
    %shift_right_arithmetic3A_311 = arith.shrsi %get3A_308, %shift_right_arithmetic3A_310 : vector<16xi32>
    %and3A_312 = arith.constant 15 : i32
    %and3A_313 = vector.broadcast %and3A_312 : i32 to vector<16xi32>
    %and3A_314 = arith.andi %get3A_308, %and3A_313 : vector<16xi32>
    tpu.vector_store_idx %arg12[%shift_right_arithmetic3A_311, %and3A_314], %broadcast_in_dim3A_95 {add = true} : memref<625x16xf32, #tpu.memory_space<vmem>>[vector<16xi32>, vector<16xi32>], vector<16xf32>,
    %scan3A_315 = arith.constant 123 : i32
    %scan3A_316 = arith.addi %scan3A_263, %scan3A_315 : i32
    %mul3A_317 = arith.constant 1 : i32
    %mul3A_318 = arith.muli %scan3A_316, %mul3A_317 : i32
    %add3A_319 = arith.constant 0 : i32
    %add3A_320 = arith.addi %add3A_319, %mul3A_318 : i32
    %mul3A_321 = arith.constant 16 : i32
    %mul3A_322 = arith.muli %add3A_320, %mul3A_321 : i32
    %get3A_323 = arith.index_cast %mul3A_322 : i32 to index
    %get3A_324 = tpu.vector_load %arg8[%get3A_323] {strides = array<i32>} : memref<2000xi32, #tpu.memory_space<vmem>>, vector<16xi32>,
    %shift_right_arithmetic3A_325 = arith.constant 4 : i32
    %shift_right_arithmetic3A_326 = vector.broadcast %shift_right_arithmetic3A_325 : i32 to vector<16xi32>
    %shift_right_arithmetic3A_327 = arith.shrsi %get3A_324, %shift_right_arithmetic3A_326 : vector<16xi32>
    %and3A_328 = arith.constant 15 : i32
    %and3A_329 = vector.broadcast %and3A_328 : i32 to vector<16xi32>
    %and3A_330 = arith.andi %get3A_324, %and3A_329 : vector<16xi32>
    tpu.vector_store_idx %arg12[%shift_right_arithmetic3A_327, %and3A_330], %broadcast_in_dim3A_95 {add = true} : memref<625x16xf32, #tpu.memory_space<vmem>>[vector<16xi32>, vector<16xi32>], vector<16xf32>,
    %scan3A_331 = arith.constant 124 : i32
    %scan3A_332 = arith.addi %scan3A_263, %scan3A_331 : i32
    %mul3A_333 = arith.constant 1 : i32
    %mul3A_334 = arith.muli %scan3A_332, %mul3A_333 : i32
    %add3A_335 = arith.constant 0 : i32
    %add3A_336 = arith.addi %add3A_335, %mul3A_334 : i32
    %mul3A_337 = arith.constant 16 : i32
    %mul3A_338 = arith.muli %add3A_336, %mul3A_337 : i32
    %get3A_339 = arith.index_cast %mul3A_338 : i32 to index
    %get3A_340 = tpu.vector_load %arg8[%get3A_339] {strides = array<i32>} : memref<2000xi32, #tpu.memory_space<vmem>>, vector<16xi32>,
    %shift_right_arithmetic3A_341 = arith.constant 4 : i32
    %shift_right_arithmetic3A_342 = vector.broadcast %shift_right_arithmetic3A_341 : i32 to vector<16xi32>
    %shift_right_arithmetic3A_343 = arith.shrsi %get3A_340, %shift_right_arithmetic3A_342 : vector<16xi32>
    %and3A_344 = arith.constant 15 : i32
    %and3A_345 = vector.broadcast %and3A_344 : i32 to vector<16xi32>
    %and3A_346 = arith.andi %get3A_340, %and3A_345 : vector<16xi32>
    tpu.vector_store_idx %arg12[%shift_right_arithmetic3A_343, %and3A_346], %broadcast_in_dim3A_95 {add = true} : memref<625x16xf32, #tpu.memory_space<vmem>>[vector<16xi32>, vector<16xi32>], vector<16xf32>,
    %scan3A_347 = arith.constant 125 : i32
    %scan3A_348 = arith.constant 0 : i32
    %scan3A_349 = arith.constant 120 : i32
    %scan3A_350 = arith.addi %scan3A_348, %scan3A_349 : i32
    %scan3A_351 = arith.constant 8 : i32
    scf.for %scan3A_531 = %scan3A_348 to %scan3A_350 step %scan3A_351  : i32 {
      %mul3A_532 = arith.constant 1 : i32
      %mul3A_533 = arith.muli %scan3A_531, %mul3A_532 : i32
      %add3A_534 = arith.constant 0 : i32
      %add3A_535 = arith.addi %add3A_534, %mul3A_533 : i32
      %mul3A_536 = arith.constant 16 : i32
      %mul3A_537 = arith.muli %add3A_535, %mul3A_536 : i32
      %get3A_538 = arith.index_cast %mul3A_537 : i32 to index
      %get3A_539 = tpu.vector_load %arg9[%get3A_538] {strides = array<i32>} : memref<2000xi32, #tpu.memory_space<vmem>>, vector<16xi32>,
      %shift_right_arithmetic3A_540 = arith.constant 4 : i32
      %shift_right_arithmetic3A_541 = vector.broadcast %shift_right_arithmetic3A_540 : i32 to vector<16xi32>
      %shift_right_arithmetic3A_542 = arith.shrsi %get3A_539, %shift_right_arithmetic3A_541 : vector<16xi32>
      %and3A_543 = arith.constant 15 : i32
      %and3A_544 = vector.broadcast %and3A_543 : i32 to vector<16xi32>
      %and3A_545 = arith.andi %get3A_539, %and3A_544 : vector<16xi32>
      tpu.vector_store_idx %arg12[%shift_right_arithmetic3A_542, %and3A_545], %broadcast_in_dim3A_95 {add = true} : memref<625x16xf32, #tpu.memory_space<vmem>>[vector<16xi32>, vector<16xi32>], vector<16xf32>,
      %scan3A_546 = arith.constant 1 : i32
      %scan3A_547 = arith.addi %scan3A_531, %scan3A_546 : i32
      %mul3A_548 = arith.constant 1 : i32
      %mul3A_549 = arith.muli %scan3A_547, %mul3A_548 : i32
      %add3A_550 = arith.constant 0 : i32
      %add3A_551 = arith.addi %add3A_550, %mul3A_549 : i32
      %mul3A_552 = arith.constant 16 : i32
      %mul3A_553 = arith.muli %add3A_551, %mul3A_552 : i32
      %get3A_554 = arith.index_cast %mul3A_553 : i32 to index
      %get3A_555 = tpu.vector_load %arg9[%get3A_554] {strides = array<i32>} : memref<2000xi32, #tpu.memory_space<vmem>>, vector<16xi32>,
      %shift_right_arithmetic3A_556 = arith.constant 4 : i32
      %shift_right_arithmetic3A_557 = vector.broadcast %shift_right_arithmetic3A_556 : i32 to vector<16xi32>
      %shift_right_arithmetic3A_558 = arith.shrsi %get3A_555, %shift_right_arithmetic3A_557 : vector<16xi32>
      %and3A_559 = arith.constant 15 : i32
      %and3A_560 = vector.broadcast %and3A_559 : i32 to vector<16xi32>
      %and3A_561 = arith.andi %get3A_555, %and3A_560 : vector<16xi32>
      tpu.vector_store_idx %arg12[%shift_right_arithmetic3A_558, %and3A_561], %broadcast_in_dim3A_95 {add = true} : memref<625x16xf32, #tpu.memory_space<vmem>>[vector<16xi32>, vector<16xi32>], vector<16xf32>,
      %scan3A_562 = arith.constant 2 : i32
      %scan3A_563 = arith.addi %scan3A_531, %scan3A_562 : i32
      %mul3A_564 = arith.constant 1 : i32
      %mul3A_565 = arith.muli %scan3A_563, %mul3A_564 : i32
      %add3A_566 = arith.constant 0 : i32
      %add3A_567 = arith.addi %add3A_566, %mul3A_565 : i32
      %mul3A_568 = arith.constant 16 : i32
      %mul3A_569 = arith.muli %add3A_567, %mul3A_568 : i32
      %get3A_570 = arith.index_cast %mul3A_569 : i32 to index
      %get3A_571 = tpu.vector_load %arg9[%get3A_570] {strides = array<i32>} : memref<2000xi32, #tpu.memory_space<vmem>>, vector<16xi32>,
      %shift_right_arithmetic3A_572 = arith.constant 4 : i32
      %shift_right_arithmetic3A_573 = vector.broadcast %shift_right_arithmetic3A_572 : i32 to vector<16xi32>
      %shift_right_arithmetic3A_574 = arith.shrsi %get3A_571, %shift_right_arithmetic3A_573 : vector<16xi32>
      %and3A_575 = arith.constant 15 : i32
      %and3A_576 = vector.broadcast %and3A_575 : i32 to vector<16xi32>
      %and3A_577 = arith.andi %get3A_571, %and3A_576 : vector<16xi32>
      tpu.vector_store_idx %arg12[%shift_right_arithmetic3A_574, %and3A_577], %broadcast_in_dim3A_95 {add = true} : memref<625x16xf32, #tpu.memory_space<vmem>>[vector<16xi32>, vector<16xi32>], vector<16xf32>,
      %scan3A_578 = arith.constant 3 : i32
      %scan3A_579 = arith.addi %scan3A_531, %scan3A_578 : i32
      %mul3A_580 = arith.constant 1 : i32
      %mul3A_581 = arith.muli %scan3A_579, %mul3A_580 : i32
      %add3A_582 = arith.constant 0 : i32
      %add3A_583 = arith.addi %add3A_582, %mul3A_581 : i32
      %mul3A_584 = arith.constant 16 : i32
      %mul3A_585 = arith.muli %add3A_583, %mul3A_584 : i32
      %get3A_586 = arith.index_cast %mul3A_585 : i32 to index
      %get3A_587 = tpu.vector_load %arg9[%get3A_586] {strides = array<i32>} : memref<2000xi32, #tpu.memory_space<vmem>>, vector<16xi32>,
      %shift_right_arithmetic3A_588 = arith.constant 4 : i32
      %shift_right_arithmetic3A_589 = vector.broadcast %shift_right_arithmetic3A_588 : i32 to vector<16xi32>
      %shift_right_arithmetic3A_590 = arith.shrsi %get3A_587, %shift_right_arithmetic3A_589 : vector<16xi32>
      %and3A_591 = arith.constant 15 : i32
      %and3A_592 = vector.broadcast %and3A_591 : i32 to vector<16xi32>
      %and3A_593 = arith.andi %get3A_587, %and3A_592 : vector<16xi32>
      tpu.vector_store_idx %arg12[%shift_right_arithmetic3A_590, %and3A_593], %broadcast_in_dim3A_95 {add = true} : memref<625x16xf32, #tpu.memory_space<vmem>>[vector<16xi32>, vector<16xi32>], vector<16xf32>,
      %scan3A_594 = arith.constant 4 : i32
      %scan3A_595 = arith.addi %scan3A_531, %scan3A_594 : i32
      %mul3A_596 = arith.constant 1 : i32
      %mul3A_597 = arith.muli %scan3A_595, %mul3A_596 : i32
      %add3A_598 = arith.constant 0 : i32
      %add3A_599 = arith.addi %add3A_598, %mul3A_597 : i32
      %mul3A_600 = arith.constant 16 : i32
      %mul3A_601 = arith.muli %add3A_599, %mul3A_600 : i32
      %get3A_602 = arith.index_cast %mul3A_601 : i32 to index
      %get3A_603 = tpu.vector_load %arg9[%get3A_602] {strides = array<i32>} : memref<2000xi32, #tpu.memory_space<vmem>>, vector<16xi32>,
      %shift_right_arithmetic3A_604 = arith.constant 4 : i32
      %shift_right_arithmetic3A_605 = vector.broadcast %shift_right_arithmetic3A_604 : i32 to vector<16xi32>
      %shift_right_arithmetic3A_606 = arith.shrsi %get3A_603, %shift_right_arithmetic3A_605 : vector<16xi32>
      %and3A_607 = arith.constant 15 : i32
      %and3A_608 = vector.broadcast %and3A_607 : i32 to vector<16xi32>
      %and3A_609 = arith.andi %get3A_603, %and3A_608 : vector<16xi32>
      tpu.vector_store_idx %arg12[%shift_right_arithmetic3A_606, %and3A_609], %broadcast_in_dim3A_95 {add = true} : memref<625x16xf32, #tpu.memory_space<vmem>>[vector<16xi32>, vector<16xi32>], vector<16xf32>,
      %scan3A_610 = arith.constant 5 : i32
      %scan3A_611 = arith.addi %scan3A_531, %scan3A_610 : i32
      %mul3A_612 = arith.constant 1 : i32
      %mul3A_613 = arith.muli %scan3A_611, %mul3A_612 : i32
      %add3A_614 = arith.constant 0 : i32
      %add3A_615 = arith.addi %add3A_614, %mul3A_613 : i32
      %mul3A_616 = arith.constant 16 : i32
      %mul3A_617 = arith.muli %add3A_615, %mul3A_616 : i32
      %get3A_618 = arith.index_cast %mul3A_617 : i32 to index
      %get3A_619 = tpu.vector_load %arg9[%get3A_618] {strides = array<i32>} : memref<2000xi32, #tpu.memory_space<vmem>>, vector<16xi32>,
      %shift_right_arithmetic3A_620 = arith.constant 4 : i32
      %shift_right_arithmetic3A_621 = vector.broadcast %shift_right_arithmetic3A_620 : i32 to vector<16xi32>
      %shift_right_arithmetic3A_622 = arith.shrsi %get3A_619, %shift_right_arithmetic3A_621 : vector<16xi32>
      %and3A_623 = arith.constant 15 : i32
      %and3A_624 = vector.broadcast %and3A_623 : i32 to vector<16xi32>
      %and3A_625 = arith.andi %get3A_619, %and3A_624 : vector<16xi32>
      tpu.vector_store_idx %arg12[%shift_right_arithmetic3A_622, %and3A_625], %broadcast_in_dim3A_95 {add = true} : memref<625x16xf32, #tpu.memory_space<vmem>>[vector<16xi32>, vector<16xi32>], vector<16xf32>,
      %scan3A_626 = arith.constant 6 : i32
      %scan3A_627 = arith.addi %scan3A_531, %scan3A_626 : i32
      %mul3A_628 = arith.constant 1 : i32
      %mul3A_629 = arith.muli %scan3A_627, %mul3A_628 : i32
      %add3A_630 = arith.constant 0 : i32
      %add3A_631 = arith.addi %add3A_630, %mul3A_629 : i32
      %mul3A_632 = arith.constant 16 : i32
      %mul3A_633 = arith.muli %add3A_631, %mul3A_632 : i32
      %get3A_634 = arith.index_cast %mul3A_633 : i32 to index
      %get3A_635 = tpu.vector_load %arg9[%get3A_634] {strides = array<i32>} : memref<2000xi32, #tpu.memory_space<vmem>>, vector<16xi32>,
      %shift_right_arithmetic3A_636 = arith.constant 4 : i32
      %shift_right_arithmetic3A_637 = vector.broadcast %shift_right_arithmetic3A_636 : i32 to vector<16xi32>
      %shift_right_arithmetic3A_638 = arith.shrsi %get3A_635, %shift_right_arithmetic3A_637 : vector<16xi32>
      %and3A_639 = arith.constant 15 : i32
      %and3A_640 = vector.broadcast %and3A_639 : i32 to vector<16xi32>
      %and3A_641 = arith.andi %get3A_635, %and3A_640 : vector<16xi32>
      tpu.vector_store_idx %arg12[%shift_right_arithmetic3A_638, %and3A_641], %broadcast_in_dim3A_95 {add = true} : memref<625x16xf32, #tpu.memory_space<vmem>>[vector<16xi32>, vector<16xi32>], vector<16xf32>,
      %scan3A_642 = arith.constant 7 : i32
      %scan3A_643 = arith.addi %scan3A_531, %scan3A_642 : i32
      %mul3A_644 = arith.constant 1 : i32
      %mul3A_645 = arith.muli %scan3A_643, %mul3A_644 : i32
      %add3A_646 = arith.constant 0 : i32
      %add3A_647 = arith.addi %add3A_646, %mul3A_645 : i32
      %mul3A_648 = arith.constant 16 : i32
      %mul3A_649 = arith.muli %add3A_647, %mul3A_648 : i32
      %get3A_650 = arith.index_cast %mul3A_649 : i32 to index
      %get3A_651 = tpu.vector_load %arg9[%get3A_650] {strides = array<i32>} : memref<2000xi32, #tpu.memory_space<vmem>>, vector<16xi32>,
      %shift_right_arithmetic3A_652 = arith.constant 4 : i32
      %shift_right_arithmetic3A_653 = vector.broadcast %shift_right_arithmetic3A_652 : i32 to vector<16xi32>
      %shift_right_arithmetic3A_654 = arith.shrsi %get3A_651, %shift_right_arithmetic3A_653 : vector<16xi32>
      %and3A_655 = arith.constant 15 : i32
      %and3A_656 = vector.broadcast %and3A_655 : i32 to vector<16xi32>
      %and3A_657 = arith.andi %get3A_651, %and3A_656 : vector<16xi32>
      tpu.vector_store_idx %arg12[%shift_right_arithmetic3A_654, %and3A_657], %broadcast_in_dim3A_95 {add = true} : memref<625x16xf32, #tpu.memory_space<vmem>>[vector<16xi32>, vector<16xi32>], vector<16xf32>,
    }
    %scan3A_352 = arith.constant 120 : i32
    %scan3A_353 = arith.addi %scan3A_348, %scan3A_352 : i32
    %mul3A_354 = arith.constant 1 : i32
    %mul3A_355 = arith.muli %scan3A_353, %mul3A_354 : i32
    %add3A_356 = arith.constant 0 : i32
    %add3A_357 = arith.addi %add3A_356, %mul3A_355 : i32
    %mul3A_358 = arith.constant 16 : i32
    %mul3A_359 = arith.muli %add3A_357, %mul3A_358 : i32
    %get3A_360 = arith.index_cast %mul3A_359 : i32 to index
    %get3A_361 = tpu.vector_load %arg9[%get3A_360] {strides = array<i32>} : memref<2000xi32, #tpu.memory_space<vmem>>, vector<16xi32>,
    %shift_right_arithmetic3A_362 = arith.constant 4 : i32
    %shift_right_arithmetic3A_363 = vector.broadcast %shift_right_arithmetic3A_362 : i32 to vector<16xi32>
    %shift_right_arithmetic3A_364 = arith.shrsi %get3A_361, %shift_right_arithmetic3A_363 : vector<16xi32>
    %and3A_365 = arith.constant 15 : i32
    %and3A_366 = vector.broadcast %and3A_365 : i32 to vector<16xi32>
    %and3A_367 = arith.andi %get3A_361, %and3A_366 : vector<16xi32>
    tpu.vector_store_idx %arg12[%shift_right_arithmetic3A_364, %and3A_367], %broadcast_in_dim3A_95 {add = true} : memref<625x16xf32, #tpu.memory_space<vmem>>[vector<16xi32>, vector<16xi32>], vector<16xf32>,
    %scan3A_368 = arith.constant 121 : i32
    %scan3A_369 = arith.addi %scan3A_348, %scan3A_368 : i32
    %mul3A_370 = arith.constant 1 : i32
    %mul3A_371 = arith.muli %scan3A_369, %mul3A_370 : i32
    %add3A_372 = arith.constant 0 : i32
    %add3A_373 = arith.addi %add3A_372, %mul3A_371 : i32
    %mul3A_374 = arith.constant 16 : i32
    %mul3A_375 = arith.muli %add3A_373, %mul3A_374 : i32
    %get3A_376 = arith.index_cast %mul3A_375 : i32 to index
    %get3A_377 = tpu.vector_load %arg9[%get3A_376] {strides = array<i32>} : memref<2000xi32, #tpu.memory_space<vmem>>, vector<16xi32>,
    %shift_right_arithmetic3A_378 = arith.constant 4 : i32
    %shift_right_arithmetic3A_379 = vector.broadcast %shift_right_arithmetic3A_378 : i32 to vector<16xi32>
    %shift_right_arithmetic3A_380 = arith.shrsi %get3A_377, %shift_right_arithmetic3A_379 : vector<16xi32>
    %and3A_381 = arith.constant 15 : i32
    %and3A_382 = vector.broadcast %and3A_381 : i32 to vector<16xi32>
    %and3A_383 = arith.andi %get3A_377, %and3A_382 : vector<16xi32>
    tpu.vector_store_idx %arg12[%shift_right_arithmetic3A_380, %and3A_383], %broadcast_in_dim3A_95 {add = true} : memref<625x16xf32, #tpu.memory_space<vmem>>[vector<16xi32>, vector<16xi32>], vector<16xf32>,
    %scan3A_384 = arith.constant 122 : i32
    %scan3A_385 = arith.addi %scan3A_348, %scan3A_384 : i32
    %mul3A_386 = arith.constant 1 : i32
    %mul3A_387 = arith.muli %scan3A_385, %mul3A_386 : i32
    %add3A_388 = arith.constant 0 : i32
    %add3A_389 = arith.addi %add3A_388, %mul3A_387 : i32
    %mul3A_390 = arith.constant 16 : i32
    %mul3A_391 = arith.muli %add3A_389, %mul3A_390 : i32
    %get3A_392 = arith.index_cast %mul3A_391 : i32 to index
    %get3A_393 = tpu.vector_load %arg9[%get3A_392] {strides = array<i32>} : memref<2000xi32, #tpu.memory_space<vmem>>, vector<16xi32>,
    %shift_right_arithmetic3A_394 = arith.constant 4 : i32
    %shift_right_arithmetic3A_395 = vector.broadcast %shift_right_arithmetic3A_394 : i32 to vector<16xi32>
    %shift_right_arithmetic3A_396 = arith.shrsi %get3A_393, %shift_right_arithmetic3A_395 : vector<16xi32>
    %and3A_397 = arith.constant 15 : i32
    %and3A_398 = vector.broadcast %and3A_397 : i32 to vector<16xi32>
    %and3A_399 = arith.andi %get3A_393, %and3A_398 : vector<16xi32>
    tpu.vector_store_idx %arg12[%shift_right_arithmetic3A_396, %and3A_399], %broadcast_in_dim3A_95 {add = true} : memref<625x16xf32, #tpu.memory_space<vmem>>[vector<16xi32>, vector<16xi32>], vector<16xf32>,
    %scan3A_400 = arith.constant 123 : i32
    %scan3A_401 = arith.addi %scan3A_348, %scan3A_400 : i32
    %mul3A_402 = arith.constant 1 : i32
    %mul3A_403 = arith.muli %scan3A_401, %mul3A_402 : i32
    %add3A_404 = arith.constant 0 : i32
    %add3A_405 = arith.addi %add3A_404, %mul3A_403 : i32
    %mul3A_406 = arith.constant 16 : i32
    %mul3A_407 = arith.muli %add3A_405, %mul3A_406 : i32
    %get3A_408 = arith.index_cast %mul3A_407 : i32 to index
    %get3A_409 = tpu.vector_load %arg9[%get3A_408] {strides = array<i32>} : memref<2000xi32, #tpu.memory_space<vmem>>, vector<16xi32>,
    %shift_right_arithmetic3A_410 = arith.constant 4 : i32
    %shift_right_arithmetic3A_411 = vector.broadcast %shift_right_arithmetic3A_410 : i32 to vector<16xi32>
    %shift_right_arithmetic3A_412 = arith.shrsi %get3A_409, %shift_right_arithmetic3A_411 : vector<16xi32>
    %and3A_413 = arith.constant 15 : i32
    %and3A_414 = vector.broadcast %and3A_413 : i32 to vector<16xi32>
    %and3A_415 = arith.andi %get3A_409, %and3A_414 : vector<16xi32>
    tpu.vector_store_idx %arg12[%shift_right_arithmetic3A_412, %and3A_415], %broadcast_in_dim3A_95 {add = true} : memref<625x16xf32, #tpu.memory_space<vmem>>[vector<16xi32>, vector<16xi32>], vector<16xf32>,
    %scan3A_416 = arith.constant 124 : i32
    %scan3A_417 = arith.addi %scan3A_348, %scan3A_416 : i32
    %mul3A_418 = arith.constant 1 : i32
    %mul3A_419 = arith.muli %scan3A_417, %mul3A_418 : i32
    %add3A_420 = arith.constant 0 : i32
    %add3A_421 = arith.addi %add3A_420, %mul3A_419 : i32
    %mul3A_422 = arith.constant 16 : i32
    %mul3A_423 = arith.muli %add3A_421, %mul3A_422 : i32
    %get3A_424 = arith.index_cast %mul3A_423 : i32 to index
    %get3A_425 = tpu.vector_load %arg9[%get3A_424] {strides = array<i32>} : memref<2000xi32, #tpu.memory_space<vmem>>, vector<16xi32>,
    %shift_right_arithmetic3A_426 = arith.constant 4 : i32
    %shift_right_arithmetic3A_427 = vector.broadcast %shift_right_arithmetic3A_426 : i32 to vector<16xi32>
    %shift_right_arithmetic3A_428 = arith.shrsi %get3A_425, %shift_right_arithmetic3A_427 : vector<16xi32>
    %and3A_429 = arith.constant 15 : i32
    %and3A_430 = vector.broadcast %and3A_429 : i32 to vector<16xi32>
    %and3A_431 = arith.andi %get3A_425, %and3A_430 : vector<16xi32>
    tpu.vector_store_idx %arg12[%shift_right_arithmetic3A_428, %and3A_431], %broadcast_in_dim3A_95 {add = true} : memref<625x16xf32, #tpu.memory_space<vmem>>[vector<16xi32>, vector<16xi32>], vector<16xf32>,
    %scan3A_432 = arith.constant 125 : i32
    %scan3A_433 = arith.constant 0 : i32
    %scan3A_434 = arith.constant 120 : i32
    %scan3A_435 = arith.addi %scan3A_433, %scan3A_434 : i32
    %scan3A_436 = arith.constant 8 : i32
    scf.for %scan3A_531 = %scan3A_433 to %scan3A_435 step %scan3A_436  : i32 {
      %mul3A_532 = arith.constant 1 : i32
      %mul3A_533 = arith.muli %scan3A_531, %mul3A_532 : i32
      %add3A_534 = arith.constant 0 : i32
      %add3A_535 = arith.addi %add3A_534, %mul3A_533 : i32
      %mul3A_536 = arith.constant 16 : i32
      %mul3A_537 = arith.muli %add3A_535, %mul3A_536 : i32
      %get3A_538 = arith.index_cast %mul3A_537 : i32 to index
      %get3A_539 = tpu.vector_load %arg10[%get3A_538] {strides = array<i32>} : memref<2000xi32, #tpu.memory_space<vmem>>, vector<16xi32>,
      %shift_right_arithmetic3A_540 = arith.constant 4 : i32
      %shift_right_arithmetic3A_541 = vector.broadcast %shift_right_arithmetic3A_540 : i32 to vector<16xi32>
      %shift_right_arithmetic3A_542 = arith.shrsi %get3A_539, %shift_right_arithmetic3A_541 : vector<16xi32>
      %and3A_543 = arith.constant 15 : i32
      %and3A_544 = vector.broadcast %and3A_543 : i32 to vector<16xi32>
      %and3A_545 = arith.andi %get3A_539, %and3A_544 : vector<16xi32>
      tpu.vector_store_idx %arg12[%shift_right_arithmetic3A_542, %and3A_545], %broadcast_in_dim3A_95 {add = true} : memref<625x16xf32, #tpu.memory_space<vmem>>[vector<16xi32>, vector<16xi32>], vector<16xf32>,
      %scan3A_546 = arith.constant 1 : i32
      %scan3A_547 = arith.addi %scan3A_531, %scan3A_546 : i32
      %mul3A_548 = arith.constant 1 : i32
      %mul3A_549 = arith.muli %scan3A_547, %mul3A_548 : i32
      %add3A_550 = arith.constant 0 : i32
      %add3A_551 = arith.addi %add3A_550, %mul3A_549 : i32
      %mul3A_552 = arith.constant 16 : i32
      %mul3A_553 = arith.muli %add3A_551, %mul3A_552 : i32
      %get3A_554 = arith.index_cast %mul3A_553 : i32 to index
      %get3A_555 = tpu.vector_load %arg10[%get3A_554] {strides = array<i32>} : memref<2000xi32, #tpu.memory_space<vmem>>, vector<16xi32>,
      %shift_right_arithmetic3A_556 = arith.constant 4 : i32
      %shift_right_arithmetic3A_557 = vector.broadcast %shift_right_arithmetic3A_556 : i32 to vector<16xi32>
      %shift_right_arithmetic3A_558 = arith.shrsi %get3A_555, %shift_right_arithmetic3A_557 : vector<16xi32>
      %and3A_559 = arith.constant 15 : i32
      %and3A_560 = vector.broadcast %and3A_559 : i32 to vector<16xi32>
      %and3A_561 = arith.andi %get3A_555, %and3A_560 : vector<16xi32>
      tpu.vector_store_idx %arg12[%shift_right_arithmetic3A_558, %and3A_561], %broadcast_in_dim3A_95 {add = true} : memref<625x16xf32, #tpu.memory_space<vmem>>[vector<16xi32>, vector<16xi32>], vector<16xf32>,
      %scan3A_562 = arith.constant 2 : i32
      %scan3A_563 = arith.addi %scan3A_531, %scan3A_562 : i32
      %mul3A_564 = arith.constant 1 : i32
      %mul3A_565 = arith.muli %scan3A_563, %mul3A_564 : i32
      %add3A_566 = arith.constant 0 : i32
      %add3A_567 = arith.addi %add3A_566, %mul3A_565 : i32
      %mul3A_568 = arith.constant 16 : i32
      %mul3A_569 = arith.muli %add3A_567, %mul3A_568 : i32
      %get3A_570 = arith.index_cast %mul3A_569 : i32 to index
      %get3A_571 = tpu.vector_load %arg10[%get3A_570] {strides = array<i32>} : memref<2000xi32, #tpu.memory_space<vmem>>, vector<16xi32>,
      %shift_right_arithmetic3A_572 = arith.constant 4 : i32
      %shift_right_arithmetic3A_573 = vector.broadcast %shift_right_arithmetic3A_572 : i32 to vector<16xi32>
      %shift_right_arithmetic3A_574 = arith.shrsi %get3A_571, %shift_right_arithmetic3A_573 : vector<16xi32>
      %and3A_575 = arith.constant 15 : i32
      %and3A_576 = vector.broadcast %and3A_575 : i32 to vector<16xi32>
      %and3A_577 = arith.andi %get3A_571, %and3A_576 : vector<16xi32>
      tpu.vector_store_idx %arg12[%shift_right_arithmetic3A_574, %and3A_577], %broadcast_in_dim3A_95 {add = true} : memref<625x16xf32, #tpu.memory_space<vmem>>[vector<16xi32>, vector<16xi32>], vector<16xf32>,
      %scan3A_578 = arith.constant 3 : i32
      %scan3A_579 = arith.addi %scan3A_531, %scan3A_578 : i32
      %mul3A_580 = arith.constant 1 : i32
      %mul3A_581 = arith.muli %scan3A_579, %mul3A_580 : i32
      %add3A_582 = arith.constant 0 : i32
      %add3A_583 = arith.addi %add3A_582, %mul3A_581 : i32
      %mul3A_584 = arith.constant 16 : i32
      %mul3A_585 = arith.muli %add3A_583, %mul3A_584 : i32
      %get3A_586 = arith.index_cast %mul3A_585 : i32 to index
      %get3A_587 = tpu.vector_load %arg10[%get3A_586] {strides = array<i32>} : memref<2000xi32, #tpu.memory_space<vmem>>, vector<16xi32>,
      %shift_right_arithmetic3A_588 = arith.constant 4 : i32
      %shift_right_arithmetic3A_589 = vector.broadcast %shift_right_arithmetic3A_588 : i32 to vector<16xi32>
      %shift_right_arithmetic3A_590 = arith.shrsi %get3A_587, %shift_right_arithmetic3A_589 : vector<16xi32>
      %and3A_591 = arith.constant 15 : i32
      %and3A_592 = vector.broadcast %and3A_591 : i32 to vector<16xi32>
      %and3A_593 = arith.andi %get3A_587, %and3A_592 : vector<16xi32>
      tpu.vector_store_idx %arg12[%shift_right_arithmetic3A_590, %and3A_593], %broadcast_in_dim3A_95 {add = true} : memref<625x16xf32, #tpu.memory_space<vmem>>[vector<16xi32>, vector<16xi32>], vector<16xf32>,
      %scan3A_594 = arith.constant 4 : i32
      %scan3A_595 = arith.addi %scan3A_531, %scan3A_594 : i32
      %mul3A_596 = arith.constant 1 : i32
      %mul3A_597 = arith.muli %scan3A_595, %mul3A_596 : i32
      %add3A_598 = arith.constant 0 : i32
      %add3A_599 = arith.addi %add3A_598, %mul3A_597 : i32
      %mul3A_600 = arith.constant 16 : i32
      %mul3A_601 = arith.muli %add3A_599, %mul3A_600 : i32
      %get3A_602 = arith.index_cast %mul3A_601 : i32 to index
      %get3A_603 = tpu.vector_load %arg10[%get3A_602] {strides = array<i32>} : memref<2000xi32, #tpu.memory_space<vmem>>, vector<16xi32>,
      %shift_right_arithmetic3A_604 = arith.constant 4 : i32
      %shift_right_arithmetic3A_605 = vector.broadcast %shift_right_arithmetic3A_604 : i32 to vector<16xi32>
      %shift_right_arithmetic3A_606 = arith.shrsi %get3A_603, %shift_right_arithmetic3A_605 : vector<16xi32>
      %and3A_607 = arith.constant 15 : i32
      %and3A_608 = vector.broadcast %and3A_607 : i32 to vector<16xi32>
      %and3A_609 = arith.andi %get3A_603, %and3A_608 : vector<16xi32>
      tpu.vector_store_idx %arg12[%shift_right_arithmetic3A_606, %and3A_609], %broadcast_in_dim3A_95 {add = true} : memref<625x16xf32, #tpu.memory_space<vmem>>[vector<16xi32>, vector<16xi32>], vector<16xf32>,
      %scan3A_610 = arith.constant 5 : i32
      %scan3A_611 = arith.addi %scan3A_531, %scan3A_610 : i32
      %mul3A_612 = arith.constant 1 : i32
      %mul3A_613 = arith.muli %scan3A_611, %mul3A_612 : i32
      %add3A_614 = arith.constant 0 : i32
      %add3A_615 = arith.addi %add3A_614, %mul3A_613 : i32
      %mul3A_616 = arith.constant 16 : i32
      %mul3A_617 = arith.muli %add3A_615, %mul3A_616 : i32
      %get3A_618 = arith.index_cast %mul3A_617 : i32 to index
      %get3A_619 = tpu.vector_load %arg10[%get3A_618] {strides = array<i32>} : memref<2000xi32, #tpu.memory_space<vmem>>, vector<16xi32>,
      %shift_right_arithmetic3A_620 = arith.constant 4 : i32
      %shift_right_arithmetic3A_621 = vector.broadcast %shift_right_arithmetic3A_620 : i32 to vector<16xi32>
      %shift_right_arithmetic3A_622 = arith.shrsi %get3A_619, %shift_right_arithmetic3A_621 : vector<16xi32>
      %and3A_623 = arith.constant 15 : i32
      %and3A_624 = vector.broadcast %and3A_623 : i32 to vector<16xi32>
      %and3A_625 = arith.andi %get3A_619, %and3A_624 : vector<16xi32>
      tpu.vector_store_idx %arg12[%shift_right_arithmetic3A_622, %and3A_625], %broadcast_in_dim3A_95 {add = true} : memref<625x16xf32, #tpu.memory_space<vmem>>[vector<16xi32>, vector<16xi32>], vector<16xf32>,
      %scan3A_626 = arith.constant 6 : i32
      %scan3A_627 = arith.addi %scan3A_531, %scan3A_626 : i32
      %mul3A_628 = arith.constant 1 : i32
      %mul3A_629 = arith.muli %scan3A_627, %mul3A_628 : i32
      %add3A_630 = arith.constant 0 : i32
      %add3A_631 = arith.addi %add3A_630, %mul3A_629 : i32
      %mul3A_632 = arith.constant 16 : i32
      %mul3A_633 = arith.muli %add3A_631, %mul3A_632 : i32
      %get3A_634 = arith.index_cast %mul3A_633 : i32 to index
      %get3A_635 = tpu.vector_load %arg10[%get3A_634] {strides = array<i32>} : memref<2000xi32, #tpu.memory_space<vmem>>, vector<16xi32>,
      %shift_right_arithmetic3A_636 = arith.constant 4 : i32
      %shift_right_arithmetic3A_637 = vector.broadcast %shift_right_arithmetic3A_636 : i32 to vector<16xi32>
      %shift_right_arithmetic3A_638 = arith.shrsi %get3A_635, %shift_right_arithmetic3A_637 : vector<16xi32>
      %and3A_639 = arith.constant 15 : i32
      %and3A_640 = vector.broadcast %and3A_639 : i32 to vector<16xi32>
      %and3A_641 = arith.andi %get3A_635, %and3A_640 : vector<16xi32>
      tpu.vector_store_idx %arg12[%shift_right_arithmetic3A_638, %and3A_641], %broadcast_in_dim3A_95 {add = true} : memref<625x16xf32, #tpu.memory_space<vmem>>[vector<16xi32>, vector<16xi32>], vector<16xf32>,
      %scan3A_642 = arith.constant 7 : i32
      %scan3A_643 = arith.addi %scan3A_531, %scan3A_642 : i32
      %mul3A_644 = arith.constant 1 : i32
      %mul3A_645 = arith.muli %scan3A_643, %mul3A_644 : i32
      %add3A_646 = arith.constant 0 : i32
      %add3A_647 = arith.addi %add3A_646, %mul3A_645 : i32
      %mul3A_648 = arith.constant 16 : i32
      %mul3A_649 = arith.muli %add3A_647, %mul3A_648 : i32
      %get3A_650 = arith.index_cast %mul3A_649 : i32 to index
      %get3A_651 = tpu.vector_load %arg10[%get3A_650] {strides = array<i32>} : memref<2000xi32, #tpu.memory_space<vmem>>, vector<16xi32>,
      %shift_right_arithmetic3A_652 = arith.constant 4 : i32
      %shift_right_arithmetic3A_653 = vector.broadcast %shift_right_arithmetic3A_652 : i32 to vector<16xi32>
      %shift_right_arithmetic3A_654 = arith.shrsi %get3A_651, %shift_right_arithmetic3A_653 : vector<16xi32>
      %and3A_655 = arith.constant 15 : i32
      %and3A_656 = vector.broadcast %and3A_655 : i32 to vector<16xi32>
      %and3A_657 = arith.andi %get3A_651, %and3A_656 : vector<16xi32>
      tpu.vector_store_idx %arg12[%shift_right_arithmetic3A_654, %and3A_657], %broadcast_in_dim3A_95 {add = true} : memref<625x16xf32, #tpu.memory_space<vmem>>[vector<16xi32>, vector<16xi32>], vector<16xf32>,
    }
    %scan3A_437 = arith.constant 120 : i32
    %scan3A_438 = arith.addi %scan3A_433, %scan3A_437 : i32
    %mul3A_439 = arith.constant 1 : i32
    %mul3A_440 = arith.muli %scan3A_438, %mul3A_439 : i32
    %add3A_441 = arith.constant 0 : i32
    %add3A_442 = arith.addi %add3A_441, %mul3A_440 : i32
    %mul3A_443 = arith.constant 16 : i32
    %mul3A_444 = arith.muli %add3A_442, %mul3A_443 : i32
    %get3A_445 = arith.index_cast %mul3A_444 : i32 to index
    %get3A_446 = tpu.vector_load %arg10[%get3A_445] {strides = array<i32>} : memref<2000xi32, #tpu.memory_space<vmem>>, vector<16xi32>,
    %shift_right_arithmetic3A_447 = arith.constant 4 : i32
    %shift_right_arithmetic3A_448 = vector.broadcast %shift_right_arithmetic3A_447 : i32 to vector<16xi32>
    %shift_right_arithmetic3A_449 = arith.shrsi %get3A_446, %shift_right_arithmetic3A_448 : vector<16xi32>
    %and3A_450 = arith.constant 15 : i32
    %and3A_451 = vector.broadcast %and3A_450 : i32 to vector<16xi32>
    %and3A_452 = arith.andi %get3A_446, %and3A_451 : vector<16xi32>
    tpu.vector_store_idx %arg12[%shift_right_arithmetic3A_449, %and3A_452], %broadcast_in_dim3A_95 {add = true} : memref<625x16xf32, #tpu.memory_space<vmem>>[vector<16xi32>, vector<16xi32>], vector<16xf32>,
    %scan3A_453 = arith.constant 121 : i32
    %scan3A_454 = arith.addi %scan3A_433, %scan3A_453 : i32
    %mul3A_455 = arith.constant 1 : i32
    %mul3A_456 = arith.muli %scan3A_454, %mul3A_455 : i32
    %add3A_457 = arith.constant 0 : i32
    %add3A_458 = arith.addi %add3A_457, %mul3A_456 : i32
    %mul3A_459 = arith.constant 16 : i32
    %mul3A_460 = arith.muli %add3A_458, %mul3A_459 : i32
    %get3A_461 = arith.index_cast %mul3A_460 : i32 to index
    %get3A_462 = tpu.vector_load %arg10[%get3A_461] {strides = array<i32>} : memref<2000xi32, #tpu.memory_space<vmem>>, vector<16xi32>,
    %shift_right_arithmetic3A_463 = arith.constant 4 : i32
    %shift_right_arithmetic3A_464 = vector.broadcast %shift_right_arithmetic3A_463 : i32 to vector<16xi32>
    %shift_right_arithmetic3A_465 = arith.shrsi %get3A_462, %shift_right_arithmetic3A_464 : vector<16xi32>
    %and3A_466 = arith.constant 15 : i32
    %and3A_467 = vector.broadcast %and3A_466 : i32 to vector<16xi32>
    %and3A_468 = arith.andi %get3A_462, %and3A_467 : vector<16xi32>
    tpu.vector_store_idx %arg12[%shift_right_arithmetic3A_465, %and3A_468], %broadcast_in_dim3A_95 {add = true} : memref<625x16xf32, #tpu.memory_space<vmem>>[vector<16xi32>, vector<16xi32>], vector<16xf32>,
    %scan3A_469 = arith.constant 122 : i32
    %scan3A_470 = arith.addi %scan3A_433, %scan3A_469 : i32
    %mul3A_471 = arith.constant 1 : i32
    %mul3A_472 = arith.muli %scan3A_470, %mul3A_471 : i32
    %add3A_473 = arith.constant 0 : i32
    %add3A_474 = arith.addi %add3A_473, %mul3A_472 : i32
    %mul3A_475 = arith.constant 16 : i32
    %mul3A_476 = arith.muli %add3A_474, %mul3A_475 : i32
    %get3A_477 = arith.index_cast %mul3A_476 : i32 to index
    %get3A_478 = tpu.vector_load %arg10[%get3A_477] {strides = array<i32>} : memref<2000xi32, #tpu.memory_space<vmem>>, vector<16xi32>,
    %shift_right_arithmetic3A_479 = arith.constant 4 : i32
    %shift_right_arithmetic3A_480 = vector.broadcast %shift_right_arithmetic3A_479 : i32 to vector<16xi32>
    %shift_right_arithmetic3A_481 = arith.shrsi %get3A_478, %shift_right_arithmetic3A_480 : vector<16xi32>
    %and3A_482 = arith.constant 15 : i32
    %and3A_483 = vector.broadcast %and3A_482 : i32 to vector<16xi32>
    %and3A_484 = arith.andi %get3A_478, %and3A_483 : vector<16xi32>
    tpu.vector_store_idx %arg12[%shift_right_arithmetic3A_481, %and3A_484], %broadcast_in_dim3A_95 {add = true} : memref<625x16xf32, #tpu.memory_space<vmem>>[vector<16xi32>, vector<16xi32>], vector<16xf32>,
    %scan3A_485 = arith.constant 123 : i32
    %scan3A_486 = arith.addi %scan3A_433, %scan3A_485 : i32
    %mul3A_487 = arith.constant 1 : i32
    %mul3A_488 = arith.muli %scan3A_486, %mul3A_487 : i32
    %add3A_489 = arith.constant 0 : i32
    %add3A_490 = arith.addi %add3A_489, %mul3A_488 : i32
    %mul3A_491 = arith.constant 16 : i32
    %mul3A_492 = arith.muli %add3A_490, %mul3A_491 : i32
    %get3A_493 = arith.index_cast %mul3A_492 : i32 to index
    %get3A_494 = tpu.vector_load %arg10[%get3A_493] {strides = array<i32>} : memref<2000xi32, #tpu.memory_space<vmem>>, vector<16xi32>,
    %shift_right_arithmetic3A_495 = arith.constant 4 : i32
    %shift_right_arithmetic3A_496 = vector.broadcast %shift_right_arithmetic3A_495 : i32 to vector<16xi32>
    %shift_right_arithmetic3A_497 = arith.shrsi %get3A_494, %shift_right_arithmetic3A_496 : vector<16xi32>
    %and3A_498 = arith.constant 15 : i32
    %and3A_499 = vector.broadcast %and3A_498 : i32 to vector<16xi32>
    %and3A_500 = arith.andi %get3A_494, %and3A_499 : vector<16xi32>
    tpu.vector_store_idx %arg12[%shift_right_arithmetic3A_497, %and3A_500], %broadcast_in_dim3A_95 {add = true} : memref<625x16xf32, #tpu.memory_space<vmem>>[vector<16xi32>, vector<16xi32>], vector<16xf32>,
    %scan3A_501 = arith.constant 124 : i32
    %scan3A_502 = arith.addi %scan3A_433, %scan3A_501 : i32
    %mul3A_503 = arith.constant 1 : i32
    %mul3A_504 = arith.muli %scan3A_502, %mul3A_503 : i32
    %add3A_505 = arith.constant 0 : i32
    %add3A_506 = arith.addi %add3A_505, %mul3A_504 : i32
    %mul3A_507 = arith.constant 16 : i32
    %mul3A_508 = arith.muli %add3A_506, %mul3A_507 : i32
    %get3A_509 = arith.index_cast %mul3A_508 : i32 to index
    %get3A_510 = tpu.vector_load %arg10[%get3A_509] {strides = array<i32>} : memref<2000xi32, #tpu.memory_space<vmem>>, vector<16xi32>,
    %shift_right_arithmetic3A_511 = arith.constant 4 : i32
    %shift_right_arithmetic3A_512 = vector.broadcast %shift_right_arithmetic3A_511 : i32 to vector<16xi32>
    %shift_right_arithmetic3A_513 = arith.shrsi %get3A_510, %shift_right_arithmetic3A_512 : vector<16xi32>
    %and3A_514 = arith.constant 15 : i32
    %and3A_515 = vector.broadcast %and3A_514 : i32 to vector<16xi32>
    %and3A_516 = arith.andi %get3A_510, %and3A_515 : vector<16xi32>
    tpu.vector_store_idx %arg12[%shift_right_arithmetic3A_513, %and3A_516], %broadcast_in_dim3A_95 {add = true} : memref<625x16xf32, #tpu.memory_space<vmem>>[vector<16xi32>, vector<16xi32>], vector<16xf32>,
    %scan3A_517 = arith.constant 125 : i32
    %barrier3A = arith.constant 0 : index
    tpu.barrier barrier_id(%barrier3A)
    "tpu.region"() ({
      %run_scoped3A = tpu.sem_alloc : memref<!tpu.dma_semaphore, #tpu.memory_space<semaphore_mem>>
      %dma_start3A_531 = arith.constant 0 : i32
      %dma_start3A_532 = arith.constant 0 : i32
      %dma_start3A_533 = tpu.memref_slice %arg16[%dma_start3A_531, %dma_start3A_532] : memref<625x16xf32, #tpu.memory_space<vmem_shared>> -> memref<625x16xf32, #tpu.memory_space<vmem_shared>>
      tpu.enqueue_indirect_dma source(%arg12 : memref<625x16xf32, #tpu.memory_space<vmem>>) target(%dma_start3A_533 : memref<625x16xf32, #tpu.memory_space<vmem_shared>>) offsets(%arg11 : memref<625xi32, #tpu.memory_space<vmem>>) semaphore(%run_scoped3A : memref<!tpu.dma_semaphore, #tpu.memory_space<semaphore_mem>>) {add = true}
      %dma_wait3A_534 = arith.constant 0 : i32
      %dma_wait3A_535 = arith.constant 0 : i32
      %dma_wait3A_536 = tpu.memref_slice %arg16[%dma_wait3A_534, %dma_wait3A_535] : memref<625x16xf32, #tpu.memory_space<vmem_shared>> -> memref<625x16xf32, #tpu.memory_space<vmem_shared>>
      tpu.wait_indirect_dma semaphore(%run_scoped3A : memref<!tpu.dma_semaphore, #tpu.memory_space<semaphore_mem>>) src(%arg12 : memref<625x16xf32, #tpu.memory_space<vmem>>) dst(%dma_wait3A_536 : memref<625x16xf32, #tpu.memory_space<vmem_shared>>)
      tpu.yield
    }) : () -> ()
    %barrier3A_518 = arith.constant 0 : index
    tpu.barrier barrier_id(%barrier3A_518)
    "tpu.region"() ({
      %run_scoped3A = tpu.sem_alloc : memref<!tpu.dma_semaphore, #tpu.memory_space<semaphore_mem>>
      tpu.enqueue_dma source(%arg16 : memref<625x16xf32, #tpu.memory_space<vmem_shared>>) target(%arg13 : memref<625x16xf32, #tpu.memory_space<vmem>>) target_semaphore(%run_scoped3A : memref<!tpu.dma_semaphore, #tpu.memory_space<semaphore_mem>>)
      tpu.wait_dma2 semaphore(%run_scoped3A : memref<!tpu.dma_semaphore, #tpu.memory_space<semaphore_mem>>) src(%arg16 : memref<625x16xf32, #tpu.memory_space<vmem_shared>>) dst(%arg13 : memref<625x16xf32, #tpu.memory_space<vmem>>)
      tpu.yield
    }) : () -> ()
    %mul3A_519 = arith.constant 624 : i32
    %mul3A_520 = arith.muli %arg1, %mul3A_519 : i32
    %scan3A_521 = arith.constant 0 : i32
    %scan3A_522 = arith.constant 624 : i32
    %scan3A_523 = arith.addi %scan3A_521, %scan3A_522 : i32
    %scan3A_524 = arith.constant 8 : i32
    scf.for %scan3A_531 = %scan3A_521 to %scan3A_523 step %scan3A_524  : i32 {
      %mul3A_532 = arith.constant 1 : i32
      %mul3A_533 = arith.muli %scan3A_531, %mul3A_532 : i32
      %add3A_534 = arith.constant 0 : i32
      %add3A_535 = arith.addi %add3A_534, %mul3A_533 : i32
      %add3A_536 = arith.addi %mul3A_520, %add3A_535 : i32
      %shift_right_arithmetic3A_537 = arith.constant 4 : i32
      %shift_right_arithmetic3A_538 = arith.shrsi %add3A_536, %shift_right_arithmetic3A_537 : i32
      %broadcast_in_dim3A_539 = vector.broadcast %shift_right_arithmetic3A_538 : i32 to vector<16xi32>
      %and3A_540 = arith.constant 15 : i32
      %and3A_541 = arith.andi %add3A_536, %and3A_540 : i32
      %broadcast_in_dim3A_542 = vector.broadcast %and3A_541 : i32 to vector<16xi32>
      %gather3A = tpu.vector_load_idx %arg13[%broadcast_in_dim3A_539, %broadcast_in_dim3A_542] : memref<625x16xf32, #tpu.memory_space<vmem>>[vector<16xi32>, vector<16xi32>], vector<16xf32>,
      %swap3A_543 = arith.index_cast %add3A_535 : i32 to index
      %swap3A_544 = arith.constant 0 : index
      %swap3A_545 = tpu.vector_load %arg14[%swap3A_543, %swap3A_544] {strides = array<i32>} : memref<624x16xf32, #tpu.memory_space<vmem>>, vector<16xf32>,
      tpu.vector_store %arg14[%swap3A_543, %swap3A_544], %gather3A {strides = array<i32>} : memref<624x16xf32, #tpu.memory_space<vmem>>, vector<16xf32>,
      %scan3A_546 = arith.constant 1 : i32
      %scan3A_547 = arith.addi %scan3A_531, %scan3A_546 : i32
      %mul3A_548 = arith.constant 1 : i32
      %mul3A_549 = arith.muli %scan3A_547, %mul3A_548 : i32
      %add3A_550 = arith.constant 0 : i32
      %add3A_551 = arith.addi %add3A_550, %mul3A_549 : i32
      %add3A_552 = arith.addi %mul3A_520, %add3A_551 : i32
      %shift_right_arithmetic3A_553 = arith.constant 4 : i32
      %shift_right_arithmetic3A_554 = arith.shrsi %add3A_552, %shift_right_arithmetic3A_553 : i32
      %broadcast_in_dim3A_555 = vector.broadcast %shift_right_arithmetic3A_554 : i32 to vector<16xi32>
      %and3A_556 = arith.constant 15 : i32
      %and3A_557 = arith.andi %add3A_552, %and3A_556 : i32
      %broadcast_in_dim3A_558 = vector.broadcast %and3A_557 : i32 to vector<16xi32>
      %gather3A_559 = tpu.vector_load_idx %arg13[%broadcast_in_dim3A_555, %broadcast_in_dim3A_558] : memref<625x16xf32, #tpu.memory_space<vmem>>[vector<16xi32>, vector<16xi32>], vector<16xf32>,
      %swap3A_560 = arith.index_cast %add3A_551 : i32 to index
      %swap3A_561 = arith.constant 0 : index
      %swap3A_562 = tpu.vector_load %arg14[%swap3A_560, %swap3A_561] {strides = array<i32>} : memref<624x16xf32, #tpu.memory_space<vmem>>, vector<16xf32>,
      tpu.vector_store %arg14[%swap3A_560, %swap3A_561], %gather3A_559 {strides = array<i32>} : memref<624x16xf32, #tpu.memory_space<vmem>>, vector<16xf32>,
      %scan3A_563 = arith.constant 2 : i32
      %scan3A_564 = arith.addi %scan3A_531, %scan3A_563 : i32
      %mul3A_565 = arith.constant 1 : i32
      %mul3A_566 = arith.muli %scan3A_564, %mul3A_565 : i32
      %add3A_567 = arith.constant 0 : i32
      %add3A_568 = arith.addi %add3A_567, %mul3A_566 : i32
      %add3A_569 = arith.addi %mul3A_520, %add3A_568 : i32
      %shift_right_arithmetic3A_570 = arith.constant 4 : i32
      %shift_right_arithmetic3A_571 = arith.shrsi %add3A_569, %shift_right_arithmetic3A_570 : i32
      %broadcast_in_dim3A_572 = vector.broadcast %shift_right_arithmetic3A_571 : i32 to vector<16xi32>
      %and3A_573 = arith.constant 15 : i32
      %and3A_574 = arith.andi %add3A_569, %and3A_573 : i32
      %broadcast_in_dim3A_575 = vector.broadcast %and3A_574 : i32 to vector<16xi32>
      %gather3A_576 = tpu.vector_load_idx %arg13[%broadcast_in_dim3A_572, %broadcast_in_dim3A_575] : memref<625x16xf32, #tpu.memory_space<vmem>>[vector<16xi32>, vector<16xi32>], vector<16xf32>,
      %swap3A_577 = arith.index_cast %add3A_568 : i32 to index
      %swap3A_578 = arith.constant 0 : index
      %swap3A_579 = tpu.vector_load %arg14[%swap3A_577, %swap3A_578] {strides = array<i32>} : memref<624x16xf32, #tpu.memory_space<vmem>>, vector<16xf32>,
      tpu.vector_store %arg14[%swap3A_577, %swap3A_578], %gather3A_576 {strides = array<i32>} : memref<624x16xf32, #tpu.memory_space<vmem>>, vector<16xf32>,
      %scan3A_580 = arith.constant 3 : i32
      %scan3A_581 = arith.addi %scan3A_531, %scan3A_580 : i32
      %mul3A_582 = arith.constant 1 : i32
      %mul3A_583 = arith.muli %scan3A_581, %mul3A_582 : i32
      %add3A_584 = arith.constant 0 : i32
      %add3A_585 = arith.addi %add3A_584, %mul3A_583 : i32
      %add3A_586 = arith.addi %mul3A_520, %add3A_585 : i32
      %shift_right_arithmetic3A_587 = arith.constant 4 : i32
      %shift_right_arithmetic3A_588 = arith.shrsi %add3A_586, %shift_right_arithmetic3A_587 : i32
      %broadcast_in_dim3A_589 = vector.broadcast %shift_right_arithmetic3A_588 : i32 to vector<16xi32>
      %and3A_590 = arith.constant 15 : i32
      %and3A_591 = arith.andi %add3A_586, %and3A_590 : i32
      %broadcast_in_dim3A_592 = vector.broadcast %and3A_591 : i32 to vector<16xi32>
      %gather3A_593 = tpu.vector_load_idx %arg13[%broadcast_in_dim3A_589, %broadcast_in_dim3A_592] : memref<625x16xf32, #tpu.memory_space<vmem>>[vector<16xi32>, vector<16xi32>], vector<16xf32>,
      %swap3A_594 = arith.index_cast %add3A_585 : i32 to index
      %swap3A_595 = arith.constant 0 : index
      %swap3A_596 = tpu.vector_load %arg14[%swap3A_594, %swap3A_595] {strides = array<i32>} : memref<624x16xf32, #tpu.memory_space<vmem>>, vector<16xf32>,
      tpu.vector_store %arg14[%swap3A_594, %swap3A_595], %gather3A_593 {strides = array<i32>} : memref<624x16xf32, #tpu.memory_space<vmem>>, vector<16xf32>,
      %scan3A_597 = arith.constant 4 : i32
      %scan3A_598 = arith.addi %scan3A_531, %scan3A_597 : i32
      %mul3A_599 = arith.constant 1 : i32
      %mul3A_600 = arith.muli %scan3A_598, %mul3A_599 : i32
      %add3A_601 = arith.constant 0 : i32
      %add3A_602 = arith.addi %add3A_601, %mul3A_600 : i32
      %add3A_603 = arith.addi %mul3A_520, %add3A_602 : i32
      %shift_right_arithmetic3A_604 = arith.constant 4 : i32
      %shift_right_arithmetic3A_605 = arith.shrsi %add3A_603, %shift_right_arithmetic3A_604 : i32
      %broadcast_in_dim3A_606 = vector.broadcast %shift_right_arithmetic3A_605 : i32 to vector<16xi32>
      %and3A_607 = arith.constant 15 : i32
      %and3A_608 = arith.andi %add3A_603, %and3A_607 : i32
      %broadcast_in_dim3A_609 = vector.broadcast %and3A_608 : i32 to vector<16xi32>
      %gather3A_610 = tpu.vector_load_idx %arg13[%broadcast_in_dim3A_606, %broadcast_in_dim3A_609] : memref<625x16xf32, #tpu.memory_space<vmem>>[vector<16xi32>, vector<16xi32>], vector<16xf32>,
      %swap3A_611 = arith.index_cast %add3A_602 : i32 to index
      %swap3A_612 = arith.constant 0 : index
      %swap3A_613 = tpu.vector_load %arg14[%swap3A_611, %swap3A_612] {strides = array<i32>} : memref<624x16xf32, #tpu.memory_space<vmem>>, vector<16xf32>,
      tpu.vector_store %arg14[%swap3A_611, %swap3A_612], %gather3A_610 {strides = array<i32>} : memref<624x16xf32, #tpu.memory_space<vmem>>, vector<16xf32>,
      %scan3A_614 = arith.constant 5 : i32
      %scan3A_615 = arith.addi %scan3A_531, %scan3A_614 : i32
      %mul3A_616 = arith.constant 1 : i32
      %mul3A_617 = arith.muli %scan3A_615, %mul3A_616 : i32
      %add3A_618 = arith.constant 0 : i32
      %add3A_619 = arith.addi %add3A_618, %mul3A_617 : i32
      %add3A_620 = arith.addi %mul3A_520, %add3A_619 : i32
      %shift_right_arithmetic3A_621 = arith.constant 4 : i32
      %shift_right_arithmetic3A_622 = arith.shrsi %add3A_620, %shift_right_arithmetic3A_621 : i32
      %broadcast_in_dim3A_623 = vector.broadcast %shift_right_arithmetic3A_622 : i32 to vector<16xi32>
      %and3A_624 = arith.constant 15 : i32
      %and3A_625 = arith.andi %add3A_620, %and3A_624 : i32
      %broadcast_in_dim3A_626 = vector.broadcast %and3A_625 : i32 to vector<16xi32>
      %gather3A_627 = tpu.vector_load_idx %arg13[%broadcast_in_dim3A_623, %broadcast_in_dim3A_626] : memref<625x16xf32, #tpu.memory_space<vmem>>[vector<16xi32>, vector<16xi32>], vector<16xf32>,
      %swap3A_628 = arith.index_cast %add3A_619 : i32 to index
      %swap3A_629 = arith.constant 0 : index
      %swap3A_630 = tpu.vector_load %arg14[%swap3A_628, %swap3A_629] {strides = array<i32>} : memref<624x16xf32, #tpu.memory_space<vmem>>, vector<16xf32>,
      tpu.vector_store %arg14[%swap3A_628, %swap3A_629], %gather3A_627 {strides = array<i32>} : memref<624x16xf32, #tpu.memory_space<vmem>>, vector<16xf32>,
      %scan3A_631 = arith.constant 6 : i32
      %scan3A_632 = arith.addi %scan3A_531, %scan3A_631 : i32
      %mul3A_633 = arith.constant 1 : i32
      %mul3A_634 = arith.muli %scan3A_632, %mul3A_633 : i32
      %add3A_635 = arith.constant 0 : i32
      %add3A_636 = arith.addi %add3A_635, %mul3A_634 : i32
      %add3A_637 = arith.addi %mul3A_520, %add3A_636 : i32
      %shift_right_arithmetic3A_638 = arith.constant 4 : i32
      %shift_right_arithmetic3A_639 = arith.shrsi %add3A_637, %shift_right_arithmetic3A_638 : i32
      %broadcast_in_dim3A_640 = vector.broadcast %shift_right_arithmetic3A_639 : i32 to vector<16xi32>
      %and3A_641 = arith.constant 15 : i32
      %and3A_642 = arith.andi %add3A_637, %and3A_641 : i32
      %broadcast_in_dim3A_643 = vector.broadcast %and3A_642 : i32 to vector<16xi32>
      %gather3A_644 = tpu.vector_load_idx %arg13[%broadcast_in_dim3A_640, %broadcast_in_dim3A_643] : memref<625x16xf32, #tpu.memory_space<vmem>>[vector<16xi32>, vector<16xi32>], vector<16xf32>,
      %swap3A_645 = arith.index_cast %add3A_636 : i32 to index
      %swap3A_646 = arith.constant 0 : index
      %swap3A_647 = tpu.vector_load %arg14[%swap3A_645, %swap3A_646] {strides = array<i32>} : memref<624x16xf32, #tpu.memory_space<vmem>>, vector<16xf32>,
      tpu.vector_store %arg14[%swap3A_645, %swap3A_646], %gather3A_644 {strides = array<i32>} : memref<624x16xf32, #tpu.memory_space<vmem>>, vector<16xf32>,
      %scan3A_648 = arith.constant 7 : i32
      %scan3A_649 = arith.addi %scan3A_531, %scan3A_648 : i32
      %mul3A_650 = arith.constant 1 : i32
      %mul3A_651 = arith.muli %scan3A_649, %mul3A_650 : i32
      %add3A_652 = arith.constant 0 : i32
      %add3A_653 = arith.addi %add3A_652, %mul3A_651 : i32
      %add3A_654 = arith.addi %mul3A_520, %add3A_653 : i32
      %shift_right_arithmetic3A_655 = arith.constant 4 : i32
      %shift_right_arithmetic3A_656 = arith.shrsi %add3A_654, %shift_right_arithmetic3A_655 : i32
      %broadcast_in_dim3A_657 = vector.broadcast %shift_right_arithmetic3A_656 : i32 to vector<16xi32>
      %and3A_658 = arith.constant 15 : i32
      %and3A_659 = arith.andi %add3A_654, %and3A_658 : i32
      %broadcast_in_dim3A_660 = vector.broadcast %and3A_659 : i32 to vector<16xi32>
      %gather3A_661 = tpu.vector_load_idx %arg13[%broadcast_in_dim3A_657, %broadcast_in_dim3A_660] : memref<625x16xf32, #tpu.memory_space<vmem>>[vector<16xi32>, vector<16xi32>], vector<16xf32>,
      %swap3A_662 = arith.index_cast %add3A_653 : i32 to index
      %swap3A_663 = arith.constant 0 : index
      %swap3A_664 = tpu.vector_load %arg14[%swap3A_662, %swap3A_663] {strides = array<i32>} : memref<624x16xf32, #tpu.memory_space<vmem>>, vector<16xf32>,
      tpu.vector_store %arg14[%swap3A_662, %swap3A_663], %gather3A_661 {strides = array<i32>} : memref<624x16xf32, #tpu.memory_space<vmem>>, vector<16xf32>,
    }
    %scan3A_525 = arith.constant 624 : i32
    "tpu.region"() ({
      %run_scoped3A = tpu.sem_alloc : memref<!tpu.dma_semaphore, #tpu.memory_space<semaphore_mem>>
      %dma_start3A_531 = arith.constant 0 : i32
      %dma_start3A_532 = tpu.memref_slice %arg5[%arg0, %mul3A_520, %dma_start3A_531] : memref<2x10000x16xf32, #tpu.memory_space<hbm>> -> memref<1x624x16xf32, #tpu.memory_space<hbm>>
      %dma_start3A_533 = tpu.memref_squeeze %dma_start3A_532 : memref<1x624x16xf32, #tpu.memory_space<hbm>> -> memref<624x16xf32, #tpu.memory_space<hbm>>
      %dma_start3A_534 = arith.constant 0 : i32
      %dma_start3A_535 = tpu.memref_slice %arg5[%arg0, %mul3A_520, %dma_start3A_534] : memref<2x10000x16xf32, #tpu.memory_space<hbm>> -> memref<1x624x16xf32, #tpu.memory_space<hbm>>
      %dma_start3A_536 = tpu.memref_squeeze %dma_start3A_535 : memref<1x624x16xf32, #tpu.memory_space<hbm>> -> memref<624x16xf32, #tpu.memory_space<hbm>>
      tpu.enqueue_dma source(%arg14 : memref<624x16xf32, #tpu.memory_space<vmem>>) target(%dma_start3A_536 : memref<624x16xf32, #tpu.memory_space<hbm>>) target_semaphore(%run_scoped3A : memref<!tpu.dma_semaphore, #tpu.memory_space<semaphore_mem>>)
      %dma_wait3A_537 = arith.constant 0 : i32
      %dma_wait3A_538 = tpu.memref_slice %arg5[%arg0, %mul3A_520, %dma_wait3A_537] : memref<2x10000x16xf32, #tpu.memory_space<hbm>> -> memref<1x624x16xf32, #tpu.memory_space<hbm>>
      %dma_wait3A_539 = tpu.memref_squeeze %dma_wait3A_538 : memref<1x624x16xf32, #tpu.memory_space<hbm>> -> memref<624x16xf32, #tpu.memory_space<hbm>>
      %dma_wait3A_540 = arith.constant 0 : i32
      %dma_wait3A_541 = tpu.memref_slice %arg5[%arg0, %mul3A_520, %dma_wait3A_540] : memref<2x10000x16xf32, #tpu.memory_space<hbm>> -> memref<1x624x16xf32, #tpu.memory_space<hbm>>
      %dma_wait3A_542 = tpu.memref_squeeze %dma_wait3A_541 : memref<1x624x16xf32, #tpu.memory_space<hbm>> -> memref<624x16xf32, #tpu.memory_space<hbm>>
      tpu.wait_dma2 semaphore(%run_scoped3A : memref<!tpu.dma_semaphore, #tpu.memory_space<semaphore_mem>>) src(%arg14 : memref<624x16xf32, #tpu.memory_space<vmem>>) dst(%dma_wait3A_542 : memref<624x16xf32, #tpu.memory_space<hbm>>)
      tpu.yield
    }) : () -> ()
    %eq3A_526 = arith.constant 0 : i32
    %eq3A_527 = arith.cmpi eq, %arg1, %eq3A_526 : i32
    %convert_element_type3A_528 = arith.extui %eq3A_527 : i1 to i32
    %cond3A_529 = arith.constant 0 : i32
    %cond3A_530 = arith.cmpi ne, %convert_element_type3A_528, %cond3A_529 : i32
    scf.if %cond3A_530 {
      %scan3A_531 = arith.constant 0 : i32
      %scan3A_532 = arith.constant 16 : i32
      %scan3A_533 = arith.addi %scan3A_531, %scan3A_532 : i32
      %scan3A_534 = arith.constant 1 : i32
      scf.for %scan3A_536 = %scan3A_531 to %scan3A_533 step %scan3A_534  : i32 {
        %mul3A_537 = arith.constant 1 : i32
        %mul3A_538 = arith.muli %scan3A_536, %mul3A_537 : i32
        %add3A_539 = arith.constant 0 : i32
        %add3A_540 = arith.addi %add3A_539, %mul3A_538 : i32
        %add3A_541 = arith.constant 9984 : i32
        %add3A_542 = arith.addi %add3A_541, %add3A_540 : i32
        %shift_right_arithmetic3A_543 = arith.constant 4 : i32
        %shift_right_arithmetic3A_544 = arith.shrsi %add3A_542, %shift_right_arithmetic3A_543 : i32
        %broadcast_in_dim3A_545 = vector.broadcast %shift_right_arithmetic3A_544 : i32 to vector<16xi32>
        %and3A_546 = arith.constant 15 : i32
        %and3A_547 = arith.andi %add3A_542, %and3A_546 : i32
        %broadcast_in_dim3A_548 = vector.broadcast %and3A_547 : i32 to vector<16xi32>
        %gather3A = tpu.vector_load_idx %arg13[%broadcast_in_dim3A_545, %broadcast_in_dim3A_548] : memref<625x16xf32, #tpu.memory_space<vmem>>[vector<16xi32>, vector<16xi32>], vector<16xf32>,
        %swap3A_549 = arith.index_cast %add3A_540 : i32 to index
        %swap3A_550 = arith.constant 0 : index
        %swap3A_551 = tpu.vector_load %arg15[%swap3A_549, %swap3A_550] {strides = array<i32>} : memref<16x16xf32, #tpu.memory_space<vmem>>, vector<16xf32>,
        tpu.vector_store %arg15[%swap3A_549, %swap3A_550], %gather3A {strides = array<i32>} : memref<16x16xf32, #tpu.memory_space<vmem>>, vector<16xf32>,
      }
      %scan3A_535 = arith.constant 16 : i32
      "tpu.region"() ({
        %run_scoped3A = tpu.sem_alloc : memref<!tpu.dma_semaphore, #tpu.memory_space<semaphore_mem>>
        %dma_start3A_536 = arith.constant 9984 : i32
        %dma_start3A_537 = arith.constant 0 : i32
        %dma_start3A_538 = tpu.memref_slice %arg5[%arg0, %dma_start3A_536, %dma_start3A_537] : memref<2x10000x16xf32, #tpu.memory_space<hbm>> -> memref<1x16x16xf32, #tpu.memory_space<hbm>>
        %dma_start3A_539 = tpu.memref_squeeze %dma_start3A_538 : memref<1x16x16xf32, #tpu.memory_space<hbm>> -> memref<16x16xf32, #tpu.memory_space<hbm>>
        %dma_start3A_540 = arith.constant 9984 : i32
        %dma_start3A_541 = arith.constant 0 : i32
        %dma_start3A_542 = tpu.memref_slice %arg5[%arg0, %dma_start3A_540, %dma_start3A_541] : memref<2x10000x16xf32, #tpu.memory_space<hbm>> -> memref<1x16x16xf32, #tpu.memory_space<hbm>>
        %dma_start3A_543 = tpu.memref_squeeze %dma_start3A_542 : memref<1x16x16xf32, #tpu.memory_space<hbm>> -> memref<16x16xf32, #tpu.memory_space<hbm>>
        tpu.enqueue_dma source(%arg15 : memref<16x16xf32, #tpu.memory_space<vmem>>) target(%dma_start3A_543 : memref<16x16xf32, #tpu.memory_space<hbm>>) target_semaphore(%run_scoped3A : memref<!tpu.dma_semaphore, #tpu.memory_space<semaphore_mem>>)
        %dma_wait3A_544 = arith.constant 9984 : i32
        %dma_wait3A_545 = arith.constant 0 : i32
        %dma_wait3A_546 = tpu.memref_slice %arg5[%arg0, %dma_wait3A_544, %dma_wait3A_545] : memref<2x10000x16xf32, #tpu.memory_space<hbm>> -> memref<1x16x16xf32, #tpu.memory_space<hbm>>
        %dma_wait3A_547 = tpu.memref_squeeze %dma_wait3A_546 : memref<1x16x16xf32, #tpu.memory_space<hbm>> -> memref<16x16xf32, #tpu.memory_space<hbm>>
        %dma_wait3A_548 = arith.constant 9984 : i32
        %dma_wait3A_549 = arith.constant 0 : i32
        %dma_wait3A_550 = tpu.memref_slice %arg5[%arg0, %dma_wait3A_548, %dma_wait3A_549] : memref<2x10000x16xf32, #tpu.memory_space<hbm>> -> memref<1x16x16xf32, #tpu.memory_space<hbm>>
        %dma_wait3A_551 = tpu.memref_squeeze %dma_wait3A_550 : memref<1x16x16xf32, #tpu.memory_space<hbm>> -> memref<16x16xf32, #tpu.memory_space<hbm>>
        tpu.wait_dma2 semaphore(%run_scoped3A : memref<!tpu.dma_semaphore, #tpu.memory_space<semaphore_mem>>) src(%arg15 : memref<16x16xf32, #tpu.memory_space<vmem>>) dst(%dma_wait3A_551 : memref<16x16xf32, #tpu.memory_space<hbm>>)
        tpu.yield
      }) : () -> ()
    } else {
    }
    return
  }
}

#map = affine_map<(d0, d1) -> (0, 0)>
#map1 = affine_map<(d0, d1) -> (0, 0, 0)>
module attributes {stable_mosaic.version = 14 : i64} {
  func.func @_sc_segsum_body(%arg0: i32, %arg1: i32, %arg2: memref<10000x16xf32, #tpu.memory_space<hbm>>, %arg3: memref<2x320000xi32, #tpu.memory_space<hbm>>, %arg4: memref<10000x16xf32, #tpu.memory_space<hbm>>, %arg5: memref<2x10000x16xf32, #tpu.memory_space<hbm>>, %arg6: memref<2000xi32, #tpu.memory_space<vmem>>, %arg7: memref<2000xi32, #tpu.memory_space<vmem>>, %arg8: memref<2000xi32, #tpu.memory_space<vmem>>, %arg9: memref<2000xi32, #tpu.memory_space<vmem>>, %arg10: memref<2000xi32, #tpu.memory_space<vmem>>, %arg11: memref<2000xi32, #tpu.memory_space<vmem>>, %arg12: memref<2000xi32, #tpu.memory_space<vmem>>, %arg13: memref<2000xi32, #tpu.memory_space<vmem>>, %arg14: memref<2000xi32, #tpu.memory_space<vmem>>, %arg15: memref<2000xi32, #tpu.memory_space<vmem>>, %arg16: memref<2000x16xf32, #tpu.memory_space<vmem>>, %arg17: memref<2000x16xf32, #tpu.memory_space<vmem>>, %arg18: memref<10000x16xf32, #tpu.memory_space<vmem_shared>>, %arg19: memref<!tpu.dma_semaphore, #tpu.memory_space<semaphore_mem>>, %arg20: memref<!tpu.dma_semaphore, #tpu.memory_space<semaphore_mem>>, %arg21: memref<!tpu.dma_semaphore, #tpu.memory_space<semaphore_mem>>, %arg22: memref<!tpu.dma_semaphore, #tpu.memory_space<semaphore_mem>>, %arg23: memref<!tpu.dma_semaphore, #tpu.memory_space<semaphore_mem>>) attributes {dimension_semantics = [#tpu.dimension_semantics<core_parallel>, #tpu.dimension_semantics<subcore_parallel>], iteration_bounds = array<i64: 2, 16>, scalar_prefetch = 0 : i64, scratch_operands = 18 : i64, tpu.core_type = #tpu.core_type<sc_vector_subcore>, window_params = [{transform_indices = #map}, {transform_indices = #map}, {transform_indices = #map}, {transform_indices = #map1}]} {
    %mul3A = arith.constant 16 : i32
    %mul3A_0 = arith.muli %arg0, %mul3A : i32
    %add3A = arith.addi %mul3A_0, %arg1 : i32
    %mul3A_1 = arith.constant 5 : i32
    %mul3A_2 = arith.muli %add3A, %mul3A_1 : i32
    %add3A_3 = arith.constant 0 : i32
    %add3A_4 = arith.addi %mul3A_2, %add3A_3 : i32
    %mul3A_5 = arith.constant 2000 : i32
    %mul3A_6 = arith.muli %add3A_4, %mul3A_5 : i32
    %dma_start3A = arith.constant 0 : i32
    %dma_start3A_7 = tpu.memref_slice %arg3[%dma_start3A, %mul3A_6] : memref<2x320000xi32, #tpu.memory_space<hbm>> -> memref<1x2000xi32, #tpu.memory_space<hbm>>
    %dma_start3A_8 = tpu.memref_squeeze %dma_start3A_7 : memref<1x2000xi32, #tpu.memory_space<hbm>> -> memref<2000xi32, #tpu.memory_space<hbm>>
    %dma_start3A_9 = tpu.memref_slice %arg3[%dma_start3A, %mul3A_6] : memref<2x320000xi32, #tpu.memory_space<hbm>> -> memref<1x2000xi32, #tpu.memory_space<hbm>>
    %dma_start3A_10 = tpu.memref_squeeze %dma_start3A_9 : memref<1x2000xi32, #tpu.memory_space<hbm>> -> memref<2000xi32, #tpu.memory_space<hbm>>
    tpu.enqueue_dma source(%dma_start3A_10 : memref<2000xi32, #tpu.memory_space<hbm>>) target(%arg6 : memref<2000xi32, #tpu.memory_space<vmem>>) target_semaphore(%arg19 : memref<!tpu.dma_semaphore, #tpu.memory_space<semaphore_mem>>)
    %dma_start3A_11 = arith.constant 1 : i32
    %dma_start3A_12 = tpu.memref_slice %arg3[%dma_start3A_11, %mul3A_6] : memref<2x320000xi32, #tpu.memory_space<hbm>> -> memref<1x2000xi32, #tpu.memory_space<hbm>>
    %dma_start3A_13 = tpu.memref_squeeze %dma_start3A_12 : memref<1x2000xi32, #tpu.memory_space<hbm>> -> memref<2000xi32, #tpu.memory_space<hbm>>
    %dma_start3A_14 = tpu.memref_slice %arg3[%dma_start3A_11, %mul3A_6] : memref<2x320000xi32, #tpu.memory_space<hbm>> -> memref<1x2000xi32, #tpu.memory_space<hbm>>
    %dma_start3A_15 = tpu.memref_squeeze %dma_start3A_14 : memref<1x2000xi32, #tpu.memory_space<hbm>> -> memref<2000xi32, #tpu.memory_space<hbm>>
    tpu.enqueue_dma source(%dma_start3A_15 : memref<2000xi32, #tpu.memory_space<hbm>>) target(%arg11 : memref<2000xi32, #tpu.memory_space<vmem>>) target_semaphore(%arg19 : memref<!tpu.dma_semaphore, #tpu.memory_space<semaphore_mem>>)
    %mul3A_16 = arith.constant 5 : i32
    %mul3A_17 = arith.muli %add3A, %mul3A_16 : i32
    %add3A_18 = arith.constant 1 : i32
    %add3A_19 = arith.addi %mul3A_17, %add3A_18 : i32
    %mul3A_20 = arith.constant 2000 : i32
    %mul3A_21 = arith.muli %add3A_19, %mul3A_20 : i32
    %dma_start3A_22 = arith.constant 0 : i32
    %dma_start3A_23 = tpu.memref_slice %arg3[%dma_start3A_22, %mul3A_21] : memref<2x320000xi32, #tpu.memory_space<hbm>> -> memref<1x2000xi32, #tpu.memory_space<hbm>>
    %dma_start3A_24 = tpu.memref_squeeze %dma_start3A_23 : memref<1x2000xi32, #tpu.memory_space<hbm>> -> memref<2000xi32, #tpu.memory_space<hbm>>
    %dma_start3A_25 = tpu.memref_slice %arg3[%dma_start3A_22, %mul3A_21] : memref<2x320000xi32, #tpu.memory_space<hbm>> -> memref<1x2000xi32, #tpu.memory_space<hbm>>
    %dma_start3A_26 = tpu.memref_squeeze %dma_start3A_25 : memref<1x2000xi32, #tpu.memory_space<hbm>> -> memref<2000xi32, #tpu.memory_space<hbm>>
    tpu.enqueue_dma source(%dma_start3A_26 : memref<2000xi32, #tpu.memory_space<hbm>>) target(%arg7 : memref<2000xi32, #tpu.memory_space<vmem>>) target_semaphore(%arg19 : memref<!tpu.dma_semaphore, #tpu.memory_space<semaphore_mem>>)
    %dma_start3A_27 = arith.constant 1 : i32
    %dma_start3A_28 = tpu.memref_slice %arg3[%dma_start3A_27, %mul3A_21] : memref<2x320000xi32, #tpu.memory_space<hbm>> -> memref<1x2000xi32, #tpu.memory_space<hbm>>
    %dma_start3A_29 = tpu.memref_squeeze %dma_start3A_28 : memref<1x2000xi32, #tpu.memory_space<hbm>> -> memref<2000xi32, #tpu.memory_space<hbm>>
    %dma_start3A_30 = tpu.memref_slice %arg3[%dma_start3A_27, %mul3A_21] : memref<2x320000xi32, #tpu.memory_space<hbm>> -> memref<1x2000xi32, #tpu.memory_space<hbm>>
    %dma_start3A_31 = tpu.memref_squeeze %dma_start3A_30 : memref<1x2000xi32, #tpu.memory_space<hbm>> -> memref<2000xi32, #tpu.memory_space<hbm>>
    tpu.enqueue_dma source(%dma_start3A_31 : memref<2000xi32, #tpu.memory_space<hbm>>) target(%arg12 : memref<2000xi32, #tpu.memory_space<vmem>>) target_semaphore(%arg19 : memref<!tpu.dma_semaphore, #tpu.memory_space<semaphore_mem>>)
    %mul3A_32 = arith.constant 5 : i32
    %mul3A_33 = arith.muli %add3A, %mul3A_32 : i32
    %add3A_34 = arith.constant 2 : i32
    %add3A_35 = arith.addi %mul3A_33, %add3A_34 : i32
    %mul3A_36 = arith.constant 2000 : i32
    %mul3A_37 = arith.muli %add3A_35, %mul3A_36 : i32
    %dma_start3A_38 = arith.constant 0 : i32
    %dma_start3A_39 = tpu.memref_slice %arg3[%dma_start3A_38, %mul3A_37] : memref<2x320000xi32, #tpu.memory_space<hbm>> -> memref<1x2000xi32, #tpu.memory_space<hbm>>
    %dma_start3A_40 = tpu.memref_squeeze %dma_start3A_39 : memref<1x2000xi32, #tpu.memory_space<hbm>> -> memref<2000xi32, #tpu.memory_space<hbm>>
    %dma_start3A_41 = tpu.memref_slice %arg3[%dma_start3A_38, %mul3A_37] : memref<2x320000xi32, #tpu.memory_space<hbm>> -> memref<1x2000xi32, #tpu.memory_space<hbm>>
    %dma_start3A_42 = tpu.memref_squeeze %dma_start3A_41 : memref<1x2000xi32, #tpu.memory_space<hbm>> -> memref<2000xi32, #tpu.memory_space<hbm>>
    tpu.enqueue_dma source(%dma_start3A_42 : memref<2000xi32, #tpu.memory_space<hbm>>) target(%arg8 : memref<2000xi32, #tpu.memory_space<vmem>>) target_semaphore(%arg19 : memref<!tpu.dma_semaphore, #tpu.memory_space<semaphore_mem>>)
    %dma_start3A_43 = arith.constant 1 : i32
    %dma_start3A_44 = tpu.memref_slice %arg3[%dma_start3A_43, %mul3A_37] : memref<2x320000xi32, #tpu.memory_space<hbm>> -> memref<1x2000xi32, #tpu.memory_space<hbm>>
    %dma_start3A_45 = tpu.memref_squeeze %dma_start3A_44 : memref<1x2000xi32, #tpu.memory_space<hbm>> -> memref<2000xi32, #tpu.memory_space<hbm>>
    %dma_start3A_46 = tpu.memref_slice %arg3[%dma_start3A_43, %mul3A_37] : memref<2x320000xi32, #tpu.memory_space<hbm>> -> memref<1x2000xi32, #tpu.memory_space<hbm>>
    %dma_start3A_47 = tpu.memref_squeeze %dma_start3A_46 : memref<1x2000xi32, #tpu.memory_space<hbm>> -> memref<2000xi32, #tpu.memory_space<hbm>>
    tpu.enqueue_dma source(%dma_start3A_47 : memref<2000xi32, #tpu.memory_space<hbm>>) target(%arg13 : memref<2000xi32, #tpu.memory_space<vmem>>) target_semaphore(%arg19 : memref<!tpu.dma_semaphore, #tpu.memory_space<semaphore_mem>>)
    %mul3A_48 = arith.constant 5 : i32
    %mul3A_49 = arith.muli %add3A, %mul3A_48 : i32
    %add3A_50 = arith.constant 3 : i32
    %add3A_51 = arith.addi %mul3A_49, %add3A_50 : i32
    %mul3A_52 = arith.constant 2000 : i32
    %mul3A_53 = arith.muli %add3A_51, %mul3A_52 : i32
    %dma_start3A_54 = arith.constant 0 : i32
    %dma_start3A_55 = tpu.memref_slice %arg3[%dma_start3A_54, %mul3A_53] : memref<2x320000xi32, #tpu.memory_space<hbm>> -> memref<1x2000xi32, #tpu.memory_space<hbm>>
    %dma_start3A_56 = tpu.memref_squeeze %dma_start3A_55 : memref<1x2000xi32, #tpu.memory_space<hbm>> -> memref<2000xi32, #tpu.memory_space<hbm>>
    %dma_start3A_57 = tpu.memref_slice %arg3[%dma_start3A_54, %mul3A_53] : memref<2x320000xi32, #tpu.memory_space<hbm>> -> memref<1x2000xi32, #tpu.memory_space<hbm>>
    %dma_start3A_58 = tpu.memref_squeeze %dma_start3A_57 : memref<1x2000xi32, #tpu.memory_space<hbm>> -> memref<2000xi32, #tpu.memory_space<hbm>>
    tpu.enqueue_dma source(%dma_start3A_58 : memref<2000xi32, #tpu.memory_space<hbm>>) target(%arg9 : memref<2000xi32, #tpu.memory_space<vmem>>) target_semaphore(%arg19 : memref<!tpu.dma_semaphore, #tpu.memory_space<semaphore_mem>>)
    %dma_start3A_59 = arith.constant 1 : i32
    %dma_start3A_60 = tpu.memref_slice %arg3[%dma_start3A_59, %mul3A_53] : memref<2x320000xi32, #tpu.memory_space<hbm>> -> memref<1x2000xi32, #tpu.memory_space<hbm>>
    %dma_start3A_61 = tpu.memref_squeeze %dma_start3A_60 : memref<1x2000xi32, #tpu.memory_space<hbm>> -> memref<2000xi32, #tpu.memory_space<hbm>>
    %dma_start3A_62 = tpu.memref_slice %arg3[%dma_start3A_59, %mul3A_53] : memref<2x320000xi32, #tpu.memory_space<hbm>> -> memref<1x2000xi32, #tpu.memory_space<hbm>>
    %dma_start3A_63 = tpu.memref_squeeze %dma_start3A_62 : memref<1x2000xi32, #tpu.memory_space<hbm>> -> memref<2000xi32, #tpu.memory_space<hbm>>
    tpu.enqueue_dma source(%dma_start3A_63 : memref<2000xi32, #tpu.memory_space<hbm>>) target(%arg14 : memref<2000xi32, #tpu.memory_space<vmem>>) target_semaphore(%arg19 : memref<!tpu.dma_semaphore, #tpu.memory_space<semaphore_mem>>)
    %mul3A_64 = arith.constant 5 : i32
    %mul3A_65 = arith.muli %add3A, %mul3A_64 : i32
    %add3A_66 = arith.constant 4 : i32
    %add3A_67 = arith.addi %mul3A_65, %add3A_66 : i32
    %mul3A_68 = arith.constant 2000 : i32
    %mul3A_69 = arith.muli %add3A_67, %mul3A_68 : i32
    %dma_start3A_70 = arith.constant 0 : i32
    %dma_start3A_71 = tpu.memref_slice %arg3[%dma_start3A_70, %mul3A_69] : memref<2x320000xi32, #tpu.memory_space<hbm>> -> memref<1x2000xi32, #tpu.memory_space<hbm>>
    %dma_start3A_72 = tpu.memref_squeeze %dma_start3A_71 : memref<1x2000xi32, #tpu.memory_space<hbm>> -> memref<2000xi32, #tpu.memory_space<hbm>>
    %dma_start3A_73 = tpu.memref_slice %arg3[%dma_start3A_70, %mul3A_69] : memref<2x320000xi32, #tpu.memory_space<hbm>> -> memref<1x2000xi32, #tpu.memory_space<hbm>>
    %dma_start3A_74 = tpu.memref_squeeze %dma_start3A_73 : memref<1x2000xi32, #tpu.memory_space<hbm>> -> memref<2000xi32, #tpu.memory_space<hbm>>
    tpu.enqueue_dma source(%dma_start3A_74 : memref<2000xi32, #tpu.memory_space<hbm>>) target(%arg10 : memref<2000xi32, #tpu.memory_space<vmem>>) target_semaphore(%arg19 : memref<!tpu.dma_semaphore, #tpu.memory_space<semaphore_mem>>)
    %dma_start3A_75 = arith.constant 1 : i32
    %dma_start3A_76 = tpu.memref_slice %arg3[%dma_start3A_75, %mul3A_69] : memref<2x320000xi32, #tpu.memory_space<hbm>> -> memref<1x2000xi32, #tpu.memory_space<hbm>>
    %dma_start3A_77 = tpu.memref_squeeze %dma_start3A_76 : memref<1x2000xi32, #tpu.memory_space<hbm>> -> memref<2000xi32, #tpu.memory_space<hbm>>
    %dma_start3A_78 = tpu.memref_slice %arg3[%dma_start3A_75, %mul3A_69] : memref<2x320000xi32, #tpu.memory_space<hbm>> -> memref<1x2000xi32, #tpu.memory_space<hbm>>
    %dma_start3A_79 = tpu.memref_squeeze %dma_start3A_78 : memref<1x2000xi32, #tpu.memory_space<hbm>> -> memref<2000xi32, #tpu.memory_space<hbm>>
    tpu.enqueue_dma source(%dma_start3A_79 : memref<2000xi32, #tpu.memory_space<hbm>>) target(%arg15 : memref<2000xi32, #tpu.memory_space<vmem>>) target_semaphore(%arg19 : memref<!tpu.dma_semaphore, #tpu.memory_space<semaphore_mem>>)
    %mul3A_80 = arith.constant 624 : i32
    %mul3A_81 = arith.muli %arg1, %mul3A_80 : i32
    "tpu.region"() ({
      %run_scoped3A = tpu.sem_alloc : memref<!tpu.dma_semaphore, #tpu.memory_space<semaphore_mem>>
      %dma_start3A_201 = arith.constant 0 : i32
      %dma_start3A_202 = tpu.memref_slice %arg18[%mul3A_81, %dma_start3A_201] : memref<10000x16xf32, #tpu.memory_space<vmem_shared>> -> memref<624x16xf32, #tpu.memory_space<vmem_shared>>
      %dma_start3A_203 = arith.constant 0 : i32
      %dma_start3A_204 = tpu.memref_slice %arg4[%mul3A_81, %dma_start3A_203] : memref<10000x16xf32, #tpu.memory_space<hbm>> -> memref<624x16xf32, #tpu.memory_space<hbm>>
      tpu.enqueue_dma source(%dma_start3A_204 : memref<624x16xf32, #tpu.memory_space<hbm>>) target(%dma_start3A_202 : memref<624x16xf32, #tpu.memory_space<vmem_shared>>) target_semaphore(%run_scoped3A : memref<!tpu.dma_semaphore, #tpu.memory_space<semaphore_mem>>)
      %dma_wait3A_205 = arith.constant 0 : i32
      %dma_wait3A_206 = tpu.memref_slice %arg18[%mul3A_81, %dma_wait3A_205] : memref<10000x16xf32, #tpu.memory_space<vmem_shared>> -> memref<624x16xf32, #tpu.memory_space<vmem_shared>>
      %dma_wait3A_207 = arith.constant 0 : i32
      %dma_wait3A_208 = tpu.memref_slice %arg4[%mul3A_81, %dma_wait3A_207] : memref<10000x16xf32, #tpu.memory_space<hbm>> -> memref<624x16xf32, #tpu.memory_space<hbm>>
      tpu.wait_dma2 semaphore(%run_scoped3A : memref<!tpu.dma_semaphore, #tpu.memory_space<semaphore_mem>>) src(%dma_wait3A_208 : memref<624x16xf32, #tpu.memory_space<hbm>>) dst(%dma_wait3A_206 : memref<624x16xf32, #tpu.memory_space<vmem_shared>>)
      tpu.yield
    }) : () -> ()
    %eq3A = arith.constant 0 : i32
    %eq3A_82 = arith.cmpi eq, %arg1, %eq3A : i32
    %convert_element_type3A = arith.extui %eq3A_82 : i1 to i32
    %cond3A = arith.constant 0 : i32
    %cond3A_83 = arith.cmpi ne, %convert_element_type3A, %cond3A : i32
    scf.if %cond3A_83 {
      "tpu.region"() ({
        %run_scoped3A = tpu.sem_alloc : memref<!tpu.dma_semaphore, #tpu.memory_space<semaphore_mem>>
        %dma_start3A_201 = arith.constant 9984 : i32
        %dma_start3A_202 = arith.constant 0 : i32
        %dma_start3A_203 = tpu.memref_slice %arg18[%dma_start3A_201, %dma_start3A_202] : memref<10000x16xf32, #tpu.memory_space<vmem_shared>> -> memref<16x16xf32, #tpu.memory_space<vmem_shared>>
        %dma_start3A_204 = arith.constant 9984 : i32
        %dma_start3A_205 = arith.constant 0 : i32
        %dma_start3A_206 = tpu.memref_slice %arg4[%dma_start3A_204, %dma_start3A_205] : memref<10000x16xf32, #tpu.memory_space<hbm>> -> memref<16x16xf32, #tpu.memory_space<hbm>>
        tpu.enqueue_dma source(%dma_start3A_206 : memref<16x16xf32, #tpu.memory_space<hbm>>) target(%dma_start3A_203 : memref<16x16xf32, #tpu.memory_space<vmem_shared>>) target_semaphore(%run_scoped3A : memref<!tpu.dma_semaphore, #tpu.memory_space<semaphore_mem>>)
        %dma_wait3A_207 = arith.constant 9984 : i32
        %dma_wait3A_208 = arith.constant 0 : i32
        %dma_wait3A_209 = tpu.memref_slice %arg18[%dma_wait3A_207, %dma_wait3A_208] : memref<10000x16xf32, #tpu.memory_space<vmem_shared>> -> memref<16x16xf32, #tpu.memory_space<vmem_shared>>
        %dma_wait3A_210 = arith.constant 9984 : i32
        %dma_wait3A_211 = arith.constant 0 : i32
        %dma_wait3A_212 = tpu.memref_slice %arg4[%dma_wait3A_210, %dma_wait3A_211] : memref<10000x16xf32, #tpu.memory_space<hbm>> -> memref<16x16xf32, #tpu.memory_space<hbm>>
        tpu.wait_dma2 semaphore(%run_scoped3A : memref<!tpu.dma_semaphore, #tpu.memory_space<semaphore_mem>>) src(%dma_wait3A_212 : memref<16x16xf32, #tpu.memory_space<hbm>>) dst(%dma_wait3A_209 : memref<16x16xf32, #tpu.memory_space<vmem_shared>>)
        tpu.yield
      }) : () -> ()
    } else {
    }
    %dma_wait3A = arith.constant 0 : i32
    %dma_wait3A_84 = tpu.memref_slice %arg3[%dma_wait3A, %mul3A_6] : memref<2x320000xi32, #tpu.memory_space<hbm>> -> memref<1x2000xi32, #tpu.memory_space<hbm>>
    %dma_wait3A_85 = tpu.memref_squeeze %dma_wait3A_84 : memref<1x2000xi32, #tpu.memory_space<hbm>> -> memref<2000xi32, #tpu.memory_space<hbm>>
    %dma_wait3A_86 = tpu.memref_slice %arg3[%dma_wait3A, %mul3A_6] : memref<2x320000xi32, #tpu.memory_space<hbm>> -> memref<1x2000xi32, #tpu.memory_space<hbm>>
    %dma_wait3A_87 = tpu.memref_squeeze %dma_wait3A_86 : memref<1x2000xi32, #tpu.memory_space<hbm>> -> memref<2000xi32, #tpu.memory_space<hbm>>
    tpu.wait_dma2 semaphore(%arg19 : memref<!tpu.dma_semaphore, #tpu.memory_space<semaphore_mem>>) src(%dma_wait3A_87 : memref<2000xi32, #tpu.memory_space<hbm>>) dst(%arg6 : memref<2000xi32, #tpu.memory_space<vmem>>)
    %dma_wait3A_88 = arith.constant 1 : i32
    %dma_wait3A_89 = tpu.memref_slice %arg3[%dma_wait3A_88, %mul3A_6] : memref<2x320000xi32, #tpu.memory_space<hbm>> -> memref<1x2000xi32, #tpu.memory_space<hbm>>
    %dma_wait3A_90 = tpu.memref_squeeze %dma_wait3A_89 : memref<1x2000xi32, #tpu.memory_space<hbm>> -> memref<2000xi32, #tpu.memory_space<hbm>>
    %dma_wait3A_91 = tpu.memref_slice %arg3[%dma_wait3A_88, %mul3A_6] : memref<2x320000xi32, #tpu.memory_space<hbm>> -> memref<1x2000xi32, #tpu.memory_space<hbm>>
    %dma_wait3A_92 = tpu.memref_squeeze %dma_wait3A_91 : memref<1x2000xi32, #tpu.memory_space<hbm>> -> memref<2000xi32, #tpu.memory_space<hbm>>
    tpu.wait_dma2 semaphore(%arg19 : memref<!tpu.dma_semaphore, #tpu.memory_space<semaphore_mem>>) src(%dma_wait3A_92 : memref<2000xi32, #tpu.memory_space<hbm>>) dst(%arg11 : memref<2000xi32, #tpu.memory_space<vmem>>)
    %dma_wait3A_93 = arith.constant 0 : i32
    %dma_wait3A_94 = tpu.memref_slice %arg3[%dma_wait3A_93, %mul3A_21] : memref<2x320000xi32, #tpu.memory_space<hbm>> -> memref<1x2000xi32, #tpu.memory_space<hbm>>
    %dma_wait3A_95 = tpu.memref_squeeze %dma_wait3A_94 : memref<1x2000xi32, #tpu.memory_space<hbm>> -> memref<2000xi32, #tpu.memory_space<hbm>>
    %dma_wait3A_96 = tpu.memref_slice %arg3[%dma_wait3A_93, %mul3A_21] : memref<2x320000xi32, #tpu.memory_space<hbm>> -> memref<1x2000xi32, #tpu.memory_space<hbm>>
    %dma_wait3A_97 = tpu.memref_squeeze %dma_wait3A_96 : memref<1x2000xi32, #tpu.memory_space<hbm>> -> memref<2000xi32, #tpu.memory_space<hbm>>
    tpu.wait_dma2 semaphore(%arg19 : memref<!tpu.dma_semaphore, #tpu.memory_space<semaphore_mem>>) src(%dma_wait3A_97 : memref<2000xi32, #tpu.memory_space<hbm>>) dst(%arg7 : memref<2000xi32, #tpu.memory_space<vmem>>)
    %dma_wait3A_98 = arith.constant 1 : i32
    %dma_wait3A_99 = tpu.memref_slice %arg3[%dma_wait3A_98, %mul3A_21] : memref<2x320000xi32, #tpu.memory_space<hbm>> -> memref<1x2000xi32, #tpu.memory_space<hbm>>
    %dma_wait3A_100 = tpu.memref_squeeze %dma_wait3A_99 : memref<1x2000xi32, #tpu.memory_space<hbm>> -> memref<2000xi32, #tpu.memory_space<hbm>>
    %dma_wait3A_101 = tpu.memref_slice %arg3[%dma_wait3A_98, %mul3A_21] : memref<2x320000xi32, #tpu.memory_space<hbm>> -> memref<1x2000xi32, #tpu.memory_space<hbm>>
    %dma_wait3A_102 = tpu.memref_squeeze %dma_wait3A_101 : memref<1x2000xi32, #tpu.memory_space<hbm>> -> memref<2000xi32, #tpu.memory_space<hbm>>
    tpu.wait_dma2 semaphore(%arg19 : memref<!tpu.dma_semaphore, #tpu.memory_space<semaphore_mem>>) src(%dma_wait3A_102 : memref<2000xi32, #tpu.memory_space<hbm>>) dst(%arg12 : memref<2000xi32, #tpu.memory_space<vmem>>)
    %dma_wait3A_103 = arith.constant 0 : i32
    %dma_wait3A_104 = tpu.memref_slice %arg3[%dma_wait3A_103, %mul3A_37] : memref<2x320000xi32, #tpu.memory_space<hbm>> -> memref<1x2000xi32, #tpu.memory_space<hbm>>
    %dma_wait3A_105 = tpu.memref_squeeze %dma_wait3A_104 : memref<1x2000xi32, #tpu.memory_space<hbm>> -> memref<2000xi32, #tpu.memory_space<hbm>>
    %dma_wait3A_106 = tpu.memref_slice %arg3[%dma_wait3A_103, %mul3A_37] : memref<2x320000xi32, #tpu.memory_space<hbm>> -> memref<1x2000xi32, #tpu.memory_space<hbm>>
    %dma_wait3A_107 = tpu.memref_squeeze %dma_wait3A_106 : memref<1x2000xi32, #tpu.memory_space<hbm>> -> memref<2000xi32, #tpu.memory_space<hbm>>
    tpu.wait_dma2 semaphore(%arg19 : memref<!tpu.dma_semaphore, #tpu.memory_space<semaphore_mem>>) src(%dma_wait3A_107 : memref<2000xi32, #tpu.memory_space<hbm>>) dst(%arg8 : memref<2000xi32, #tpu.memory_space<vmem>>)
    %dma_wait3A_108 = arith.constant 1 : i32
    %dma_wait3A_109 = tpu.memref_slice %arg3[%dma_wait3A_108, %mul3A_37] : memref<2x320000xi32, #tpu.memory_space<hbm>> -> memref<1x2000xi32, #tpu.memory_space<hbm>>
    %dma_wait3A_110 = tpu.memref_squeeze %dma_wait3A_109 : memref<1x2000xi32, #tpu.memory_space<hbm>> -> memref<2000xi32, #tpu.memory_space<hbm>>
    %dma_wait3A_111 = tpu.memref_slice %arg3[%dma_wait3A_108, %mul3A_37] : memref<2x320000xi32, #tpu.memory_space<hbm>> -> memref<1x2000xi32, #tpu.memory_space<hbm>>
    %dma_wait3A_112 = tpu.memref_squeeze %dma_wait3A_111 : memref<1x2000xi32, #tpu.memory_space<hbm>> -> memref<2000xi32, #tpu.memory_space<hbm>>
    tpu.wait_dma2 semaphore(%arg19 : memref<!tpu.dma_semaphore, #tpu.memory_space<semaphore_mem>>) src(%dma_wait3A_112 : memref<2000xi32, #tpu.memory_space<hbm>>) dst(%arg13 : memref<2000xi32, #tpu.memory_space<vmem>>)
    %dma_wait3A_113 = arith.constant 0 : i32
    %dma_wait3A_114 = tpu.memref_slice %arg3[%dma_wait3A_113, %mul3A_53] : memref<2x320000xi32, #tpu.memory_space<hbm>> -> memref<1x2000xi32, #tpu.memory_space<hbm>>
    %dma_wait3A_115 = tpu.memref_squeeze %dma_wait3A_114 : memref<1x2000xi32, #tpu.memory_space<hbm>> -> memref<2000xi32, #tpu.memory_space<hbm>>
    %dma_wait3A_116 = tpu.memref_slice %arg3[%dma_wait3A_113, %mul3A_53] : memref<2x320000xi32, #tpu.memory_space<hbm>> -> memref<1x2000xi32, #tpu.memory_space<hbm>>
    %dma_wait3A_117 = tpu.memref_squeeze %dma_wait3A_116 : memref<1x2000xi32, #tpu.memory_space<hbm>> -> memref<2000xi32, #tpu.memory_space<hbm>>
    tpu.wait_dma2 semaphore(%arg19 : memref<!tpu.dma_semaphore, #tpu.memory_space<semaphore_mem>>) src(%dma_wait3A_117 : memref<2000xi32, #tpu.memory_space<hbm>>) dst(%arg9 : memref<2000xi32, #tpu.memory_space<vmem>>)
    %dma_wait3A_118 = arith.constant 1 : i32
    %dma_wait3A_119 = tpu.memref_slice %arg3[%dma_wait3A_118, %mul3A_53] : memref<2x320000xi32, #tpu.memory_space<hbm>> -> memref<1x2000xi32, #tpu.memory_space<hbm>>
    %dma_wait3A_120 = tpu.memref_squeeze %dma_wait3A_119 : memref<1x2000xi32, #tpu.memory_space<hbm>> -> memref<2000xi32, #tpu.memory_space<hbm>>
    %dma_wait3A_121 = tpu.memref_slice %arg3[%dma_wait3A_118, %mul3A_53] : memref<2x320000xi32, #tpu.memory_space<hbm>> -> memref<1x2000xi32, #tpu.memory_space<hbm>>
    %dma_wait3A_122 = tpu.memref_squeeze %dma_wait3A_121 : memref<1x2000xi32, #tpu.memory_space<hbm>> -> memref<2000xi32, #tpu.memory_space<hbm>>
    tpu.wait_dma2 semaphore(%arg19 : memref<!tpu.dma_semaphore, #tpu.memory_space<semaphore_mem>>) src(%dma_wait3A_122 : memref<2000xi32, #tpu.memory_space<hbm>>) dst(%arg14 : memref<2000xi32, #tpu.memory_space<vmem>>)
    %dma_wait3A_123 = arith.constant 0 : i32
    %dma_wait3A_124 = tpu.memref_slice %arg3[%dma_wait3A_123, %mul3A_69] : memref<2x320000xi32, #tpu.memory_space<hbm>> -> memref<1x2000xi32, #tpu.memory_space<hbm>>
    %dma_wait3A_125 = tpu.memref_squeeze %dma_wait3A_124 : memref<1x2000xi32, #tpu.memory_space<hbm>> -> memref<2000xi32, #tpu.memory_space<hbm>>
    %dma_wait3A_126 = tpu.memref_slice %arg3[%dma_wait3A_123, %mul3A_69] : memref<2x320000xi32, #tpu.memory_space<hbm>> -> memref<1x2000xi32, #tpu.memory_space<hbm>>
    %dma_wait3A_127 = tpu.memref_squeeze %dma_wait3A_126 : memref<1x2000xi32, #tpu.memory_space<hbm>> -> memref<2000xi32, #tpu.memory_space<hbm>>
    tpu.wait_dma2 semaphore(%arg19 : memref<!tpu.dma_semaphore, #tpu.memory_space<semaphore_mem>>) src(%dma_wait3A_127 : memref<2000xi32, #tpu.memory_space<hbm>>) dst(%arg10 : memref<2000xi32, #tpu.memory_space<vmem>>)
    %dma_wait3A_128 = arith.constant 1 : i32
    %dma_wait3A_129 = tpu.memref_slice %arg3[%dma_wait3A_128, %mul3A_69] : memref<2x320000xi32, #tpu.memory_space<hbm>> -> memref<1x2000xi32, #tpu.memory_space<hbm>>
    %dma_wait3A_130 = tpu.memref_squeeze %dma_wait3A_129 : memref<1x2000xi32, #tpu.memory_space<hbm>> -> memref<2000xi32, #tpu.memory_space<hbm>>
    %dma_wait3A_131 = tpu.memref_slice %arg3[%dma_wait3A_128, %mul3A_69] : memref<2x320000xi32, #tpu.memory_space<hbm>> -> memref<1x2000xi32, #tpu.memory_space<hbm>>
    %dma_wait3A_132 = tpu.memref_squeeze %dma_wait3A_131 : memref<1x2000xi32, #tpu.memory_space<hbm>> -> memref<2000xi32, #tpu.memory_space<hbm>>
    tpu.wait_dma2 semaphore(%arg19 : memref<!tpu.dma_semaphore, #tpu.memory_space<semaphore_mem>>) src(%dma_wait3A_132 : memref<2000xi32, #tpu.memory_space<hbm>>) dst(%arg15 : memref<2000xi32, #tpu.memory_space<vmem>>)
    %barrier3A = arith.constant 0 : index
    tpu.barrier barrier_id(%barrier3A)
    %dma_start3A_133 = arith.constant 0 : i32
    %dma_start3A_134 = arith.constant 0 : i32
    %dma_start3A_135 = tpu.memref_slice %arg2[%dma_start3A_133, %dma_start3A_134] : memref<10000x16xf32, #tpu.memory_space<hbm>> -> memref<10000x16xf32, #tpu.memory_space<hbm>>
    tpu.enqueue_indirect_dma source(%dma_start3A_135 : memref<10000x16xf32, #tpu.memory_space<hbm>>) target(%arg16 : memref<2000x16xf32, #tpu.memory_space<vmem>>) offsets(%arg6 : memref<2000xi32, #tpu.memory_space<vmem>>) semaphore(%arg20 : memref<!tpu.dma_semaphore, #tpu.memory_space<semaphore_mem>>)
    %dma_start3A_136 = arith.constant 0 : i32
    %dma_start3A_137 = arith.constant 0 : i32
    %dma_start3A_138 = tpu.memref_slice %arg2[%dma_start3A_136, %dma_start3A_137] : memref<10000x16xf32, #tpu.memory_space<hbm>> -> memref<10000x16xf32, #tpu.memory_space<hbm>>
    tpu.enqueue_indirect_dma source(%dma_start3A_138 : memref<10000x16xf32, #tpu.memory_space<hbm>>) target(%arg17 : memref<2000x16xf32, #tpu.memory_space<vmem>>) offsets(%arg7 : memref<2000xi32, #tpu.memory_space<vmem>>) semaphore(%arg21 : memref<!tpu.dma_semaphore, #tpu.memory_space<semaphore_mem>>)
    %dma_wait3A_139 = arith.constant 0 : i32
    %dma_wait3A_140 = arith.constant 0 : i32
    %dma_wait3A_141 = tpu.memref_slice %arg2[%dma_wait3A_139, %dma_wait3A_140] : memref<10000x16xf32, #tpu.memory_space<hbm>> -> memref<10000x16xf32, #tpu.memory_space<hbm>>
    tpu.wait_indirect_dma semaphore(%arg20 : memref<!tpu.dma_semaphore, #tpu.memory_space<semaphore_mem>>) src(%dma_wait3A_141 : memref<10000x16xf32, #tpu.memory_space<hbm>>) dst(%arg16 : memref<2000x16xf32, #tpu.memory_space<vmem>>)
    %dma_start3A_142 = arith.constant 0 : i32
    %dma_start3A_143 = arith.constant 0 : i32
    %dma_start3A_144 = tpu.memref_slice %arg18[%dma_start3A_142, %dma_start3A_143] : memref<10000x16xf32, #tpu.memory_space<vmem_shared>> -> memref<10000x16xf32, #tpu.memory_space<vmem_shared>>
    tpu.enqueue_indirect_dma source(%arg16 : memref<2000x16xf32, #tpu.memory_space<vmem>>) target(%dma_start3A_144 : memref<10000x16xf32, #tpu.memory_space<vmem_shared>>) offsets(%arg11 : memref<2000xi32, #tpu.memory_space<vmem>>) semaphore(%arg22 : memref<!tpu.dma_semaphore, #tpu.memory_space<semaphore_mem>>) {add = true}
    %dma_wait3A_145 = arith.constant 0 : i32
    %dma_wait3A_146 = arith.constant 0 : i32
    %dma_wait3A_147 = tpu.memref_slice %arg18[%dma_wait3A_145, %dma_wait3A_146] : memref<10000x16xf32, #tpu.memory_space<vmem_shared>> -> memref<10000x16xf32, #tpu.memory_space<vmem_shared>>
    tpu.wait_indirect_dma semaphore(%arg22 : memref<!tpu.dma_semaphore, #tpu.memory_space<semaphore_mem>>) src(%arg16 : memref<2000x16xf32, #tpu.memory_space<vmem>>) dst(%dma_wait3A_147 : memref<10000x16xf32, #tpu.memory_space<vmem_shared>>)
    %dma_start3A_148 = arith.constant 0 : i32
    %dma_start3A_149 = arith.constant 0 : i32
    %dma_start3A_150 = tpu.memref_slice %arg2[%dma_start3A_148, %dma_start3A_149] : memref<10000x16xf32, #tpu.memory_space<hbm>> -> memref<10000x16xf32, #tpu.memory_space<hbm>>
    tpu.enqueue_indirect_dma source(%dma_start3A_150 : memref<10000x16xf32, #tpu.memory_space<hbm>>) target(%arg16 : memref<2000x16xf32, #tpu.memory_space<vmem>>) offsets(%arg8 : memref<2000xi32, #tpu.memory_space<vmem>>) semaphore(%arg20 : memref<!tpu.dma_semaphore, #tpu.memory_space<semaphore_mem>>)
    %dma_wait3A_151 = arith.constant 0 : i32
    %dma_wait3A_152 = arith.constant 0 : i32
    %dma_wait3A_153 = tpu.memref_slice %arg2[%dma_wait3A_151, %dma_wait3A_152] : memref<10000x16xf32, #tpu.memory_space<hbm>> -> memref<10000x16xf32, #tpu.memory_space<hbm>>
    tpu.wait_indirect_dma semaphore(%arg21 : memref<!tpu.dma_semaphore, #tpu.memory_space<semaphore_mem>>) src(%dma_wait3A_153 : memref<10000x16xf32, #tpu.memory_space<hbm>>) dst(%arg17 : memref<2000x16xf32, #tpu.memory_space<vmem>>)
    %dma_start3A_154 = arith.constant 0 : i32
    %dma_start3A_155 = arith.constant 0 : i32
    %dma_start3A_156 = tpu.memref_slice %arg18[%dma_start3A_154, %dma_start3A_155] : memref<10000x16xf32, #tpu.memory_space<vmem_shared>> -> memref<10000x16xf32, #tpu.memory_space<vmem_shared>>
    tpu.enqueue_indirect_dma source(%arg17 : memref<2000x16xf32, #tpu.memory_space<vmem>>) target(%dma_start3A_156 : memref<10000x16xf32, #tpu.memory_space<vmem_shared>>) offsets(%arg12 : memref<2000xi32, #tpu.memory_space<vmem>>) semaphore(%arg23 : memref<!tpu.dma_semaphore, #tpu.memory_space<semaphore_mem>>) {add = true}
    %dma_wait3A_157 = arith.constant 0 : i32
    %dma_wait3A_158 = arith.constant 0 : i32
    %dma_wait3A_159 = tpu.memref_slice %arg18[%dma_wait3A_157, %dma_wait3A_158] : memref<10000x16xf32, #tpu.memory_space<vmem_shared>> -> memref<10000x16xf32, #tpu.memory_space<vmem_shared>>
    tpu.wait_indirect_dma semaphore(%arg23 : memref<!tpu.dma_semaphore, #tpu.memory_space<semaphore_mem>>) src(%arg17 : memref<2000x16xf32, #tpu.memory_space<vmem>>) dst(%dma_wait3A_159 : memref<10000x16xf32, #tpu.memory_space<vmem_shared>>)
    %dma_start3A_160 = arith.constant 0 : i32
    %dma_start3A_161 = arith.constant 0 : i32
    %dma_start3A_162 = tpu.memref_slice %arg2[%dma_start3A_160, %dma_start3A_161] : memref<10000x16xf32, #tpu.memory_space<hbm>> -> memref<10000x16xf32, #tpu.memory_space<hbm>>
    tpu.enqueue_indirect_dma source(%dma_start3A_162 : memref<10000x16xf32, #tpu.memory_space<hbm>>) target(%arg17 : memref<2000x16xf32, #tpu.memory_space<vmem>>) offsets(%arg9 : memref<2000xi32, #tpu.memory_space<vmem>>) semaphore(%arg21 : memref<!tpu.dma_semaphore, #tpu.memory_space<semaphore_mem>>)
    %dma_wait3A_163 = arith.constant 0 : i32
    %dma_wait3A_164 = arith.constant 0 : i32
    %dma_wait3A_165 = tpu.memref_slice %arg2[%dma_wait3A_163, %dma_wait3A_164] : memref<10000x16xf32, #tpu.memory_space<hbm>> -> memref<10000x16xf32, #tpu.memory_space<hbm>>
    tpu.wait_indirect_dma semaphore(%arg20 : memref<!tpu.dma_semaphore, #tpu.memory_space<semaphore_mem>>) src(%dma_wait3A_165 : memref<10000x16xf32, #tpu.memory_space<hbm>>) dst(%arg16 : memref<2000x16xf32, #tpu.memory_space<vmem>>)
    %dma_start3A_166 = arith.constant 0 : i32
    %dma_start3A_167 = arith.constant 0 : i32
    %dma_start3A_168 = tpu.memref_slice %arg18[%dma_start3A_166, %dma_start3A_167] : memref<10000x16xf32, #tpu.memory_space<vmem_shared>> -> memref<10000x16xf32, #tpu.memory_space<vmem_shared>>
    tpu.enqueue_indirect_dma source(%arg16 : memref<2000x16xf32, #tpu.memory_space<vmem>>) target(%dma_start3A_168 : memref<10000x16xf32, #tpu.memory_space<vmem_shared>>) offsets(%arg13 : memref<2000xi32, #tpu.memory_space<vmem>>) semaphore(%arg22 : memref<!tpu.dma_semaphore, #tpu.memory_space<semaphore_mem>>) {add = true}
    %dma_wait3A_169 = arith.constant 0 : i32
    %dma_wait3A_170 = arith.constant 0 : i32
    %dma_wait3A_171 = tpu.memref_slice %arg18[%dma_wait3A_169, %dma_wait3A_170] : memref<10000x16xf32, #tpu.memory_space<vmem_shared>> -> memref<10000x16xf32, #tpu.memory_space<vmem_shared>>
    tpu.wait_indirect_dma semaphore(%arg22 : memref<!tpu.dma_semaphore, #tpu.memory_space<semaphore_mem>>) src(%arg16 : memref<2000x16xf32, #tpu.memory_space<vmem>>) dst(%dma_wait3A_171 : memref<10000x16xf32, #tpu.memory_space<vmem_shared>>)
    %dma_start3A_172 = arith.constant 0 : i32
    %dma_start3A_173 = arith.constant 0 : i32
    %dma_start3A_174 = tpu.memref_slice %arg2[%dma_start3A_172, %dma_start3A_173] : memref<10000x16xf32, #tpu.memory_space<hbm>> -> memref<10000x16xf32, #tpu.memory_space<hbm>>
    tpu.enqueue_indirect_dma source(%dma_start3A_174 : memref<10000x16xf32, #tpu.memory_space<hbm>>) target(%arg16 : memref<2000x16xf32, #tpu.memory_space<vmem>>) offsets(%arg10 : memref<2000xi32, #tpu.memory_space<vmem>>) semaphore(%arg20 : memref<!tpu.dma_semaphore, #tpu.memory_space<semaphore_mem>>)
    %dma_wait3A_175 = arith.constant 0 : i32
    %dma_wait3A_176 = arith.constant 0 : i32
    %dma_wait3A_177 = tpu.memref_slice %arg2[%dma_wait3A_175, %dma_wait3A_176] : memref<10000x16xf32, #tpu.memory_space<hbm>> -> memref<10000x16xf32, #tpu.memory_space<hbm>>
    tpu.wait_indirect_dma semaphore(%arg21 : memref<!tpu.dma_semaphore, #tpu.memory_space<semaphore_mem>>) src(%dma_wait3A_177 : memref<10000x16xf32, #tpu.memory_space<hbm>>) dst(%arg17 : memref<2000x16xf32, #tpu.memory_space<vmem>>)
    %dma_start3A_178 = arith.constant 0 : i32
    %dma_start3A_179 = arith.constant 0 : i32
    %dma_start3A_180 = tpu.memref_slice %arg18[%dma_start3A_178, %dma_start3A_179] : memref<10000x16xf32, #tpu.memory_space<vmem_shared>> -> memref<10000x16xf32, #tpu.memory_space<vmem_shared>>
    tpu.enqueue_indirect_dma source(%arg17 : memref<2000x16xf32, #tpu.memory_space<vmem>>) target(%dma_start3A_180 : memref<10000x16xf32, #tpu.memory_space<vmem_shared>>) offsets(%arg14 : memref<2000xi32, #tpu.memory_space<vmem>>) semaphore(%arg23 : memref<!tpu.dma_semaphore, #tpu.memory_space<semaphore_mem>>) {add = true}
    %dma_wait3A_181 = arith.constant 0 : i32
    %dma_wait3A_182 = arith.constant 0 : i32
    %dma_wait3A_183 = tpu.memref_slice %arg2[%dma_wait3A_181, %dma_wait3A_182] : memref<10000x16xf32, #tpu.memory_space<hbm>> -> memref<10000x16xf32, #tpu.memory_space<hbm>>
    tpu.wait_indirect_dma semaphore(%arg20 : memref<!tpu.dma_semaphore, #tpu.memory_space<semaphore_mem>>) src(%dma_wait3A_183 : memref<10000x16xf32, #tpu.memory_space<hbm>>) dst(%arg16 : memref<2000x16xf32, #tpu.memory_space<vmem>>)
    %dma_start3A_184 = arith.constant 0 : i32
    %dma_start3A_185 = arith.constant 0 : i32
    %dma_start3A_186 = tpu.memref_slice %arg18[%dma_start3A_184, %dma_start3A_185] : memref<10000x16xf32, #tpu.memory_space<vmem_shared>> -> memref<10000x16xf32, #tpu.memory_space<vmem_shared>>
    tpu.enqueue_indirect_dma source(%arg16 : memref<2000x16xf32, #tpu.memory_space<vmem>>) target(%dma_start3A_186 : memref<10000x16xf32, #tpu.memory_space<vmem_shared>>) offsets(%arg15 : memref<2000xi32, #tpu.memory_space<vmem>>) semaphore(%arg22 : memref<!tpu.dma_semaphore, #tpu.memory_space<semaphore_mem>>) {add = true}
    %dma_wait3A_187 = arith.constant 0 : i32
    %dma_wait3A_188 = arith.constant 0 : i32
    %dma_wait3A_189 = tpu.memref_slice %arg18[%dma_wait3A_187, %dma_wait3A_188] : memref<10000x16xf32, #tpu.memory_space<vmem_shared>> -> memref<10000x16xf32, #tpu.memory_space<vmem_shared>>
    tpu.wait_indirect_dma semaphore(%arg23 : memref<!tpu.dma_semaphore, #tpu.memory_space<semaphore_mem>>) src(%arg17 : memref<2000x16xf32, #tpu.memory_space<vmem>>) dst(%dma_wait3A_189 : memref<10000x16xf32, #tpu.memory_space<vmem_shared>>)
    %dma_wait3A_190 = arith.constant 0 : i32
    %dma_wait3A_191 = arith.constant 0 : i32
    %dma_wait3A_192 = tpu.memref_slice %arg18[%dma_wait3A_190, %dma_wait3A_191] : memref<10000x16xf32, #tpu.memory_space<vmem_shared>> -> memref<10000x16xf32, #tpu.memory_space<vmem_shared>>
    tpu.wait_indirect_dma semaphore(%arg22 : memref<!tpu.dma_semaphore, #tpu.memory_space<semaphore_mem>>) src(%arg16 : memref<2000x16xf32, #tpu.memory_space<vmem>>) dst(%dma_wait3A_192 : memref<10000x16xf32, #tpu.memory_space<vmem_shared>>)
    %barrier3A_193 = arith.constant 0 : index
    tpu.barrier barrier_id(%barrier3A_193)
    %mul3A_194 = arith.constant 624 : i32
    %mul3A_195 = arith.muli %arg1, %mul3A_194 : i32
    "tpu.region"() ({
      %run_scoped3A = tpu.sem_alloc : memref<!tpu.dma_semaphore, #tpu.memory_space<semaphore_mem>>
      %dma_start3A_201 = arith.constant 0 : i32
      %dma_start3A_202 = tpu.memref_slice %arg5[%arg0, %mul3A_195, %dma_start3A_201] : memref<2x10000x16xf32, #tpu.memory_space<hbm>> -> memref<1x624x16xf32, #tpu.memory_space<hbm>>
      %dma_start3A_203 = tpu.memref_squeeze %dma_start3A_202 : memref<1x624x16xf32, #tpu.memory_space<hbm>> -> memref<624x16xf32, #tpu.memory_space<hbm>>
      %dma_start3A_204 = arith.constant 0 : i32
      %dma_start3A_205 = tpu.memref_slice %arg18[%mul3A_195, %dma_start3A_204] : memref<10000x16xf32, #tpu.memory_space<vmem_shared>> -> memref<624x16xf32, #tpu.memory_space<vmem_shared>>
      tpu.enqueue_dma source(%dma_start3A_205 : memref<624x16xf32, #tpu.memory_space<vmem_shared>>) target(%dma_start3A_203 : memref<624x16xf32, #tpu.memory_space<hbm>>) target_semaphore(%run_scoped3A : memref<!tpu.dma_semaphore, #tpu.memory_space<semaphore_mem>>)
      %dma_wait3A_206 = arith.constant 0 : i32
      %dma_wait3A_207 = tpu.memref_slice %arg5[%arg0, %mul3A_195, %dma_wait3A_206] : memref<2x10000x16xf32, #tpu.memory_space<hbm>> -> memref<1x624x16xf32, #tpu.memory_space<hbm>>
      %dma_wait3A_208 = tpu.memref_squeeze %dma_wait3A_207 : memref<1x624x16xf32, #tpu.memory_space<hbm>> -> memref<624x16xf32, #tpu.memory_space<hbm>>
      %dma_wait3A_209 = arith.constant 0 : i32
      %dma_wait3A_210 = tpu.memref_slice %arg18[%mul3A_195, %dma_wait3A_209] : memref<10000x16xf32, #tpu.memory_space<vmem_shared>> -> memref<624x16xf32, #tpu.memory_space<vmem_shared>>
      tpu.wait_dma2 semaphore(%run_scoped3A : memref<!tpu.dma_semaphore, #tpu.memory_space<semaphore_mem>>) src(%dma_wait3A_210 : memref<624x16xf32, #tpu.memory_space<vmem_shared>>) dst(%dma_wait3A_208 : memref<624x16xf32, #tpu.memory_space<hbm>>)
      tpu.yield
    }) : () -> ()
    %eq3A_196 = arith.constant 0 : i32
    %eq3A_197 = arith.cmpi eq, %arg1, %eq3A_196 : i32
    %convert_element_type3A_198 = arith.extui %eq3A_197 : i1 to i32
    %cond3A_199 = arith.constant 0 : i32
    %cond3A_200 = arith.cmpi ne, %convert_element_type3A_198, %cond3A_199 : i32
    scf.if %cond3A_200 {
      "tpu.region"() ({
        %run_scoped3A = tpu.sem_alloc : memref<!tpu.dma_semaphore, #tpu.memory_space<semaphore_mem>>
        %dma_start3A_201 = arith.constant 9984 : i32
        %dma_start3A_202 = arith.constant 0 : i32
        %dma_start3A_203 = tpu.memref_slice %arg5[%arg0, %dma_start3A_201, %dma_start3A_202] : memref<2x10000x16xf32, #tpu.memory_space<hbm>> -> memref<1x16x16xf32, #tpu.memory_space<hbm>>
        %dma_start3A_204 = tpu.memref_squeeze %dma_start3A_203 : memref<1x16x16xf32, #tpu.memory_space<hbm>> -> memref<16x16xf32, #tpu.memory_space<hbm>>
        %dma_start3A_205 = arith.constant 9984 : i32
        %dma_start3A_206 = arith.constant 0 : i32
        %dma_start3A_207 = tpu.memref_slice %arg18[%dma_start3A_205, %dma_start3A_206] : memref<10000x16xf32, #tpu.memory_space<vmem_shared>> -> memref<16x16xf32, #tpu.memory_space<vmem_shared>>
        tpu.enqueue_dma source(%dma_start3A_207 : memref<16x16xf32, #tpu.memory_space<vmem_shared>>) target(%dma_start3A_204 : memref<16x16xf32, #tpu.memory_space<hbm>>) target_semaphore(%run_scoped3A : memref<!tpu.dma_semaphore, #tpu.memory_space<semaphore_mem>>)
        %dma_wait3A_208 = arith.constant 9984 : i32
        %dma_wait3A_209 = arith.constant 0 : i32
        %dma_wait3A_210 = tpu.memref_slice %arg5[%arg0, %dma_wait3A_208, %dma_wait3A_209] : memref<2x10000x16xf32, #tpu.memory_space<hbm>> -> memref<1x16x16xf32, #tpu.memory_space<hbm>>
        %dma_wait3A_211 = tpu.memref_squeeze %dma_wait3A_210 : memref<1x16x16xf32, #tpu.memory_space<hbm>> -> memref<16x16xf32, #tpu.memory_space<hbm>>
        %dma_wait3A_212 = arith.constant 9984 : i32
        %dma_wait3A_213 = arith.constant 0 : i32
        %dma_wait3A_214 = tpu.memref_slice %arg18[%dma_wait3A_212, %dma_wait3A_213] : memref<10000x16xf32, #tpu.memory_space<vmem_shared>> -> memref<16x16xf32, #tpu.memory_space<vmem_shared>>
        tpu.wait_dma2 semaphore(%run_scoped3A : memref<!tpu.dma_semaphore, #tpu.memory_space<semaphore_mem>>) src(%dma_wait3A_214 : memref<16x16xf32, #tpu.memory_space<vmem_shared>>) dst(%dma_wait3A_211 : memref<16x16xf32, #tpu.memory_space<hbm>>)
        tpu.yield
      }) : () -> ()
    } else {
    }
    return
  }
}

#map = affine_map<(d0, d1) -> (0, 0)>
#map1 = affine_map<(d0, d1) -> (0, 0, 0)>
module attributes {stable_mosaic.version = 14 : i64} {
  func.func @_sc_segsum_body(%arg0: i32, %arg1: i32, %arg2: memref<10000x16xf32, #tpu.memory_space<hbm>>, %arg3: memref<2x320000xi32, #tpu.memory_space<hbm>>, %arg4: memref<10000x16xf32, #tpu.memory_space<hbm>>, %arg5: memref<2x10000x16xf32, #tpu.memory_space<hbm>>, %arg6: memref<2000xi32, #tpu.memory_space<vmem>>, %arg7: memref<2000xi32, #tpu.memory_space<vmem>>, %arg8: memref<2000xi32, #tpu.memory_space<vmem>>, %arg9: memref<2000xi32, #tpu.memory_space<vmem>>, %arg10: memref<2000xi32, #tpu.memory_space<vmem>>, %arg11: memref<2000xi32, #tpu.memory_space<vmem>>, %arg12: memref<2000xi32, #tpu.memory_space<vmem>>, %arg13: memref<2000xi32, #tpu.memory_space<vmem>>, %arg14: memref<2000xi32, #tpu.memory_space<vmem>>, %arg15: memref<2000xi32, #tpu.memory_space<vmem>>, %arg16: memref<2000x16xf32, #tpu.memory_space<vmem>>, %arg17: memref<2000x16xf32, #tpu.memory_space<vmem>>, %arg18: memref<10000x16xf32, #tpu.memory_space<vmem_shared>>, %arg19: memref<!tpu.dma_semaphore, #tpu.memory_space<semaphore_mem>>, %arg20: memref<!tpu.dma_semaphore, #tpu.memory_space<semaphore_mem>>, %arg21: memref<!tpu.dma_semaphore, #tpu.memory_space<semaphore_mem>>, %arg22: memref<!tpu.dma_semaphore, #tpu.memory_space<semaphore_mem>>, %arg23: memref<!tpu.dma_semaphore, #tpu.memory_space<semaphore_mem>>) attributes {dimension_semantics = [#tpu.dimension_semantics<core_parallel>, #tpu.dimension_semantics<subcore_parallel>], iteration_bounds = array<i64: 2, 16>, scalar_prefetch = 0 : i64, scratch_operands = 18 : i64, tpu.core_type = #tpu.core_type<sc_vector_subcore>, window_params = [{transform_indices = #map}, {transform_indices = #map}, {transform_indices = #map}, {transform_indices = #map1}]} {
    %mul3A = arith.constant 16 : i32
    %mul3A_0 = arith.muli %arg0, %mul3A : i32
    %add3A = arith.addi %mul3A_0, %arg1 : i32
    %mul3A_1 = arith.constant 5 : i32
    %mul3A_2 = arith.muli %add3A, %mul3A_1 : i32
    %add3A_3 = arith.constant 0 : i32
    %add3A_4 = arith.addi %mul3A_2, %add3A_3 : i32
    %mul3A_5 = arith.constant 2000 : i32
    %mul3A_6 = arith.muli %add3A_4, %mul3A_5 : i32
    %dma_start3A = arith.constant 0 : i32
    %dma_start3A_7 = tpu.memref_slice %arg3[%dma_start3A, %mul3A_6] : memref<2x320000xi32, #tpu.memory_space<hbm>> -> memref<1x2000xi32, #tpu.memory_space<hbm>>
    %dma_start3A_8 = tpu.memref_squeeze %dma_start3A_7 : memref<1x2000xi32, #tpu.memory_space<hbm>> -> memref<2000xi32, #tpu.memory_space<hbm>>
    %dma_start3A_9 = tpu.memref_slice %arg3[%dma_start3A, %mul3A_6] : memref<2x320000xi32, #tpu.memory_space<hbm>> -> memref<1x2000xi32, #tpu.memory_space<hbm>>
    %dma_start3A_10 = tpu.memref_squeeze %dma_start3A_9 : memref<1x2000xi32, #tpu.memory_space<hbm>> -> memref<2000xi32, #tpu.memory_space<hbm>>
    tpu.enqueue_dma source(%dma_start3A_10 : memref<2000xi32, #tpu.memory_space<hbm>>) target(%arg6 : memref<2000xi32, #tpu.memory_space<vmem>>) target_semaphore(%arg19 : memref<!tpu.dma_semaphore, #tpu.memory_space<semaphore_mem>>)
    %dma_start3A_11 = arith.constant 1 : i32
    %dma_start3A_12 = tpu.memref_slice %arg3[%dma_start3A_11, %mul3A_6] : memref<2x320000xi32, #tpu.memory_space<hbm>> -> memref<1x2000xi32, #tpu.memory_space<hbm>>
    %dma_start3A_13 = tpu.memref_squeeze %dma_start3A_12 : memref<1x2000xi32, #tpu.memory_space<hbm>> -> memref<2000xi32, #tpu.memory_space<hbm>>
    %dma_start3A_14 = tpu.memref_slice %arg3[%dma_start3A_11, %mul3A_6] : memref<2x320000xi32, #tpu.memory_space<hbm>> -> memref<1x2000xi32, #tpu.memory_space<hbm>>
    %dma_start3A_15 = tpu.memref_squeeze %dma_start3A_14 : memref<1x2000xi32, #tpu.memory_space<hbm>> -> memref<2000xi32, #tpu.memory_space<hbm>>
    tpu.enqueue_dma source(%dma_start3A_15 : memref<2000xi32, #tpu.memory_space<hbm>>) target(%arg11 : memref<2000xi32, #tpu.memory_space<vmem>>) target_semaphore(%arg19 : memref<!tpu.dma_semaphore, #tpu.memory_space<semaphore_mem>>)
    %mul3A_16 = arith.constant 5 : i32
    %mul3A_17 = arith.muli %add3A, %mul3A_16 : i32
    %add3A_18 = arith.constant 1 : i32
    %add3A_19 = arith.addi %mul3A_17, %add3A_18 : i32
    %mul3A_20 = arith.constant 2000 : i32
    %mul3A_21 = arith.muli %add3A_19, %mul3A_20 : i32
    %dma_start3A_22 = arith.constant 0 : i32
    %dma_start3A_23 = tpu.memref_slice %arg3[%dma_start3A_22, %mul3A_21] : memref<2x320000xi32, #tpu.memory_space<hbm>> -> memref<1x2000xi32, #tpu.memory_space<hbm>>
    %dma_start3A_24 = tpu.memref_squeeze %dma_start3A_23 : memref<1x2000xi32, #tpu.memory_space<hbm>> -> memref<2000xi32, #tpu.memory_space<hbm>>
    %dma_start3A_25 = tpu.memref_slice %arg3[%dma_start3A_22, %mul3A_21] : memref<2x320000xi32, #tpu.memory_space<hbm>> -> memref<1x2000xi32, #tpu.memory_space<hbm>>
    %dma_start3A_26 = tpu.memref_squeeze %dma_start3A_25 : memref<1x2000xi32, #tpu.memory_space<hbm>> -> memref<2000xi32, #tpu.memory_space<hbm>>
    tpu.enqueue_dma source(%dma_start3A_26 : memref<2000xi32, #tpu.memory_space<hbm>>) target(%arg7 : memref<2000xi32, #tpu.memory_space<vmem>>) target_semaphore(%arg19 : memref<!tpu.dma_semaphore, #tpu.memory_space<semaphore_mem>>)
    %dma_start3A_27 = arith.constant 1 : i32
    %dma_start3A_28 = tpu.memref_slice %arg3[%dma_start3A_27, %mul3A_21] : memref<2x320000xi32, #tpu.memory_space<hbm>> -> memref<1x2000xi32, #tpu.memory_space<hbm>>
    %dma_start3A_29 = tpu.memref_squeeze %dma_start3A_28 : memref<1x2000xi32, #tpu.memory_space<hbm>> -> memref<2000xi32, #tpu.memory_space<hbm>>
    %dma_start3A_30 = tpu.memref_slice %arg3[%dma_start3A_27, %mul3A_21] : memref<2x320000xi32, #tpu.memory_space<hbm>> -> memref<1x2000xi32, #tpu.memory_space<hbm>>
    %dma_start3A_31 = tpu.memref_squeeze %dma_start3A_30 : memref<1x2000xi32, #tpu.memory_space<hbm>> -> memref<2000xi32, #tpu.memory_space<hbm>>
    tpu.enqueue_dma source(%dma_start3A_31 : memref<2000xi32, #tpu.memory_space<hbm>>) target(%arg12 : memref<2000xi32, #tpu.memory_space<vmem>>) target_semaphore(%arg19 : memref<!tpu.dma_semaphore, #tpu.memory_space<semaphore_mem>>)
    %mul3A_32 = arith.constant 5 : i32
    %mul3A_33 = arith.muli %add3A, %mul3A_32 : i32
    %add3A_34 = arith.constant 2 : i32
    %add3A_35 = arith.addi %mul3A_33, %add3A_34 : i32
    %mul3A_36 = arith.constant 2000 : i32
    %mul3A_37 = arith.muli %add3A_35, %mul3A_36 : i32
    %dma_start3A_38 = arith.constant 0 : i32
    %dma_start3A_39 = tpu.memref_slice %arg3[%dma_start3A_38, %mul3A_37] : memref<2x320000xi32, #tpu.memory_space<hbm>> -> memref<1x2000xi32, #tpu.memory_space<hbm>>
    %dma_start3A_40 = tpu.memref_squeeze %dma_start3A_39 : memref<1x2000xi32, #tpu.memory_space<hbm>> -> memref<2000xi32, #tpu.memory_space<hbm>>
    %dma_start3A_41 = tpu.memref_slice %arg3[%dma_start3A_38, %mul3A_37] : memref<2x320000xi32, #tpu.memory_space<hbm>> -> memref<1x2000xi32, #tpu.memory_space<hbm>>
    %dma_start3A_42 = tpu.memref_squeeze %dma_start3A_41 : memref<1x2000xi32, #tpu.memory_space<hbm>> -> memref<2000xi32, #tpu.memory_space<hbm>>
    tpu.enqueue_dma source(%dma_start3A_42 : memref<2000xi32, #tpu.memory_space<hbm>>) target(%arg8 : memref<2000xi32, #tpu.memory_space<vmem>>) target_semaphore(%arg19 : memref<!tpu.dma_semaphore, #tpu.memory_space<semaphore_mem>>)
    %dma_start3A_43 = arith.constant 1 : i32
    %dma_start3A_44 = tpu.memref_slice %arg3[%dma_start3A_43, %mul3A_37] : memref<2x320000xi32, #tpu.memory_space<hbm>> -> memref<1x2000xi32, #tpu.memory_space<hbm>>
    %dma_start3A_45 = tpu.memref_squeeze %dma_start3A_44 : memref<1x2000xi32, #tpu.memory_space<hbm>> -> memref<2000xi32, #tpu.memory_space<hbm>>
    %dma_start3A_46 = tpu.memref_slice %arg3[%dma_start3A_43, %mul3A_37] : memref<2x320000xi32, #tpu.memory_space<hbm>> -> memref<1x2000xi32, #tpu.memory_space<hbm>>
    %dma_start3A_47 = tpu.memref_squeeze %dma_start3A_46 : memref<1x2000xi32, #tpu.memory_space<hbm>> -> memref<2000xi32, #tpu.memory_space<hbm>>
    tpu.enqueue_dma source(%dma_start3A_47 : memref<2000xi32, #tpu.memory_space<hbm>>) target(%arg13 : memref<2000xi32, #tpu.memory_space<vmem>>) target_semaphore(%arg19 : memref<!tpu.dma_semaphore, #tpu.memory_space<semaphore_mem>>)
    %mul3A_48 = arith.constant 5 : i32
    %mul3A_49 = arith.muli %add3A, %mul3A_48 : i32
    %add3A_50 = arith.constant 3 : i32
    %add3A_51 = arith.addi %mul3A_49, %add3A_50 : i32
    %mul3A_52 = arith.constant 2000 : i32
    %mul3A_53 = arith.muli %add3A_51, %mul3A_52 : i32
    %dma_start3A_54 = arith.constant 0 : i32
    %dma_start3A_55 = tpu.memref_slice %arg3[%dma_start3A_54, %mul3A_53] : memref<2x320000xi32, #tpu.memory_space<hbm>> -> memref<1x2000xi32, #tpu.memory_space<hbm>>
    %dma_start3A_56 = tpu.memref_squeeze %dma_start3A_55 : memref<1x2000xi32, #tpu.memory_space<hbm>> -> memref<2000xi32, #tpu.memory_space<hbm>>
    %dma_start3A_57 = tpu.memref_slice %arg3[%dma_start3A_54, %mul3A_53] : memref<2x320000xi32, #tpu.memory_space<hbm>> -> memref<1x2000xi32, #tpu.memory_space<hbm>>
    %dma_start3A_58 = tpu.memref_squeeze %dma_start3A_57 : memref<1x2000xi32, #tpu.memory_space<hbm>> -> memref<2000xi32, #tpu.memory_space<hbm>>
    tpu.enqueue_dma source(%dma_start3A_58 : memref<2000xi32, #tpu.memory_space<hbm>>) target(%arg9 : memref<2000xi32, #tpu.memory_space<vmem>>) target_semaphore(%arg19 : memref<!tpu.dma_semaphore, #tpu.memory_space<semaphore_mem>>)
    %dma_start3A_59 = arith.constant 1 : i32
    %dma_start3A_60 = tpu.memref_slice %arg3[%dma_start3A_59, %mul3A_53] : memref<2x320000xi32, #tpu.memory_space<hbm>> -> memref<1x2000xi32, #tpu.memory_space<hbm>>
    %dma_start3A_61 = tpu.memref_squeeze %dma_start3A_60 : memref<1x2000xi32, #tpu.memory_space<hbm>> -> memref<2000xi32, #tpu.memory_space<hbm>>
    %dma_start3A_62 = tpu.memref_slice %arg3[%dma_start3A_59, %mul3A_53] : memref<2x320000xi32, #tpu.memory_space<hbm>> -> memref<1x2000xi32, #tpu.memory_space<hbm>>
    %dma_start3A_63 = tpu.memref_squeeze %dma_start3A_62 : memref<1x2000xi32, #tpu.memory_space<hbm>> -> memref<2000xi32, #tpu.memory_space<hbm>>
    tpu.enqueue_dma source(%dma_start3A_63 : memref<2000xi32, #tpu.memory_space<hbm>>) target(%arg14 : memref<2000xi32, #tpu.memory_space<vmem>>) target_semaphore(%arg19 : memref<!tpu.dma_semaphore, #tpu.memory_space<semaphore_mem>>)
    %mul3A_64 = arith.constant 5 : i32
    %mul3A_65 = arith.muli %add3A, %mul3A_64 : i32
    %add3A_66 = arith.constant 4 : i32
    %add3A_67 = arith.addi %mul3A_65, %add3A_66 : i32
    %mul3A_68 = arith.constant 2000 : i32
    %mul3A_69 = arith.muli %add3A_67, %mul3A_68 : i32
    %dma_start3A_70 = arith.constant 0 : i32
    %dma_start3A_71 = tpu.memref_slice %arg3[%dma_start3A_70, %mul3A_69] : memref<2x320000xi32, #tpu.memory_space<hbm>> -> memref<1x2000xi32, #tpu.memory_space<hbm>>
    %dma_start3A_72 = tpu.memref_squeeze %dma_start3A_71 : memref<1x2000xi32, #tpu.memory_space<hbm>> -> memref<2000xi32, #tpu.memory_space<hbm>>
    %dma_start3A_73 = tpu.memref_slice %arg3[%dma_start3A_70, %mul3A_69] : memref<2x320000xi32, #tpu.memory_space<hbm>> -> memref<1x2000xi32, #tpu.memory_space<hbm>>
    %dma_start3A_74 = tpu.memref_squeeze %dma_start3A_73 : memref<1x2000xi32, #tpu.memory_space<hbm>> -> memref<2000xi32, #tpu.memory_space<hbm>>
    tpu.enqueue_dma source(%dma_start3A_74 : memref<2000xi32, #tpu.memory_space<hbm>>) target(%arg10 : memref<2000xi32, #tpu.memory_space<vmem>>) target_semaphore(%arg19 : memref<!tpu.dma_semaphore, #tpu.memory_space<semaphore_mem>>)
    %dma_start3A_75 = arith.constant 1 : i32
    %dma_start3A_76 = tpu.memref_slice %arg3[%dma_start3A_75, %mul3A_69] : memref<2x320000xi32, #tpu.memory_space<hbm>> -> memref<1x2000xi32, #tpu.memory_space<hbm>>
    %dma_start3A_77 = tpu.memref_squeeze %dma_start3A_76 : memref<1x2000xi32, #tpu.memory_space<hbm>> -> memref<2000xi32, #tpu.memory_space<hbm>>
    %dma_start3A_78 = tpu.memref_slice %arg3[%dma_start3A_75, %mul3A_69] : memref<2x320000xi32, #tpu.memory_space<hbm>> -> memref<1x2000xi32, #tpu.memory_space<hbm>>
    %dma_start3A_79 = tpu.memref_squeeze %dma_start3A_78 : memref<1x2000xi32, #tpu.memory_space<hbm>> -> memref<2000xi32, #tpu.memory_space<hbm>>
    tpu.enqueue_dma source(%dma_start3A_79 : memref<2000xi32, #tpu.memory_space<hbm>>) target(%arg15 : memref<2000xi32, #tpu.memory_space<vmem>>) target_semaphore(%arg19 : memref<!tpu.dma_semaphore, #tpu.memory_space<semaphore_mem>>)
    %mul3A_80 = arith.constant 624 : i32
    %mul3A_81 = arith.muli %arg1, %mul3A_80 : i32
    "tpu.region"() ({
      %run_scoped3A = tpu.sem_alloc : memref<!tpu.dma_semaphore, #tpu.memory_space<semaphore_mem>>
      %dma_start3A_201 = arith.constant 0 : i32
      %dma_start3A_202 = tpu.memref_slice %arg18[%mul3A_81, %dma_start3A_201] : memref<10000x16xf32, #tpu.memory_space<vmem_shared>> -> memref<624x16xf32, #tpu.memory_space<vmem_shared>>
      %dma_start3A_203 = arith.constant 0 : i32
      %dma_start3A_204 = tpu.memref_slice %arg4[%mul3A_81, %dma_start3A_203] : memref<10000x16xf32, #tpu.memory_space<hbm>> -> memref<624x16xf32, #tpu.memory_space<hbm>>
      tpu.enqueue_dma source(%dma_start3A_204 : memref<624x16xf32, #tpu.memory_space<hbm>>) target(%dma_start3A_202 : memref<624x16xf32, #tpu.memory_space<vmem_shared>>) target_semaphore(%run_scoped3A : memref<!tpu.dma_semaphore, #tpu.memory_space<semaphore_mem>>)
      %dma_wait3A_205 = arith.constant 0 : i32
      %dma_wait3A_206 = tpu.memref_slice %arg18[%mul3A_81, %dma_wait3A_205] : memref<10000x16xf32, #tpu.memory_space<vmem_shared>> -> memref<624x16xf32, #tpu.memory_space<vmem_shared>>
      %dma_wait3A_207 = arith.constant 0 : i32
      %dma_wait3A_208 = tpu.memref_slice %arg4[%mul3A_81, %dma_wait3A_207] : memref<10000x16xf32, #tpu.memory_space<hbm>> -> memref<624x16xf32, #tpu.memory_space<hbm>>
      tpu.wait_dma2 semaphore(%run_scoped3A : memref<!tpu.dma_semaphore, #tpu.memory_space<semaphore_mem>>) src(%dma_wait3A_208 : memref<624x16xf32, #tpu.memory_space<hbm>>) dst(%dma_wait3A_206 : memref<624x16xf32, #tpu.memory_space<vmem_shared>>)
      tpu.yield
    }) : () -> ()
    %eq3A = arith.constant 0 : i32
    %eq3A_82 = arith.cmpi eq, %arg1, %eq3A : i32
    %convert_element_type3A = arith.extui %eq3A_82 : i1 to i32
    %cond3A = arith.constant 0 : i32
    %cond3A_83 = arith.cmpi ne, %convert_element_type3A, %cond3A : i32
    scf.if %cond3A_83 {
      "tpu.region"() ({
        %run_scoped3A = tpu.sem_alloc : memref<!tpu.dma_semaphore, #tpu.memory_space<semaphore_mem>>
        %dma_start3A_201 = arith.constant 9984 : i32
        %dma_start3A_202 = arith.constant 0 : i32
        %dma_start3A_203 = tpu.memref_slice %arg18[%dma_start3A_201, %dma_start3A_202] : memref<10000x16xf32, #tpu.memory_space<vmem_shared>> -> memref<16x16xf32, #tpu.memory_space<vmem_shared>>
        %dma_start3A_204 = arith.constant 9984 : i32
        %dma_start3A_205 = arith.constant 0 : i32
        %dma_start3A_206 = tpu.memref_slice %arg4[%dma_start3A_204, %dma_start3A_205] : memref<10000x16xf32, #tpu.memory_space<hbm>> -> memref<16x16xf32, #tpu.memory_space<hbm>>
        tpu.enqueue_dma source(%dma_start3A_206 : memref<16x16xf32, #tpu.memory_space<hbm>>) target(%dma_start3A_203 : memref<16x16xf32, #tpu.memory_space<vmem_shared>>) target_semaphore(%run_scoped3A : memref<!tpu.dma_semaphore, #tpu.memory_space<semaphore_mem>>)
        %dma_wait3A_207 = arith.constant 9984 : i32
        %dma_wait3A_208 = arith.constant 0 : i32
        %dma_wait3A_209 = tpu.memref_slice %arg18[%dma_wait3A_207, %dma_wait3A_208] : memref<10000x16xf32, #tpu.memory_space<vmem_shared>> -> memref<16x16xf32, #tpu.memory_space<vmem_shared>>
        %dma_wait3A_210 = arith.constant 9984 : i32
        %dma_wait3A_211 = arith.constant 0 : i32
        %dma_wait3A_212 = tpu.memref_slice %arg4[%dma_wait3A_210, %dma_wait3A_211] : memref<10000x16xf32, #tpu.memory_space<hbm>> -> memref<16x16xf32, #tpu.memory_space<hbm>>
        tpu.wait_dma2 semaphore(%run_scoped3A : memref<!tpu.dma_semaphore, #tpu.memory_space<semaphore_mem>>) src(%dma_wait3A_212 : memref<16x16xf32, #tpu.memory_space<hbm>>) dst(%dma_wait3A_209 : memref<16x16xf32, #tpu.memory_space<vmem_shared>>)
        tpu.yield
      }) : () -> ()
    } else {
    }
    %dma_wait3A = arith.constant 0 : i32
    %dma_wait3A_84 = tpu.memref_slice %arg3[%dma_wait3A, %mul3A_6] : memref<2x320000xi32, #tpu.memory_space<hbm>> -> memref<1x2000xi32, #tpu.memory_space<hbm>>
    %dma_wait3A_85 = tpu.memref_squeeze %dma_wait3A_84 : memref<1x2000xi32, #tpu.memory_space<hbm>> -> memref<2000xi32, #tpu.memory_space<hbm>>
    %dma_wait3A_86 = tpu.memref_slice %arg3[%dma_wait3A, %mul3A_6] : memref<2x320000xi32, #tpu.memory_space<hbm>> -> memref<1x2000xi32, #tpu.memory_space<hbm>>
    %dma_wait3A_87 = tpu.memref_squeeze %dma_wait3A_86 : memref<1x2000xi32, #tpu.memory_space<hbm>> -> memref<2000xi32, #tpu.memory_space<hbm>>
    tpu.wait_dma2 semaphore(%arg19 : memref<!tpu.dma_semaphore, #tpu.memory_space<semaphore_mem>>) src(%dma_wait3A_87 : memref<2000xi32, #tpu.memory_space<hbm>>) dst(%arg6 : memref<2000xi32, #tpu.memory_space<vmem>>)
    %dma_wait3A_88 = arith.constant 1 : i32
    %dma_wait3A_89 = tpu.memref_slice %arg3[%dma_wait3A_88, %mul3A_6] : memref<2x320000xi32, #tpu.memory_space<hbm>> -> memref<1x2000xi32, #tpu.memory_space<hbm>>
    %dma_wait3A_90 = tpu.memref_squeeze %dma_wait3A_89 : memref<1x2000xi32, #tpu.memory_space<hbm>> -> memref<2000xi32, #tpu.memory_space<hbm>>
    %dma_wait3A_91 = tpu.memref_slice %arg3[%dma_wait3A_88, %mul3A_6] : memref<2x320000xi32, #tpu.memory_space<hbm>> -> memref<1x2000xi32, #tpu.memory_space<hbm>>
    %dma_wait3A_92 = tpu.memref_squeeze %dma_wait3A_91 : memref<1x2000xi32, #tpu.memory_space<hbm>> -> memref<2000xi32, #tpu.memory_space<hbm>>
    tpu.wait_dma2 semaphore(%arg19 : memref<!tpu.dma_semaphore, #tpu.memory_space<semaphore_mem>>) src(%dma_wait3A_92 : memref<2000xi32, #tpu.memory_space<hbm>>) dst(%arg11 : memref<2000xi32, #tpu.memory_space<vmem>>)
    %dma_wait3A_93 = arith.constant 0 : i32
    %dma_wait3A_94 = tpu.memref_slice %arg3[%dma_wait3A_93, %mul3A_21] : memref<2x320000xi32, #tpu.memory_space<hbm>> -> memref<1x2000xi32, #tpu.memory_space<hbm>>
    %dma_wait3A_95 = tpu.memref_squeeze %dma_wait3A_94 : memref<1x2000xi32, #tpu.memory_space<hbm>> -> memref<2000xi32, #tpu.memory_space<hbm>>
    %dma_wait3A_96 = tpu.memref_slice %arg3[%dma_wait3A_93, %mul3A_21] : memref<2x320000xi32, #tpu.memory_space<hbm>> -> memref<1x2000xi32, #tpu.memory_space<hbm>>
    %dma_wait3A_97 = tpu.memref_squeeze %dma_wait3A_96 : memref<1x2000xi32, #tpu.memory_space<hbm>> -> memref<2000xi32, #tpu.memory_space<hbm>>
    tpu.wait_dma2 semaphore(%arg19 : memref<!tpu.dma_semaphore, #tpu.memory_space<semaphore_mem>>) src(%dma_wait3A_97 : memref<2000xi32, #tpu.memory_space<hbm>>) dst(%arg7 : memref<2000xi32, #tpu.memory_space<vmem>>)
    %dma_wait3A_98 = arith.constant 1 : i32
    %dma_wait3A_99 = tpu.memref_slice %arg3[%dma_wait3A_98, %mul3A_21] : memref<2x320000xi32, #tpu.memory_space<hbm>> -> memref<1x2000xi32, #tpu.memory_space<hbm>>
    %dma_wait3A_100 = tpu.memref_squeeze %dma_wait3A_99 : memref<1x2000xi32, #tpu.memory_space<hbm>> -> memref<2000xi32, #tpu.memory_space<hbm>>
    %dma_wait3A_101 = tpu.memref_slice %arg3[%dma_wait3A_98, %mul3A_21] : memref<2x320000xi32, #tpu.memory_space<hbm>> -> memref<1x2000xi32, #tpu.memory_space<hbm>>
    %dma_wait3A_102 = tpu.memref_squeeze %dma_wait3A_101 : memref<1x2000xi32, #tpu.memory_space<hbm>> -> memref<2000xi32, #tpu.memory_space<hbm>>
    tpu.wait_dma2 semaphore(%arg19 : memref<!tpu.dma_semaphore, #tpu.memory_space<semaphore_mem>>) src(%dma_wait3A_102 : memref<2000xi32, #tpu.memory_space<hbm>>) dst(%arg12 : memref<2000xi32, #tpu.memory_space<vmem>>)
    %dma_wait3A_103 = arith.constant 0 : i32
    %dma_wait3A_104 = tpu.memref_slice %arg3[%dma_wait3A_103, %mul3A_37] : memref<2x320000xi32, #tpu.memory_space<hbm>> -> memref<1x2000xi32, #tpu.memory_space<hbm>>
    %dma_wait3A_105 = tpu.memref_squeeze %dma_wait3A_104 : memref<1x2000xi32, #tpu.memory_space<hbm>> -> memref<2000xi32, #tpu.memory_space<hbm>>
    %dma_wait3A_106 = tpu.memref_slice %arg3[%dma_wait3A_103, %mul3A_37] : memref<2x320000xi32, #tpu.memory_space<hbm>> -> memref<1x2000xi32, #tpu.memory_space<hbm>>
    %dma_wait3A_107 = tpu.memref_squeeze %dma_wait3A_106 : memref<1x2000xi32, #tpu.memory_space<hbm>> -> memref<2000xi32, #tpu.memory_space<hbm>>
    tpu.wait_dma2 semaphore(%arg19 : memref<!tpu.dma_semaphore, #tpu.memory_space<semaphore_mem>>) src(%dma_wait3A_107 : memref<2000xi32, #tpu.memory_space<hbm>>) dst(%arg8 : memref<2000xi32, #tpu.memory_space<vmem>>)
    %dma_wait3A_108 = arith.constant 1 : i32
    %dma_wait3A_109 = tpu.memref_slice %arg3[%dma_wait3A_108, %mul3A_37] : memref<2x320000xi32, #tpu.memory_space<hbm>> -> memref<1x2000xi32, #tpu.memory_space<hbm>>
    %dma_wait3A_110 = tpu.memref_squeeze %dma_wait3A_109 : memref<1x2000xi32, #tpu.memory_space<hbm>> -> memref<2000xi32, #tpu.memory_space<hbm>>
    %dma_wait3A_111 = tpu.memref_slice %arg3[%dma_wait3A_108, %mul3A_37] : memref<2x320000xi32, #tpu.memory_space<hbm>> -> memref<1x2000xi32, #tpu.memory_space<hbm>>
    %dma_wait3A_112 = tpu.memref_squeeze %dma_wait3A_111 : memref<1x2000xi32, #tpu.memory_space<hbm>> -> memref<2000xi32, #tpu.memory_space<hbm>>
    tpu.wait_dma2 semaphore(%arg19 : memref<!tpu.dma_semaphore, #tpu.memory_space<semaphore_mem>>) src(%dma_wait3A_112 : memref<2000xi32, #tpu.memory_space<hbm>>) dst(%arg13 : memref<2000xi32, #tpu.memory_space<vmem>>)
    %dma_wait3A_113 = arith.constant 0 : i32
    %dma_wait3A_114 = tpu.memref_slice %arg3[%dma_wait3A_113, %mul3A_53] : memref<2x320000xi32, #tpu.memory_space<hbm>> -> memref<1x2000xi32, #tpu.memory_space<hbm>>
    %dma_wait3A_115 = tpu.memref_squeeze %dma_wait3A_114 : memref<1x2000xi32, #tpu.memory_space<hbm>> -> memref<2000xi32, #tpu.memory_space<hbm>>
    %dma_wait3A_116 = tpu.memref_slice %arg3[%dma_wait3A_113, %mul3A_53] : memref<2x320000xi32, #tpu.memory_space<hbm>> -> memref<1x2000xi32, #tpu.memory_space<hbm>>
    %dma_wait3A_117 = tpu.memref_squeeze %dma_wait3A_116 : memref<1x2000xi32, #tpu.memory_space<hbm>> -> memref<2000xi32, #tpu.memory_space<hbm>>
    tpu.wait_dma2 semaphore(%arg19 : memref<!tpu.dma_semaphore, #tpu.memory_space<semaphore_mem>>) src(%dma_wait3A_117 : memref<2000xi32, #tpu.memory_space<hbm>>) dst(%arg9 : memref<2000xi32, #tpu.memory_space<vmem>>)
    %dma_wait3A_118 = arith.constant 1 : i32
    %dma_wait3A_119 = tpu.memref_slice %arg3[%dma_wait3A_118, %mul3A_53] : memref<2x320000xi32, #tpu.memory_space<hbm>> -> memref<1x2000xi32, #tpu.memory_space<hbm>>
    %dma_wait3A_120 = tpu.memref_squeeze %dma_wait3A_119 : memref<1x2000xi32, #tpu.memory_space<hbm>> -> memref<2000xi32, #tpu.memory_space<hbm>>
    %dma_wait3A_121 = tpu.memref_slice %arg3[%dma_wait3A_118, %mul3A_53] : memref<2x320000xi32, #tpu.memory_space<hbm>> -> memref<1x2000xi32, #tpu.memory_space<hbm>>
    %dma_wait3A_122 = tpu.memref_squeeze %dma_wait3A_121 : memref<1x2000xi32, #tpu.memory_space<hbm>> -> memref<2000xi32, #tpu.memory_space<hbm>>
    tpu.wait_dma2 semaphore(%arg19 : memref<!tpu.dma_semaphore, #tpu.memory_space<semaphore_mem>>) src(%dma_wait3A_122 : memref<2000xi32, #tpu.memory_space<hbm>>) dst(%arg14 : memref<2000xi32, #tpu.memory_space<vmem>>)
    %dma_wait3A_123 = arith.constant 0 : i32
    %dma_wait3A_124 = tpu.memref_slice %arg3[%dma_wait3A_123, %mul3A_69] : memref<2x320000xi32, #tpu.memory_space<hbm>> -> memref<1x2000xi32, #tpu.memory_space<hbm>>
    %dma_wait3A_125 = tpu.memref_squeeze %dma_wait3A_124 : memref<1x2000xi32, #tpu.memory_space<hbm>> -> memref<2000xi32, #tpu.memory_space<hbm>>
    %dma_wait3A_126 = tpu.memref_slice %arg3[%dma_wait3A_123, %mul3A_69] : memref<2x320000xi32, #tpu.memory_space<hbm>> -> memref<1x2000xi32, #tpu.memory_space<hbm>>
    %dma_wait3A_127 = tpu.memref_squeeze %dma_wait3A_126 : memref<1x2000xi32, #tpu.memory_space<hbm>> -> memref<2000xi32, #tpu.memory_space<hbm>>
    tpu.wait_dma2 semaphore(%arg19 : memref<!tpu.dma_semaphore, #tpu.memory_space<semaphore_mem>>) src(%dma_wait3A_127 : memref<2000xi32, #tpu.memory_space<hbm>>) dst(%arg10 : memref<2000xi32, #tpu.memory_space<vmem>>)
    %dma_wait3A_128 = arith.constant 1 : i32
    %dma_wait3A_129 = tpu.memref_slice %arg3[%dma_wait3A_128, %mul3A_69] : memref<2x320000xi32, #tpu.memory_space<hbm>> -> memref<1x2000xi32, #tpu.memory_space<hbm>>
    %dma_wait3A_130 = tpu.memref_squeeze %dma_wait3A_129 : memref<1x2000xi32, #tpu.memory_space<hbm>> -> memref<2000xi32, #tpu.memory_space<hbm>>
    %dma_wait3A_131 = tpu.memref_slice %arg3[%dma_wait3A_128, %mul3A_69] : memref<2x320000xi32, #tpu.memory_space<hbm>> -> memref<1x2000xi32, #tpu.memory_space<hbm>>
    %dma_wait3A_132 = tpu.memref_squeeze %dma_wait3A_131 : memref<1x2000xi32, #tpu.memory_space<hbm>> -> memref<2000xi32, #tpu.memory_space<hbm>>
    tpu.wait_dma2 semaphore(%arg19 : memref<!tpu.dma_semaphore, #tpu.memory_space<semaphore_mem>>) src(%dma_wait3A_132 : memref<2000xi32, #tpu.memory_space<hbm>>) dst(%arg15 : memref<2000xi32, #tpu.memory_space<vmem>>)
    %barrier3A = arith.constant 0 : index
    tpu.barrier barrier_id(%barrier3A)
    %dma_start3A_133 = arith.constant 0 : i32
    %dma_start3A_134 = arith.constant 0 : i32
    %dma_start3A_135 = tpu.memref_slice %arg2[%dma_start3A_133, %dma_start3A_134] : memref<10000x16xf32, #tpu.memory_space<hbm>> -> memref<10000x16xf32, #tpu.memory_space<hbm>>
    tpu.enqueue_indirect_dma source(%dma_start3A_135 : memref<10000x16xf32, #tpu.memory_space<hbm>>) target(%arg16 : memref<2000x16xf32, #tpu.memory_space<vmem>>) offsets(%arg6 : memref<2000xi32, #tpu.memory_space<vmem>>) semaphore(%arg20 : memref<!tpu.dma_semaphore, #tpu.memory_space<semaphore_mem>>)
    %dma_start3A_136 = arith.constant 0 : i32
    %dma_start3A_137 = arith.constant 0 : i32
    %dma_start3A_138 = tpu.memref_slice %arg2[%dma_start3A_136, %dma_start3A_137] : memref<10000x16xf32, #tpu.memory_space<hbm>> -> memref<10000x16xf32, #tpu.memory_space<hbm>>
    tpu.enqueue_indirect_dma source(%dma_start3A_138 : memref<10000x16xf32, #tpu.memory_space<hbm>>) target(%arg17 : memref<2000x16xf32, #tpu.memory_space<vmem>>) offsets(%arg7 : memref<2000xi32, #tpu.memory_space<vmem>>) semaphore(%arg21 : memref<!tpu.dma_semaphore, #tpu.memory_space<semaphore_mem>>)
    %dma_wait3A_139 = arith.constant 0 : i32
    %dma_wait3A_140 = arith.constant 0 : i32
    %dma_wait3A_141 = tpu.memref_slice %arg2[%dma_wait3A_139, %dma_wait3A_140] : memref<10000x16xf32, #tpu.memory_space<hbm>> -> memref<10000x16xf32, #tpu.memory_space<hbm>>
    tpu.wait_indirect_dma semaphore(%arg20 : memref<!tpu.dma_semaphore, #tpu.memory_space<semaphore_mem>>) src(%dma_wait3A_141 : memref<10000x16xf32, #tpu.memory_space<hbm>>) dst(%arg16 : memref<2000x16xf32, #tpu.memory_space<vmem>>)
    %dma_start3A_142 = arith.constant 0 : i32
    %dma_start3A_143 = arith.constant 0 : i32
    %dma_start3A_144 = tpu.memref_slice %arg18[%dma_start3A_142, %dma_start3A_143] : memref<10000x16xf32, #tpu.memory_space<vmem_shared>> -> memref<10000x16xf32, #tpu.memory_space<vmem_shared>>
    tpu.enqueue_indirect_dma source(%arg16 : memref<2000x16xf32, #tpu.memory_space<vmem>>) target(%dma_start3A_144 : memref<10000x16xf32, #tpu.memory_space<vmem_shared>>) offsets(%arg11 : memref<2000xi32, #tpu.memory_space<vmem>>) semaphore(%arg22 : memref<!tpu.dma_semaphore, #tpu.memory_space<semaphore_mem>>) {add = true}
    %dma_wait3A_145 = arith.constant 0 : i32
    %dma_wait3A_146 = arith.constant 0 : i32
    %dma_wait3A_147 = tpu.memref_slice %arg18[%dma_wait3A_145, %dma_wait3A_146] : memref<10000x16xf32, #tpu.memory_space<vmem_shared>> -> memref<10000x16xf32, #tpu.memory_space<vmem_shared>>
    tpu.wait_indirect_dma semaphore(%arg22 : memref<!tpu.dma_semaphore, #tpu.memory_space<semaphore_mem>>) src(%arg16 : memref<2000x16xf32, #tpu.memory_space<vmem>>) dst(%dma_wait3A_147 : memref<10000x16xf32, #tpu.memory_space<vmem_shared>>)
    %dma_start3A_148 = arith.constant 0 : i32
    %dma_start3A_149 = arith.constant 0 : i32
    %dma_start3A_150 = tpu.memref_slice %arg2[%dma_start3A_148, %dma_start3A_149] : memref<10000x16xf32, #tpu.memory_space<hbm>> -> memref<10000x16xf32, #tpu.memory_space<hbm>>
    tpu.enqueue_indirect_dma source(%dma_start3A_150 : memref<10000x16xf32, #tpu.memory_space<hbm>>) target(%arg16 : memref<2000x16xf32, #tpu.memory_space<vmem>>) offsets(%arg8 : memref<2000xi32, #tpu.memory_space<vmem>>) semaphore(%arg20 : memref<!tpu.dma_semaphore, #tpu.memory_space<semaphore_mem>>)
    %dma_wait3A_151 = arith.constant 0 : i32
    %dma_wait3A_152 = arith.constant 0 : i32
    %dma_wait3A_153 = tpu.memref_slice %arg2[%dma_wait3A_151, %dma_wait3A_152] : memref<10000x16xf32, #tpu.memory_space<hbm>> -> memref<10000x16xf32, #tpu.memory_space<hbm>>
    tpu.wait_indirect_dma semaphore(%arg21 : memref<!tpu.dma_semaphore, #tpu.memory_space<semaphore_mem>>) src(%dma_wait3A_153 : memref<10000x16xf32, #tpu.memory_space<hbm>>) dst(%arg17 : memref<2000x16xf32, #tpu.memory_space<vmem>>)
    %dma_start3A_154 = arith.constant 0 : i32
    %dma_start3A_155 = arith.constant 0 : i32
    %dma_start3A_156 = tpu.memref_slice %arg18[%dma_start3A_154, %dma_start3A_155] : memref<10000x16xf32, #tpu.memory_space<vmem_shared>> -> memref<10000x16xf32, #tpu.memory_space<vmem_shared>>
    tpu.enqueue_indirect_dma source(%arg17 : memref<2000x16xf32, #tpu.memory_space<vmem>>) target(%dma_start3A_156 : memref<10000x16xf32, #tpu.memory_space<vmem_shared>>) offsets(%arg12 : memref<2000xi32, #tpu.memory_space<vmem>>) semaphore(%arg23 : memref<!tpu.dma_semaphore, #tpu.memory_space<semaphore_mem>>) {add = true}
    %dma_wait3A_157 = arith.constant 0 : i32
    %dma_wait3A_158 = arith.constant 0 : i32
    %dma_wait3A_159 = tpu.memref_slice %arg18[%dma_wait3A_157, %dma_wait3A_158] : memref<10000x16xf32, #tpu.memory_space<vmem_shared>> -> memref<10000x16xf32, #tpu.memory_space<vmem_shared>>
    tpu.wait_indirect_dma semaphore(%arg23 : memref<!tpu.dma_semaphore, #tpu.memory_space<semaphore_mem>>) src(%arg17 : memref<2000x16xf32, #tpu.memory_space<vmem>>) dst(%dma_wait3A_159 : memref<10000x16xf32, #tpu.memory_space<vmem_shared>>)
    %dma_start3A_160 = arith.constant 0 : i32
    %dma_start3A_161 = arith.constant 0 : i32
    %dma_start3A_162 = tpu.memref_slice %arg2[%dma_start3A_160, %dma_start3A_161] : memref<10000x16xf32, #tpu.memory_space<hbm>> -> memref<10000x16xf32, #tpu.memory_space<hbm>>
    tpu.enqueue_indirect_dma source(%dma_start3A_162 : memref<10000x16xf32, #tpu.memory_space<hbm>>) target(%arg17 : memref<2000x16xf32, #tpu.memory_space<vmem>>) offsets(%arg9 : memref<2000xi32, #tpu.memory_space<vmem>>) semaphore(%arg21 : memref<!tpu.dma_semaphore, #tpu.memory_space<semaphore_mem>>)
    %dma_wait3A_163 = arith.constant 0 : i32
    %dma_wait3A_164 = arith.constant 0 : i32
    %dma_wait3A_165 = tpu.memref_slice %arg2[%dma_wait3A_163, %dma_wait3A_164] : memref<10000x16xf32, #tpu.memory_space<hbm>> -> memref<10000x16xf32, #tpu.memory_space<hbm>>
    tpu.wait_indirect_dma semaphore(%arg20 : memref<!tpu.dma_semaphore, #tpu.memory_space<semaphore_mem>>) src(%dma_wait3A_165 : memref<10000x16xf32, #tpu.memory_space<hbm>>) dst(%arg16 : memref<2000x16xf32, #tpu.memory_space<vmem>>)
    %dma_start3A_166 = arith.constant 0 : i32
    %dma_start3A_167 = arith.constant 0 : i32
    %dma_start3A_168 = tpu.memref_slice %arg18[%dma_start3A_166, %dma_start3A_167] : memref<10000x16xf32, #tpu.memory_space<vmem_shared>> -> memref<10000x16xf32, #tpu.memory_space<vmem_shared>>
    tpu.enqueue_indirect_dma source(%arg16 : memref<2000x16xf32, #tpu.memory_space<vmem>>) target(%dma_start3A_168 : memref<10000x16xf32, #tpu.memory_space<vmem_shared>>) offsets(%arg13 : memref<2000xi32, #tpu.memory_space<vmem>>) semaphore(%arg22 : memref<!tpu.dma_semaphore, #tpu.memory_space<semaphore_mem>>) {add = true}
    %dma_wait3A_169 = arith.constant 0 : i32
    %dma_wait3A_170 = arith.constant 0 : i32
    %dma_wait3A_171 = tpu.memref_slice %arg18[%dma_wait3A_169, %dma_wait3A_170] : memref<10000x16xf32, #tpu.memory_space<vmem_shared>> -> memref<10000x16xf32, #tpu.memory_space<vmem_shared>>
    tpu.wait_indirect_dma semaphore(%arg22 : memref<!tpu.dma_semaphore, #tpu.memory_space<semaphore_mem>>) src(%arg16 : memref<2000x16xf32, #tpu.memory_space<vmem>>) dst(%dma_wait3A_171 : memref<10000x16xf32, #tpu.memory_space<vmem_shared>>)
    %dma_start3A_172 = arith.constant 0 : i32
    %dma_start3A_173 = arith.constant 0 : i32
    %dma_start3A_174 = tpu.memref_slice %arg2[%dma_start3A_172, %dma_start3A_173] : memref<10000x16xf32, #tpu.memory_space<hbm>> -> memref<10000x16xf32, #tpu.memory_space<hbm>>
    tpu.enqueue_indirect_dma source(%dma_start3A_174 : memref<10000x16xf32, #tpu.memory_space<hbm>>) target(%arg16 : memref<2000x16xf32, #tpu.memory_space<vmem>>) offsets(%arg10 : memref<2000xi32, #tpu.memory_space<vmem>>) semaphore(%arg20 : memref<!tpu.dma_semaphore, #tpu.memory_space<semaphore_mem>>)
    %dma_wait3A_175 = arith.constant 0 : i32
    %dma_wait3A_176 = arith.constant 0 : i32
    %dma_wait3A_177 = tpu.memref_slice %arg2[%dma_wait3A_175, %dma_wait3A_176] : memref<10000x16xf32, #tpu.memory_space<hbm>> -> memref<10000x16xf32, #tpu.memory_space<hbm>>
    tpu.wait_indirect_dma semaphore(%arg21 : memref<!tpu.dma_semaphore, #tpu.memory_space<semaphore_mem>>) src(%dma_wait3A_177 : memref<10000x16xf32, #tpu.memory_space<hbm>>) dst(%arg17 : memref<2000x16xf32, #tpu.memory_space<vmem>>)
    %dma_start3A_178 = arith.constant 0 : i32
    %dma_start3A_179 = arith.constant 0 : i32
    %dma_start3A_180 = tpu.memref_slice %arg18[%dma_start3A_178, %dma_start3A_179] : memref<10000x16xf32, #tpu.memory_space<vmem_shared>> -> memref<10000x16xf32, #tpu.memory_space<vmem_shared>>
    tpu.enqueue_indirect_dma source(%arg17 : memref<2000x16xf32, #tpu.memory_space<vmem>>) target(%dma_start3A_180 : memref<10000x16xf32, #tpu.memory_space<vmem_shared>>) offsets(%arg14 : memref<2000xi32, #tpu.memory_space<vmem>>) semaphore(%arg23 : memref<!tpu.dma_semaphore, #tpu.memory_space<semaphore_mem>>) {add = true}
    %dma_wait3A_181 = arith.constant 0 : i32
    %dma_wait3A_182 = arith.constant 0 : i32
    %dma_wait3A_183 = tpu.memref_slice %arg2[%dma_wait3A_181, %dma_wait3A_182] : memref<10000x16xf32, #tpu.memory_space<hbm>> -> memref<10000x16xf32, #tpu.memory_space<hbm>>
    tpu.wait_indirect_dma semaphore(%arg20 : memref<!tpu.dma_semaphore, #tpu.memory_space<semaphore_mem>>) src(%dma_wait3A_183 : memref<10000x16xf32, #tpu.memory_space<hbm>>) dst(%arg16 : memref<2000x16xf32, #tpu.memory_space<vmem>>)
    %dma_start3A_184 = arith.constant 0 : i32
    %dma_start3A_185 = arith.constant 0 : i32
    %dma_start3A_186 = tpu.memref_slice %arg18[%dma_start3A_184, %dma_start3A_185] : memref<10000x16xf32, #tpu.memory_space<vmem_shared>> -> memref<10000x16xf32, #tpu.memory_space<vmem_shared>>
    tpu.enqueue_indirect_dma source(%arg16 : memref<2000x16xf32, #tpu.memory_space<vmem>>) target(%dma_start3A_186 : memref<10000x16xf32, #tpu.memory_space<vmem_shared>>) offsets(%arg15 : memref<2000xi32, #tpu.memory_space<vmem>>) semaphore(%arg22 : memref<!tpu.dma_semaphore, #tpu.memory_space<semaphore_mem>>) {add = true}
    %dma_wait3A_187 = arith.constant 0 : i32
    %dma_wait3A_188 = arith.constant 0 : i32
    %dma_wait3A_189 = tpu.memref_slice %arg18[%dma_wait3A_187, %dma_wait3A_188] : memref<10000x16xf32, #tpu.memory_space<vmem_shared>> -> memref<10000x16xf32, #tpu.memory_space<vmem_shared>>
    tpu.wait_indirect_dma semaphore(%arg23 : memref<!tpu.dma_semaphore, #tpu.memory_space<semaphore_mem>>) src(%arg17 : memref<2000x16xf32, #tpu.memory_space<vmem>>) dst(%dma_wait3A_189 : memref<10000x16xf32, #tpu.memory_space<vmem_shared>>)
    %dma_wait3A_190 = arith.constant 0 : i32
    %dma_wait3A_191 = arith.constant 0 : i32
    %dma_wait3A_192 = tpu.memref_slice %arg18[%dma_wait3A_190, %dma_wait3A_191] : memref<10000x16xf32, #tpu.memory_space<vmem_shared>> -> memref<10000x16xf32, #tpu.memory_space<vmem_shared>>
    tpu.wait_indirect_dma semaphore(%arg22 : memref<!tpu.dma_semaphore, #tpu.memory_space<semaphore_mem>>) src(%arg16 : memref<2000x16xf32, #tpu.memory_space<vmem>>) dst(%dma_wait3A_192 : memref<10000x16xf32, #tpu.memory_space<vmem_shared>>)
    %barrier3A_193 = arith.constant 0 : index
    tpu.barrier barrier_id(%barrier3A_193)
    %mul3A_194 = arith.constant 624 : i32
    %mul3A_195 = arith.muli %arg1, %mul3A_194 : i32
    "tpu.region"() ({
      %run_scoped3A = tpu.sem_alloc : memref<!tpu.dma_semaphore, #tpu.memory_space<semaphore_mem>>
      %dma_start3A_201 = arith.constant 0 : i32
      %dma_start3A_202 = tpu.memref_slice %arg5[%arg0, %mul3A_195, %dma_start3A_201] : memref<2x10000x16xf32, #tpu.memory_space<hbm>> -> memref<1x624x16xf32, #tpu.memory_space<hbm>>
      %dma_start3A_203 = tpu.memref_squeeze %dma_start3A_202 : memref<1x624x16xf32, #tpu.memory_space<hbm>> -> memref<624x16xf32, #tpu.memory_space<hbm>>
      %dma_start3A_204 = arith.constant 0 : i32
      %dma_start3A_205 = tpu.memref_slice %arg18[%mul3A_195, %dma_start3A_204] : memref<10000x16xf32, #tpu.memory_space<vmem_shared>> -> memref<624x16xf32, #tpu.memory_space<vmem_shared>>
      tpu.enqueue_dma source(%dma_start3A_205 : memref<624x16xf32, #tpu.memory_space<vmem_shared>>) target(%dma_start3A_203 : memref<624x16xf32, #tpu.memory_space<hbm>>) target_semaphore(%run_scoped3A : memref<!tpu.dma_semaphore, #tpu.memory_space<semaphore_mem>>)
      %dma_wait3A_206 = arith.constant 0 : i32
      %dma_wait3A_207 = tpu.memref_slice %arg5[%arg0, %mul3A_195, %dma_wait3A_206] : memref<2x10000x16xf32, #tpu.memory_space<hbm>> -> memref<1x624x16xf32, #tpu.memory_space<hbm>>
      %dma_wait3A_208 = tpu.memref_squeeze %dma_wait3A_207 : memref<1x624x16xf32, #tpu.memory_space<hbm>> -> memref<624x16xf32, #tpu.memory_space<hbm>>
      %dma_wait3A_209 = arith.constant 0 : i32
      %dma_wait3A_210 = tpu.memref_slice %arg18[%mul3A_195, %dma_wait3A_209] : memref<10000x16xf32, #tpu.memory_space<vmem_shared>> -> memref<624x16xf32, #tpu.memory_space<vmem_shared>>
      tpu.wait_dma2 semaphore(%run_scoped3A : memref<!tpu.dma_semaphore, #tpu.memory_space<semaphore_mem>>) src(%dma_wait3A_210 : memref<624x16xf32, #tpu.memory_space<vmem_shared>>) dst(%dma_wait3A_208 : memref<624x16xf32, #tpu.memory_space<hbm>>)
      tpu.yield
    }) : () -> ()
    %eq3A_196 = arith.constant 0 : i32
    %eq3A_197 = arith.cmpi eq, %arg1, %eq3A_196 : i32
    %convert_element_type3A_198 = arith.extui %eq3A_197 : i1 to i32
    %cond3A_199 = arith.constant 0 : i32
    %cond3A_200 = arith.cmpi ne, %convert_element_type3A_198, %cond3A_199 : i32
    scf.if %cond3A_200 {
      "tpu.region"() ({
        %run_scoped3A = tpu.sem_alloc : memref<!tpu.dma_semaphore, #tpu.memory_space<semaphore_mem>>
        %dma_start3A_201 = arith.constant 9984 : i32
        %dma_start3A_202 = arith.constant 0 : i32
        %dma_start3A_203 = tpu.memref_slice %arg5[%arg0, %dma_start3A_201, %dma_start3A_202] : memref<2x10000x16xf32, #tpu.memory_space<hbm>> -> memref<1x16x16xf32, #tpu.memory_space<hbm>>
        %dma_start3A_204 = tpu.memref_squeeze %dma_start3A_203 : memref<1x16x16xf32, #tpu.memory_space<hbm>> -> memref<16x16xf32, #tpu.memory_space<hbm>>
        %dma_start3A_205 = arith.constant 9984 : i32
        %dma_start3A_206 = arith.constant 0 : i32
        %dma_start3A_207 = tpu.memref_slice %arg18[%dma_start3A_205, %dma_start3A_206] : memref<10000x16xf32, #tpu.memory_space<vmem_shared>> -> memref<16x16xf32, #tpu.memory_space<vmem_shared>>
        tpu.enqueue_dma source(%dma_start3A_207 : memref<16x16xf32, #tpu.memory_space<vmem_shared>>) target(%dma_start3A_204 : memref<16x16xf32, #tpu.memory_space<hbm>>) target_semaphore(%run_scoped3A : memref<!tpu.dma_semaphore, #tpu.memory_space<semaphore_mem>>)
        %dma_wait3A_208 = arith.constant 9984 : i32
        %dma_wait3A_209 = arith.constant 0 : i32
        %dma_wait3A_210 = tpu.memref_slice %arg5[%arg0, %dma_wait3A_208, %dma_wait3A_209] : memref<2x10000x16xf32, #tpu.memory_space<hbm>> -> memref<1x16x16xf32, #tpu.memory_space<hbm>>
        %dma_wait3A_211 = tpu.memref_squeeze %dma_wait3A_210 : memref<1x16x16xf32, #tpu.memory_space<hbm>> -> memref<16x16xf32, #tpu.memory_space<hbm>>
        %dma_wait3A_212 = arith.constant 9984 : i32
        %dma_wait3A_213 = arith.constant 0 : i32
        %dma_wait3A_214 = tpu.memref_slice %arg18[%dma_wait3A_212, %dma_wait3A_213] : memref<10000x16xf32, #tpu.memory_space<vmem_shared>> -> memref<16x16xf32, #tpu.memory_space<vmem_shared>>
        tpu.wait_dma2 semaphore(%run_scoped3A : memref<!tpu.dma_semaphore, #tpu.memory_space<semaphore_mem>>) src(%dma_wait3A_214 : memref<16x16xf32, #tpu.memory_space<vmem_shared>>) dst(%dma_wait3A_211 : memref<16x16xf32, #tpu.memory_space<hbm>>)
        tpu.yield
      }) : () -> ()
    } else {
    }
    return
  }
}

module attributes {stable_mosaic.version = 14 : i64} {
  func.func @_mm_body(%arg0: memref<1250x1024xf32, #tpu.memory_space<vmem>>, %arg1: memref<1024x128xf32, #tpu.memory_space<vmem>>, %arg2: memref<1250x128xf32, #tpu.memory_space<vmem>>) attributes {dimension_semantics = [], scalar_prefetch = 0 : i64, scratch_operands = 0 : i64, tpu.core_type = #tpu.core_type<tc>} {
    %get3A = arith.constant 0 : index
    %get3A_0 = arith.constant 0 : index
    %get3A_1 = vector.load %arg0[%get3A, %get3A_0] : memref<1250x1024xf32, #tpu.memory_space<vmem>>, vector<1250x1024xf32>
    %get3A_2 = arith.constant 0 : index
    %get3A_3 = arith.constant 0 : index
    %get3A_4 = vector.load %arg1[%get3A_2, %get3A_3] : memref<1024x128xf32, #tpu.memory_space<vmem>>, vector<1024x128xf32>
    %dot_general3A = arith.constant dense<0.000000e+00> : vector<1250x128xf32>
    %dot_general3A_5 = tpu.matmul %get3A_1, %get3A_4, %dot_general3A {dimension_numbers = #tpu.dot_dimension_numbers<[1], [0], [0], [1], [0, 0, 1, 1], [], []>, precision = #tpu.contract_precision<fp32>, transpose_lhs_hint = false} : vector<1250x1024xf32>, vector<1024x128xf32>, vector<1250x128xf32> -> vector<1250x128xf32>
    %swap3A = arith.constant 0 : index
    %swap3A_6 = arith.constant 0 : index
    %swap3A_7 = vector.load %arg2[%swap3A, %swap3A_6] : memref<1250x128xf32, #tpu.memory_space<vmem>>, vector<1250x128xf32>
    tpu.vector_store %arg2[%swap3A, %swap3A_6], %dot_general3A_5 {strides = array<i32>} : memref<1250x128xf32, #tpu.memory_space<vmem>>, vector<1250x128xf32>,
    return
  }
}

module attributes {stable_mosaic.version = 14 : i64} {
  func.func @_y1_body(%arg0: memref<2x1250x128xf32, #tpu.memory_space<vmem>>, %arg1: memref<1250x128xf32, #tpu.memory_space<vmem>>, %arg2: memref<1250x128xf32, #tpu.memory_space<vmem>>) attributes {dimension_semantics = [], scalar_prefetch = 0 : i64, scratch_operands = 0 : i64, tpu.core_type = #tpu.core_type<tc>} {
    %get3A = arith.constant 0 : index
    %get3A_0 = arith.constant 0 : index
    %get3A_1 = vector.load %arg1[%get3A, %get3A_0] : memref<1250x128xf32, #tpu.memory_space<vmem>>, vector<1250x128xf32>
    %get3A_2 = arith.constant 0 : index
    %get3A_3 = arith.constant 0 : index
    %get3A_4 = arith.constant 0 : index
    %get3A_5 = vector.load %arg0[%get3A_2, %get3A_3, %get3A_4] : memref<2x1250x128xf32, #tpu.memory_space<vmem>>, vector<1x1250x128xf32>
    %get3A_6 = vector.shape_cast %get3A_5 : vector<1x1250x128xf32> to vector<1250x128xf32>
    %get3A_7 = arith.constant 1 : index
    %get3A_8 = arith.constant 0 : index
    %get3A_9 = arith.constant 0 : index
    %get3A_10 = vector.load %arg0[%get3A_7, %get3A_8, %get3A_9] : memref<2x1250x128xf32, #tpu.memory_space<vmem>>, vector<1x1250x128xf32>
    %get3A_11 = vector.shape_cast %get3A_10 : vector<1x1250x128xf32> to vector<1250x128xf32>
    %add3A = arith.addf %get3A_6, %get3A_11 : vector<1250x128xf32>
    %add3A_12 = arith.constant 1.000000e+00 : f32
    %add3A_13 = vector.broadcast %add3A_12 : f32 to vector<1250x128xf32>
    %add3A_14 = arith.addf %add3A, %add3A_13 : vector<1250x128xf32>
    %rsqrt3A = math.rsqrt %add3A_14 : vector<1250x128xf32>
    %mul3A = arith.mulf %get3A_1, %rsqrt3A : vector<1250x128xf32>
    %swap3A = arith.constant 0 : index
    %swap3A_15 = arith.constant 0 : index
    %swap3A_16 = vector.load %arg2[%swap3A, %swap3A_15] : memref<1250x128xf32, #tpu.memory_space<vmem>>, vector<1250x128xf32>
    tpu.vector_store %arg2[%swap3A, %swap3A_15], %mul3A {strides = array<i32>} : memref<1250x128xf32, #tpu.memory_space<vmem>>, vector<1250x128xf32>,
    return
  }
}

module attributes {stable_mosaic.version = 14 : i64} {
  func.func @_layer2_body(%arg0: memref<2x1250x128xf32, #tpu.memory_space<vmem>>, %arg1: memref<2x1250x128xf32, #tpu.memory_space<vmem>>, %arg2: memref<1250x128xf32, #tpu.memory_space<vmem>>, %arg3: memref<1x128xf32, #tpu.memory_space<vmem>>, %arg4: memref<128x128xf32, #tpu.memory_space<vmem>>, %arg5: memref<1250x128xf32, #tpu.memory_space<vmem>>, %arg6: memref<1250x128xf32, #tpu.memory_space<vmem>>) attributes {dimension_semantics = [], scalar_prefetch = 0 : i64, scratch_operands = 0 : i64, tpu.core_type = #tpu.core_type<tc>} {
    %get3A = arith.constant 0 : index
    %get3A_0 = arith.constant 0 : index
    %get3A_1 = arith.constant 0 : index
    %get3A_2 = vector.load %arg1[%get3A, %get3A_0, %get3A_1] : memref<2x1250x128xf32, #tpu.memory_space<vmem>>, vector<1x1250x128xf32>
    %get3A_3 = vector.shape_cast %get3A_2 : vector<1x1250x128xf32> to vector<1250x128xf32>
    %get3A_4 = arith.constant 1 : index
    %get3A_5 = arith.constant 0 : index
    %get3A_6 = arith.constant 0 : index
    %get3A_7 = vector.load %arg1[%get3A_4, %get3A_5, %get3A_6] : memref<2x1250x128xf32, #tpu.memory_space<vmem>>, vector<1x1250x128xf32>
    %get3A_8 = vector.shape_cast %get3A_7 : vector<1x1250x128xf32> to vector<1250x128xf32>
    %add3A = arith.addf %get3A_3, %get3A_8 : vector<1250x128xf32>
    %add3A_9 = arith.constant 1.000000e+00 : f32
    %add3A_10 = vector.broadcast %add3A_9 : f32 to vector<1250x128xf32>
    %add3A_11 = arith.addf %add3A, %add3A_10 : vector<1250x128xf32>
    %rsqrt3A = math.rsqrt %add3A_11 : vector<1250x128xf32>
    %get3A_12 = arith.constant 0 : index
    %get3A_13 = arith.constant 0 : index
    %get3A_14 = arith.constant 0 : index
    %get3A_15 = vector.load %arg0[%get3A_12, %get3A_13, %get3A_14] : memref<2x1250x128xf32, #tpu.memory_space<vmem>>, vector<1x1250x128xf32>
    %get3A_16 = vector.shape_cast %get3A_15 : vector<1x1250x128xf32> to vector<1250x128xf32>
    %get3A_17 = arith.constant 1 : index
    %get3A_18 = arith.constant 0 : index
    %get3A_19 = arith.constant 0 : index
    %get3A_20 = vector.load %arg0[%get3A_17, %get3A_18, %get3A_19] : memref<2x1250x128xf32, #tpu.memory_space<vmem>>, vector<1x1250x128xf32>
    %get3A_21 = vector.shape_cast %get3A_20 : vector<1x1250x128xf32> to vector<1250x128xf32>
    %add3A_22 = arith.addf %get3A_16, %get3A_21 : vector<1250x128xf32>
    %mul3A = arith.mulf %rsqrt3A, %add3A_22 : vector<1250x128xf32>
    %mul3A_23 = arith.mulf %rsqrt3A, %rsqrt3A : vector<1250x128xf32>
    %get3A_24 = arith.constant 0 : index
    %get3A_25 = arith.constant 0 : index
    %get3A_26 = vector.load %arg2[%get3A_24, %get3A_25] : memref<1250x128xf32, #tpu.memory_space<vmem>>, vector<1250x128xf32>
    %mul3A_27 = arith.mulf %mul3A_23, %get3A_26 : vector<1250x128xf32>
    %add3A_28 = arith.addf %mul3A, %mul3A_27 : vector<1250x128xf32>
    %get3A_29 = arith.constant 0 : index
    %get3A_30 = arith.constant 0 : index
    %get3A_31 = vector.load %arg3[%get3A_29, %get3A_30] : memref<1x128xf32, #tpu.memory_space<vmem>>, vector<1x128xf32>
    %add3A_32 = vector.broadcast %get3A_31 : vector<1x128xf32> to vector<1250x128xf32>
    %add3A_33 = arith.addf %add3A_28, %add3A_32 : vector<1250x128xf32>
    %max3A = arith.constant 0.000000e+00 : f32
    %max3A_34 = vector.broadcast %max3A : f32 to vector<1250x128xf32>
    %max3A_35 = arith.maximumf %add3A_33, %max3A_34 : vector<1250x128xf32>
    %get3A_36 = arith.constant 0 : index
    %get3A_37 = arith.constant 0 : index
    %get3A_38 = vector.load %arg4[%get3A_36, %get3A_37] : memref<128x128xf32, #tpu.memory_space<vmem>>, vector<128x128xf32>
    %dot_general3A = arith.constant dense<0.000000e+00> : vector<1250x128xf32>
    %dot_general3A_39 = tpu.matmul %max3A_35, %get3A_38, %dot_general3A {dimension_numbers = #tpu.dot_dimension_numbers<[1], [0], [0], [1], [0, 0, 1, 1], [], []>, transpose_lhs_hint = false} : vector<1250x128xf32>, vector<128x128xf32>, vector<1250x128xf32> -> vector<1250x128xf32>
    %swap3A = arith.constant 0 : index
    %swap3A_40 = arith.constant 0 : index
    %swap3A_41 = vector.load %arg6[%swap3A, %swap3A_40] : memref<1250x128xf32, #tpu.memory_space<vmem>>, vector<1250x128xf32>
    tpu.vector_store %arg6[%swap3A, %swap3A_40], %dot_general3A_39 {strides = array<i32>} : memref<1250x128xf32, #tpu.memory_space<vmem>>, vector<1250x128xf32>,
    %mul3A_42 = arith.mulf %dot_general3A_39, %rsqrt3A : vector<1250x128xf32>
    %swap3A_43 = arith.constant 0 : index
    %swap3A_44 = arith.constant 0 : index
    %swap3A_45 = vector.load %arg5[%swap3A_43, %swap3A_44] : memref<1250x128xf32, #tpu.memory_space<vmem>>, vector<1250x128xf32>
    tpu.vector_store %arg5[%swap3A_43, %swap3A_44], %mul3A_42 {strides = array<i32>} : memref<1250x128xf32, #tpu.memory_space<vmem>>, vector<1250x128xf32>,
    return
  }
}

module attributes {stable_mosaic.version = 14 : i64} {
  func.func @_out_body(%arg0: memref<2x1250x128xf32, #tpu.memory_space<vmem>>, %arg1: memref<2x1250x128xf32, #tpu.memory_space<vmem>>, %arg2: memref<1250x128xf32, #tpu.memory_space<vmem>>, %arg3: memref<1x128xf32, #tpu.memory_space<vmem>>, %arg4: memref<128x16xf32, #tpu.memory_space<vmem>>, %arg5: memref<1250x16xf32, #tpu.memory_space<vmem>>) attributes {dimension_semantics = [], scalar_prefetch = 0 : i64, scratch_operands = 0 : i64, tpu.core_type = #tpu.core_type<tc>} {
    %get3A = arith.constant 0 : index
    %get3A_0 = arith.constant 0 : index
    %get3A_1 = arith.constant 0 : index
    %get3A_2 = vector.load %arg1[%get3A, %get3A_0, %get3A_1] : memref<2x1250x128xf32, #tpu.memory_space<vmem>>, vector<1x1250x128xf32>
    %get3A_3 = vector.shape_cast %get3A_2 : vector<1x1250x128xf32> to vector<1250x128xf32>
    %get3A_4 = arith.constant 1 : index
    %get3A_5 = arith.constant 0 : index
    %get3A_6 = arith.constant 0 : index
    %get3A_7 = vector.load %arg1[%get3A_4, %get3A_5, %get3A_6] : memref<2x1250x128xf32, #tpu.memory_space<vmem>>, vector<1x1250x128xf32>
    %get3A_8 = vector.shape_cast %get3A_7 : vector<1x1250x128xf32> to vector<1250x128xf32>
    %add3A = arith.addf %get3A_3, %get3A_8 : vector<1250x128xf32>
    %add3A_9 = arith.constant 1.000000e+00 : f32
    %add3A_10 = vector.broadcast %add3A_9 : f32 to vector<1250x128xf32>
    %add3A_11 = arith.addf %add3A, %add3A_10 : vector<1250x128xf32>
    %rsqrt3A = math.rsqrt %add3A_11 : vector<1250x128xf32>
    %get3A_12 = arith.constant 0 : index
    %get3A_13 = arith.constant 0 : index
    %get3A_14 = arith.constant 0 : index
    %get3A_15 = vector.load %arg0[%get3A_12, %get3A_13, %get3A_14] : memref<2x1250x128xf32, #tpu.memory_space<vmem>>, vector<1x1250x128xf32>
    %get3A_16 = vector.shape_cast %get3A_15 : vector<1x1250x128xf32> to vector<1250x128xf32>
    %get3A_17 = arith.constant 1 : index
    %get3A_18 = arith.constant 0 : index
    %get3A_19 = arith.constant 0 : index
    %get3A_20 = vector.load %arg0[%get3A_17, %get3A_18, %get3A_19] : memref<2x1250x128xf32, #tpu.memory_space<vmem>>, vector<1x1250x128xf32>
    %get3A_21 = vector.shape_cast %get3A_20 : vector<1x1250x128xf32> to vector<1250x128xf32>
    %add3A_22 = arith.addf %get3A_16, %get3A_21 : vector<1250x128xf32>
    %mul3A = arith.mulf %rsqrt3A, %add3A_22 : vector<1250x128xf32>
    %mul3A_23 = arith.mulf %rsqrt3A, %rsqrt3A : vector<1250x128xf32>
    %get3A_24 = arith.constant 0 : index
    %get3A_25 = arith.constant 0 : index
    %get3A_26 = vector.load %arg2[%get3A_24, %get3A_25] : memref<1250x128xf32, #tpu.memory_space<vmem>>, vector<1250x128xf32>
    %mul3A_27 = arith.mulf %mul3A_23, %get3A_26 : vector<1250x128xf32>
    %add3A_28 = arith.addf %mul3A, %mul3A_27 : vector<1250x128xf32>
    %get3A_29 = arith.constant 0 : index
    %get3A_30 = arith.constant 0 : index
    %get3A_31 = vector.load %arg3[%get3A_29, %get3A_30] : memref<1x128xf32, #tpu.memory_space<vmem>>, vector<1x128xf32>
    %add3A_32 = vector.broadcast %get3A_31 : vector<1x128xf32> to vector<1250x128xf32>
    %add3A_33 = arith.addf %add3A_28, %add3A_32 : vector<1250x128xf32>
    %iota3A = tpu.iota {dimensions = array<i32: 1>} : vector<1250x128xi32>
    %jit3A = arith.constant 16 : i32
    %eq3A = arith.constant 0 : i32
    %eq3A_34 = arith.cmpi eq, %jit3A, %eq3A : i32
    %jit3A_35 = arith.constant 1 : i32
    %select_n3A = arith.select %eq3A_34, %jit3A_35, %jit3A : i32
    %rem3A = vector.broadcast %select_n3A : i32 to vector<1250x128xi32>
    %rem3A_36 = arith.remsi %iota3A, %rem3A : vector<1250x128xi32>
    %ne3A = arith.constant 0 : i32
    %ne3A_37 = vector.broadcast %ne3A : i32 to vector<1250x128xi32>
    %ne3A_38 = arith.cmpi ne, %rem3A_36, %ne3A_37 : vector<1250x128xi32>
    %lt3A = arith.constant 0 : i32
    %lt3A_39 = vector.broadcast %lt3A : i32 to vector<1250x128xi32>
    %lt3A_40 = arith.cmpi slt, %rem3A_36, %lt3A_39 : vector<1250x128xi32>
    %lt3A_41 = arith.constant 0 : i32
    %lt3A_42 = arith.cmpi slt, %select_n3A, %lt3A_41 : i32
    %ne3A_43 = vector.broadcast %lt3A_42 : i1 to vector<1250x128xi1>
    %ne3A_44 = vector.broadcast %ne3A_43 : vector<1250x128xi1> to vector<1250x128xi1>
    %ne3A_45 = arith.xori %lt3A_40, %ne3A_44 : vector<1250x128xi1>
    %and3A = arith.andi %ne3A_45, %ne3A_38 : vector<1250x128xi1>
    %add3A_46 = vector.broadcast %select_n3A : i32 to vector<1250x128xi32>
    %add3A_47 = arith.addi %rem3A_36, %add3A_46 : vector<1250x128xi32>
    %select_n3A_48 = arith.select %and3A, %add3A_47, %rem3A_36 : vector<1250x128xi1>, vector<1250x128xi32>
    %eq3A_49 = arith.constant 0 : i32
    %eq3A_50 = vector.broadcast %eq3A_49 : i32 to vector<1250x128xi32>
    %eq3A_51 = arith.cmpi eq, %select_n3A_48, %eq3A_50 : vector<1250x128xi32>
    %slice3A = vector.extract_strided_slice %add3A_33 {offsets = [0, 1], sizes = [1250, 127], strides = [1, 1]} : vector<1250x128xf32> to vector<1250x127xf32>
    %slice3A_52 = vector.extract_strided_slice %add3A_33 {offsets = [0, 0], sizes = [1250, 1], strides = [1, 1]} : vector<1250x128xf32> to vector<1250x1xf32>
    %concatenate3A = tpu.concatenate %slice3A, %slice3A_52 in 1 : vector<1250x127xf32>, vector<1250x1xf32> -> vector<1250x128xf32>
    %slice3A_53 = vector.extract_strided_slice %add3A_33 {offsets = [0, 127], sizes = [1250, 1], strides = [1, 1]} : vector<1250x128xf32> to vector<1250x1xf32>
    %slice3A_54 = vector.extract_strided_slice %add3A_33 {offsets = [0, 0], sizes = [1250, 127], strides = [1, 1]} : vector<1250x128xf32> to vector<1250x127xf32>
    %concatenate3A_55 = tpu.concatenate %slice3A_53, %slice3A_54 in 1 : vector<1250x1xf32>, vector<1250x127xf32> -> vector<1250x128xf32>
    %select_n3A_56 = arith.select %eq3A_51, %concatenate3A, %concatenate3A_55 : vector<1250x128xi1>, vector<1250x128xf32>
    %sub3A = arith.subf %select_n3A_56, %add3A_33 : vector<1250x128xf32>
    %max3A = arith.constant 0.000000e+00 : f32
    %max3A_57 = vector.broadcast %max3A : f32 to vector<1250x128xf32>
    %max3A_58 = arith.maximumf %sub3A, %max3A_57 : vector<1250x128xf32>
    %abs3A = math.absf %sub3A : vector<1250x128xf32>
    %neg3A = arith.constant 0.000000e+00 : f32
    %neg3A_59 = vector.broadcast %neg3A : f32 to vector<1250x128xf32>
    %neg3A_60 = arith.subf %neg3A_59, %abs3A : vector<1250x128xf32>
    %exp3A = math.exp %neg3A_60 : vector<1250x128xf32>
    %add3A_61 = arith.constant 1.000000e+00 : f32
    %add3A_62 = vector.broadcast %add3A_61 : f32 to vector<1250x128xf32>
    %add3A_63 = arith.addf %add3A_62, %exp3A : vector<1250x128xf32>
    %log3A = math.log %add3A_63 : vector<1250x128xf32>
    %add3A_64 = arith.addf %max3A_58, %log3A : vector<1250x128xf32>
    %neg3A_65 = arith.constant 0.000000e+00 : f32
    %neg3A_66 = vector.broadcast %neg3A_65 : f32 to vector<1250x128xf32>
    %neg3A_67 = arith.subf %neg3A_66, %add3A_64 : vector<1250x128xf32>
    %get3A_68 = arith.constant 0 : index
    %get3A_69 = arith.constant 0 : index
    %get3A_70 = vector.load %arg4[%get3A_68, %get3A_69] : memref<128x16xf32, #tpu.memory_space<vmem>>, vector<128x16xf32>
    %dot_general3A = arith.constant dense<0.000000e+00> : vector<1250x16xf32>
    %dot_general3A_71 = tpu.matmul %neg3A_67, %get3A_70, %dot_general3A {dimension_numbers = #tpu.dot_dimension_numbers<[1], [0], [0], [1], [0, 0, 1, 1], [], []>, precision = #tpu.contract_precision<fp32>, transpose_lhs_hint = false} : vector<1250x128xf32>, vector<128x16xf32>, vector<1250x16xf32> -> vector<1250x16xf32>
    %swap3A = arith.constant 0 : index
    %swap3A_72 = arith.constant 0 : index
    %swap3A_73 = vector.load %arg5[%swap3A, %swap3A_72] : memref<1250x16xf32, #tpu.memory_space<vmem>>, vector<1250x16xf32>
    tpu.vector_store %arg5[%swap3A, %swap3A_72], %dot_general3A_71 {strides = array<i32>} : memref<1250x16xf32, #tpu.memory_space<vmem>>, vector<1250x16xf32>,
    return
  }
}

</mosaic_0001>

<sc_bundles>
// kernel: kernel.12.cloned.1.call-start
scs
__scs_entry_jumppad:
0x0: {  	(pc) =	sbr.rel $0x88, $3  }
0x1: {  	(tag) =	ssettag $0x0;
	lr =	simm.s32 $0x1  }
0x2: {  	[smem:$0x3F9B] =	sst lr;
	_ =	strace $0xD0000000  }
0x3: {  	_ = 	snop  }
0x4: {  	_ = 	snop  }
0x5: {  	_ = 	snop  }
0x6: {  	_ = 	snop  }
0x7: {  	_ = 	snop  }
__scs_overlays_trampoline_lowered:
0x8: {  	[smem:$0x3FAA] =	sst s0  }
0x9: {  	[smem:$0x3FAB] =	sst s1  }
0xa: {  	[smem:$0x3FAC] =	sst s2  }
0xb: {  	[smem:$0x3FAD] =	sst s3  }
0xc: {  	[smem:$0x3FAE] =	sst s4  }
0xd: {  	[smem:$0x3FAF] =	sst s5  }
0xe: {  	[smem:$0x3FB0] =	sst s6  }
0xf: {  	[smem:$0x3FB1] =	sst s7  }
0x10: {  	[smem:$0x3FB2] =	sst s8  }
0x11: {  	[smem:$0x3FB3] =	sst s9;
	s0 =	simm.s32 @!p0 $0x0  }
0x12: {  	s1 =	sld [smem:$0x3F99];
	s0 =	simm.s32 @p0 $0x1  }
0x13: {  	[smem:$0x3FB4] =	sst s0;
	s0 =	simm.s32 @!p1 $0x0  }
0x14: {  	s2 =	sld [smem:$0x3F98];
	s0 =	simm.s32 @p1 $0x1  }
0x15: {  	[smem:$0x3FB5] =	sst s0;
	s0 =	simm.s32 @!p2 $0x0  }
0x16: {  	s3 =	sld [smem:$0x3FDB];
	s0 =	simm.s32 @p2 $0x1  }
0x17: {  	s4 =	simm.s32 $0x1BF5;
	[smem:$0x3FB7] =	sst s0  }
0x18: {  	s0 =	sld [smem:$0x3F9A];
	_ =	swait.ge [sflag:s4], $0x0  }
0x19: {  	s7 =	sld [smem:$0x3F9B]  }
0x1a: {  	s8 =	sadd.s32 $0xFFFFE003, lr  }
0x1b: {  	s9 =	sadd.s32 $0xFFFFFEF7, lr;
	s5 =	simm.s32 $0xFFFFFFFF;
	p2 =	slt.u32 s8, $0xFFFFF086  }
0x1c: {  	p1 =	slt.u32 s9, $0xF7A;
	s5 =	simm.s32 @!p2 $0x0  }
0x1d: {  	s5 =	simm.s32 @p1 $0x1;
	p0 =	seq.s32 s7, s2  }
0x1e: {  	s7 =	smul.u32 @!p0 $0xF7A, s2;
	p2 =	seq.s32 @!p0 s5, $0x0  }
0x1f: {  	s9 =	smul.u32 $0xF7A, s1;
	s8 =	simm.s32 @!p0 $0x1BF5;
	p2 =	por !p2, p0  }
0x20: {  	[sflag:s8] =	ssyncset.s32 @!p0 $0xFFFFF086;
	s6 =	sadd.s32 @!p0 s3, s7;
	s7 =	simm.s32 @!p0 $0x108  }
0x21: {  	s3 =	sadd.s32 s3, s9;
	s6 =	sadd.s32 @!p0 $0x88, s6;
	s7 =	simm.s32 @p2 $0x1082  }
0x22: {  	[simem:s7], [sflag:s8] =	dma.local @!p0 [hbm:s6], $0xF7A  }
0x23: {  	s9 =	sor.u32 $0xD0000000, s2;
	s6 =	simm.s32 $0x108;
	_ =	swait.ge @!p0 [sflag:s8], $0x0  }
0x24: {  	s3 =	sadd.s32 $0x88, s3;
	s6 =	simm.s32 @!p1 $0x1082;
	[sflag:s4] =	ssyncset.s32 $0xFFFFF086  }
0x25: {  	[simem:s6], [sflag:s4] =	dma.local [hbm:s3], $0xF7A  }
0x26: {  	[smem:$0x3F9B] =	sst s1;
	(tag) =	ssettag s2;
	_ =	strace s9  }
0x27: {  	s1 =	sld [smem:$0x3FAB]  }
0x28: {  	s2 =	sld [smem:$0x3FAC]  }
0x29: {  	s4 =	sld [smem:$0x3FAE]  }
0x2a: {  	p0 =	seq.s32 s5, $0x0;
	s5 =	sld [smem:$0x3FAF]  }
0x2b: {  	s6 =	sld [smem:$0x3FB0]  }
0x2c: {  	s7 =	sld [smem:$0x3FB1]  }
0x2d: {  	s3 =	simm.s32 $0x108;
	s8 =	sld [smem:$0x3FB2]  }
0x2e: {  	s3 =	simm.s32 @!p0 $0x1082;
	s9 =	sld [smem:$0x3FB3]  }
0x2f: {  	lr =	sadd.s32 s0, s3;
	s0 =	sld [smem:$0x3FAA]  }
0x30: {  	s3 =	sld [smem:$0x3FAD]  }
0x31: {  	[smem:$0x3FB6] =	sst s10  }
0x32: {  	s10 =	sld [smem:$0x3FB4];
	_ =	sdelay $0x3  }
0x33: {  	p0 =	seq.s32 s10, $0x1;
	s10 =	sld [smem:$0x3FB6];
	_ =	sdelay $0x3  }
0x34: {  	[smem:$0x3FB6] =	sst s10  }
0x35: {  	s10 =	sld [smem:$0x3FB5];
	_ =	sdelay $0x3  }
0x36: {  	p1 =	seq.s32 s10, $0x1;
	s10 =	sld [smem:$0x3FB6];
	_ =	sdelay $0x3  }
0x37: {  	[smem:$0x3FB6] =	sst s10  }
0x38: {  	s10 =	sld [smem:$0x3FB7]  }
0x39: {  	_ = 	snop;
	(pc) =	sbr.ind lr, $3  }
0x3a: {  	_ = 	snop  }
0x3b: {  	_ = 	snop  }
0x3c: {  	p2 =	seq.s32 s10, $0x1;
	s10 =	sld [smem:$0x3FB6]  }
0x3d: {  	_ =	shalt  }
0x3e: {  	_ =	shalt  }
0x3f: {  	_ =	shalt  }
0x40: {  	_ =	shalt  }
0x41: {  	_ =	shalt  }
0x42: {  	_ =	shalt  }
0x43: {  	_ =	shalt  }
0x44: {  	_ =	shalt  }
0x45: {  	_ =	shalt  }
0x46: {  	_ =	shalt  }
0x47: {  	_ =	shalt  }
0x48: {  	_ =	shalt  }
0x49: {  	_ =	shalt  }
0x4a: {  	_ =	shalt  }
0x4b: {  	_ =	shalt  }
0x4c: {  	_ =	shalt  }
0x4d: {  	_ =	shalt  }
0x4e: {  	_ =	shalt  }
0x4f: {  	_ =	shalt  }
0x50: {  	_ =	shalt  }
0x51: {  	_ =	shalt  }
0x52: {  	_ =	shalt  }
0x53: {  	_ =	shalt  }
0x54: {  	_ =	shalt  }
0x55: {  	_ =	shalt  }
0x56: {  	_ =	shalt  }
0x57: {  	_ =	shalt  }
0x58: {  	_ =	shalt  }
0x59: {  	_ =	shalt  }
0x5a: {  	_ =	shalt  }
0x5b: {  	_ =	shalt  }
0x5c: {  	_ =	shalt  }
0x5d: {  	_ =	shalt  }
0x5e: {  	_ =	shalt  }
0x5f: {  	_ =	shalt  }
0x60: {  	_ =	shalt  }
0x61: {  	_ =	shalt  }
0x62: {  	_ =	shalt  }
0x63: {  	_ =	shalt  }
0x64: {  	_ =	shalt  }
0x65: {  	_ =	shalt  }
0x66: {  	_ =	shalt  }
0x67: {  	_ =	shalt  }
0x68: {  	_ =	shalt  }
0x69: {  	_ =	shalt  }
0x6a: {  	_ =	shalt  }
0x6b: {  	_ =	shalt  }
0x6c: {  	_ =	shalt  }
0x6d: {  	_ =	shalt  }
0x6e: {  	_ =	shalt  }
0x6f: {  	_ =	shalt  }
0x70: {  	_ =	shalt  }
0x71: {  	_ =	shalt  }
0x72: {  	_ =	shalt  }
0x73: {  	_ =	shalt  }
0x74: {  	_ =	shalt  }
0x75: {  	_ =	shalt  }
0x76: {  	_ =	shalt  }
0x77: {  	_ =	shalt  }
0x78: {  	_ =	shalt  }
0x79: {  	_ =	shalt  }
0x7a: {  	_ =	shalt  }
0x7b: {  	_ =	shalt  }
0x7c: {  	_ =	shalt  }
0x7d: {  	_ =	shalt  }
0x7e: {  	_ =	shalt  }
0x7f: {  	_ =	shalt  }
0x80: {  	_ =	shalt  }
0x81: {  	_ =	shalt  }
0x82: {  	_ =	shalt  }
0x83: {  	_ =	shalt  }
0x84: {  	_ =	shalt  }
0x85: {  	_ =	shalt  }
0x86: {  	_ =	shalt  }
0x87: {  	_ =	shalt  }
.Lfunc_end0:
.L_simem_size_0:
called_computation.1_lowered:
.L_overlay_start_0:
0x88: {  	s2 =	sld [smem:$0x3FD9]  }
0x89: {  	s3 =	sld [smem:$0x3FFE];
	_ =	sdelay $0x1  }
0x8a: {  	s1 =	srdreg.scid  }
0x8b: {  	s0 =	sand.u32 $0x1, s1  }
0x8c: {  	s16 =	sshll.u32 s0, $0xA;
	s2 =	sadd.s32 s3, s2  }
0x8d: {  	s2 =	sadd.s32 s2, s16  }
0x8e: {  	[smem:$0x3FC2] =	sst s2  }
0x8f: {  	_ = 	snop  }
0x90: {  	(tm) =	ssettm $0x1  }
0x91: {  	s17 =	sld [smem:$0x3FFB];
	_ =	sdelay $0x3  }
0x92: {  	_ =	strace s17  }
0x93: {  	s2 =	sld [smem:$0x3FFC];
	_ =	sdelay $0x3  }
0x94: {  	_ =	strace s2  }
0x95: {  	s2 =	sld [smem:$0x3FFD];
	_ =	sdelay $0x3  }
0x96: {  	_ =	strace s2  }
0x97: {  	_ =	strace $0x8FFFFFFF  }
0x98: {  	s18 =	sld [smem:$0x3FDB];
	_ =	sdelay $0x1  }
0x99: {  	s19 =	simm.s32 $_scs_section_size  }
0x9a: {  	s4 =	simm.s32 $_size__tile_overlayer_lowered;
	s5 =	simm.s32 $_tile_overlayer_lowered  }
0x9b: {  	s22 =	simm.s32 $0x1BFF;
	s21 =	sshll.u32 s5, $0x1;
	s2 =	sadd.s32 s19, s18  }
0x9c: {  	s6 =	simm.s32 $0x0;
	s20 =	sshll.u32 s4, $0x1;
	s4 =	sadd.s32 s21, s2  }
0x9d: {  	[timem:s6], [sflag:s22] =	dma.local [hbm:s4], s20  }
0x9e: {  	_ =	swait.ge [sflag:s22], s20  }
0x9f: {  	s3 =	ssub.s32 $0x0, s20;
	[sflag:s22] =	ssyncset.done $0x0  }
0xa0: {  	[sflag:s22] =	ssyncadd.s32 s3;
	_ =	sdelay $0x1  }
0xa1: {  	s23 =	simm.s32 $0x1B8B  }
0xa2: {  	_ =	swait.ge [sflag:s23], $0x1  }
0xa3: {  	[sflag:s23] =	ssyncset.done $0x0  }
0xa4: {  	s25 =	simm.s32 $0x1B8E;
	s24 =	sld [smem:$0x3FFE];
	[sflag:s23] =	ssyncadd.s32 $0xFFFFFFFF  }
0xa5: {  	s26 =	simm.s32 $execute0_lowered;
	[smem:$0x3FD2] =	sst s25  }
0xa6: {  	s4 =	sshll.u32 s26, $0x1;
	_ =	strace $0x80000049;
	[dreg:$0x1] =	wrdreg $0xFFFFFFFF  }
0xa7: {  	s28 =	simm.s32 $_size_execute0_lowered;
	s2 =	sadd.s32 s2, s4;
	[dreg:$0x0] =	wrdreg $0x0  }
0xa8: {  	s4 =	sshll.u32 s28, $0x1;
	[dreg:$0x2] =	wrdreg s2  }
0xa9: {  	[dreg:$0x3] =	wrdreg s4  }
0xaa: {  	[dreg:$0x4] =	wrdreg $0xC0  }
0xab: {  	_ =	task [dreg:s6], $0x5FFFF  }
0xac: {  	[dreg:$0x1] =	wrdreg $0xFFFFFFFF  }
0xad: {  	[dreg:$0x0] =	wrdreg $0x60  }
0xae: {  	[dreg:$0x2] =	wrdreg s24  }
0xaf: {  	[dreg:$0x3] =	wrdreg $0x148200  }
0xb0: {  	[dreg:$0x4] =	wrdreg $0x9  }
0xb1: {  	_ =	task.clear_ibuf [dreg:s6], $0x5FFFF;
	_ =	strace $0x90000049  }
0xb2: {  	s29 =	simm.s32 $0x9;
	_ =	strace $0x8000004B  }
0xb3: {  	_ =	swait.ge [sflag:s29], $0x1  }
0xb4: {  	[sflag:s29] =	ssyncadd.s32 $0xFFFFFFFF  }
0xb5: {  	_ =	strace $0x9000004B  }
0xb6: {  	_ =	sfence  }
0xb7: {  	s30 =	sld [smem:$0x0];
	_ =	sdelay $0x2  }
0xb8: {  	s31 =	sshll.u32 s1, $0xD;
	s1 =	sshrl.u32 s1, $0x2  }
0xb9: {  	s3 =	sand.u32 $0x4000, s31;
	s1 =	sadd.s32 s1, s30  }
0xba: {  	s0 =	sor.u32 s3, s0;
	s1 =	sshll.u32 s1, $0x11  }
0xbb: {  	s0 =	sor.u32 s1, s0  }
0xbc: {  	s0 =	sadd.s32 $0x8F2B, s0  }
0xbd: {  	[sflag:s0] =	ssyncadd.remote.s32 $0x1  }
0xbe: {  	_ =	sfence.sel $0xFFFF  }
0xbf: {  	[dreg:$0x0] =	wrdreg $0xFFFFFFFF;
	(pc) =	sbr.abs _section_cstart, $3  }
0xc0: {  	[dreg:$0x1] =	wrdreg $0xFFFFFFFF  }
0xc1: {  	_ =	task.clear_ibuf [dreg:s6], $0x2FFFF;
	_ =	strace $0x9FFFFFFF  }
0xc2: {  	(tm) =	ssettm $0x7FFFFFFF  }
0xc3: {  	_ =	shalt  }
tec
execute0_lowered:
.L_overlay_start_1:
0x0: {  	(tag) =	ssettag $0x1  }
0x1: {  	s5 =	rddreg [dreg:$0x0]  }
0x2: {  	s0 =	srdreg.scid;
	s1 =	rddreg [dreg:$0x1]  }
0x3: {  	s7 =	stileid.u32;
	s31 =	rddreg [dreg:$0x2];
	s4 =	simm.s32 $0x0  }
0x4: {  	s14 =	simm.s32 $0x2;
	p1 =	por $0x0, $0x0;
	s3 =	sand.u32 $0x1, s0  }
0x5: {  	[smem:$0x7FF] =	sst s4;
	s8 =	smul.u32 $0x2700, s7;
	s11 =	sadd.s32 $0x1F000, s5  }
0x6: {  	s24 =	sshll.u32 s7, $0x6;
	p0 =	sne.s32 s7, $0x0;
	s0 =	sshll.u32 s3, $0x4  }
0x7: {  	_ =	strace $0x8000004A;
	s23 =	smul.u32 $0x27100, s3;
	s0 =	sor.u32 s7, s0  }
0x8: {  	s12 =	ssub.s32 $0x2, s3;
	s3 =	sor.u32 $0x1C06, s24;
	s2 =	smul.u32 $0x2710, s0  }
0x9: {  	s24 =	simm.s32 $0x1;
	s10 =	sshrl.u32 s8, $0x3;
	s13 =	sshrl.u32 s12, $0x1  }
0xa: {  	s22 =	sadd.s32 s8, s1;
	s7 =	simm.s32 $0x6;
	s2 =	sshrl.u32 s2, $0x3  }
0xb: {  	s10 =	sadd.s32 s10, s5;
	s12 =	ssub.s32 s12, s13;
	s6 =	sadd.s32 s2, s5  }
0xc: {  	[dreg:$0xd] =	wrdreg s22;
	s26 =	sadd.s32 s8, s23;
	s2 =	sadd.s32 $0x1600, s6  }
0xd: {  	s28 =	sshrl.u32 s23, $0x3;
	s15 =	sadd.s32 $0xB240, s6;
	[dreg:$0x3] =	wrdreg s2  }
0xe: {  	s23 =	simm.s32 $0x2710;
	s9 =	sadd.s32 $0x16FA, s6;
	[dreg:$0x4] =	wrdreg s15  }
0xf: {  	s22 =	simm.s32 $0xFA0;
	s16 =	sadd.s32 $0xB33A, s6;
	[dreg:$0x5] =	wrdreg s9  }
0x10: {  	s13 =	simm.s32 $0x4E20;
	s17 =	sadd.s32 $0x17F4, s6;
	[dreg:$0x6] =	wrdreg s16  }
0x11: {  	s25 =	sadd.s32 $0x1A000, s10;
	s18 =	sadd.s32 $0xB434, s6;
	[dreg:$0x7] =	wrdreg s17  }
0x12: {  	s8 =	sadd.s32 s11, s28;
	s19 =	sadd.s32 $0x18EE, s6;
	[dreg:$0x8] =	wrdreg s18  }
0x13: {  	s10 =	simm.s32 $0x4650;
	s20 =	sadd.s32 $0xB52E, s6;
	[dreg:$0x9] =	wrdreg s19  }
0x14: {  	s21 =	sadd.s32 $0x19E8, s6;
	s6 =	sadd.s32 $0xB628, s6;
	[dreg:$0xa] =	wrdreg s20  }
0x15: {  	s2 =	sadd.s32 $0x15000, s5;
	[dreg:$0xb] =	wrdreg s21;
	s18 =	smax.u32 s12, $0x1  }
0x16: {  	[dreg:$0xc] =	wrdreg s6;
	s9 =	sadd.s32 $0x27000, s1;
	s29 =	sadd.s32 $0xFFFFFFFF, s18  }
0x17: {  	s6 =	sshrl.u32 s26, $0x3;
	s26 =	sadd.s32 $0x1EE00, s5;
	p2 =	sne.s32 s29, $0x0  }
.Ltmp0:
0x18: {  	s5 =	sadd.s32 $0x4E00, s8;
	s8 =	simm.s32 $0x7D0;
	(pc) =	sbr.rel @!p2 .LBB2_1-.Ltmp0, $4  }
0x19: {  	s20 =	simm.s32 $0x2EE0;
	s16 =	simm.s32 $0x36B0;
	s19 =	simm.s32 $0x1770  }
0x1a: {  	s12 =	simm.s32 $0x3E80;
	s15 =	simm.s32 $0x1F40;
	s17 =	simm.s32 $0xCB20  }
0x1b: {  	s21 =	simm.s32 $0x3;
	s6 =	sadd.s32 s11, s6;
	s11 =	simm.s32 $0x4  }
0x1c: {  	s9 =	sshrl.u32 @!p0 s9, $0x3;
	s18 =	simm.s32 $0x5;
	s30 =	rddreg [dreg:$0x3]  }
0x1d: {  	s28 =	rddreg [dreg:$0xd]  }
0x1e: {  	[tilespmem:s4], [sflag:$0x1] =	stream.linear.gather [hbm4b:s30+s4], $0x7D0, $0x38;
	[tilespmem:$0x16F30] =	vst v63  }
0x1f: {  	s31 =	rddreg [dreg:$0x4]  }
0x20: {  	[tilespmem:s23], [sflag:$0x1] =	stream.linear.gather [hbm4b:s31+s4], $0x7D0, $0x38;
	[tilespmem:$0x16F30] =	vst v63  }
0x21: {  	s30 =	rddreg [dreg:$0x5]  }
0x22: {  	[tilespmem:s8], [sflag:$0x1] =	stream.linear.gather [hbm4b:s30+s4], $0x7D0, $0x38;
	[tilespmem:$0x16F30] =	vst v63  }
0x23: {  	s0 =	rddreg [dreg:$0x6]  }
0x24: {  	[tilespmem:s20], [sflag:$0x1] =	stream.linear.gather [hbm4b:s0+s4], $0x7D0, $0x38;
	[tilespmem:$0x16F30] =	vst v63  }
0x25: {  	s30 =	rddreg [dreg:$0x7]  }
0x26: {  	[tilespmem:s22], [sflag:$0x1] =	stream.linear.gather [hbm4b:s30+s4], $0x7D0, $0x38;
	[tilespmem:$0x16F30] =	vst v63  }
0x27: {  	s0 =	rddreg [dreg:$0x8]  }
0x28: {  	[tilespmem:s16], [sflag:$0x1] =	stream.linear.gather [hbm4b:s0+s4], $0x7D0, $0x38;
	[tilespmem:$0x16F30] =	vst v63  }
0x29: {  	s30 =	rddreg [dreg:$0x9]  }
0x2a: {  	[tilespmem:s19], [sflag:$0x1] =	stream.linear.gather [hbm4b:s30+s4], $0x7D0, $0x38;
	[tilespmem:$0x16F30] =	vst v63  }
0x2b: {  	s0 =	rddreg [dreg:$0xa]  }
0x2c: {  	[tilespmem:s12], [sflag:$0x1] =	stream.linear.gather [hbm4b:s0+s4], $0x7D0, $0x38;
	[tilespmem:$0x16F30] =	vst v63  }
0x2d: {  	s30 =	rddreg [dreg:$0xb]  }
0x2e: {  	[tilespmem:s15], [sflag:$0x1] =	stream.linear.gather [hbm4b:s30+s4], $0x7D0, $0x38;
	[tilespmem:$0x16F30] =	vst v63  }
0x2f: {  	s0 =	rddreg [dreg:$0xc];
	s30 =	sshrl.u32 s28, $0x3  }
0x30: {  	[tilespmem:s10], [sflag:$0x1] =	stream.linear.gather [hbm4b:s0+s4], $0x7D0, $0x38;
	[tilespmem:$0x16F30] =	vst v63  }
0x31: {  	[spmem:s30], [sflag:s3] =	dma.local [hbm:s25], $0x4E0  }
0x32: {  	_ =	swait.ge [sflag:s7], $0x4E0  }
0x33: {  	[sflag:s7] =	ssyncset.done $0x0  }
0x34: {  	s28 =	simm.s32 @!p0 $0x6;
	[sflag:s7] =	ssyncadd.s32 $0xFFFFFB20  }
0x35: {  	[spmem:s9], [sflag:s3] =	dma.local @!p0 [hbm:s26], $0x20  }
0x36: {  	_ =	swait.ge @!p0 [sflag:s28], $0x20  }
0x37: {  	[sflag:s28] =	ssyncset.done @!p0 $0x0  }
0x38: {  	[sflag:s28] =	ssyncadd.s32 @!p0 $0xFFFFFFE0  }
0x39: {  	_ =	swait.ge [sflag:s24], $0x7D0  }
0x3a: {  	[sflag:s24] =	ssyncset.done $0x0  }
0x3b: {  	[sflag:s24] =	ssyncadd.s32 $0xFFFFF830  }
0x3c: {  	_ =	swait.ge [sflag:s24], $0x7D0  }
0x3d: {  	[sflag:s24] =	ssyncset.done $0x0  }
0x3e: {  	[sflag:s24] =	ssyncadd.s32 $0xFFFFF830  }
0x3f: {  	_ =	swait.ge [sflag:s24], $0x7D0  }
0x40: {  	[sflag:s24] =	ssyncset.done $0x0  }
0x41: {  	[sflag:s24] =	ssyncadd.s32 $0xFFFFF830  }
0x42: {  	_ =	swait.ge [sflag:s24], $0x7D0  }
0x43: {  	[sflag:s24] =	ssyncset.done $0x0  }
0x44: {  	[sflag:s24] =	ssyncadd.s32 $0xFFFFF830  }
0x45: {  	_ =	swait.ge [sflag:s24], $0x7D0  }
0x46: {  	[sflag:s24] =	ssyncset.done $0x0  }
0x47: {  	[sflag:s24] =	ssyncadd.s32 $0xFFFFF830  }
0x48: {  	_ =	swait.ge [sflag:s24], $0x7D0  }
0x49: {  	[sflag:s24] =	ssyncset.done $0x0  }
0x4a: {  	[sflag:s24] =	ssyncadd.s32 $0xFFFFF830  }
0x4b: {  	_ =	swait.ge [sflag:s24], $0x7D0  }
0x4c: {  	[sflag:s24] =	ssyncset.done $0x0  }
0x4d: {  	[sflag:s24] =	ssyncadd.s32 $0xFFFFF830  }
0x4e: {  	_ =	swait.ge [sflag:s24], $0x7D0  }
0x4f: {  	[sflag:s24] =	ssyncset.done $0x0  }
0x50: {  	[sflag:s24] =	ssyncadd.s32 $0xFFFFF830  }
0x51: {  	_ =	swait.ge [sflag:s24], $0x7D0  }
0x52: {  	[sflag:s24] =	ssyncset.done $0x0  }
0x53: {  	[sflag:s24] =	ssyncadd.s32 $0xFFFFF830  }
0x54: {  	_ =	swait.ge [sflag:s24], $0x7D0  }
0x55: {  	[sflag:s24] =	ssyncset.done $0x0  }
0x56: {  	[sflag:s24] =	ssyncadd.s32 $0xFFFFF830  }
0x57: {  	[bflag:$0x0] =	sbarrier.arrive $0xFFFF  }
0x58: {  	[tilespmem:s13], [sflag:$0x2] =	stream.indirect.gather [hbm4b:s2+s8], $0x10, s4, s8, $0xb8;
	[tilespmem:$0x16F30] =	vst v63  }
0x59: {  	_ = 	snop  }
0x5a: {  	[tilespmem:s17], [sflag:$0x3] =	stream.indirect.gather [hbm4b:s2+s8], $0x10, s8, s8, $0xb8;
	[tilespmem:$0x16F30] =	vst v63  }
0x5b: {  	_ =	swait.ge [sflag:s14], $0x7D00  }
0x5c: {  	[sflag:s14] =	ssyncset.done $0x0  }
0x5d: {  	[sflag:s14] =	ssyncadd.s32 $0xFFFF8300  }
0x5e: {  	[spmem:s1] =	stream.indirect.scatter.add.f32 [tilespmem:s13], [sflag:$0x4], $0x10, s23, s8, $0xb8;
	[tilespmem:$0x16F30] =	vst v63  }
0x5f: {  	_ =	swait.ge [sflag:s11], $0x7D00  }
0x60: {  	[sflag:s11] =	ssyncset.done $0x0  }
0x61: {  	[sflag:s11] =	ssyncadd.s32 $0xFFFF8300  }
0x62: {  	[tilespmem:s13], [sflag:$0x2] =	stream.indirect.gather [hbm4b:s2+s8], $0x10, s22, s8, $0xb8;
	[tilespmem:$0x16F30] =	vst v63  }
0x63: {  	_ =	swait.ge [sflag:s21], $0x7D00  }
0x64: {  	[sflag:s21] =	ssyncset.done $0x0  }
0x65: {  	[sflag:s21] =	ssyncadd.s32 $0xFFFF8300  }
0x66: {  	[spmem:s1] =	stream.indirect.scatter.add.f32 [tilespmem:s17], [sflag:$0x5], $0x10, s20, s8, $0xb8;
	[tilespmem:$0x16F30] =	vst v63  }
0x67: {  	_ =	swait.ge [sflag:s18], $0x7D00  }
0x68: {  	[sflag:s18] =	ssyncset.done $0x0  }
0x69: {  	[sflag:s18] =	ssyncadd.s32 $0xFFFF8300  }
0x6a: {  	[tilespmem:s17], [sflag:$0x3] =	stream.indirect.gather [hbm4b:s2+s8], $0x10, s19, s8, $0xb8;
	[tilespmem:$0x16F30] =	vst v63  }
0x6b: {  	_ =	swait.ge [sflag:s14], $0x7D00  }
0x6c: {  	[sflag:s14] =	ssyncset.done $0x0  }
0x6d: {  	[sflag:s14] =	ssyncadd.s32 $0xFFFF8300  }
0x6e: {  	[spmem:s1] =	stream.indirect.scatter.add.f32 [tilespmem:s13], [sflag:$0x4], $0x10, s16, s8, $0xb8;
	[tilespmem:$0x16F30] =	vst v63  }
0x6f: {  	_ =	swait.ge [sflag:s11], $0x7D00  }
0x70: {  	[sflag:s11] =	ssyncset.done $0x0  }
0x71: {  	[sflag:s11] =	ssyncadd.s32 $0xFFFF8300  }
0x72: {  	[tilespmem:s13], [sflag:$0x2] =	stream.indirect.gather [hbm4b:s2+s8], $0x10, s15, s8, $0xb8;
	[tilespmem:$0x16F30] =	vst v63  }
0x73: {  	_ =	swait.ge [sflag:s21], $0x7D00  }
0x74: {  	[sflag:s21] =	ssyncset.done $0x0  }
0x75: {  	[sflag:s21] =	ssyncadd.s32 $0xFFFF8300  }
0x76: {  	[spmem:s1] =	stream.indirect.scatter.add.f32 [tilespmem:s17], [sflag:$0x5], $0x10, s12, s8, $0xb8;
	[tilespmem:$0x16F30] =	vst v63  }
0x77: {  	_ =	swait.ge [sflag:s14], $0x7D00  }
0x78: {  	[sflag:s14] =	ssyncset.done $0x0  }
0x79: {  	[sflag:s14] =	ssyncadd.s32 $0xFFFF8300  }
0x7a: {  	[spmem:s1] =	stream.indirect.scatter.add.f32 [tilespmem:s13], [sflag:$0x4], $0x10, s10, s8, $0xb8;
	[tilespmem:$0x16F30] =	vst v63  }
0x7b: {  	_ =	swait.ge [sflag:s18], $0x7D00  }
0x7c: {  	[sflag:s18] =	ssyncset.done $0x0  }
0x7d: {  	[sflag:s18] =	ssyncadd.s32 $0xFFFF8300  }
0x7e: {  	_ =	swait.ge [sflag:s11], $0x7D00  }
0x7f: {  	[sflag:s11] =	ssyncset.done $0x0  }
0x80: {  	[sflag:s11] =	ssyncadd.s32 $0xFFFF8300  }
0x81: {  	s29 =	sadd.s32 $0xFFFFFFFF, s29;
	[bflag:$0x0] =	sbarrier.arrive $0xFFFF  }
0x82: {  	[hbm:s6], [sflag:s3] =	dma.local [spmem:s30], $0x4E0  }
0x83: {  	p2 =	sne.s32 s29, $0x0;
	_ =	swait.ge [sflag:s7], $0x4E0  }
.Ltmp1:
0x84: {  	[sflag:s7] =	ssyncset.done $0x0;
	(pc) =	sbr.rel @!p2 .LBB2_3-.Ltmp1, $4  }
0x85: {  	[sflag:s7] =	ssyncadd.s32 $0xFFFFFB20  }
0x86: {  	[hbm:s5], [sflag:s3] =	dma.local @!p0 [spmem:s9], $0x20  }
0x87: {  	_ =	swait.ge @!p0 [sflag:s28], $0x20  }
0x88: {  	p1 =	por $0x1, $0x1;
	s30 =	rddreg [dreg:$0x3];
	[sflag:s28] =	ssyncset.done @!p0 $0x0  }
.LBB2_4:
0x89: {  	s31 =	rddreg [dreg:$0xd];
	[sflag:s28] =	ssyncadd.s32 @!p0 $0xFFFFFFE0  }
0x8a: {  	[tilespmem:s4], [sflag:$0x1] =	stream.linear.gather [hbm4b:s30+s4], $0x7D0, $0x38;
	[tilespmem:$0x16F30] =	vst v63  }
0x8b: {  	s0 =	rddreg [dreg:$0x4]  }
0x8c: {  	[tilespmem:s23], [sflag:$0x1] =	stream.linear.gather [hbm4b:s0+s4], $0x7D0, $0x38;
	[tilespmem:$0x16F30] =	vst v63  }
0x8d: {  	s30 =	rddreg [dreg:$0x5]  }
0x8e: {  	[tilespmem:s8], [sflag:$0x1] =	stream.linear.gather [hbm4b:s30+s4], $0x7D0, $0x38;
	[tilespmem:$0x16F30] =	vst v63  }
0x8f: {  	s0 =	rddreg [dreg:$0x6]  }
0x90: {  	[tilespmem:s20], [sflag:$0x1] =	stream.linear.gather [hbm4b:s0+s4], $0x7D0, $0x38;
	[tilespmem:$0x16F30] =	vst v63  }
0x91: {  	s30 =	rddreg [dreg:$0x7]  }
0x92: {  	[tilespmem:s22], [sflag:$0x1] =	stream.linear.gather [hbm4b:s30+s4], $0x7D0, $0x38;
	[tilespmem:$0x16F30] =	vst v63  }
0x93: {  	s0 =	rddreg [dreg:$0x8]  }
0x94: {  	[tilespmem:s16], [sflag:$0x1] =	stream.linear.gather [hbm4b:s0+s4], $0x7D0, $0x38;
	[tilespmem:$0x16F30] =	vst v63  }
0x95: {  	s30 =	rddreg [dreg:$0x9]  }
0x96: {  	[tilespmem:s19], [sflag:$0x1] =	stream.linear.gather [hbm4b:s30+s4], $0x7D0, $0x38;
	[tilespmem:$0x16F30] =	vst v63  }
0x97: {  	s0 =	rddreg [dreg:$0xa]  }
0x98: {  	[tilespmem:s12], [sflag:$0x1] =	stream.linear.gather [hbm4b:s0+s4], $0x7D0, $0x38;
	[tilespmem:$0x16F30] =	vst v63  }
0x99: {  	s30 =	rddreg [dreg:$0xb]  }
0x9a: {  	[tilespmem:s15], [sflag:$0x1] =	stream.linear.gather [hbm4b:s30+s4], $0x7D0, $0x38;
	[tilespmem:$0x16F30] =	vst v63  }
0x9b: {  	s0 =	rddreg [dreg:$0xc];
	s30 =	sshrl.u32 s31, $0x3  }
0x9c: {  	[tilespmem:s10], [sflag:$0x1] =	stream.linear.gather [hbm4b:s0+s4], $0x7D0, $0x38;
	[tilespmem:$0x16F30] =	vst v63  }
0x9d: {  	[spmem:s30], [sflag:s3] =	dma.local [hbm:s25], $0x4E0  }
0x9e: {  	_ =	swait.ge [sflag:s7], $0x4E0  }
0x9f: {  	[sflag:s7] =	ssyncset.done $0x0  }
0xa0: {  	[sflag:s7] =	ssyncadd.s32 $0xFFFFFB20  }
0xa1: {  	[spmem:s9], [sflag:s3] =	dma.local @!p0 [hbm:s26], $0x20  }
0xa2: {  	_ =	swait.ge @!p0 [sflag:s28], $0x20  }
0xa3: {  	[sflag:s28] =	ssyncset.done @!p0 $0x0  }
0xa4: {  	[sflag:s28] =	ssyncadd.s32 @!p0 $0xFFFFFFE0  }
0xa5: {  	_ =	swait.ge [sflag:s24], $0x7D0  }
0xa6: {  	[sflag:s24] =	ssyncset.done $0x0  }
0xa7: {  	[sflag:s24] =	ssyncadd.s32 $0xFFFFF830  }
0xa8: {  	_ =	swait.ge [sflag:s24], $0x7D0  }
0xa9: {  	[sflag:s24] =	ssyncset.done $0x0  }
0xaa: {  	[sflag:s24] =	ssyncadd.s32 $0xFFFFF830  }
0xab: {  	_ =	swait.ge [sflag:s24], $0x7D0  }
0xac: {  	[sflag:s24] =	ssyncset.done $0x0  }
0xad: {  	[sflag:s24] =	ssyncadd.s32 $0xFFFFF830  }
0xae: {  	_ =	swait.ge [sflag:s24], $0x7D0  }
0xaf: {  	[sflag:s24] =	ssyncset.done $0x0  }
0xb0: {  	[sflag:s24] =	ssyncadd.s32 $0xFFFFF830  }
0xb1: {  	_ =	swait.ge [sflag:s24], $0x7D0  }
0xb2: {  	[sflag:s24] =	ssyncset.done $0x0  }
0xb3: {  	[sflag:s24] =	ssyncadd.s32 $0xFFFFF830  }
0xb4: {  	_ =	swait.ge [sflag:s24], $0x7D0  }
0xb5: {  	[sflag:s24] =	ssyncset.done $0x0  }
0xb6: {  	[sflag:s24] =	ssyncadd.s32 $0xFFFFF830  }
0xb7: {  	_ =	swait.ge [sflag:s24], $0x7D0  }
0xb8: {  	[sflag:s24] =	ssyncset.done $0x0  }
0xb9: {  	[sflag:s24] =	ssyncadd.s32 $0xFFFFF830  }
0xba: {  	_ =	swait.ge [sflag:s24], $0x7D0  }
0xbb: {  	[sflag:s24] =	ssyncset.done $0x0  }
0xbc: {  	[sflag:s24] =	ssyncadd.s32 $0xFFFFF830  }
0xbd: {  	_ =	swait.ge [sflag:s24], $0x7D0  }
0xbe: {  	[sflag:s24] =	ssyncset.done $0x0  }
0xbf: {  	[sflag:s24] =	ssyncadd.s32 $0xFFFFF830  }
0xc0: {  	_ =	swait.ge [sflag:s24], $0x7D0  }
0xc1: {  	[sflag:s24] =	ssyncset.done $0x0  }
0xc2: {  	[sflag:s24] =	ssyncadd.s32 $0xFFFFF830  }
0xc3: {  	[bflag:$0x0] =	sbarrier.arrive $0xFFFF  }
0xc4: {  	[tilespmem:s13], [sflag:$0x2] =	stream.indirect.gather [hbm4b:s2+s8], $0x10, s4, s8, $0xb8;
	[tilespmem:$0x16F30] =	vst v63  }
0xc5: {  	_ = 	snop  }
0xc6: {  	[tilespmem:s17], [sflag:$0x3] =	stream.indirect.gather [hbm4b:s2+s8], $0x10, s8, s8, $0xb8;
	[tilespmem:$0x16F30] =	vst v63  }
0xc7: {  	_ =	swait.ge [sflag:s14], $0x7D00  }
0xc8: {  	[sflag:s14] =	ssyncset.done $0x0  }
0xc9: {  	[sflag:s14] =	ssyncadd.s32 $0xFFFF8300  }
0xca: {  	[spmem:s1] =	stream.indirect.scatter.add.f32 [tilespmem:s13], [sflag:$0x4], $0x10, s23, s8, $0xb8;
	[tilespmem:$0x16F30] =	vst v63  }
0xcb: {  	_ =	swait.ge [sflag:s11], $0x7D00  }
0xcc: {  	[sflag:s11] =	ssyncset.done $0x0  }
0xcd: {  	[sflag:s11] =	ssyncadd.s32 $0xFFFF8300  }
0xce: {  	[tilespmem:s13], [sflag:$0x2] =	stream.indirect.gather [hbm4b:s2+s8], $0x10, s22, s8, $0xb8;
	[tilespmem:$0x16F30] =	vst v63  }
0xcf: {  	_ =	swait.ge [sflag:s21], $0x7D00  }
0xd0: {  	[sflag:s21] =	ssyncset.done $0x0  }
0xd1: {  	[sflag:s21] =	ssyncadd.s32 $0xFFFF8300  }
0xd2: {  	[spmem:s1] =	stream.indirect.scatter.add.f32 [tilespmem:s17], [sflag:$0x5], $0x10, s20, s8, $0xb8;
	[tilespmem:$0x16F30] =	vst v63  }
0xd3: {  	_ =	swait.ge [sflag:s18], $0x7D00  }
0xd4: {  	[sflag:s18] =	ssyncset.done $0x0  }
0xd5: {  	[sflag:s18] =	ssyncadd.s32 $0xFFFF8300  }
0xd6: {  	[tilespmem:s17], [sflag:$0x3] =	stream.indirect.gather [hbm4b:s2+s8], $0x10, s19, s8, $0xb8;
	[tilespmem:$0x16F30] =	vst v63  }
0xd7: {  	_ =	swait.ge [sflag:s14], $0x7D00  }
0xd8: {  	[sflag:s14] =	ssyncset.done $0x0  }
0xd9: {  	[sflag:s14] =	ssyncadd.s32 $0xFFFF8300  }
0xda: {  	[spmem:s1] =	stream.indirect.scatter.add.f32 [tilespmem:s13], [sflag:$0x4], $0x10, s16, s8, $0xb8;
	[tilespmem:$0x16F30] =	vst v63  }
0xdb: {  	_ =	swait.ge [sflag:s11], $0x7D00  }
0xdc: {  	[sflag:s11] =	ssyncset.done $0x0  }
0xdd: {  	[sflag:s11] =	ssyncadd.s32 $0xFFFF8300  }
0xde: {  	[tilespmem:s13], [sflag:$0x2] =	stream.indirect.gather [hbm4b:s2+s8], $0x10, s15, s8, $0xb8;
	[tilespmem:$0x16F30] =	vst v63  }
0xdf: {  	_ =	swait.ge [sflag:s21], $0x7D00  }
0xe0: {  	[sflag:s21] =	ssyncset.done $0x0  }
0xe1: {  	[sflag:s21] =	ssyncadd.s32 $0xFFFF8300  }
0xe2: {  	[spmem:s1] =	stream.indirect.scatter.add.f32 [tilespmem:s17], [sflag:$0x5], $0x10, s12, s8, $0xb8;
	[tilespmem:$0x16F30] =	vst v63  }
0xe3: {  	_ =	swait.ge [sflag:s14], $0x7D00  }
0xe4: {  	[sflag:s14] =	ssyncset.done $0x0  }
0xe5: {  	[sflag:s14] =	ssyncadd.s32 $0xFFFF8300  }
0xe6: {  	[spmem:s1] =	stream.indirect.scatter.add.f32 [tilespmem:s13], [sflag:$0x4], $0x10, s10, s8, $0xb8;
	[tilespmem:$0x16F30] =	vst v63  }
0xe7: {  	_ =	swait.ge [sflag:s18], $0x7D00  }
0xe8: {  	[sflag:s18] =	ssyncset.done $0x0  }
0xe9: {  	[sflag:s18] =	ssyncadd.s32 $0xFFFF8300  }
0xea: {  	_ =	swait.ge [sflag:s11], $0x7D00  }
0xeb: {  	[sflag:s11] =	ssyncset.done $0x0  }
0xec: {  	[sflag:s11] =	ssyncadd.s32 $0xFFFF8300  }
0xed: {  	s29 =	sadd.s32 $0xFFFFFFFF, s29;
	[bflag:$0x0] =	sbarrier.arrive $0xFFFF  }
0xee: {  	[hbm:s6], [sflag:s3] =	dma.local [spmem:s30], $0x4E0  }
0xef: {  	p2 =	sne.s32 s29, $0x0;
	_ =	swait.ge [sflag:s7], $0x4E0  }
.Ltmp2:
0xf0: {  	[sflag:s7] =	ssyncset.done $0x0;
	(pc) =	sbr.rel @p2 .LBB2_4-.Ltmp2, $4  }
0xf1: {  	[sflag:s7] =	ssyncadd.s32 $0xFFFFFB20  }
0xf2: {  	[hbm:s5], [sflag:s3] =	dma.local @!p0 [spmem:s9], $0x20  }
0xf3: {  	_ =	swait.ge @!p0 [sflag:s28], $0x20  }
0xf4: {  	s30 =	rddreg [dreg:$0x3];
	[sflag:s28] =	ssyncset.done @!p0 $0x0  }
0xf5: {  	s31 =	rddreg [dreg:$0x2]  }
.LBB2_6:
0xf6: {  	p1 =	por p0, !p1  }
0xf7: {  	[sflag:s28] =	ssyncadd.s32 @!p1 $0xFFFFFFE0  }
0xf8: {  	[tilespmem:s4], [sflag:$0x1] =	stream.linear.gather [hbm4b:s30+s4], $0x7D0, $0x38;
	[tilespmem:$0x16F30] =	vst v63  }
0xf9: {  	s0 =	rddreg [dreg:$0x4]  }
0xfa: {  	[tilespmem:s23], [sflag:$0x1] =	stream.linear.gather [hbm4b:s0+s4], $0x7D0, $0x38;
	[tilespmem:$0x16F30] =	vst v63  }
0xfb: {  	s30 =	rddreg [dreg:$0x5]  }
0xfc: {  	[tilespmem:s8], [sflag:$0x1] =	stream.linear.gather [hbm4b:s30+s4], $0x7D0, $0x38;
	[tilespmem:$0x16F30] =	vst v63  }
0xfd: {  	s29 =	rddreg [dreg:$0x6]  }
0xfe: {  	[tilespmem:s20], [sflag:$0x1] =	stream.linear.gather [hbm4b:s29+s4], $0x7D0, $0x38;
	[tilespmem:$0x16F30] =	vst v63  }
0xff: {  	s30 =	rddreg [dreg:$0x7]  }
0x100: {  	[tilespmem:s22], [sflag:$0x1] =	stream.linear.gather [hbm4b:s30+s4], $0x7D0, $0x38;
	[tilespmem:$0x16F30] =	vst v63  }
0x101: {  	s29 =	rddreg [dreg:$0x8]  }
0x102: {  	[tilespmem:s16], [sflag:$0x1] =	stream.linear.gather [hbm4b:s29+s4], $0x7D0, $0x38;
	[tilespmem:$0x16F30] =	vst v63  }
0x103: {  	s30 =	rddreg [dreg:$0x9]  }
0x104: {  	[tilespmem:s19], [sflag:$0x1] =	stream.linear.gather [hbm4b:s30+s4], $0x7D0, $0x38;
	[tilespmem:$0x16F30] =	vst v63  }
0x105: {  	s29 =	rddreg [dreg:$0xa]  }
0x106: {  	[tilespmem:s12], [sflag:$0x1] =	stream.linear.gather [hbm4b:s29+s4], $0x7D0, $0x38;
	[tilespmem:$0x16F30] =	vst v63  }
0x107: {  	s30 =	rddreg [dreg:$0xb]  }
0x108: {  	[tilespmem:s15], [sflag:$0x1] =	stream.linear.gather [hbm4b:s30+s4], $0x7D0, $0x38;
	[tilespmem:$0x16F30] =	vst v63  }
0x109: {  	s30 =	rddreg [dreg:$0xd]  }
0x10a: {  	s29 =	rddreg [dreg:$0xc];
	s28 =	sshrl.u32 s30, $0x3  }
0x10b: {  	[tilespmem:s10], [sflag:$0x1] =	stream.linear.gather [hbm4b:s29+s4], $0x7D0, $0x38;
	[tilespmem:$0x16F30] =	vst v63  }
0x10c: {  	[spmem:s28], [sflag:s3] =	dma.local [hbm:s25], $0x4E0  }
0x10d: {  	_ =	swait.ge [sflag:s7], $0x4E0  }
0x10e: {  	[sflag:s7] =	ssyncset.done $0x0  }
0x10f: {  	s25 =	simm.s32 @!p0 $0x6;
	[sflag:s7] =	ssyncadd.s32 $0xFFFFFB20  }
0x110: {  	[spmem:s9], [sflag:s3] =	dma.local @!p0 [hbm:s26], $0x20  }
0x111: {  	_ =	swait.ge @!p0 [sflag:s25], $0x20  }
0x112: {  	[sflag:s25] =	ssyncset.done @!p0 $0x0  }
0x113: {  	[sflag:s25] =	ssyncadd.s32 @!p0 $0xFFFFFFE0  }
0x114: {  	_ =	swait.ge [sflag:s24], $0x7D0  }
0x115: {  	[sflag:s24] =	ssyncset.done $0x0  }
0x116: {  	[sflag:s24] =	ssyncadd.s32 $0xFFFFF830  }
0x117: {  	_ =	swait.ge [sflag:s24], $0x7D0  }
0x118: {  	[sflag:s24] =	ssyncset.done $0x0  }
0x119: {  	[sflag:s24] =	ssyncadd.s32 $0xFFFFF830  }
0x11a: {  	_ =	swait.ge [sflag:s24], $0x7D0  }
0x11b: {  	[sflag:s24] =	ssyncset.done $0x0  }
0x11c: {  	[sflag:s24] =	ssyncadd.s32 $0xFFFFF830  }
0x11d: {  	_ =	swait.ge [sflag:s24], $0x7D0  }
0x11e: {  	[sflag:s24] =	ssyncset.done $0x0  }
0x11f: {  	[sflag:s24] =	ssyncadd.s32 $0xFFFFF830  }
0x120: {  	_ =	swait.ge [sflag:s24], $0x7D0  }
0x121: {  	[sflag:s24] =	ssyncset.done $0x0  }
0x122: {  	[sflag:s24] =	ssyncadd.s32 $0xFFFFF830  }
0x123: {  	_ =	swait.ge [sflag:s24], $0x7D0  }
0x124: {  	[sflag:s24] =	ssyncset.done $0x0  }
0x125: {  	[sflag:s24] =	ssyncadd.s32 $0xFFFFF830  }
0x126: {  	_ =	swait.ge [sflag:s24], $0x7D0  }
0x127: {  	[sflag:s24] =	ssyncset.done $0x0  }
0x128: {  	[sflag:s24] =	ssyncadd.s32 $0xFFFFF830  }
0x129: {  	_ =	swait.ge [sflag:s24], $0x7D0  }
0x12a: {  	[sflag:s24] =	ssyncset.done $0x0  }
0x12b: {  	[sflag:s24] =	ssyncadd.s32 $0xFFFFF830  }
0x12c: {  	_ =	swait.ge [sflag:s24], $0x7D0  }
0x12d: {  	[sflag:s24] =	ssyncset.done $0x0  }
0x12e: {  	[sflag:s24] =	ssyncadd.s32 $0xFFFFF830  }
0x12f: {  	_ =	swait.ge [sflag:s24], $0x7D0  }
0x130: {  	[sflag:s24] =	ssyncset.done $0x0  }
0x131: {  	[sflag:s24] =	ssyncadd.s32 $0xFFFFF830  }
0x132: {  	[bflag:$0x0] =	sbarrier.arrive $0xFFFF  }
0x133: {  	[tilespmem:s13], [sflag:$0x2] =	stream.indirect.gather [hbm4b:s2+s8], $0x10, s4, s8, $0xb8;
	[tilespmem:$0x16F30] =	vst v63  }
0x134: {  	_ = 	snop  }
0x135: {  	[tilespmem:s17], [sflag:$0x3] =	stream.indirect.gather [hbm4b:s2+s8], $0x10, s8, s8, $0xb8;
	[tilespmem:$0x16F30] =	vst v63  }
0x136: {  	_ =	swait.ge [sflag:s14], $0x7D00  }
0x137: {  	[sflag:s14] =	ssyncset.done $0x0  }
0x138: {  	[sflag:s14] =	ssyncadd.s32 $0xFFFF8300  }
0x139: {  	[spmem:s1] =	stream.indirect.scatter.add.f32 [tilespmem:s13], [sflag:$0x4], $0x10, s23, s8, $0xb8;
	[tilespmem:$0x16F30] =	vst v63  }
0x13a: {  	_ =	swait.ge [sflag:s11], $0x7D00  }
0x13b: {  	[sflag:s11] =	ssyncset.done $0x0  }
0x13c: {  	[sflag:s11] =	ssyncadd.s32 $0xFFFF8300  }
0x13d: {  	[tilespmem:s13], [sflag:$0x2] =	stream.indirect.gather [hbm4b:s2+s8], $0x10, s22, s8, $0xb8;
	[tilespmem:$0x16F30] =	vst v63  }
0x13e: {  	_ =	swait.ge [sflag:s21], $0x7D00  }
0x13f: {  	[sflag:s21] =	ssyncset.done $0x0  }
0x140: {  	[sflag:s21] =	ssyncadd.s32 $0xFFFF8300  }
0x141: {  	[spmem:s1] =	stream.indirect.scatter.add.f32 [tilespmem:s17], [sflag:$0x5], $0x10, s20, s8, $0xb8;
	[tilespmem:$0x16F30] =	vst v63  }
0x142: {  	_ =	swait.ge [sflag:s18], $0x7D00  }
0x143: {  	[sflag:s18] =	ssyncset.done $0x0  }
0x144: {  	[sflag:s18] =	ssyncadd.s32 $0xFFFF8300  }
0x145: {  	[tilespmem:s17], [sflag:$0x3] =	stream.indirect.gather [hbm4b:s2+s8], $0x10, s19, s8, $0xb8;
	[tilespmem:$0x16F30] =	vst v63  }
0x146: {  	_ =	swait.ge [sflag:s14], $0x7D00  }
0x147: {  	[sflag:s14] =	ssyncset.done $0x0  }
0x148: {  	[sflag:s14] =	ssyncadd.s32 $0xFFFF8300  }
0x149: {  	[spmem:s1] =	stream.indirect.scatter.add.f32 [tilespmem:s13], [sflag:$0x4], $0x10, s16, s8, $0xb8;
	[tilespmem:$0x16F30] =	vst v63  }
0x14a: {  	_ =	swait.ge [sflag:s11], $0x7D00  }
0x14b: {  	[sflag:s11] =	ssyncset.done $0x0  }
0x14c: {  	[sflag:s11] =	ssyncadd.s32 $0xFFFF8300  }
0x14d: {  	[tilespmem:s13], [sflag:$0x2] =	stream.indirect.gather [hbm4b:s2+s8], $0x10, s15, s8, $0xb8;
	[tilespmem:$0x16F30] =	vst v63  }
0x14e: {  	_ =	swait.ge [sflag:s21], $0x7D00  }
0x14f: {  	[sflag:s21] =	ssyncset.done $0x0  }
0x150: {  	[sflag:s21] =	ssyncadd.s32 $0xFFFF8300  }
0x151: {  	[spmem:s1] =	stream.indirect.scatter.add.f32 [tilespmem:s17], [sflag:$0x5], $0x10, s12, s8, $0xb8;
	[tilespmem:$0x16F30] =	vst v63  }
0x152: {  	_ =	swait.ge [sflag:s14], $0x7D00  }
0x153: {  	[sflag:s14] =	ssyncset.done $0x0  }
0x154: {  	[sflag:s14] =	ssyncadd.s32 $0xFFFF8300  }
0x155: {  	[spmem:s1] =	stream.indirect.scatter.add.f32 [tilespmem:s13], [sflag:$0x4], $0x10, s10, s8, $0xb8;
	[tilespmem:$0x16F30] =	vst v63  }
0x156: {  	_ =	swait.ge [sflag:s18], $0x7D00  }
0x157: {  	[sflag:s18] =	ssyncset.done $0x0  }
0x158: {  	[sflag:s18] =	ssyncadd.s32 $0xFFFF8300  }
0x159: {  	_ =	swait.ge [sflag:s11], $0x7D00  }
0x15a: {  	[sflag:s11] =	ssyncset.done $0x0  }
0x15b: {  	[sflag:s11] =	ssyncadd.s32 $0xFFFF8300  }
0x15c: {  	[bflag:$0x0] =	sbarrier.arrive $0xFFFF  }
0x15d: {  	[hbm:s6], [sflag:s3] =	dma.local [spmem:s28], $0x4E0  }
0x15e: {  	_ =	swait.ge [sflag:s7], $0x4E0  }
0x15f: {  	[sflag:s7] =	ssyncset.done $0x0  }
0x160: {  	[sflag:s7] =	ssyncadd.s32 $0xFFFFFB20  }
0x161: {  	[hbm:s5], [sflag:s3] =	dma.local @!p0 [spmem:s9], $0x20  }
0x162: {  	_ =	swait.ge @!p0 [sflag:s25], $0x20  }
0x163: {  	[sflag:s25] =	ssyncset.done @!p0 $0x0  }
0x164: {  	[sflag:s25] =	ssyncadd.s32 @!p0 $0xFFFFFFE0  }
0x165: {  	_ =	sfence.sel $0x180000  }
0x166: {  	[bflag:$0x0] =	sbarrier.arrive $0xFFFF  }
0x167: {  	_ =	strace $0x9000004A  }
0x168: {  	s0 =	sadd.s32 @!p0 $0x100000, s31;
	[bflag:$0x2] =	sbarrier.arrive $0xFFFF  }
0x169: {  	[sflag:s0] =	ssyncadd.tile.s32 @!p0 $0x1;
	_ =	shalt  }
.LBB2_1:
.Ltmp3:
0x16a: {  	(pc) =	sbr.rel .LBB2_6-.Ltmp3, $2  }
0x16b: {  	_ =	sdelay $0x2  }
0x16c: {  	_ = 	snop  }
.LBB2_3:
.Ltmp4:
0x16d: {  	(pc) =	sbr.rel .LBB2_6-.Ltmp4, $2  }
0x16e: {  	_ =	sdelay $0x2  }
0x16f: {  	s31 =	rddreg [dreg:$0x2]  }
.Lfunc_end2:
_tile_overlayer_lowered:
.L_overlay_start_2:
0x170: {  	(tag) =	ssettag $0x2  }
0x171: {  	s0 =	rddreg [dreg:$0x0];
	s2 =	stileid.u32  }
0x172: {  	s1 =	rddreg [dreg:$0x1];
	p0 =	sne.s32 s2, $0x0  }
0x173: {  	s3 =	rddreg [dreg:$0x2];
	[bflag:$0x3] =	sbarrier.arrive $0xFFFF;
	s2 =	simm.s32 @!p0 $0x1C06  }
0x174: {  	[timem:s3], [sflag:s2] =	dma.local @!p0 [hbm:s0], s1  }
0x175: {  	s0 =	simm.s32 @!p0 $0x6  }
0x176: {  	_ =	swait.ge @!p0 [sflag:s0], s1  }
0x177: {  	s1 =	ssub.s32 @!p0 $0x0, s1;
	[sflag:s0] =	ssyncset.done @!p0 $0x0  }
0x178: {  	[sflag:s0] =	ssyncadd.s32 @!p0 s1  }
0x179: {  	[bflag:$0x3] =	sbarrier.arrive $0xFFFF  }
0x17a: {  	_ =	shalt  }

// kernel: kernel.15.cloned.1.call-start
scs
__scs_entry_jumppad:
0x0: {  	(pc) =	sbr.rel $0x88, $3  }
0x1: {  	(tag) =	ssettag $0x0;
	lr =	simm.s32 $0x1  }
0x2: {  	[smem:$0x3F9B] =	sst lr;
	_ =	strace $0xD0000000  }
0x3: {  	_ = 	snop  }
0x4: {  	_ = 	snop  }
0x5: {  	_ = 	snop  }
0x6: {  	_ = 	snop  }
0x7: {  	_ = 	snop  }
__scs_overlays_trampoline_lowered:
0x8: {  	[smem:$0x3FAA] =	sst s0  }
0x9: {  	[smem:$0x3FAB] =	sst s1  }
0xa: {  	[smem:$0x3FAC] =	sst s2  }
0xb: {  	[smem:$0x3FAD] =	sst s3  }
0xc: {  	[smem:$0x3FAE] =	sst s4  }
0xd: {  	[smem:$0x3FAF] =	sst s5  }
0xe: {  	[smem:$0x3FB0] =	sst s6  }
0xf: {  	[smem:$0x3FB1] =	sst s7  }
0x10: {  	[smem:$0x3FB2] =	sst s8  }
0x11: {  	[smem:$0x3FB3] =	sst s9;
	s0 =	simm.s32 @!p0 $0x0  }
0x12: {  	s1 =	sld [smem:$0x3F99];
	s0 =	simm.s32 @p0 $0x1  }
0x13: {  	[smem:$0x3FB4] =	sst s0;
	s0 =	simm.s32 @!p1 $0x0  }
0x14: {  	s2 =	sld [smem:$0x3F98];
	s0 =	simm.s32 @p1 $0x1  }
0x15: {  	[smem:$0x3FB5] =	sst s0;
	s0 =	simm.s32 @!p2 $0x0  }
0x16: {  	s3 =	sld [smem:$0x3FDB];
	s0 =	simm.s32 @p2 $0x1  }
0x17: {  	s4 =	simm.s32 $0x1BF5;
	[smem:$0x3FB7] =	sst s0  }
0x18: {  	s0 =	sld [smem:$0x3F9A];
	_ =	swait.ge [sflag:s4], $0x0  }
0x19: {  	s7 =	sld [smem:$0x3F9B]  }
0x1a: {  	s8 =	sadd.s32 $0xFFFFE003, lr  }
0x1b: {  	s9 =	sadd.s32 $0xFFFFFEF7, lr;
	s5 =	simm.s32 $0xFFFFFFFF;
	p2 =	slt.u32 s8, $0xFFFFF086  }
0x1c: {  	p1 =	slt.u32 s9, $0xF7A;
	s5 =	simm.s32 @!p2 $0x0  }
0x1d: {  	s5 =	simm.s32 @p1 $0x1;
	p0 =	seq.s32 s7, s2  }
0x1e: {  	s7 =	smul.u32 @!p0 $0xF7A, s2;
	p2 =	seq.s32 @!p0 s5, $0x0  }
0x1f: {  	s9 =	smul.u32 $0xF7A, s1;
	s8 =	simm.s32 @!p0 $0x1BF5;
	p2 =	por !p2, p0  }
0x20: {  	[sflag:s8] =	ssyncset.s32 @!p0 $0xFFFFF086;
	s6 =	sadd.s32 @!p0 s3, s7;
	s7 =	simm.s32 @!p0 $0x108  }
0x21: {  	s3 =	sadd.s32 s3, s9;
	s6 =	sadd.s32 @!p0 $0x88, s6;
	s7 =	simm.s32 @p2 $0x1082  }
0x22: {  	[simem:s7], [sflag:s8] =	dma.local @!p0 [hbm:s6], $0xF7A  }
0x23: {  	s9 =	sor.u32 $0xD0000000, s2;
	s6 =	simm.s32 $0x108;
	_ =	swait.ge @!p0 [sflag:s8], $0x0  }
0x24: {  	s3 =	sadd.s32 $0x88, s3;
	s6 =	simm.s32 @!p1 $0x1082;
	[sflag:s4] =	ssyncset.s32 $0xFFFFF086  }
0x25: {  	[simem:s6], [sflag:s4] =	dma.local [hbm:s3], $0xF7A  }
0x26: {  	[smem:$0x3F9B] =	sst s1;
	(tag) =	ssettag s2;
	_ =	strace s9  }
0x27: {  	s1 =	sld [smem:$0x3FAB]  }
0x28: {  	s2 =	sld [smem:$0x3FAC]  }
0x29: {  	s4 =	sld [smem:$0x3FAE]  }
0x2a: {  	p0 =	seq.s32 s5, $0x0;
	s5 =	sld [smem:$0x3FAF]  }
0x2b: {  	s6 =	sld [smem:$0x3FB0]  }
0x2c: {  	s7 =	sld [smem:$0x3FB1]  }
0x2d: {  	s3 =	simm.s32 $0x108;
	s8 =	sld [smem:$0x3FB2]  }
0x2e: {  	s3 =	simm.s32 @!p0 $0x1082;
	s9 =	sld [smem:$0x3FB3]  }
0x2f: {  	lr =	sadd.s32 s0, s3;
	s0 =	sld [smem:$0x3FAA]  }
0x30: {  	s3 =	sld [smem:$0x3FAD]  }
0x31: {  	[smem:$0x3FB6] =	sst s10  }
0x32: {  	s10 =	sld [smem:$0x3FB4];
	_ =	sdelay $0x3  }
0x33: {  	p0 =	seq.s32 s10, $0x1;
	s10 =	sld [smem:$0x3FB6];
	_ =	sdelay $0x3  }
0x34: {  	[smem:$0x3FB6] =	sst s10  }
0x35: {  	s10 =	sld [smem:$0x3FB5];
	_ =	sdelay $0x3  }
0x36: {  	p1 =	seq.s32 s10, $0x1;
	s10 =	sld [smem:$0x3FB6];
	_ =	sdelay $0x3  }
0x37: {  	[smem:$0x3FB6] =	sst s10  }
0x38: {  	s10 =	sld [smem:$0x3FB7]  }
0x39: {  	_ = 	snop;
	(pc) =	sbr.ind lr, $3  }
0x3a: {  	_ = 	snop  }
0x3b: {  	_ = 	snop  }
0x3c: {  	p2 =	seq.s32 s10, $0x1;
	s10 =	sld [smem:$0x3FB6]  }
0x3d: {  	_ =	shalt  }
0x3e: {  	_ =	shalt  }
0x3f: {  	_ =	shalt  }
0x40: {  	_ =	shalt  }
0x41: {  	_ =	shalt  }
0x42: {  	_ =	shalt  }
0x43: {  	_ =	shalt  }
0x44: {  	_ =	shalt  }
0x45: {  	_ =	shalt  }
0x46: {  	_ =	shalt  }
0x47: {  	_ =	shalt  }
0x48: {  	_ =	shalt  }
0x49: {  	_ =	shalt  }
0x4a: {  	_ =	shalt  }
0x4b: {  	_ =	shalt  }
0x4c: {  	_ =	shalt  }
0x4d: {  	_ =	shalt  }
0x4e: {  	_ =	shalt  }
0x4f: {  	_ =	shalt  }
0x50: {  	_ =	shalt  }
0x51: {  	_ =	shalt  }
0x52: {  	_ =	shalt  }
0x53: {  	_ =	shalt  }
0x54: {  	_ =	shalt  }
0x55: {  	_ =	shalt  }
0x56: {  	_ =	shalt  }
0x57: {  	_ =	shalt  }
0x58: {  	_ =	shalt  }
0x59: {  	_ =	shalt  }
0x5a: {  	_ =	shalt  }
0x5b: {  	_ =	shalt  }
0x5c: {  	_ =	shalt  }
0x5d: {  	_ =	shalt  }
0x5e: {  	_ =	shalt  }
0x5f: {  	_ =	shalt  }
0x60: {  	_ =	shalt  }
0x61: {  	_ =	shalt  }
0x62: {  	_ =	shalt  }
0x63: {  	_ =	shalt  }
0x64: {  	_ =	shalt  }
0x65: {  	_ =	shalt  }
0x66: {  	_ =	shalt  }
0x67: {  	_ =	shalt  }
0x68: {  	_ =	shalt  }
0x69: {  	_ =	shalt  }
0x6a: {  	_ =	shalt  }
0x6b: {  	_ =	shalt  }
0x6c: {  	_ =	shalt  }
0x6d: {  	_ =	shalt  }
0x6e: {  	_ =	shalt  }
0x6f: {  	_ =	shalt  }
0x70: {  	_ =	shalt  }
0x71: {  	_ =	shalt  }
0x72: {  	_ =	shalt  }
0x73: {  	_ =	shalt  }
0x74: {  	_ =	shalt  }
0x75: {  	_ =	shalt  }
0x76: {  	_ =	shalt  }
0x77: {  	_ =	shalt  }
0x78: {  	_ =	shalt  }
0x79: {  	_ =	shalt  }
0x7a: {  	_ =	shalt  }
0x7b: {  	_ =	shalt  }
0x7c: {  	_ =	shalt  }
0x7d: {  	_ =	shalt  }
0x7e: {  	_ =	shalt  }
0x7f: {  	_ =	shalt  }
0x80: {  	_ =	shalt  }
0x81: {  	_ =	shalt  }
0x82: {  	_ =	shalt  }
0x83: {  	_ =	shalt  }
0x84: {  	_ =	shalt  }
0x85: {  	_ =	shalt  }
0x86: {  	_ =	shalt  }
0x87: {  	_ =	shalt  }
.Lfunc_end0:
.L_simem_size_0:
called_computation.2_lowered:
.L_overlay_start_0:
0x88: {  	s2 =	sld [smem:$0x3FD9]  }
0x89: {  	s3 =	sld [smem:$0x3FFE];
	_ =	sdelay $0x1  }
0x8a: {  	s1 =	srdreg.scid  }
0x8b: {  	s0 =	sand.u32 $0x1, s1  }
0x8c: {  	s16 =	sshll.u32 s0, $0xA;
	s2 =	sadd.s32 s3, s2  }
0x8d: {  	s2 =	sadd.s32 s2, s16  }
0x8e: {  	[smem:$0x3FC2] =	sst s2  }
0x8f: {  	_ = 	snop  }
0x90: {  	(tm) =	ssettm $0x1  }
0x91: {  	s17 =	sld [smem:$0x3FFB];
	_ =	sdelay $0x3  }
0x92: {  	_ =	strace s17  }
0x93: {  	s2 =	sld [smem:$0x3FFC];
	_ =	sdelay $0x3  }
0x94: {  	_ =	strace s2  }
0x95: {  	s2 =	sld [smem:$0x3FFD];
	_ =	sdelay $0x3  }
0x96: {  	_ =	strace s2  }
0x97: {  	_ =	strace $0x8FFFFFFF  }
0x98: {  	s18 =	sld [smem:$0x3FDB];
	_ =	sdelay $0x1  }
0x99: {  	s19 =	simm.s32 $_scs_section_size  }
0x9a: {  	s4 =	simm.s32 $_size__tile_overlayer_lowered;
	s5 =	simm.s32 $_tile_overlayer_lowered  }
0x9b: {  	s22 =	simm.s32 $0x1BFF;
	s21 =	sshll.u32 s5, $0x1;
	s2 =	sadd.s32 s19, s18  }
0x9c: {  	s6 =	simm.s32 $0x0;
	s20 =	sshll.u32 s4, $0x1;
	s4 =	sadd.s32 s21, s2  }
0x9d: {  	[timem:s6], [sflag:s22] =	dma.local [hbm:s4], s20  }
0x9e: {  	_ =	swait.ge [sflag:s22], s20  }
0x9f: {  	s3 =	ssub.s32 $0x0, s20;
	[sflag:s22] =	ssyncset.done $0x0  }
0xa0: {  	[sflag:s22] =	ssyncadd.s32 s3;
	_ =	sdelay $0x1  }
0xa1: {  	s23 =	simm.s32 $0x1B8B  }
0xa2: {  	_ =	swait.ge [sflag:s23], $0x1  }
0xa3: {  	[sflag:s23] =	ssyncset.done $0x0  }
0xa4: {  	s25 =	simm.s32 $0x1B8E;
	s24 =	sld [smem:$0x3FFE];
	[sflag:s23] =	ssyncadd.s32 $0xFFFFFFFF  }
0xa5: {  	s26 =	simm.s32 $execute0_lowered;
	[smem:$0x3FD2] =	sst s25  }
0xa6: {  	s4 =	sshll.u32 s26, $0x1;
	_ =	strace $0x8000004C;
	[dreg:$0x1] =	wrdreg $0xFFFFFFFF  }
0xa7: {  	s28 =	simm.s32 $_size_execute0_lowered;
	s2 =	sadd.s32 s2, s4;
	[dreg:$0x0] =	wrdreg $0x0  }
0xa8: {  	s4 =	sshll.u32 s28, $0x1;
	[dreg:$0x2] =	wrdreg s2  }
0xa9: {  	[dreg:$0x3] =	wrdreg s4  }
0xaa: {  	[dreg:$0x4] =	wrdreg $0xC0  }
0xab: {  	_ =	task [dreg:s6], $0x5FFFF  }
0xac: {  	[dreg:$0x1] =	wrdreg $0xFFFFFFFF  }
0xad: {  	[dreg:$0x0] =	wrdreg $0x60  }
0xae: {  	[dreg:$0x2] =	wrdreg s24  }
0xaf: {  	[dreg:$0x3] =	wrdreg $0x148200  }
0xb0: {  	[dreg:$0x4] =	wrdreg $0x9  }
0xb1: {  	_ =	task.clear_ibuf [dreg:s6], $0x5FFFF;
	_ =	strace $0x9000004C  }
0xb2: {  	s29 =	simm.s32 $0x9;
	_ =	strace $0x8000004E  }
0xb3: {  	_ =	swait.ge [sflag:s29], $0x1  }
0xb4: {  	[sflag:s29] =	ssyncadd.s32 $0xFFFFFFFF  }
0xb5: {  	_ =	strace $0x9000004E  }
0xb6: {  	_ =	sfence  }
0xb7: {  	s30 =	sld [smem:$0x0];
	_ =	sdelay $0x2  }
0xb8: {  	s31 =	sshll.u32 s1, $0xD;
	s1 =	sshrl.u32 s1, $0x2  }
0xb9: {  	s3 =	sand.u32 $0x4000, s31;
	s1 =	sadd.s32 s1, s30  }
0xba: {  	s0 =	sor.u32 s3, s0;
	s1 =	sshll.u32 s1, $0x11  }
0xbb: {  	s0 =	sor.u32 s1, s0  }
0xbc: {  	s0 =	sadd.s32 $0x8F2B, s0  }
0xbd: {  	[sflag:s0] =	ssyncadd.remote.s32 $0x1  }
0xbe: {  	_ =	sfence.sel $0xFFFF  }
0xbf: {  	[dreg:$0x0] =	wrdreg $0xFFFFFFFF;
	(pc) =	sbr.abs _section_cstart, $3  }
0xc0: {  	[dreg:$0x1] =	wrdreg $0xFFFFFFFF  }
0xc1: {  	_ =	task.clear_ibuf [dreg:s6], $0x2FFFF;
	_ =	strace $0x9FFFFFFF  }
0xc2: {  	(tm) =	ssettm $0x7FFFFFFF  }
0xc3: {  	_ =	shalt  }
tec
execute0_lowered:
.L_overlay_start_1:
0x0: {  	(tag) =	ssettag $0x1  }
0x1: {  	s5 =	rddreg [dreg:$0x0]  }
0x2: {  	s0 =	srdreg.scid;
	s1 =	rddreg [dreg:$0x1]  }
0x3: {  	s7 =	stileid.u32;
	s31 =	rddreg [dreg:$0x2];
	s4 =	simm.s32 $0x0  }
0x4: {  	s14 =	simm.s32 $0x2;
	p1 =	por $0x0, $0x0;
	s3 =	sand.u32 $0x1, s0  }
0x5: {  	[smem:$0x7FF] =	sst s4;
	s8 =	smul.u32 $0x2700, s7;
	s11 =	sadd.s32 $0x1F000, s5  }
0x6: {  	s24 =	sshll.u32 s7, $0x6;
	p0 =	sne.s32 s7, $0x0;
	s0 =	sshll.u32 s3, $0x4  }
0x7: {  	_ =	strace $0x8000004D;
	s23 =	smul.u32 $0x27100, s3;
	s0 =	sor.u32 s7, s0  }
0x8: {  	s12 =	ssub.s32 $0x2, s3;
	s3 =	sor.u32 $0x1C06, s24;
	s2 =	smul.u32 $0x2710, s0  }
0x9: {  	s24 =	simm.s32 $0x1;
	s10 =	sshrl.u32 s8, $0x3;
	s13 =	sshrl.u32 s12, $0x1  }
0xa: {  	s22 =	sadd.s32 s8, s1;
	s7 =	simm.s32 $0x6;
	s2 =	sshrl.u32 s2, $0x3  }
0xb: {  	s10 =	sadd.s32 s10, s5;
	s12 =	ssub.s32 s12, s13;
	s6 =	sadd.s32 s2, s5  }
0xc: {  	[dreg:$0xd] =	wrdreg s22;
	s26 =	sadd.s32 s8, s23;
	s2 =	sadd.s32 $0x1600, s6  }
0xd: {  	s28 =	sshrl.u32 s23, $0x3;
	s15 =	sadd.s32 $0xB240, s6;
	[dreg:$0x3] =	wrdreg s2  }
0xe: {  	s23 =	simm.s32 $0x2710;
	s9 =	sadd.s32 $0x16FA, s6;
	[dreg:$0x4] =	wrdreg s15  }
0xf: {  	s22 =	simm.s32 $0xFA0;
	s16 =	sadd.s32 $0xB33A, s6;
	[dreg:$0x5] =	wrdreg s9  }
0x10: {  	s13 =	simm.s32 $0x4E20;
	s17 =	sadd.s32 $0x17F4, s6;
	[dreg:$0x6] =	wrdreg s16  }
0x11: {  	s25 =	sadd.s32 $0x1A000, s10;
	s18 =	sadd.s32 $0xB434, s6;
	[dreg:$0x7] =	wrdreg s17  }
0x12: {  	s8 =	sadd.s32 s11, s28;
	s19 =	sadd.s32 $0x18EE, s6;
	[dreg:$0x8] =	wrdreg s18  }
0x13: {  	s10 =	simm.s32 $0x4650;
	s20 =	sadd.s32 $0xB52E, s6;
	[dreg:$0x9] =	wrdreg s19  }
0x14: {  	s21 =	sadd.s32 $0x19E8, s6;
	s6 =	sadd.s32 $0xB628, s6;
	[dreg:$0xa] =	wrdreg s20  }
0x15: {  	s2 =	sadd.s32 $0x15000, s5;
	[dreg:$0xb] =	wrdreg s21;
	s18 =	smax.u32 s12, $0x1  }
0x16: {  	[dreg:$0xc] =	wrdreg s6;
	s9 =	sadd.s32 $0x27000, s1;
	s29 =	sadd.s32 $0xFFFFFFFF, s18  }
0x17: {  	s6 =	sshrl.u32 s26, $0x3;
	s26 =	sadd.s32 $0x1EE00, s5;
	p2 =	sne.s32 s29, $0x0  }
.Ltmp0:
0x18: {  	s5 =	sadd.s32 $0x4E00, s8;
	s8 =	simm.s32 $0x7D0;
	(pc) =	sbr.rel @!p2 .LBB2_1-.Ltmp0, $4  }
0x19: {  	s20 =	simm.s32 $0x2EE0;
	s16 =	simm.s32 $0x36B0;
	s19 =	simm.s32 $0x1770  }
0x1a: {  	s12 =	simm.s32 $0x3E80;
	s15 =	simm.s32 $0x1F40;
	s17 =	simm.s32 $0xCB20  }
0x1b: {  	s21 =	simm.s32 $0x3;
	s6 =	sadd.s32 s11, s6;
	s11 =	simm.s32 $0x4  }
0x1c: {  	s9 =	sshrl.u32 @!p0 s9, $0x3;
	s18 =	simm.s32 $0x5;
	s30 =	rddreg [dreg:$0x3]  }
0x1d: {  	s28 =	rddreg [dreg:$0xd]  }
0x1e: {  	[tilespmem:s4], [sflag:$0x1] =	stream.linear.gather [hbm4b:s30+s4], $0x7D0, $0x38;
	[tilespmem:$0x16F30] =	vst v63  }
0x1f: {  	s31 =	rddreg [dreg:$0x4]  }
0x20: {  	[tilespmem:s23], [sflag:$0x1] =	stream.linear.gather [hbm4b:s31+s4], $0x7D0, $0x38;
	[tilespmem:$0x16F30] =	vst v63  }
0x21: {  	s30 =	rddreg [dreg:$0x5]  }
0x22: {  	[tilespmem:s8], [sflag:$0x1] =	stream.linear.gather [hbm4b:s30+s4], $0x7D0, $0x38;
	[tilespmem:$0x16F30] =	vst v63  }
0x23: {  	s0 =	rddreg [dreg:$0x6]  }
0x24: {  	[tilespmem:s20], [sflag:$0x1] =	stream.linear.gather [hbm4b:s0+s4], $0x7D0, $0x38;
	[tilespmem:$0x16F30] =	vst v63  }
0x25: {  	s30 =	rddreg [dreg:$0x7]  }
0x26: {  	[tilespmem:s22], [sflag:$0x1] =	stream.linear.gather [hbm4b:s30+s4], $0x7D0, $0x38;
	[tilespmem:$0x16F30] =	vst v63  }
0x27: {  	s0 =	rddreg [dreg:$0x8]  }
0x28: {  	[tilespmem:s16], [sflag:$0x1] =	stream.linear.gather [hbm4b:s0+s4], $0x7D0, $0x38;
	[tilespmem:$0x16F30] =	vst v63  }
0x29: {  	s30 =	rddreg [dreg:$0x9]  }
0x2a: {  	[tilespmem:s19], [sflag:$0x1] =	stream.linear.gather [hbm4b:s30+s4], $0x7D0, $0x38;
	[tilespmem:$0x16F30] =	vst v63  }
0x2b: {  	s0 =	rddreg [dreg:$0xa]  }
0x2c: {  	[tilespmem:s12], [sflag:$0x1] =	stream.linear.gather [hbm4b:s0+s4], $0x7D0, $0x38;
	[tilespmem:$0x16F30] =	vst v63  }
0x2d: {  	s30 =	rddreg [dreg:$0xb]  }
0x2e: {  	[tilespmem:s15], [sflag:$0x1] =	stream.linear.gather [hbm4b:s30+s4], $0x7D0, $0x38;
	[tilespmem:$0x16F30] =	vst v63  }
0x2f: {  	s0 =	rddreg [dreg:$0xc];
	s30 =	sshrl.u32 s28, $0x3  }
0x30: {  	[tilespmem:s10], [sflag:$0x1] =	stream.linear.gather [hbm4b:s0+s4], $0x7D0, $0x38;
	[tilespmem:$0x16F30] =	vst v63  }
0x31: {  	[spmem:s30], [sflag:s3] =	dma.local [hbm:s25], $0x4E0  }
0x32: {  	_ =	swait.ge [sflag:s7], $0x4E0  }
0x33: {  	[sflag:s7] =	ssyncset.done $0x0  }
0x34: {  	s28 =	simm.s32 @!p0 $0x6;
	[sflag:s7] =	ssyncadd.s32 $0xFFFFFB20  }
0x35: {  	[spmem:s9], [sflag:s3] =	dma.local @!p0 [hbm:s26], $0x20  }
0x36: {  	_ =	swait.ge @!p0 [sflag:s28], $0x20  }
0x37: {  	[sflag:s28] =	ssyncset.done @!p0 $0x0  }
0x38: {  	[sflag:s28] =	ssyncadd.s32 @!p0 $0xFFFFFFE0  }
0x39: {  	_ =	swait.ge [sflag:s24], $0x7D0  }
0x3a: {  	[sflag:s24] =	ssyncset.done $0x0  }
0x3b: {  	[sflag:s24] =	ssyncadd.s32 $0xFFFFF830  }
0x3c: {  	_ =	swait.ge [sflag:s24], $0x7D0  }
0x3d: {  	[sflag:s24] =	ssyncset.done $0x0  }
0x3e: {  	[sflag:s24] =	ssyncadd.s32 $0xFFFFF830  }
0x3f: {  	_ =	swait.ge [sflag:s24], $0x7D0  }
0x40: {  	[sflag:s24] =	ssyncset.done $0x0  }
0x41: {  	[sflag:s24] =	ssyncadd.s32 $0xFFFFF830  }
0x42: {  	_ =	swait.ge [sflag:s24], $0x7D0  }
0x43: {  	[sflag:s24] =	ssyncset.done $0x0  }
0x44: {  	[sflag:s24] =	ssyncadd.s32 $0xFFFFF830  }
0x45: {  	_ =	swait.ge [sflag:s24], $0x7D0  }
0x46: {  	[sflag:s24] =	ssyncset.done $0x0  }
0x47: {  	[sflag:s24] =	ssyncadd.s32 $0xFFFFF830  }
0x48: {  	_ =	swait.ge [sflag:s24], $0x7D0  }
0x49: {  	[sflag:s24] =	ssyncset.done $0x0  }
0x4a: {  	[sflag:s24] =	ssyncadd.s32 $0xFFFFF830  }
0x4b: {  	_ =	swait.ge [sflag:s24], $0x7D0  }
0x4c: {  	[sflag:s24] =	ssyncset.done $0x0  }
0x4d: {  	[sflag:s24] =	ssyncadd.s32 $0xFFFFF830  }
0x4e: {  	_ =	swait.ge [sflag:s24], $0x7D0  }
0x4f: {  	[sflag:s24] =	ssyncset.done $0x0  }
0x50: {  	[sflag:s24] =	ssyncadd.s32 $0xFFFFF830  }
0x51: {  	_ =	swait.ge [sflag:s24], $0x7D0  }
0x52: {  	[sflag:s24] =	ssyncset.done $0x0  }
0x53: {  	[sflag:s24] =	ssyncadd.s32 $0xFFFFF830  }
0x54: {  	_ =	swait.ge [sflag:s24], $0x7D0  }
0x55: {  	[sflag:s24] =	ssyncset.done $0x0  }
0x56: {  	[sflag:s24] =	ssyncadd.s32 $0xFFFFF830  }
0x57: {  	[bflag:$0x0] =	sbarrier.arrive $0xFFFF  }
0x58: {  	[tilespmem:s13], [sflag:$0x2] =	stream.indirect.gather [hbm4b:s2+s8], $0x10, s4, s8, $0xb8;
	[tilespmem:$0x16F30] =	vst v63  }
0x59: {  	_ = 	snop  }
0x5a: {  	[tilespmem:s17], [sflag:$0x3] =	stream.indirect.gather [hbm4b:s2+s8], $0x10, s8, s8, $0xb8;
	[tilespmem:$0x16F30] =	vst v63  }
0x5b: {  	_ =	swait.ge [sflag:s14], $0x7D00  }
0x5c: {  	[sflag:s14] =	ssyncset.done $0x0  }
0x5d: {  	[sflag:s14] =	ssyncadd.s32 $0xFFFF8300  }
0x5e: {  	[spmem:s1] =	stream.indirect.scatter.add.f32 [tilespmem:s13], [sflag:$0x4], $0x10, s23, s8, $0xb8;
	[tilespmem:$0x16F30] =	vst v63  }
0x5f: {  	_ =	swait.ge [sflag:s11], $0x7D00  }
0x60: {  	[sflag:s11] =	ssyncset.done $0x0  }
0x61: {  	[sflag:s11] =	ssyncadd.s32 $0xFFFF8300  }
0x62: {  	[tilespmem:s13], [sflag:$0x2] =	stream.indirect.gather [hbm4b:s2+s8], $0x10, s22, s8, $0xb8;
	[tilespmem:$0x16F30] =	vst v63  }
0x63: {  	_ =	swait.ge [sflag:s21], $0x7D00  }
0x64: {  	[sflag:s21] =	ssyncset.done $0x0  }
0x65: {  	[sflag:s21] =	ssyncadd.s32 $0xFFFF8300  }
0x66: {  	[spmem:s1] =	stream.indirect.scatter.add.f32 [tilespmem:s17], [sflag:$0x5], $0x10, s20, s8, $0xb8;
	[tilespmem:$0x16F30] =	vst v63  }
0x67: {  	_ =	swait.ge [sflag:s18], $0x7D00  }
0x68: {  	[sflag:s18] =	ssyncset.done $0x0  }
0x69: {  	[sflag:s18] =	ssyncadd.s32 $0xFFFF8300  }
0x6a: {  	[tilespmem:s17], [sflag:$0x3] =	stream.indirect.gather [hbm4b:s2+s8], $0x10, s19, s8, $0xb8;
	[tilespmem:$0x16F30] =	vst v63  }
0x6b: {  	_ =	swait.ge [sflag:s14], $0x7D00  }
0x6c: {  	[sflag:s14] =	ssyncset.done $0x0  }
0x6d: {  	[sflag:s14] =	ssyncadd.s32 $0xFFFF8300  }
0x6e: {  	[spmem:s1] =	stream.indirect.scatter.add.f32 [tilespmem:s13], [sflag:$0x4], $0x10, s16, s8, $0xb8;
	[tilespmem:$0x16F30] =	vst v63  }
0x6f: {  	_ =	swait.ge [sflag:s11], $0x7D00  }
0x70: {  	[sflag:s11] =	ssyncset.done $0x0  }
0x71: {  	[sflag:s11] =	ssyncadd.s32 $0xFFFF8300  }
0x72: {  	[tilespmem:s13], [sflag:$0x2] =	stream.indirect.gather [hbm4b:s2+s8], $0x10, s15, s8, $0xb8;
	[tilespmem:$0x16F30] =	vst v63  }
0x73: {  	_ =	swait.ge [sflag:s21], $0x7D00  }
0x74: {  	[sflag:s21] =	ssyncset.done $0x0  }
0x75: {  	[sflag:s21] =	ssyncadd.s32 $0xFFFF8300  }
0x76: {  	[spmem:s1] =	stream.indirect.scatter.add.f32 [tilespmem:s17], [sflag:$0x5], $0x10, s12, s8, $0xb8;
	[tilespmem:$0x16F30] =	vst v63  }
0x77: {  	_ =	swait.ge [sflag:s14], $0x7D00  }
0x78: {  	[sflag:s14] =	ssyncset.done $0x0  }
0x79: {  	[sflag:s14] =	ssyncadd.s32 $0xFFFF8300  }
0x7a: {  	[spmem:s1] =	stream.indirect.scatter.add.f32 [tilespmem:s13], [sflag:$0x4], $0x10, s10, s8, $0xb8;
	[tilespmem:$0x16F30] =	vst v63  }
0x7b: {  	_ =	swait.ge [sflag:s18], $0x7D00  }
0x7c: {  	[sflag:s18] =	ssyncset.done $0x0  }
0x7d: {  	[sflag:s18] =	ssyncadd.s32 $0xFFFF8300  }
0x7e: {  	_ =	swait.ge [sflag:s11], $0x7D00  }
0x7f: {  	[sflag:s11] =	ssyncset.done $0x0  }
0x80: {  	[sflag:s11] =	ssyncadd.s32 $0xFFFF8300  }
0x81: {  	s29 =	sadd.s32 $0xFFFFFFFF, s29;
	[bflag:$0x0] =	sbarrier.arrive $0xFFFF  }
0x82: {  	[hbm:s6], [sflag:s3] =	dma.local [spmem:s30], $0x4E0  }
0x83: {  	p2 =	sne.s32 s29, $0x0;
	_ =	swait.ge [sflag:s7], $0x4E0  }
.Ltmp1:
0x84: {  	[sflag:s7] =	ssyncset.done $0x0;
	(pc) =	sbr.rel @!p2 .LBB2_3-.Ltmp1, $4  }
0x85: {  	[sflag:s7] =	ssyncadd.s32 $0xFFFFFB20  }
0x86: {  	[hbm:s5], [sflag:s3] =	dma.local @!p0 [spmem:s9], $0x20  }
0x87: {  	_ =	swait.ge @!p0 [sflag:s28], $0x20  }
0x88: {  	p1 =	por $0x1, $0x1;
	s30 =	rddreg [dreg:$0x3];
	[sflag:s28] =	ssyncset.done @!p0 $0x0  }
.LBB2_4:
0x89: {  	s31 =	rddreg [dreg:$0xd];
	[sflag:s28] =	ssyncadd.s32 @!p0 $0xFFFFFFE0  }
0x8a: {  	[tilespmem:s4], [sflag:$0x1] =	stream.linear.gather [hbm4b:s30+s4], $0x7D0, $0x38;
	[tilespmem:$0x16F30] =	vst v63  }
0x8b: {  	s0 =	rddreg [dreg:$0x4]  }
0x8c: {  	[tilespmem:s23], [sflag:$0x1] =	stream.linear.gather [hbm4b:s0+s4], $0x7D0, $0x38;
	[tilespmem:$0x16F30] =	vst v63  }
0x8d: {  	s30 =	rddreg [dreg:$0x5]  }
0x8e: {  	[tilespmem:s8], [sflag:$0x1] =	stream.linear.gather [hbm4b:s30+s4], $0x7D0, $0x38;
	[tilespmem:$0x16F30] =	vst v63  }
0x8f: {  	s0 =	rddreg [dreg:$0x6]  }
0x90: {  	[tilespmem:s20], [sflag:$0x1] =	stream.linear.gather [hbm4b:s0+s4], $0x7D0, $0x38;
	[tilespmem:$0x16F30] =	vst v63  }
0x91: {  	s30 =	rddreg [dreg:$0x7]  }
0x92: {  	[tilespmem:s22], [sflag:$0x1] =	stream.linear.gather [hbm4b:s30+s4], $0x7D0, $0x38;
	[tilespmem:$0x16F30] =	vst v63  }
0x93: {  	s0 =	rddreg [dreg:$0x8]  }
0x94: {  	[tilespmem:s16], [sflag:$0x1] =	stream.linear.gather [hbm4b:s0+s4], $0x7D0, $0x38;
	[tilespmem:$0x16F30] =	vst v63  }
0x95: {  	s30 =	rddreg [dreg:$0x9]  }
0x96: {  	[tilespmem:s19], [sflag:$0x1] =	stream.linear.gather [hbm4b:s30+s4], $0x7D0, $0x38;
	[tilespmem:$0x16F30] =	vst v63  }
0x97: {  	s0 =	rddreg [dreg:$0xa]  }
0x98: {  	[tilespmem:s12], [sflag:$0x1] =	stream.linear.gather [hbm4b:s0+s4], $0x7D0, $0x38;
	[tilespmem:$0x16F30] =	vst v63  }
0x99: {  	s30 =	rddreg [dreg:$0xb]  }
0x9a: {  	[tilespmem:s15], [sflag:$0x1] =	stream.linear.gather [hbm4b:s30+s4], $0x7D0, $0x38;
	[tilespmem:$0x16F30] =	vst v63  }
0x9b: {  	s0 =	rddreg [dreg:$0xc];
	s30 =	sshrl.u32 s31, $0x3  }
0x9c: {  	[tilespmem:s10], [sflag:$0x1] =	stream.linear.gather [hbm4b:s0+s4], $0x7D0, $0x38;
	[tilespmem:$0x16F30] =	vst v63  }
0x9d: {  	[spmem:s30], [sflag:s3] =	dma.local [hbm:s25], $0x4E0  }
0x9e: {  	_ =	swait.ge [sflag:s7], $0x4E0  }
0x9f: {  	[sflag:s7] =	ssyncset.done $0x0  }
0xa0: {  	[sflag:s7] =	ssyncadd.s32 $0xFFFFFB20  }
0xa1: {  	[spmem:s9], [sflag:s3] =	dma.local @!p0 [hbm:s26], $0x20  }
0xa2: {  	_ =	swait.ge @!p0 [sflag:s28], $0x20  }
0xa3: {  	[sflag:s28] =	ssyncset.done @!p0 $0x0  }
0xa4: {  	[sflag:s28] =	ssyncadd.s32 @!p0 $0xFFFFFFE0  }
0xa5: {  	_ =	swait.ge [sflag:s24], $0x7D0  }
0xa6: {  	[sflag:s24] =	ssyncset.done $0x0  }
0xa7: {  	[sflag:s24] =	ssyncadd.s32 $0xFFFFF830  }
0xa8: {  	_ =	swait.ge [sflag:s24], $0x7D0  }
0xa9: {  	[sflag:s24] =	ssyncset.done $0x0  }
0xaa: {  	[sflag:s24] =	ssyncadd.s32 $0xFFFFF830  }
0xab: {  	_ =	swait.ge [sflag:s24], $0x7D0  }
0xac: {  	[sflag:s24] =	ssyncset.done $0x0  }
0xad: {  	[sflag:s24] =	ssyncadd.s32 $0xFFFFF830  }
0xae: {  	_ =	swait.ge [sflag:s24], $0x7D0  }
0xaf: {  	[sflag:s24] =	ssyncset.done $0x0  }
0xb0: {  	[sflag:s24] =	ssyncadd.s32 $0xFFFFF830  }
0xb1: {  	_ =	swait.ge [sflag:s24], $0x7D0  }
0xb2: {  	[sflag:s24] =	ssyncset.done $0x0  }
0xb3: {  	[sflag:s24] =	ssyncadd.s32 $0xFFFFF830  }
0xb4: {  	_ =	swait.ge [sflag:s24], $0x7D0  }
0xb5: {  	[sflag:s24] =	ssyncset.done $0x0  }
0xb6: {  	[sflag:s24] =	ssyncadd.s32 $0xFFFFF830  }
0xb7: {  	_ =	swait.ge [sflag:s24], $0x7D0  }
0xb8: {  	[sflag:s24] =	ssyncset.done $0x0  }
0xb9: {  	[sflag:s24] =	ssyncadd.s32 $0xFFFFF830  }
0xba: {  	_ =	swait.ge [sflag:s24], $0x7D0  }
0xbb: {  	[sflag:s24] =	ssyncset.done $0x0  }
0xbc: {  	[sflag:s24] =	ssyncadd.s32 $0xFFFFF830  }
0xbd: {  	_ =	swait.ge [sflag:s24], $0x7D0  }
0xbe: {  	[sflag:s24] =	ssyncset.done $0x0  }
0xbf: {  	[sflag:s24] =	ssyncadd.s32 $0xFFFFF830  }
0xc0: {  	_ =	swait.ge [sflag:s24], $0x7D0  }
0xc1: {  	[sflag:s24] =	ssyncset.done $0x0  }
0xc2: {  	[sflag:s24] =	ssyncadd.s32 $0xFFFFF830  }
0xc3: {  	[bflag:$0x0] =	sbarrier.arrive $0xFFFF  }
0xc4: {  	[tilespmem:s13], [sflag:$0x2] =	stream.indirect.gather [hbm4b:s2+s8], $0x10, s4, s8, $0xb8;
	[tilespmem:$0x16F30] =	vst v63  }
0xc5: {  	_ = 	snop  }
0xc6: {  	[tilespmem:s17], [sflag:$0x3] =	stream.indirect.gather [hbm4b:s2+s8], $0x10, s8, s8, $0xb8;
	[tilespmem:$0x16F30] =	vst v63  }
0xc7: {  	_ =	swait.ge [sflag:s14], $0x7D00  }
0xc8: {  	[sflag:s14] =	ssyncset.done $0x0  }
0xc9: {  	[sflag:s14] =	ssyncadd.s32 $0xFFFF8300  }
0xca: {  	[spmem:s1] =	stream.indirect.scatter.add.f32 [tilespmem:s13], [sflag:$0x4], $0x10, s23, s8, $0xb8;
	[tilespmem:$0x16F30] =	vst v63  }
0xcb: {  	_ =	swait.ge [sflag:s11], $0x7D00  }
0xcc: {  	[sflag:s11] =	ssyncset.done $0x0  }
0xcd: {  	[sflag:s11] =	ssyncadd.s32 $0xFFFF8300  }
0xce: {  	[tilespmem:s13], [sflag:$0x2] =	stream.indirect.gather [hbm4b:s2+s8], $0x10, s22, s8, $0xb8;
	[tilespmem:$0x16F30] =	vst v63  }
0xcf: {  	_ =	swait.ge [sflag:s21], $0x7D00  }
0xd0: {  	[sflag:s21] =	ssyncset.done $0x0  }
0xd1: {  	[sflag:s21] =	ssyncadd.s32 $0xFFFF8300  }
0xd2: {  	[spmem:s1] =	stream.indirect.scatter.add.f32 [tilespmem:s17], [sflag:$0x5], $0x10, s20, s8, $0xb8;
	[tilespmem:$0x16F30] =	vst v63  }
0xd3: {  	_ =	swait.ge [sflag:s18], $0x7D00  }
0xd4: {  	[sflag:s18] =	ssyncset.done $0x0  }
0xd5: {  	[sflag:s18] =	ssyncadd.s32 $0xFFFF8300  }
0xd6: {  	[tilespmem:s17], [sflag:$0x3] =	stream.indirect.gather [hbm4b:s2+s8], $0x10, s19, s8, $0xb8;
	[tilespmem:$0x16F30] =	vst v63  }
0xd7: {  	_ =	swait.ge [sflag:s14], $0x7D00  }
0xd8: {  	[sflag:s14] =	ssyncset.done $0x0  }
0xd9: {  	[sflag:s14] =	ssyncadd.s32 $0xFFFF8300  }
0xda: {  	[spmem:s1] =	stream.indirect.scatter.add.f32 [tilespmem:s13], [sflag:$0x4], $0x10, s16, s8, $0xb8;
	[tilespmem:$0x16F30] =	vst v63  }
0xdb: {  	_ =	swait.ge [sflag:s11], $0x7D00  }
0xdc: {  	[sflag:s11] =	ssyncset.done $0x0  }
0xdd: {  	[sflag:s11] =	ssyncadd.s32 $0xFFFF8300  }
0xde: {  	[tilespmem:s13], [sflag:$0x2] =	stream.indirect.gather [hbm4b:s2+s8], $0x10, s15, s8, $0xb8;
	[tilespmem:$0x16F30] =	vst v63  }
0xdf: {  	_ =	swait.ge [sflag:s21], $0x7D00  }
0xe0: {  	[sflag:s21] =	ssyncset.done $0x0  }
0xe1: {  	[sflag:s21] =	ssyncadd.s32 $0xFFFF8300  }
0xe2: {  	[spmem:s1] =	stream.indirect.scatter.add.f32 [tilespmem:s17], [sflag:$0x5], $0x10, s12, s8, $0xb8;
	[tilespmem:$0x16F30] =	vst v63  }
0xe3: {  	_ =	swait.ge [sflag:s14], $0x7D00  }
0xe4: {  	[sflag:s14] =	ssyncset.done $0x0  }
0xe5: {  	[sflag:s14] =	ssyncadd.s32 $0xFFFF8300  }
0xe6: {  	[spmem:s1] =	stream.indirect.scatter.add.f32 [tilespmem:s13], [sflag:$0x4], $0x10, s10, s8, $0xb8;
	[tilespmem:$0x16F30] =	vst v63  }
0xe7: {  	_ =	swait.ge [sflag:s18], $0x7D00  }
0xe8: {  	[sflag:s18] =	ssyncset.done $0x0  }
0xe9: {  	[sflag:s18] =	ssyncadd.s32 $0xFFFF8300  }
0xea: {  	_ =	swait.ge [sflag:s11], $0x7D00  }
0xeb: {  	[sflag:s11] =	ssyncset.done $0x0  }
0xec: {  	[sflag:s11] =	ssyncadd.s32 $0xFFFF8300  }
0xed: {  	s29 =	sadd.s32 $0xFFFFFFFF, s29;
	[bflag:$0x0] =	sbarrier.arrive $0xFFFF  }
0xee: {  	[hbm:s6], [sflag:s3] =	dma.local [spmem:s30], $0x4E0  }
0xef: {  	p2 =	sne.s32 s29, $0x0;
	_ =	swait.ge [sflag:s7], $0x4E0  }
.Ltmp2:
0xf0: {  	[sflag:s7] =	ssyncset.done $0x0;
	(pc) =	sbr.rel @p2 .LBB2_4-.Ltmp2, $4  }
0xf1: {  	[sflag:s7] =	ssyncadd.s32 $0xFFFFFB20  }
0xf2: {  	[hbm:s5], [sflag:s3] =	dma.local @!p0 [spmem:s9], $0x20  }
0xf3: {  	_ =	swait.ge @!p0 [sflag:s28], $0x20  }
0xf4: {  	s30 =	rddreg [dreg:$0x3];
	[sflag:s28] =	ssyncset.done @!p0 $0x0  }
0xf5: {  	s31 =	rddreg [dreg:$0x2]  }
.LBB2_6:
0xf6: {  	p1 =	por p0, !p1  }
0xf7: {  	[sflag:s28] =	ssyncadd.s32 @!p1 $0xFFFFFFE0  }
0xf8: {  	[tilespmem:s4], [sflag:$0x1] =	stream.linear.gather [hbm4b:s30+s4], $0x7D0, $0x38;
	[tilespmem:$0x16F30] =	vst v63  }
0xf9: {  	s0 =	rddreg [dreg:$0x4]  }
0xfa: {  	[tilespmem:s23], [sflag:$0x1] =	stream.linear.gather [hbm4b:s0+s4], $0x7D0, $0x38;
	[tilespmem:$0x16F30] =	vst v63  }
0xfb: {  	s30 =	rddreg [dreg:$0x5]  }
0xfc: {  	[tilespmem:s8], [sflag:$0x1] =	stream.linear.gather [hbm4b:s30+s4], $0x7D0, $0x38;
	[tilespmem:$0x16F30] =	vst v63  }
0xfd: {  	s29 =	rddreg [dreg:$0x6]  }
0xfe: {  	[tilespmem:s20], [sflag:$0x1] =	stream.linear.gather [hbm4b:s29+s4], $0x7D0, $0x38;
	[tilespmem:$0x16F30] =	vst v63  }
0xff: {  	s30 =	rddreg [dreg:$0x7]  }
0x100: {  	[tilespmem:s22], [sflag:$0x1] =	stream.linear.gather [hbm4b:s30+s4], $0x7D0, $0x38;
	[tilespmem:$0x16F30] =	vst v63  }
0x101: {  	s29 =	rddreg [dreg:$0x8]  }
0x102: {  	[tilespmem:s16], [sflag:$0x1] =	stream.linear.gather [hbm4b:s29+s4], $0x7D0, $0x38;
	[tilespmem:$0x16F30] =	vst v63  }
0x103: {  	s30 =	rddreg [dreg:$0x9]  }
0x104: {  	[tilespmem:s19], [sflag:$0x1] =	stream.linear.gather [hbm4b:s30+s4], $0x7D0, $0x38;
	[tilespmem:$0x16F30] =	vst v63  }
0x105: {  	s29 =	rddreg [dreg:$0xa]  }
0x106: {  	[tilespmem:s12], [sflag:$0x1] =	stream.linear.gather [hbm4b:s29+s4], $0x7D0, $0x38;
	[tilespmem:$0x16F30] =	vst v63  }
0x107: {  	s30 =	rddreg [dreg:$0xb]  }
0x108: {  	[tilespmem:s15], [sflag:$0x1] =	stream.linear.gather [hbm4b:s30+s4], $0x7D0, $0x38;
	[tilespmem:$0x16F30] =	vst v63  }
0x109: {  	s30 =	rddreg [dreg:$0xd]  }
0x10a: {  	s29 =	rddreg [dreg:$0xc];
	s28 =	sshrl.u32 s30, $0x3  }
0x10b: {  	[tilespmem:s10], [sflag:$0x1] =	stream.linear.gather [hbm4b:s29+s4], $0x7D0, $0x38;
	[tilespmem:$0x16F30] =	vst v63  }
0x10c: {  	[spmem:s28], [sflag:s3] =	dma.local [hbm:s25], $0x4E0  }
0x10d: {  	_ =	swait.ge [sflag:s7], $0x4E0  }
0x10e: {  	[sflag:s7] =	ssyncset.done $0x0  }
0x10f: {  	s25 =	simm.s32 @!p0 $0x6;
	[sflag:s7] =	ssyncadd.s32 $0xFFFFFB20  }
0x110: {  	[spmem:s9], [sflag:s3] =	dma.local @!p0 [hbm:s26], $0x20  }
0x111: {  	_ =	swait.ge @!p0 [sflag:s25], $0x20  }
0x112: {  	[sflag:s25] =	ssyncset.done @!p0 $0x0  }
0x113: {  	[sflag:s25] =	ssyncadd.s32 @!p0 $0xFFFFFFE0  }
0x114: {  	_ =	swait.ge [sflag:s24], $0x7D0  }
0x115: {  	[sflag:s24] =	ssyncset.done $0x0  }
0x116: {  	[sflag:s24] =	ssyncadd.s32 $0xFFFFF830  }
0x117: {  	_ =	swait.ge [sflag:s24], $0x7D0  }
0x118: {  	[sflag:s24] =	ssyncset.done $0x0  }
0x119: {  	[sflag:s24] =	ssyncadd.s32 $0xFFFFF830  }
0x11a: {  	_ =	swait.ge [sflag:s24], $0x7D0  }
0x11b: {  	[sflag:s24] =	ssyncset.done $0x0  }
0x11c: {  	[sflag:s24] =	ssyncadd.s32 $0xFFFFF830  }
0x11d: {  	_ =	swait.ge [sflag:s24], $0x7D0  }
0x11e: {  	[sflag:s24] =	ssyncset.done $0x0  }
0x11f: {  	[sflag:s24] =	ssyncadd.s32 $0xFFFFF830  }
0x120: {  	_ =	swait.ge [sflag:s24], $0x7D0  }
0x121: {  	[sflag:s24] =	ssyncset.done $0x0  }
0x122: {  	[sflag:s24] =	ssyncadd.s32 $0xFFFFF830  }
0x123: {  	_ =	swait.ge [sflag:s24], $0x7D0  }
0x124: {  	[sflag:s24] =	ssyncset.done $0x0  }
0x125: {  	[sflag:s24] =	ssyncadd.s32 $0xFFFFF830  }
0x126: {  	_ =	swait.ge [sflag:s24], $0x7D0  }
0x127: {  	[sflag:s24] =	ssyncset.done $0x0  }
0x128: {  	[sflag:s24] =	ssyncadd.s32 $0xFFFFF830  }
0x129: {  	_ =	swait.ge [sflag:s24], $0x7D0  }
0x12a: {  	[sflag:s24] =	ssyncset.done $0x0  }
0x12b: {  	[sflag:s24] =	ssyncadd.s32 $0xFFFFF830  }
0x12c: {  	_ =	swait.ge [sflag:s24], $0x7D0  }
0x12d: {  	[sflag:s24] =	ssyncset.done $0x0  }
0x12e: {  	[sflag:s24] =	ssyncadd.s32 $0xFFFFF830  }
0x12f: {  	_ =	swait.ge [sflag:s24], $0x7D0  }
0x130: {  	[sflag:s24] =	ssyncset.done $0x0  }
0x131: {  	[sflag:s24] =	ssyncadd.s32 $0xFFFFF830  }
0x132: {  	[bflag:$0x0] =	sbarrier.arrive $0xFFFF  }
0x133: {  	[tilespmem:s13], [sflag:$0x2] =	stream.indirect.gather [hbm4b:s2+s8], $0x10, s4, s8, $0xb8;
	[tilespmem:$0x16F30] =	vst v63  }
0x134: {  	_ = 	snop  }
0x135: {  	[tilespmem:s17], [sflag:$0x3] =	stream.indirect.gather [hbm4b:s2+s8], $0x10, s8, s8, $0xb8;
	[tilespmem:$0x16F30] =	vst v63  }
0x136: {  	_ =	swait.ge [sflag:s14], $0x7D00  }
0x137: {  	[sflag:s14] =	ssyncset.done $0x0  }
0x138: {  	[sflag:s14] =	ssyncadd.s32 $0xFFFF8300  }
0x139: {  	[spmem:s1] =	stream.indirect.scatter.add.f32 [tilespmem:s13], [sflag:$0x4], $0x10, s23, s8, $0xb8;
	[tilespmem:$0x16F30] =	vst v63  }
0x13a: {  	_ =	swait.ge [sflag:s11], $0x7D00  }
0x13b: {  	[sflag:s11] =	ssyncset.done $0x0  }
0x13c: {  	[sflag:s11] =	ssyncadd.s32 $0xFFFF8300  }
0x13d: {  	[tilespmem:s13], [sflag:$0x2] =	stream.indirect.gather [hbm4b:s2+s8], $0x10, s22, s8, $0xb8;
	[tilespmem:$0x16F30] =	vst v63  }
0x13e: {  	_ =	swait.ge [sflag:s21], $0x7D00  }
0x13f: {  	[sflag:s21] =	ssyncset.done $0x0  }
0x140: {  	[sflag:s21] =	ssyncadd.s32 $0xFFFF8300  }
0x141: {  	[spmem:s1] =	stream.indirect.scatter.add.f32 [tilespmem:s17], [sflag:$0x5], $0x10, s20, s8, $0xb8;
	[tilespmem:$0x16F30] =	vst v63  }
0x142: {  	_ =	swait.ge [sflag:s18], $0x7D00  }
0x143: {  	[sflag:s18] =	ssyncset.done $0x0  }
0x144: {  	[sflag:s18] =	ssyncadd.s32 $0xFFFF8300  }
0x145: {  	[tilespmem:s17], [sflag:$0x3] =	stream.indirect.gather [hbm4b:s2+s8], $0x10, s19, s8, $0xb8;
	[tilespmem:$0x16F30] =	vst v63  }
0x146: {  	_ =	swait.ge [sflag:s14], $0x7D00  }
0x147: {  	[sflag:s14] =	ssyncset.done $0x0  }
0x148: {  	[sflag:s14] =	ssyncadd.s32 $0xFFFF8300  }
0x149: {  	[spmem:s1] =	stream.indirect.scatter.add.f32 [tilespmem:s13], [sflag:$0x4], $0x10, s16, s8, $0xb8;
	[tilespmem:$0x16F30] =	vst v63  }
0x14a: {  	_ =	swait.ge [sflag:s11], $0x7D00  }
0x14b: {  	[sflag:s11] =	ssyncset.done $0x0  }
0x14c: {  	[sflag:s11] =	ssyncadd.s32 $0xFFFF8300  }
0x14d: {  	[tilespmem:s13], [sflag:$0x2] =	stream.indirect.gather [hbm4b:s2+s8], $0x10, s15, s8, $0xb8;
	[tilespmem:$0x16F30] =	vst v63  }
0x14e: {  	_ =	swait.ge [sflag:s21], $0x7D00  }
0x14f: {  	[sflag:s21] =	ssyncset.done $0x0  }
0x150: {  	[sflag:s21] =	ssyncadd.s32 $0xFFFF8300  }
0x151: {  	[spmem:s1] =	stream.indirect.scatter.add.f32 [tilespmem:s17], [sflag:$0x5], $0x10, s12, s8, $0xb8;
	[tilespmem:$0x16F30] =	vst v63  }
0x152: {  	_ =	swait.ge [sflag:s14], $0x7D00  }
0x153: {  	[sflag:s14] =	ssyncset.done $0x0  }
0x154: {  	[sflag:s14] =	ssyncadd.s32 $0xFFFF8300  }
0x155: {  	[spmem:s1] =	stream.indirect.scatter.add.f32 [tilespmem:s13], [sflag:$0x4], $0x10, s10, s8, $0xb8;
	[tilespmem:$0x16F30] =	vst v63  }
0x156: {  	_ =	swait.ge [sflag:s18], $0x7D00  }
0x157: {  	[sflag:s18] =	ssyncset.done $0x0  }
0x158: {  	[sflag:s18] =	ssyncadd.s32 $0xFFFF8300  }
0x159: {  	_ =	swait.ge [sflag:s11], $0x7D00  }
0x15a: {  	[sflag:s11] =	ssyncset.done $0x0  }
0x15b: {  	[sflag:s11] =	ssyncadd.s32 $0xFFFF8300  }
0x15c: {  	[bflag:$0x0] =	sbarrier.arrive $0xFFFF  }
0x15d: {  	[hbm:s6], [sflag:s3] =	dma.local [spmem:s28], $0x4E0  }
0x15e: {  	_ =	swait.ge [sflag:s7], $0x4E0  }
0x15f: {  	[sflag:s7] =	ssyncset.done $0x0  }
0x160: {  	[sflag:s7] =	ssyncadd.s32 $0xFFFFFB20  }
0x161: {  	[hbm:s5], [sflag:s3] =	dma.local @!p0 [spmem:s9], $0x20  }
0x162: {  	_ =	swait.ge @!p0 [sflag:s25], $0x20  }
0x163: {  	[sflag:s25] =	ssyncset.done @!p0 $0x0  }
0x164: {  	[sflag:s25] =	ssyncadd.s32 @!p0 $0xFFFFFFE0  }
0x165: {  	_ =	sfence.sel $0x180000  }
0x166: {  	[bflag:$0x0] =	sbarrier.arrive $0xFFFF  }
0x167: {  	_ =	strace $0x9000004D  }
0x168: {  	s0 =	sadd.s32 @!p0 $0x100000, s31;
	[bflag:$0x2] =	sbarrier.arrive $0xFFFF  }
0x169: {  	[sflag:s0] =	ssyncadd.tile.s32 @!p0 $0x1;
	_ =	shalt  }
.LBB2_1:
.Ltmp3:
0x16a: {  	(pc) =	sbr.rel .LBB2_6-.Ltmp3, $2  }
0x16b: {  	_ =	sdelay $0x2  }
0x16c: {  	_ = 	snop  }
.LBB2_3:
.Ltmp4:
0x16d: {  	(pc) =	sbr.rel .LBB2_6-.Ltmp4, $2  }
0x16e: {  	_ =	sdelay $0x2  }
0x16f: {  	s31 =	rddreg [dreg:$0x2]  }
.Lfunc_end2:
_tile_overlayer_lowered:
.L_overlay_start_2:
0x170: {  	(tag) =	ssettag $0x2  }
0x171: {  	s0 =	rddreg [dreg:$0x0];
	s2 =	stileid.u32  }
0x172: {  	s1 =	rddreg [dreg:$0x1];
	p0 =	sne.s32 s2, $0x0  }
0x173: {  	s3 =	rddreg [dreg:$0x2];
	[bflag:$0x3] =	sbarrier.arrive $0xFFFF;
	s2 =	simm.s32 @!p0 $0x1C06  }
0x174: {  	[timem:s3], [sflag:s2] =	dma.local @!p0 [hbm:s0], s1  }
0x175: {  	s0 =	simm.s32 @!p0 $0x6  }
0x176: {  	_ =	swait.ge @!p0 [sflag:s0], s1  }
0x177: {  	s1 =	ssub.s32 @!p0 $0x0, s1;
	[sflag:s0] =	ssyncset.done @!p0 $0x0  }
0x178: {  	[sflag:s0] =	ssyncadd.s32 @!p0 s1  }
0x179: {  	[bflag:$0x3] =	sbarrier.arrive $0xFFFF  }
0x17a: {  	_ =	shalt  }

// kernel: kernel.9.cloned.1.call-start
scs
__scs_entry_jumppad:
0x0: {  	(pc) =	sbr.rel $0x88, $3  }
0x1: {  	(tag) =	ssettag $0x0;
	lr =	simm.s32 $0x1  }
0x2: {  	[smem:$0x3F9B] =	sst lr;
	_ =	strace $0xD0000000  }
0x3: {  	_ = 	snop  }
0x4: {  	_ = 	snop  }
0x5: {  	_ = 	snop  }
0x6: {  	_ = 	snop  }
0x7: {  	_ = 	snop  }
__scs_overlays_trampoline_lowered:
0x8: {  	[smem:$0x3FAA] =	sst s0  }
0x9: {  	[smem:$0x3FAB] =	sst s1  }
0xa: {  	[smem:$0x3FAC] =	sst s2  }
0xb: {  	[smem:$0x3FAD] =	sst s3  }
0xc: {  	[smem:$0x3FAE] =	sst s4  }
0xd: {  	[smem:$0x3FAF] =	sst s5  }
0xe: {  	[smem:$0x3FB0] =	sst s6  }
0xf: {  	[smem:$0x3FB1] =	sst s7  }
0x10: {  	[smem:$0x3FB2] =	sst s8  }
0x11: {  	[smem:$0x3FB3] =	sst s9;
	s0 =	simm.s32 @!p0 $0x0  }
0x12: {  	s1 =	sld [smem:$0x3F99];
	s0 =	simm.s32 @p0 $0x1  }
0x13: {  	[smem:$0x3FB4] =	sst s0;
	s0 =	simm.s32 @!p1 $0x0  }
0x14: {  	s2 =	sld [smem:$0x3F98];
	s0 =	simm.s32 @p1 $0x1  }
0x15: {  	[smem:$0x3FB5] =	sst s0;
	s0 =	simm.s32 @!p2 $0x0  }
0x16: {  	s3 =	sld [smem:$0x3FDB];
	s0 =	simm.s32 @p2 $0x1  }
0x17: {  	s4 =	simm.s32 $0x1BF5;
	[smem:$0x3FB7] =	sst s0  }
0x18: {  	s0 =	sld [smem:$0x3F9A];
	_ =	swait.ge [sflag:s4], $0x0  }
0x19: {  	s7 =	sld [smem:$0x3F9B]  }
0x1a: {  	s8 =	sadd.s32 $0xFFFFE003, lr  }
0x1b: {  	s9 =	sadd.s32 $0xFFFFFEF7, lr;
	s5 =	simm.s32 $0xFFFFFFFF;
	p2 =	slt.u32 s8, $0xFFFFF086  }
0x1c: {  	p1 =	slt.u32 s9, $0xF7A;
	s5 =	simm.s32 @!p2 $0x0  }
0x1d: {  	s5 =	simm.s32 @p1 $0x1;
	p0 =	seq.s32 s7, s2  }
0x1e: {  	s7 =	smul.u32 @!p0 $0xF7A, s2;
	p2 =	seq.s32 @!p0 s5, $0x0  }
0x1f: {  	s9 =	smul.u32 $0xF7A, s1;
	s8 =	simm.s32 @!p0 $0x1BF5;
	p2 =	por !p2, p0  }
0x20: {  	[sflag:s8] =	ssyncset.s32 @!p0 $0xFFFFF086;
	s6 =	sadd.s32 @!p0 s3, s7;
	s7 =	simm.s32 @!p0 $0x108  }
0x21: {  	s3 =	sadd.s32 s3, s9;
	s6 =	sadd.s32 @!p0 $0x88, s6;
	s7 =	simm.s32 @p2 $0x1082  }
0x22: {  	[simem:s7], [sflag:s8] =	dma.local @!p0 [hbm:s6], $0xF7A  }
0x23: {  	s9 =	sor.u32 $0xD0000000, s2;
	s6 =	simm.s32 $0x108;
	_ =	swait.ge @!p0 [sflag:s8], $0x0  }
0x24: {  	s3 =	sadd.s32 $0x88, s3;
	s6 =	simm.s32 @!p1 $0x1082;
	[sflag:s4] =	ssyncset.s32 $0xFFFFF086  }
0x25: {  	[simem:s6], [sflag:s4] =	dma.local [hbm:s3], $0xF7A  }
0x26: {  	[smem:$0x3F9B] =	sst s1;
	(tag) =	ssettag s2;
	_ =	strace s9  }
0x27: {  	s1 =	sld [smem:$0x3FAB]  }
0x28: {  	s2 =	sld [smem:$0x3FAC]  }
0x29: {  	s4 =	sld [smem:$0x3FAE]  }
0x2a: {  	p0 =	seq.s32 s5, $0x0;
	s5 =	sld [smem:$0x3FAF]  }
0x2b: {  	s6 =	sld [smem:$0x3FB0]  }
0x2c: {  	s7 =	sld [smem:$0x3FB1]  }
0x2d: {  	s3 =	simm.s32 $0x108;
	s8 =	sld [smem:$0x3FB2]  }
0x2e: {  	s3 =	simm.s32 @!p0 $0x1082;
	s9 =	sld [smem:$0x3FB3]  }
0x2f: {  	lr =	sadd.s32 s0, s3;
	s0 =	sld [smem:$0x3FAA]  }
0x30: {  	s3 =	sld [smem:$0x3FAD]  }
0x31: {  	[smem:$0x3FB6] =	sst s10  }
0x32: {  	s10 =	sld [smem:$0x3FB4];
	_ =	sdelay $0x3  }
0x33: {  	p0 =	seq.s32 s10, $0x1;
	s10 =	sld [smem:$0x3FB6];
	_ =	sdelay $0x3  }
0x34: {  	[smem:$0x3FB6] =	sst s10  }
0x35: {  	s10 =	sld [smem:$0x3FB5];
	_ =	sdelay $0x3  }
0x36: {  	p1 =	seq.s32 s10, $0x1;
	s10 =	sld [smem:$0x3FB6];
	_ =	sdelay $0x3  }
0x37: {  	[smem:$0x3FB6] =	sst s10  }
0x38: {  	s10 =	sld [smem:$0x3FB7]  }
0x39: {  	_ = 	snop;
	(pc) =	sbr.ind lr, $3  }
0x3a: {  	_ = 	snop  }
0x3b: {  	_ = 	snop  }
0x3c: {  	p2 =	seq.s32 s10, $0x1;
	s10 =	sld [smem:$0x3FB6]  }
0x3d: {  	_ =	shalt  }
0x3e: {  	_ =	shalt  }
0x3f: {  	_ =	shalt  }
0x40: {  	_ =	shalt  }
0x41: {  	_ =	shalt  }
0x42: {  	_ =	shalt  }
0x43: {  	_ =	shalt  }
0x44: {  	_ =	shalt  }
0x45: {  	_ =	shalt  }
0x46: {  	_ =	shalt  }
0x47: {  	_ =	shalt  }
0x48: {  	_ =	shalt  }
0x49: {  	_ =	shalt  }
0x4a: {  	_ =	shalt  }
0x4b: {  	_ =	shalt  }
0x4c: {  	_ =	shalt  }
0x4d: {  	_ =	shalt  }
0x4e: {  	_ =	shalt  }
0x4f: {  	_ =	shalt  }
0x50: {  	_ =	shalt  }
0x51: {  	_ =	shalt  }
0x52: {  	_ =	shalt  }
0x53: {  	_ =	shalt  }
0x54: {  	_ =	shalt  }
0x55: {  	_ =	shalt  }
0x56: {  	_ =	shalt  }
0x57: {  	_ =	shalt  }
0x58: {  	_ =	shalt  }
0x59: {  	_ =	shalt  }
0x5a: {  	_ =	shalt  }
0x5b: {  	_ =	shalt  }
0x5c: {  	_ =	shalt  }
0x5d: {  	_ =	shalt  }
0x5e: {  	_ =	shalt  }
0x5f: {  	_ =	shalt  }
0x60: {  	_ =	shalt  }
0x61: {  	_ =	shalt  }
0x62: {  	_ =	shalt  }
0x63: {  	_ =	shalt  }
0x64: {  	_ =	shalt  }
0x65: {  	_ =	shalt  }
0x66: {  	_ =	shalt  }
0x67: {  	_ =	shalt  }
0x68: {  	_ =	shalt  }
0x69: {  	_ =	shalt  }
0x6a: {  	_ =	shalt  }
0x6b: {  	_ =	shalt  }
0x6c: {  	_ =	shalt  }
0x6d: {  	_ =	shalt  }
0x6e: {  	_ =	shalt  }
0x6f: {  	_ =	shalt  }
0x70: {  	_ =	shalt  }
0x71: {  	_ =	shalt  }
0x72: {  	_ =	shalt  }
0x73: {  	_ =	shalt  }
0x74: {  	_ =	shalt  }
0x75: {  	_ =	shalt  }
0x76: {  	_ =	shalt  }
0x77: {  	_ =	shalt  }
0x78: {  	_ =	shalt  }
0x79: {  	_ =	shalt  }
0x7a: {  	_ =	shalt  }
0x7b: {  	_ =	shalt  }
0x7c: {  	_ =	shalt  }
0x7d: {  	_ =	shalt  }
0x7e: {  	_ =	shalt  }
0x7f: {  	_ =	shalt  }
0x80: {  	_ =	shalt  }
0x81: {  	_ =	shalt  }
0x82: {  	_ =	shalt  }
0x83: {  	_ =	shalt  }
0x84: {  	_ =	shalt  }
0x85: {  	_ =	shalt  }
0x86: {  	_ =	shalt  }
0x87: {  	_ =	shalt  }
.Lfunc_end0:
.L_simem_size_0:
called_computation_lowered:
.L_overlay_start_0:
0x88: {  	s2 =	sld [smem:$0x3FD9]  }
0x89: {  	s3 =	sld [smem:$0x3FFE];
	_ =	sdelay $0x1  }
0x8a: {  	s1 =	srdreg.scid  }
0x8b: {  	s0 =	sand.u32 $0x1, s1  }
0x8c: {  	s17 =	sshll.u32 s0, $0xA;
	s2 =	sadd.s32 s3, s2  }
0x8d: {  	s2 =	sadd.s32 s2, s17  }
0x8e: {  	[smem:$0x3FC2] =	sst s2  }
0x8f: {  	_ = 	snop  }
0x90: {  	s2 =	sld [smem:$0x3FD0];
	(tm) =	ssettm $0x1  }
0x91: {  	s18 =	sld [smem:$0x3FFB];
	_ =	sdelay $0x3  }
0x92: {  	_ =	strace s18  }
0x93: {  	s3 =	sld [smem:$0x3FFC];
	_ =	sdelay $0x3  }
0x94: {  	_ =	strace s3  }
0x95: {  	s3 =	sld [smem:$0x3FFD];
	_ =	sdelay $0x3  }
0x96: {  	_ =	strace s3  }
0x97: {  	_ =	strace $0x8FFFFFFF  }
0x98: {  	s19 =	sld [smem:$0x3FDB];
	_ =	sdelay $0x1  }
0x99: {  	s4 =	simm.s32 $_scs_section_size  }
0x9a: {  	s5 =	simm.s32 $_size__tile_overlayer_lowered;
	s6 =	simm.s32 $_tile_overlayer_lowered  }
0x9b: {  	s22 =	simm.s32 $0x1BFF;
	s21 =	sshll.u32 s6, $0x1;
	s3 =	sadd.s32 s4, s19  }
0x9c: {  	s7 =	simm.s32 $0x0;
	s20 =	sshll.u32 s5, $0x1;
	s5 =	sadd.s32 s21, s3  }
0x9d: {  	[timem:s7], [sflag:s22] =	dma.local [hbm:s5], s20  }
0x9e: {  	_ =	swait.ge [sflag:s22], s20  }
0x9f: {  	s4 =	ssub.s32 $0x0, s20;
	[sflag:s22] =	ssyncset.done $0x0  }
0xa0: {  	[sflag:s22] =	ssyncadd.s32 s4;
	_ =	sdelay $0x1  }
0xa1: {  	s23 =	simm.s32 $0x1B8B  }
0xa2: {  	_ =	swait.ge [sflag:s23], $0x1  }
0xa3: {  	[sflag:s23] =	ssyncset.done $0x0  }
0xa4: {  	s25 =	simm.s32 $0x1B8E;
	s24 =	sld [smem:$0x3FFE];
	[sflag:s23] =	ssyncadd.s32 $0xFFFFFFFF  }
0xa5: {  	s26 =	simm.s32 $execute0_lowered;
	[smem:$0x3FD2] =	sst s25  }
0xa6: {  	s5 =	sshll.u32 s26, $0x1;
	_ =	strace $0x80000046;
	[dreg:$0x1] =	wrdreg $0xFFFFFFFF  }
0xa7: {  	s28 =	simm.s32 $_size_execute0_lowered;
	s3 =	sadd.s32 s3, s5;
	[dreg:$0x0] =	wrdreg $0x0  }
0xa8: {  	s5 =	sshll.u32 s28, $0x1;
	[dreg:$0x2] =	wrdreg s3  }
0xa9: {  	[dreg:$0x3] =	wrdreg s5  }
0xaa: {  	[dreg:$0x4] =	wrdreg $0xC0  }
0xab: {  	_ =	task [dreg:s7], $0x5FFFF  }
0xac: {  	[dreg:$0x1] =	wrdreg $0xFFFFFFFF  }
0xad: {  	[dreg:$0x0] =	wrdreg $0x60  }
0xae: {  	[dreg:$0x2] =	wrdreg s24  }
0xaf: {  	[dreg:$0x3] =	wrdreg s2  }
0xb0: {  	[dreg:$0x4] =	wrdreg $0x9FA80  }
0xb1: {  	[dreg:$0x5] =	wrdreg $0x9  }
0xb2: {  	_ =	task.clear_ibuf [dreg:s7], $0x6FFFF;
	_ =	strace $0x90000046  }
0xb3: {  	s29 =	simm.s32 $0x9;
	_ =	strace $0x80000048  }
0xb4: {  	_ =	swait.ge [sflag:s29], $0x1  }
0xb5: {  	[sflag:s29] =	ssyncadd.s32 $0xFFFFFFFF  }
0xb6: {  	_ =	strace $0x90000048  }
0xb7: {  	_ =	sfence  }
0xb8: {  	s30 =	sld [smem:$0x0];
	_ =	sdelay $0x2  }
0xb9: {  	s31 =	sshll.u32 s1, $0xD;
	s1 =	sshrl.u32 s1, $0x2  }
0xba: {  	s3 =	sand.u32 $0x4000, s31;
	s1 =	sadd.s32 s1, s30  }
0xbb: {  	s0 =	sor.u32 s3, s0;
	s1 =	sshll.u32 s1, $0x11  }
0xbc: {  	s0 =	sor.u32 s1, s0  }
0xbd: {  	s0 =	sadd.s32 $0x8F2B, s0  }
0xbe: {  	[sflag:s0] =	ssyncadd.remote.s32 $0x1  }
0xbf: {  	_ =	sfence.sel $0xFFFF  }
0xc0: {  	[dreg:$0x0] =	wrdreg $0xFFFFFFFF;
	(pc) =	sbr.abs _section_cstart, $3  }
0xc1: {  	[dreg:$0x1] =	wrdreg $0xFFFFFFFF  }
0xc2: {  	_ =	task.clear_ibuf [dreg:s7], $0x2FFFF;
	_ =	strace $0x9FFFFFFF  }
0xc3: {  	(tm) =	ssettm $0x7FFFFFFF  }
tec
execute0_lowered:
.L_overlay_start_1:
0x0: {  	(tag) =	ssettag $0x1  }
0x1: {  	s0 =	srdreg.scid;
	s5 =	rddreg [dreg:$0x0]  }
0x2: {  	s1 =	rddreg [dreg:$0x1];
	s14 =	stileid.u32  }
0x3: {  	s2 =	rddreg [dreg:$0x2];
	s15 =	simm.s32 $0xFA0;
	s16 =	simm.s32 $0x1770  }
0x4: {  	s17 =	simm.s32 $0x1F40;
	s18 =	simm.s32 $0x2710;
	s19 =	simm.s32 $0x2  }
0x5: {  	s21 =	simm.s32 $0x1;
	s22 =	simm.s32 $0x2988;
	s23 =	simm.s32 $0x271  }
0x6: {  	s24 =	simm.s32 $0x5098;
	s25 =	simm.s32 $0x77A8;
	s28 =	simm.s32 $0x0  }
0x7: {  	s0 =	sand.u32 $0x1, s0;
	s11 =	sadd.s32 $0x15200, s5;
	s10 =	smul.u32 $0x2700, s14  }
0x8: {  	p0 =	sne.s32 s14, $0x0;
	s3 =	sshll.u32 s0, $0x4;
	s6 =	ssub.s32 $0x2, s0  }
0x9: {  	s0 =	smul.u32 $0x27100, s0;
	s20 =	sshrl.u32 @!p0 s2, $0x3;
	s4 =	sor.u32 s14, s3  }
0xa: {  	s3 =	simm.s32 $0x0;
	s31 =	sshrl.u32 s6, $0x1;
	s4 =	smul.u32 $0x2710, s4  }
0xb: {  	[smem:$0x7FF] =	sst s3;
	s13 =	ssub.s32 s6, s31;
	s12 =	sadd.s32 s10, s0  }
0xc: {  	s0 =	sshrl.u32 s0, $0x3;
	s10 =	smul.u32 $0x270, s14;
	s14 =	simm.s32 $0x7D0  }
.Ltmp0:
0xd: {  	_ =	strace $0x80000047;
	s12 =	sshrl.u32 s12, $0x3;
	(pc) =	sbr.rel .LBB2_1-.Ltmp0, $4  }
0xe: {  	s0 =	sadd.s32 s11, s0;
	s13 =	smax.u32 s13, $0x1;
	s4 =	sshrl.u32 s4, $0x3  }
0xf: {  	s11 =	sadd.s32 s11, s12;
	s12 =	sadd.s32 $0x4E00, s0;
	s9 =	sadd.s32 s4, s5  }
0x10: {  	v2 =	vimm.s32 $0x0;
	vm0 =	vcmask $0x300;
	s4 =	sadd.s32 $0x15000, s5;
	s5 =	sadd.s32 $0xB240, s9;
	s6 =	sadd.s32 $0xB33A, s9  }
0x11: {  	v0 =	vimm.f32 $0.0e+00;
	v1 =	vimm.f32 $1.000000000e+00;
	v2 =	vsel vm0, $0x3, v2;
	s7 =	sadd.s32 $0xB434, s9;
	s8 =	sadd.s32 $0xB52E, s9;
	s9 =	sadd.s32 $0xB628, s9  }
.LBB2_18:
0x12: {  	_ =	sdelay $0x1  }
0x13: {  	v5 =	vand.u32 $0xF, v5  }
0x14: {  	[tilespmem:s0+$0x0] =	vst v4;
	v63 =	vor.u32 $0x2700, v5  }
0x15: {  	v3 =	vld.idx.msk [tilespmem:v3+s24+$0x0], $0xffff;
	v4 =	vbroadcast v63, $0x0;
	_ =	sdelay $0x3  }
0x16: {  	s30 =	sadd.s32 $0x10, s0  }
0x17: {  	[tilespmem:s30+$0x0] =	vst v3  }
0x18: {  	v3 =	vld.idx.msk [tilespmem:v4+s24+$0x0], $0xffff;
	_ =	sdelay $0x3  }
0x19: {  	s0 =	sadd.s32 $0x10, s30  }
0x1a: {  	s31 =	simm.s32 $0x9EA8;
	[tilespmem:s0+$0x0] =	vst v3  }
0x1b: {  	[hbm4b:s12+s3] =	stream.linear.scatter [tilespmem:s31], [sflag:$0x2], $0x100, $0x38;
	[tilespmem:$0xA220] =	vst v63  }
0x1c: {  	_ =	swait.ge [sflag:s19], $0x100  }
0x1d: {  	[sflag:s19] =	ssyncset.done $0x0  }
0x1e: {  	[sflag:s19] =	ssyncadd.s32 $0xFFFFFF00  }
.LBB2_19:
0x1f: {  	s28 =	sadd.s32 $0x1, s28  }
0x20: {  	p1 =	sne.s32 s28, s13  }
.Ltmp1:
0x21: {  	_ = 	snop;
	(pc) =	sbr.rel @!p1 .LBB2_20-.Ltmp1, $1  }
0x22: {  	_ =	sdelay $0x3  }
.LBB2_1:
0x23: {  	[tilespmem:s3], [sflag:$0x1] =	stream.linear.gather [hbm4b:s5+s3], $0x7D0, $0x38;
	[tilespmem:$0xA220] =	vst v63  }
0x24: {  	_ = 	snop  }
0x25: {  	[tilespmem:s14], [sflag:$0x1] =	stream.linear.gather [hbm4b:s6+s3], $0x7D0, $0x38;
	[tilespmem:$0xA220] =	vst v63  }
0x26: {  	_ = 	snop  }
0x27: {  	[tilespmem:s15], [sflag:$0x1] =	stream.linear.gather [hbm4b:s7+s3], $0x7D0, $0x38;
	[tilespmem:$0xA220] =	vst v63  }
0x28: {  	_ = 	snop  }
0x29: {  	[tilespmem:s16], [sflag:$0x1] =	stream.linear.gather [hbm4b:s8+s3], $0x7D0, $0x38;
	[tilespmem:$0xA220] =	vst v63  }
0x2a: {  	_ = 	snop  }
0x2b: {  	[tilespmem:s17], [sflag:$0x1] =	stream.linear.gather [hbm4b:s9+s3], $0x7D0, $0x38;
	[tilespmem:$0xA220] =	vst v63  }
0x2c: {  	_ = 	snop  }
0x2d: {  	[tilespmem:s18], [sflag:$0x2] =	stream.linear.gather [hbm4b:s4+s3], $0x278, $0x38;
	[tilespmem:$0xA220] =	vst v63  }
0x2e: {  	_ =	swait.ge [sflag:s19], $0x278  }
0x2f: {  	[sflag:s19] =	ssyncset.done $0x0  }
0x30: {  	s0 =	simm.s32 @!p0 $0x1C02;
	[sflag:s19] =	ssyncadd.s32 $0xFFFFFD88  }
0x31: {  	[spmem:s20], [sflag:s0] =	dma.local @!p0 [hbm:s1], $0x4E2  }
0x32: {  	s0 =	simm.s32 @!p0 $0x2  }
0x33: {  	_ =	swait.ge @!p0 [sflag:s0], $0x4E2  }
0x34: {  	[sflag:s0] =	ssyncset.done @!p0 $0x0  }
0x35: {  	[sflag:s0] =	ssyncadd.s32 @!p0 $0xFFFFFB1E;
	s0 =	simm.s32 $0x29C8  }
0x36: {  	[tilespmem:s0+$0xFFFFFFC0] =	vst v0  }
0x37: {  	[tilespmem:s0+$0x30] =	vst v0  }
0x38: {  	[tilespmem:s0+$0x20] =	vst v0  }
0x39: {  	[tilespmem:s0+$0x10] =	vst v0  }
0x3a: {  	[tilespmem:s0+$0x0] =	vst v0  }
0x3b: {  	[tilespmem:s0+$0xFFFFFFF0] =	vst v0  }
0x3c: {  	s29 =	simm.s32 $0x0;
	[tilespmem:s0+$0xFFFFFFE0] =	vst v0  }
.LBB2_2:
0x3d: {  	s29 =	sadd.s32 $0x8, s29;
	[tilespmem:s0+$0xFFFFFFD0] =	vst v0;
	s0 =	sadd.s32 $0x80, s0  }
0x3e: {  	[tilespmem:s0+$0xFFFFFFC0] =	vst v0;
	p1 =	slt.u32 s29, $0x268  }
0x3f: {  	[tilespmem:s0+$0x30] =	vst v0  }
.Ltmp2:
0x40: {  	[tilespmem:s0+$0x20] =	vst v0;
	(pc) =	sbr.rel @p1 .LBB2_2-.Ltmp2, $4  }
0x41: {  	[tilespmem:s0+$0x10] =	vst v0  }
0x42: {  	[tilespmem:s0+$0x0] =	vst v0  }
0x43: {  	[tilespmem:s0+$0xFFFFFFF0] =	vst v0  }
0x44: {  	[tilespmem:s0+$0xFFFFFFE0] =	vst v0  }
0x45: {  	[tilespmem:s0+$0xFFFFFFD0] =	vst v0  }
0x46: {  	[tilespmem:$0x5088] =	vst v0  }
0x47: {  	_ =	swait.ge [sflag:s21], $0x7D0  }
0x48: {  	[sflag:s21] =	ssyncset.done $0x0  }
0x49: {  	[sflag:s21] =	ssyncadd.s32 $0xFFFFF830  }
0x4a: {  	_ =	swait.ge [sflag:s21], $0x7D0  }
0x4b: {  	[sflag:s21] =	ssyncset.done $0x0  }
0x4c: {  	[sflag:s21] =	ssyncadd.s32 $0xFFFFF830  }
0x4d: {  	_ =	swait.ge [sflag:s21], $0x7D0  }
0x4e: {  	[sflag:s21] =	ssyncset.done $0x0  }
0x4f: {  	[sflag:s21] =	ssyncadd.s32 $0xFFFFF830  }
0x50: {  	_ =	swait.ge [sflag:s21], $0x7D0  }
0x51: {  	[sflag:s21] =	ssyncset.done $0x0  }
0x52: {  	[sflag:s21] =	ssyncadd.s32 $0xFFFFF830  }
0x53: {  	_ =	swait.ge [sflag:s21], $0x7D0  }
0x54: {  	[sflag:s21] =	ssyncset.done $0x0  }
0x55: {  	s0 =	simm.s32 $0xFFFFFFF8;
	s29 =	simm.s32 $0x40;
	[sflag:s21] =	ssyncadd.s32 $0xFFFFF830  }
.LBB2_4:
0x56: {  	v3 =	vld [tilespmem:s29+$0xFFFFFFC0];
	_ =	sdelay $0x7  }
0x57: {  	[tilespmem:v3+s22+$0x0] =	vst.idx.add.f32.msk $0xffff, v1  }
0x58: {  	v3 =	vld [tilespmem:s29+$0xFFFFFFD0];
	_ =	sdelay $0x7  }
0x59: {  	[tilespmem:v3+s22+$0x0] =	vst.idx.add.f32.msk $0xffff, v1  }
0x5a: {  	v3 =	vld [tilespmem:s29+$0xFFFFFFE0];
	_ =	sdelay $0x7  }
0x5b: {  	[tilespmem:v3+s22+$0x0] =	vst.idx.add.f32.msk $0xffff, v1  }
0x5c: {  	v3 =	vld [tilespmem:s29+$0xFFFFFFF0];
	_ =	sdelay $0x7  }
0x5d: {  	[tilespmem:v3+s22+$0x0] =	vst.idx.add.f32.msk $0xffff, v1  }
0x5e: {  	v3 =	vld [tilespmem:s29+$0x0];
	_ =	sdelay $0x7  }
0x5f: {  	[tilespmem:v3+s22+$0x0] =	vst.idx.add.f32.msk $0xffff, v1  }
0x60: {  	v3 =	vld [tilespmem:s29+$0x10];
	_ =	sdelay $0x7  }
0x61: {  	[tilespmem:v3+s22+$0x0] =	vst.idx.add.f32.msk $0xffff, v1  }
0x62: {  	v3 =	vld [tilespmem:s29+$0x20];
	_ =	sdelay $0x7  }
0x63: {  	[tilespmem:v3+s22+$0x0] =	vst.idx.add.f32.msk $0xffff, v1  }
0x64: {  	v3 =	vld [tilespmem:s29+$0x30];
	_ =	sdelay $0x1  }
0x65: {  	s0 =	sadd.s32 $0x8, s0  }
0x66: {  	p1 =	slt.u32 s0, $0x70  }
.Ltmp3:
0x67: {  	_ = 	snop;
	(pc) =	sbr.rel @p1 .LBB2_4-.Ltmp3, $2  }
0x68: {  	_ =	sdelay $0x2  }
0x69: {  	s29 =	sadd.s32 $0x80, s29;
	[tilespmem:v3+s22+$0x0] =	vst.idx.add.f32.msk $0xffff, v1  }
0x6a: {  	v3 =	vld [tilespmem:$0x780];
	_ =	sdelay $0x7  }
0x6b: {  	[tilespmem:v3+s22+$0x0] =	vst.idx.add.f32.msk $0xffff, v1  }
0x6c: {  	v3 =	vld [tilespmem:$0x790];
	_ =	sdelay $0x7  }
0x6d: {  	[tilespmem:v3+s22+$0x0] =	vst.idx.add.f32.msk $0xffff, v1  }
0x6e: {  	v3 =	vld [tilespmem:$0x7A0];
	_ =	sdelay $0x7  }
0x6f: {  	[tilespmem:v3+s22+$0x0] =	vst.idx.add.f32.msk $0xffff, v1  }
0x70: {  	v3 =	vld [tilespmem:$0x7B0];
	_ =	sdelay $0x7  }
0x71: {  	[tilespmem:v3+s22+$0x0] =	vst.idx.add.f32.msk $0xffff, v1  }
0x72: {  	v3 =	vld [tilespmem:$0x7C0];
	_ =	sdelay $0x7  }
0x73: {  	s0 =	simm.s32 $0xFFFFFFF8;
	s29 =	simm.s32 $0x810;
	[tilespmem:v3+s22+$0x0] =	vst.idx.add.f32.msk $0xffff, v1  }
.LBB2_6:
0x74: {  	v3 =	vld [tilespmem:s29+$0xFFFFFFC0];
	_ =	sdelay $0x7  }
0x75: {  	[tilespmem:v3+s22+$0x0] =	vst.idx.add.f32.msk $0xffff, v1  }
0x76: {  	v3 =	vld [tilespmem:s29+$0xFFFFFFD0];
	_ =	sdelay $0x7  }
0x77: {  	[tilespmem:v3+s22+$0x0] =	vst.idx.add.f32.msk $0xffff, v1  }
0x78: {  	v3 =	vld [tilespmem:s29+$0xFFFFFFE0];
	_ =	sdelay $0x7  }
0x79: {  	[tilespmem:v3+s22+$0x0] =	vst.idx.add.f32.msk $0xffff, v1  }
0x7a: {  	v3 =	vld [tilespmem:s29+$0xFFFFFFF0];
	_ =	sdelay $0x7  }
0x7b: {  	[tilespmem:v3+s22+$0x0] =	vst.idx.add.f32.msk $0xffff, v1  }
0x7c: {  	v3 =	vld [tilespmem:s29+$0x0];
	_ =	sdelay $0x7  }
0x7d: {  	[tilespmem:v3+s22+$0x0] =	vst.idx.add.f32.msk $0xffff, v1  }
0x7e: {  	v3 =	vld [tilespmem:s29+$0x10];
	_ =	sdelay $0x7  }
0x7f: {  	[tilespmem:v3+s22+$0x0] =	vst.idx.add.f32.msk $0xffff, v1  }
0x80: {  	v3 =	vld [tilespmem:s29+$0x20];
	_ =	sdelay $0x7  }
0x81: {  	[tilespmem:v3+s22+$0x0] =	vst.idx.add.f32.msk $0xffff, v1  }
0x82: {  	v3 =	vld [tilespmem:s29+$0x30];
	_ =	sdelay $0x1  }
0x83: {  	s0 =	sadd.s32 $0x8, s0  }
0x84: {  	p1 =	slt.u32 s0, $0x70  }
.Ltmp4:
0x85: {  	_ = 	snop;
	(pc) =	sbr.rel @p1 .LBB2_6-.Ltmp4, $2  }
0x86: {  	_ =	sdelay $0x2  }
0x87: {  	s29 =	sadd.s32 $0x80, s29;
	[tilespmem:v3+s22+$0x0] =	vst.idx.add.f32.msk $0xffff, v1  }
0x88: {  	v3 =	vld [tilespmem:$0xF50];
	_ =	sdelay $0x7  }
0x89: {  	[tilespmem:v3+s22+$0x0] =	vst.idx.add.f32.msk $0xffff, v1  }
0x8a: {  	v3 =	vld [tilespmem:$0xF60];
	_ =	sdelay $0x7  }
0x8b: {  	[tilespmem:v3+s22+$0x0] =	vst.idx.add.f32.msk $0xffff, v1  }
0x8c: {  	v3 =	vld [tilespmem:$0xF70];
	_ =	sdelay $0x7  }
0x8d: {  	[tilespmem:v3+s22+$0x0] =	vst.idx.add.f32.msk $0xffff, v1  }
0x8e: {  	v3 =	vld [tilespmem:$0xF80];
	_ =	sdelay $0x7  }
0x8f: {  	[tilespmem:v3+s22+$0x0] =	vst.idx.add.f32.msk $0xffff, v1  }
0x90: {  	v3 =	vld [tilespmem:$0xF90];
	_ =	sdelay $0x7  }
0x91: {  	s0 =	simm.s32 $0xFFFFFFF8;
	s29 =	simm.s32 $0xFE0;
	[tilespmem:v3+s22+$0x0] =	vst.idx.add.f32.msk $0xffff, v1  }
.LBB2_8:
0x92: {  	v3 =	vld [tilespmem:s29+$0xFFFFFFC0];
	_ =	sdelay $0x7  }
0x93: {  	[tilespmem:v3+s22+$0x0] =	vst.idx.add.f32.msk $0xffff, v1  }
0x94: {  	v3 =	vld [tilespmem:s29+$0xFFFFFFD0];
	_ =	sdelay $0x7  }
0x95: {  	[tilespmem:v3+s22+$0x0] =	vst.idx.add.f32.msk $0xffff, v1  }
0x96: {  	v3 =	vld [tilespmem:s29+$0xFFFFFFE0];
	_ =	sdelay $0x7  }
0x97: {  	[tilespmem:v3+s22+$0x0] =	vst.idx.add.f32.msk $0xffff, v1  }
0x98: {  	v3 =	vld [tilespmem:s29+$0xFFFFFFF0];
	_ =	sdelay $0x7  }
0x99: {  	[tilespmem:v3+s22+$0x0] =	vst.idx.add.f32.msk $0xffff, v1  }
0x9a: {  	v3 =	vld [tilespmem:s29+$0x0];
	_ =	sdelay $0x7  }
0x9b: {  	[tilespmem:v3+s22+$0x0] =	vst.idx.add.f32.msk $0xffff, v1  }
0x9c: {  	v3 =	vld [tilespmem:s29+$0x10];
	_ =	sdelay $0x7  }
0x9d: {  	[tilespmem:v3+s22+$0x0] =	vst.idx.add.f32.msk $0xffff, v1  }
0x9e: {  	v3 =	vld [tilespmem:s29+$0x20];
	_ =	sdelay $0x7  }
0x9f: {  	[tilespmem:v3+s22+$0x0] =	vst.idx.add.f32.msk $0xffff, v1  }
0xa0: {  	v3 =	vld [tilespmem:s29+$0x30];
	_ =	sdelay $0x1  }
0xa1: {  	s0 =	sadd.s32 $0x8, s0  }
0xa2: {  	p1 =	slt.u32 s0, $0x70  }
.Ltmp5:
0xa3: {  	_ = 	snop;
	(pc) =	sbr.rel @p1 .LBB2_8-.Ltmp5, $2  }
0xa4: {  	_ =	sdelay $0x2  }
0xa5: {  	s29 =	sadd.s32 $0x80, s29;
	[tilespmem:v3+s22+$0x0] =	vst.idx.add.f32.msk $0xffff, v1  }
0xa6: {  	v3 =	vld [tilespmem:$0x1720];
	_ =	sdelay $0x7  }
0xa7: {  	[tilespmem:v3+s22+$0x0] =	vst.idx.add.f32.msk $0xffff, v1  }
0xa8: {  	v3 =	vld [tilespmem:$0x1730];
	_ =	sdelay $0x7  }
0xa9: {  	[tilespmem:v3+s22+$0x0] =	vst.idx.add.f32.msk $0xffff, v1  }
0xaa: {  	v3 =	vld [tilespmem:$0x1740];
	_ =	sdelay $0x7  }
0xab: {  	[tilespmem:v3+s22+$0x0] =	vst.idx.add.f32.msk $0xffff, v1  }
0xac: {  	v3 =	vld [tilespmem:$0x1750];
	_ =	sdelay $0x7  }
0xad: {  	[tilespmem:v3+s22+$0x0] =	vst.idx.add.f32.msk $0xffff, v1  }
0xae: {  	v3 =	vld [tilespmem:$0x1760];
	_ =	sdelay $0x7  }
0xaf: {  	s0 =	simm.s32 $0xFFFFFFF8;
	s29 =	simm.s32 $0x17B0;
	[tilespmem:v3+s22+$0x0] =	vst.idx.add.f32.msk $0xffff, v1  }
.LBB2_10:
0xb0: {  	v3 =	vld [tilespmem:s29+$0xFFFFFFC0];
	_ =	sdelay $0x7  }
0xb1: {  	[tilespmem:v3+s22+$0x0] =	vst.idx.add.f32.msk $0xffff, v1  }
0xb2: {  	v3 =	vld [tilespmem:s29+$0xFFFFFFD0];
	_ =	sdelay $0x7  }
0xb3: {  	[tilespmem:v3+s22+$0x0] =	vst.idx.add.f32.msk $0xffff, v1  }
0xb4: {  	v3 =	vld [tilespmem:s29+$0xFFFFFFE0];
	_ =	sdelay $0x7  }
0xb5: {  	[tilespmem:v3+s22+$0x0] =	vst.idx.add.f32.msk $0xffff, v1  }
0xb6: {  	v3 =	vld [tilespmem:s29+$0xFFFFFFF0];
	_ =	sdelay $0x7  }
0xb7: {  	[tilespmem:v3+s22+$0x0] =	vst.idx.add.f32.msk $0xffff, v1  }
0xb8: {  	v3 =	vld [tilespmem:s29+$0x0];
	_ =	sdelay $0x7  }
0xb9: {  	[tilespmem:v3+s22+$0x0] =	vst.idx.add.f32.msk $0xffff, v1  }
0xba: {  	v3 =	vld [tilespmem:s29+$0x10];
	_ =	sdelay $0x7  }
0xbb: {  	[tilespmem:v3+s22+$0x0] =	vst.idx.add.f32.msk $0xffff, v1  }
0xbc: {  	v3 =	vld [tilespmem:s29+$0x20];
	_ =	sdelay $0x7  }
0xbd: {  	[tilespmem:v3+s22+$0x0] =	vst.idx.add.f32.msk $0xffff, v1  }
0xbe: {  	v3 =	vld [tilespmem:s29+$0x30];
	_ =	sdelay $0x1  }
0xbf: {  	s0 =	sadd.s32 $0x8, s0  }
0xc0: {  	p1 =	slt.u32 s0, $0x70  }
.Ltmp6:
0xc1: {  	_ = 	snop;
	(pc) =	sbr.rel @p1 .LBB2_10-.Ltmp6, $2  }
0xc2: {  	_ =	sdelay $0x2  }
0xc3: {  	s29 =	sadd.s32 $0x80, s29;
	[tilespmem:v3+s22+$0x0] =	vst.idx.add.f32.msk $0xffff, v1  }
0xc4: {  	v3 =	vld [tilespmem:$0x1EF0];
	_ =	sdelay $0x7  }
0xc5: {  	[tilespmem:v3+s22+$0x0] =	vst.idx.add.f32.msk $0xffff, v1  }
0xc6: {  	v3 =	vld [tilespmem:$0x1F00];
	_ =	sdelay $0x7  }
0xc7: {  	[tilespmem:v3+s22+$0x0] =	vst.idx.add.f32.msk $0xffff, v1  }
0xc8: {  	v3 =	vld [tilespmem:$0x1F10];
	_ =	sdelay $0x7  }
0xc9: {  	[tilespmem:v3+s22+$0x0] =	vst.idx.add.f32.msk $0xffff, v1  }
0xca: {  	v3 =	vld [tilespmem:$0x1F20];
	_ =	sdelay $0x7  }
0xcb: {  	[tilespmem:v3+s22+$0x0] =	vst.idx.add.f32.msk $0xffff, v1  }
0xcc: {  	v3 =	vld [tilespmem:$0x1F30];
	_ =	sdelay $0x7  }
0xcd: {  	s0 =	simm.s32 $0xFFFFFFF8;
	s29 =	simm.s32 $0x1F80;
	[tilespmem:v3+s22+$0x0] =	vst.idx.add.f32.msk $0xffff, v1  }
.LBB2_12:
0xce: {  	v3 =	vld [tilespmem:s29+$0xFFFFFFC0];
	_ =	sdelay $0x7  }
0xcf: {  	[tilespmem:v3+s22+$0x0] =	vst.idx.add.f32.msk $0xffff, v1  }
0xd0: {  	v3 =	vld [tilespmem:s29+$0xFFFFFFD0];
	_ =	sdelay $0x7  }
0xd1: {  	[tilespmem:v3+s22+$0x0] =	vst.idx.add.f32.msk $0xffff, v1  }
0xd2: {  	v3 =	vld [tilespmem:s29+$0xFFFFFFE0];
	_ =	sdelay $0x7  }
0xd3: {  	[tilespmem:v3+s22+$0x0] =	vst.idx.add.f32.msk $0xffff, v1  }
0xd4: {  	v3 =	vld [tilespmem:s29+$0xFFFFFFF0];
	_ =	sdelay $0x7  }
0xd5: {  	[tilespmem:v3+s22+$0x0] =	vst.idx.add.f32.msk $0xffff, v1  }
0xd6: {  	v3 =	vld [tilespmem:s29+$0x0];
	_ =	sdelay $0x7  }
0xd7: {  	[tilespmem:v3+s22+$0x0] =	vst.idx.add.f32.msk $0xffff, v1  }
0xd8: {  	v3 =	vld [tilespmem:s29+$0x10];
	_ =	sdelay $0x7  }
0xd9: {  	[tilespmem:v3+s22+$0x0] =	vst.idx.add.f32.msk $0xffff, v1  }
0xda: {  	v3 =	vld [tilespmem:s29+$0x20];
	_ =	sdelay $0x7  }
0xdb: {  	[tilespmem:v3+s22+$0x0] =	vst.idx.add.f32.msk $0xffff, v1  }
0xdc: {  	v3 =	vld [tilespmem:s29+$0x30];
	_ =	sdelay $0x1  }
0xdd: {  	s0 =	sadd.s32 $0x8, s0  }
0xde: {  	p1 =	slt.u32 s0, $0x70  }
.Ltmp7:
0xdf: {  	_ = 	snop;
	(pc) =	sbr.rel @p1 .LBB2_12-.Ltmp7, $2  }
0xe0: {  	_ =	sdelay $0x2  }
0xe1: {  	s29 =	sadd.s32 $0x80, s29;
	[tilespmem:v3+s22+$0x0] =	vst.idx.add.f32.msk $0xffff, v1  }
0xe2: {  	v3 =	vld [tilespmem:$0x26C0];
	_ =	sdelay $0x7  }
0xe3: {  	[tilespmem:v3+s22+$0x0] =	vst.idx.add.f32.msk $0xffff, v1  }
0xe4: {  	v3 =	vld [tilespmem:$0x26D0];
	_ =	sdelay $0x7  }
0xe5: {  	[tilespmem:v3+s22+$0x0] =	vst.idx.add.f32.msk $0xffff, v1  }
0xe6: {  	v3 =	vld [tilespmem:$0x26E0];
	_ =	sdelay $0x7  }
0xe7: {  	[tilespmem:v3+s22+$0x0] =	vst.idx.add.f32.msk $0xffff, v1  }
0xe8: {  	v3 =	vld [tilespmem:$0x26F0];
	_ =	sdelay $0x7  }
0xe9: {  	[tilespmem:v3+s22+$0x0] =	vst.idx.add.f32.msk $0xffff, v1  }
0xea: {  	v3 =	vld [tilespmem:$0x2700];
	_ =	sdelay $0x6  }
0xeb: {  	s29 =	simm.s32 $0x0  }
0xec: {  	s0 =	sand.u32 $0x8, s29;
	[tilespmem:v3+s22+$0x0] =	vst.idx.add.f32.msk $0xffff, v1  }
0xed: {  	s31 =	sadd.s32 $0x0, s10;
	v3 =	vmov s0;
	[bflag:$0x0] =	sbarrier.arrive $0xFFFF  }
0xee: {  	v3 =	vshrl.u32 v3, $0x3;
	[spmem:s2] =	stream.indirect.scatter.add.f32 [tilespmem:s22], [sflag:$0x2], $0x10, s18, s23, $0xb8;
	[tilespmem:$0xA220] =	vst v63  }
0xef: {  	s0 =	sand.u32 $0xFFFFFFF0, s31;
	v3 =	vshll.u32 v3, v2;
	_ =	swait.ge [sflag:s19], $0x2710  }
0xf0: {  	s30 =	simm.s32 $0x1;
	v3 =	vor.u32 s0, v3;
	[sflag:s19] =	ssyncset.done $0x0  }
0xf1: {  	s30 =	sand.u32 $0x9, s30;
	v3 =	vbroadcast v3, $0x0;
	[sflag:s19] =	ssyncadd.s32 $0xFFFFD8F0  }
0xf2: {  	v4 =	vmov s30;
	[bflag:$0x0] =	sbarrier.arrive $0xFFFF  }
0xf3: {  	v4 =	vshrl.u32 v4, $0x3;
	[tilespmem:s24], [sflag:$0x2] =	stream.linear.gather [spmem:s2], $0x2710, $0x38;
	[tilespmem:$0xA220] =	vst v63  }
0xf4: {  	v4 =	vshll.u32 v4, v2;
	_ =	swait.ge [sflag:s19], $0x2710  }
0xf5: {  	v4 =	vor.u32 s0, v4;
	[sflag:s19] =	ssyncset.done $0x0  }
0xf6: {  	s30 =	simm.s32 $0x2;
	v4 =	vadd.s32 $0x1, v4;
	[sflag:s19] =	ssyncadd.s32 $0xFFFFD8F0  }
0xf7: {  	s30 =	sand.u32 $0xA, s30;
	v4 =	vbroadcast v4, $0x0;
	v3 =	vld.idx.msk [tilespmem:v3+s24+$0x0], $0xffff  }
0xf8: {  	v5 =	vmov s30  }
0xf9: {  	v5 =	vshrl.u32 v5, $0x3  }
0xfa: {  	v5 =	vshll.u32 v5, v2  }
0xfb: {  	s30 =	simm.s32 $0x77E8;
	v5 =	vor.u32 s0, v5  }
0xfc: {  	s31 =	simm.s32 $0x3;
	[tilespmem:s30+$0xFFFFFFC0] =	vst v3;
	v3 =	vadd.s32 $0x2, v5  }
0xfd: {  	s31 =	sand.u32 $0xB, s31;
	v4 =	vld.idx.msk [tilespmem:v4+s24+$0x0], $0xffff;
	v3 =	vbroadcast v3, $0x0  }
0xfe: {  	v5 =	vmov s31  }
0xff: {  	v5 =	vshrl.u32 v5, $0x3  }
0x100: {  	v5 =	vshll.u32 v5, v2  }
0x101: {  	v5 =	vor.u32 s0, v5  }
0x102: {  	s26 =	simm.s32 $0x4;
	[tilespmem:s30+$0xFFFFFFD0] =	vst v4;
	v4 =	vadd.s32 $0x3, v5  }
0x103: {  	s31 =	sand.u32 $0xC, s26;
	v3 =	vld.idx.msk [tilespmem:v3+s24+$0x0], $0xffff;
	v4 =	vbroadcast v4, $0x0  }
0x104: {  	v5 =	vmov s31  }
0x105: {  	v5 =	vshrl.u32 v5, $0x3  }
0x106: {  	v5 =	vshll.u32 v5, v2  }
0x107: {  	v5 =	vor.u32 s0, v5  }
0x108: {  	s26 =	simm.s32 $0x5;
	[tilespmem:s30+$0xFFFFFFE0] =	vst v3;
	v3 =	vadd.s32 $0x4, v5  }
0x109: {  	s31 =	sand.u32 $0xD, s26;
	v4 =	vld.idx.msk [tilespmem:v4+s24+$0x0], $0xffff;
	v3 =	vbroadcast v3, $0x0  }
0x10a: {  	v5 =	vmov s31  }
0x10b: {  	v5 =	vshrl.u32 v5, $0x3  }
0x10c: {  	v5 =	vshll.u32 v5, v2  }
0x10d: {  	v5 =	vor.u32 s0, v5  }
0x10e: {  	s26 =	simm.s32 $0x6;
	[tilespmem:s30+$0xFFFFFFF0] =	vst v4;
	v4 =	vadd.s32 $0x5, v5  }
0x10f: {  	s31 =	sand.u32 $0xE, s26;
	v3 =	vld.idx.msk [tilespmem:v3+s24+$0x0], $0xffff;
	v4 =	vbroadcast v4, $0x0  }
0x110: {  	v5 =	vmov s31  }
0x111: {  	v5 =	vshrl.u32 v5, $0x3  }
0x112: {  	v5 =	vshll.u32 v5, v2  }
0x113: {  	v5 =	vor.u32 s0, v5  }
0x114: {  	s26 =	simm.s32 $0xFFFFFFF7;
	[tilespmem:s30+$0x0] =	vst v3;
	v3 =	vadd.s32 $0x6, v5  }
0x115: {  	s31 =	sand.u32 $0xF, s26;
	v4 =	vld.idx.msk [tilespmem:v4+s24+$0x0], $0xffff;
	v3 =	vbroadcast v3, $0x0  }
0x116: {  	v5 =	vmov s31  }
0x117: {  	v5 =	vshrl.u32 v5, $0x3  }
0x118: {  	v5 =	vshll.u32 v5, v2  }
0x119: {  	v5 =	vor.u32 s0, v5  }
0x11a: {  	[tilespmem:s30+$0x10] =	vst v4;
	v4 =	vadd.s32 $0x7, v5  }
0x11b: {  	v3 =	vld.idx.msk [tilespmem:v3+s24+$0x0], $0xffff;
	v4 =	vbroadcast v4, $0x0  }
.LBB2_14:
0x11c: {  	s31 =	smov.u32 s29;
	s29 =	sadd.s32 $0x8, s29  }
0x11d: {  	s0 =	sand.u32 $0x8, s29;
	p1 =	slt.u32 s29, $0x268  }
0x11e: {  	v5 =	vmov s0  }
0x11f: {  	s0 =	sadd.s32 s10, s29;
	v5 =	vshrl.u32 v5, $0x3  }
0x120: {  	s0 =	sand.u32 $0xFFFFFFF0, s0;
	v5 =	vshll.u32 v5, v2;
	[tilespmem:s30+$0x20] =	vst v3  }
0x121: {  	v3 =	vor.u32 s0, v5;
	v4 =	vld.idx.msk [tilespmem:v4+s24+$0x0], $0xffff  }
0x122: {  	s26 =	sadd.s32 $0x9, s31;
	v3 =	vbroadcast v3, $0x0  }
0x123: {  	s26 =	sand.u32 $0x9, s26  }
0x124: {  	v5 =	vmov s26  }
0x125: {  	v5 =	vshrl.u32 v5, $0x3  }
0x126: {  	v5 =	vshll.u32 v5, v2  }
0x127: {  	v5 =	vor.u32 s0, v5;
	[tilespmem:s30+$0x30] =	vst v4  }
0x128: {  	v4 =	vadd.s32 $0x1, v5;
	v3 =	vld.idx.msk [tilespmem:v3+s24+$0x0], $0xffff  }
0x129: {  	s26 =	sadd.s32 $0xA, s31;
	v4 =	vbroadcast v4, $0x0  }
0x12a: {  	s26 =	sand.u32 $0xA, s26  }
0x12b: {  	v5 =	vmov s26  }
0x12c: {  	v5 =	vshrl.u32 v5, $0x3  }
0x12d: {  	s30 =	sadd.s32 $0x80, s30;
	v5 =	vshll.u32 v5, v2  }
0x12e: {  	[tilespmem:s30+$0xFFFFFFC0] =	vst v3;
	v3 =	vor.u32 s0, v5  }
0x12f: {  	v4 =	vld.idx.msk [tilespmem:v4+s24+$0x0], $0xffff;
	v3 =	vadd.s32 $0x2, v3  }
0x130: {  	s26 =	sadd.s32 $0xB, s31;
	v3 =	vbroadcast v3, $0x0  }
0x131: {  	s26 =	sand.u32 $0xB, s26  }
0x132: {  	v5 =	vmov s26  }
0x133: {  	v5 =	vshrl.u32 v5, $0x3  }
0x134: {  	v5 =	vshll.u32 v5, v2  }
0x135: {  	[tilespmem:s30+$0xFFFFFFD0] =	vst v4;
	v4 =	vor.u32 s0, v5  }
0x136: {  	v3 =	vld.idx.msk [tilespmem:v3+s24+$0x0], $0xffff;
	v4 =	vadd.s32 $0x3, v4  }
0x137: {  	s26 =	sadd.s32 $0xC, s31;
	v4 =	vbroadcast v4, $0x0  }
0x138: {  	s26 =	sand.u32 $0xC, s26  }
0x139: {  	v5 =	vmov s26  }
0x13a: {  	v5 =	vshrl.u32 v5, $0x3  }
0x13b: {  	v5 =	vshll.u32 v5, v2  }
0x13c: {  	[tilespmem:s30+$0xFFFFFFE0] =	vst v3;
	v3 =	vor.u32 s0, v5  }
0x13d: {  	v4 =	vld.idx.msk [tilespmem:v4+s24+$0x0], $0xffff;
	v3 =	vadd.s32 $0x4, v3  }
0x13e: {  	s26 =	sadd.s32 $0xD, s31;
	v3 =	vbroadcast v3, $0x0  }
0x13f: {  	s26 =	sand.u32 $0xD, s26  }
0x140: {  	v5 =	vmov s26  }
0x141: {  	v5 =	vshrl.u32 v5, $0x3  }
0x142: {  	v5 =	vshll.u32 v5, v2  }
0x143: {  	[tilespmem:s30+$0xFFFFFFF0] =	vst v4;
	v4 =	vor.u32 s0, v5  }
0x144: {  	v3 =	vld.idx.msk [tilespmem:v3+s24+$0x0], $0xffff;
	v4 =	vadd.s32 $0x5, v4  }
0x145: {  	s26 =	sadd.s32 $0xE, s31;
	v4 =	vbroadcast v4, $0x0  }
0x146: {  	s26 =	sand.u32 $0xE, s26  }
0x147: {  	v5 =	vmov s26  }
0x148: {  	v5 =	vshrl.u32 v5, $0x3  }
0x149: {  	v5 =	vshll.u32 v5, v2  }
0x14a: {  	[tilespmem:s30+$0x0] =	vst v3;
	v3 =	vor.u32 s0, v5  }
0x14b: {  	v4 =	vld.idx.msk [tilespmem:v4+s24+$0x0], $0xffff;
	v3 =	vadd.s32 $0x6, v3  }
0x14c: {  	s26 =	sadd.s32 $0xFFFFFFFF, s31;
	v3 =	vbroadcast v3, $0x0  }
0x14d: {  	s26 =	sand.u32 $0xF, s26  }
0x14e: {  	v5 =	vmov s26  }
.Ltmp8:
0x14f: {  	v5 =	vshrl.u32 v5, $0x3;
	(pc) =	sbr.rel @p1 .LBB2_14-.Ltmp8, $4  }
0x150: {  	v5 =	vshll.u32 v5, v2  }
0x151: {  	[tilespmem:s30+$0x10] =	vst v4;
	v4 =	vor.u32 s0, v5  }
0x152: {  	v3 =	vld.idx.msk [tilespmem:v3+s24+$0x0], $0xffff;
	v4 =	vadd.s32 $0x7, v4  }
0x153: {  	v4 =	vbroadcast v4, $0x0  }
0x154: {  	_ =	sdelay $0x3  }
0x155: {  	[tilespmem:s30+$0x20] =	vst v3  }
0x156: {  	v3 =	vld.idx.msk [tilespmem:v4+s24+$0x0], $0xffff;
	_ =	sdelay $0x4  }
.Ltmp9:
0x157: {  	s0 =	simm.s32 $0x0;
	[tilespmem:s30+$0x30] =	vst v3;
	(pc) =	sbr.rel @p0 .LBB2_19-.Ltmp9, $4  }
0x158: {  	[hbm4b:s11+s0] =	stream.linear.scatter [tilespmem:s25], [sflag:$0x2], $0x2700, $0x38;
	[tilespmem:$0xA220] =	vst v63  }
0x159: {  	_ =	swait.ge [sflag:s19], $0x2700  }
0x15a: {  	[sflag:s19] =	ssyncset.done $0x0  }
0x15b: {  	[sflag:s19] =	ssyncadd.s32 $0xFFFFD900  }
0x15c: {  	v3 =	vmov s0  }
0x15d: {  	v3 =	vand.u32 $0xF, v3  }
0x15e: {  	v3 =	vor.u32 $0x2700, v3  }
0x15f: {  	v3 =	vbroadcast v3, $0x0;
	_ =	sdelay $0x1  }
0x160: {  	s31 =	simm.s32 $0x1  }
0x161: {  	v4 =	vmov s31  }
0x162: {  	v4 =	vand.u32 $0xF, v4  }
0x163: {  	v5 =	vor.u32 $0x2700, v4  }
0x164: {  	v4 =	vld.idx.msk [tilespmem:v3+s24+$0x0], $0xffff;
	v3 =	vbroadcast v5, $0x0;
	_ =	sdelay $0x2  }
0x165: {  	s26 =	simm.s32 $0x2  }
0x166: {  	s0 =	simm.s32 $0x9EA8;
	s29 =	simm.s32 $0x3;
	v5 =	vmov s26  }
.LBB2_17:
0x167: {  	p1 =	sne.s32 s29, $0xF;
	v5 =	vand.u32 $0xF, v5;
	[tilespmem:s0+$0x0] =	vst v4  }
0x168: {  	v5 =	vor.u32 $0x2700, v5;
	v4 =	vld.idx.msk [tilespmem:v3+s24+$0x0], $0xffff  }
.Ltmp10:
0x169: {  	v3 =	vbroadcast v5, $0x0;
	(pc) =	sbr.rel @p1 .LBB2_17-.Ltmp10, $2  }
0x16a: {  	_ =	sdelay $0x2  }
0x16b: {  	s0 =	sadd.s32 $0x10, s0;
	v5 =	vmov s29;
	s29 =	sadd.s32 $0x1, s29  }
.Ltmp11:
0x16c: {  	_ = 	snop;
	(pc) =	sbr.rel .LBB2_18-.Ltmp11, $1  }
0x16d: {  	_ =	sdelay $0x3  }
.LBB2_20:
0x16e: {  	_ =	sfence.sel $0x180000  }
0x16f: {  	[bflag:$0x0] =	sbarrier.arrive $0xFFFF  }
0x170: {  	_ =	strace $0x90000047  }
0x171: {  	[bflag:$0x2] =	sbarrier.arrive $0xFFFF  }
0x172: {  	s0 =	rddreg [dreg:$0x3]  }
0x173: {  	s0 =	sadd.s32 @!p0 $0x100000, s0  }
0x174: {  	[sflag:s0] =	ssyncadd.tile.s32 @!p0 $0x1;
	_ =	shalt  }
.Lfunc_end2:
_tile_overlayer_lowered:
.L_overlay_start_2:
0x175: {  	(tag) =	ssettag $0x2  }
0x176: {  	s0 =	rddreg [dreg:$0x0];
	s2 =	stileid.u32  }
0x177: {  	s1 =	rddreg [dreg:$0x1];
	p0 =	sne.s32 s2, $0x0  }
0x178: {  	s3 =	rddreg [dreg:$0x2];
	[bflag:$0x3] =	sbarrier.arrive $0xFFFF;
	s2 =	simm.s32 @!p0 $0x1C02  }
0x179: {  	[timem:s3], [sflag:s2] =	dma.local @!p0 [hbm:s0], s1  }
0x17a: {  	s0 =	simm.s32 @!p0 $0x2  }
0x17b: {  	_ =	swait.ge @!p0 [sflag:s0], s1  }
0x17c: {  	s1 =	ssub.s32 @!p0 $0x0, s1;
	[sflag:s0] =	ssyncset.done @!p0 $0x0  }
0x17d: {  	[sflag:s0] =	ssyncadd.s32 @!p0 s1  }
0x17e: {  	[bflag:$0x3] =	sbarrier.arrive $0xFFFF  }
0x17f: {  	_ =	shalt  }

</sc_bundles>
